<compile_context>
chip_gen: v7x
topology: tpu7x:2x2x1
jax: 0.10.2.dev20260603
libtpu: 0.0.44.dev20260713+nightly
codegen_flags: <defaults>
</compile_context>

<pallas_src>
import functools

import jax
import jax.numpy as jnp
from jax import lax
from jax.experimental import pallas as pl
from jax.experimental.pallas import tpu as pltpu
from jax.experimental.pallas import tpu_sc as plsc

LANES = 16
NCORES = 2
NSUB = 16
NW = NCORES * NSUB


def _wid():
  return lax.axis_index("s") * NCORES + lax.axis_index("c")


def _make_deg_kernel(NP, E):
  EPW = E // NW
  mesh = plsc.VectorSubcoreMesh(core_axis_name="c", subcore_axis_name="s",
                                num_cores=NCORES, num_subcores=NSUB)

  @functools.partial(
      pl.kernel,
      out_type=jax.ShapeDtypeStruct((NW, NP), jnp.float32),
      mesh=mesh,
      scratch_types=[
          pltpu.VMEM((EPW,), jnp.int32),
          pltpu.VMEM((EPW,), jnp.float32),
          pltpu.VMEM((NP,), jnp.float32),
      ],
      compiler_params=pltpu.CompilerParams(needs_layout_passes=False),
  )
  def deg_k(dst_hbm, ew_hbm, out_hbm, dst_v, ew_v, acc_v):
    wid = _wid()
    base = wid * EPW
    pltpu.sync_copy(dst_hbm.at[pl.ds(base, EPW)], dst_v)
    pltpu.sync_copy(ew_hbm.at[pl.ds(base, EPW)], ew_v)

    @plsc.parallel_loop(0, NP // LANES, unroll=8)
    def _(i):
      acc_v[pl.ds(i * LANES, LANES)] = jnp.zeros((LANES,), jnp.float32)

    @plsc.parallel_loop(0, EPW // LANES, unroll=8)
    def _(g):
      dv = dst_v[pl.ds(g * LANES, LANES)]
      wv = ew_v[pl.ds(g * LANES, LANES)]
      plsc.addupdate_scatter(acc_v, [dv], wv)

    pltpu.sync_copy(acc_v, out_hbm.at[wid])

  return deg_k


def _make_agg_kernel(NP, E, F, CH, SH):
  mesh = plsc.VectorSubcoreMesh(core_axis_name="c", subcore_axis_name="s",
                                num_cores=NCORES, num_subcores=NSUB)
  NCH = E // CH
  FP = F // 2
  assert NCH % 2 == 0 and CH % LANES == 0 and F % 2 == 0
  scratch = (
      [pltpu.VMEM((NP,), jnp.int32) for _ in range(FP)]
      + [pltpu.VMEM((NP,), jnp.float32) for _ in range(F)]
      + [pltpu.VMEM((2, CH), jnp.int32),
         pltpu.VMEM((2, CH), jnp.float32),
         pltpu.VMEM((NP,), jnp.float32),
         pltpu.VMEM((NW * F,), jnp.float32),
         pltpu.SemaphoreType.DMA,
         pltpu.SemaphoreType.DMA]
  )

  @functools.partial(
      pl.kernel,
      out_type=jax.ShapeDtypeStruct((NW * F, NP), jnp.float32),
      mesh=mesh,
      scratch_types=scratch,
      compiler_params=pltpu.CompilerParams(needs_layout_passes=False),
  )
  def agg_k(y_hbm, pk_hbm, ew_hbm, dinv_hbm, b_hbm, out_hbm, *refs):
    xfp = refs[0:FP]
    acc = refs[FP:FP + F]
    pk_v, ew_v = refs[FP + F:FP + F + 2]
    dinv_v, b_v = refs[FP + F + 2:FP + F + 4]
    sems = refs[FP + F + 4:FP + F + 6]
    wid = _wid()
    rlo = FP * wid
    nhalf = NW * F // 2
    pre = [pltpu.async_copy(y_hbm.at[rlo + p], xfp[p], sems[0])
           for p in range(FP)]
    pre.append(pltpu.async_copy(dinv_hbm, dinv_v, sems[1]))
    pre.append(pltpu.async_copy(b_hbm, b_v, sems[1]))

    @plsc.parallel_loop(0, NP // LANES, unroll=8)
    def _(i):
      for f in range(F):
        acc[f][pl.ds(i * LANES, LANES)] = jnp.zeros((LANES,), jnp.float32)

    for cp in pre:
      cp.wait()

    def issue(c, b):
      base = c * CH
      pltpu.async_copy(pk_hbm.at[pl.ds(base, CH)], pk_v.at[b], sems[b])
      pltpu.async_copy(ew_hbm.at[pl.ds(base, CH)], ew_v.at[b], sems[b])

    def drain(c, b):
      base = c * CH
      pltpu.make_async_copy(pk_hbm.at[pl.ds(base, CH)], pk_v.at[b],
                            sems[b]).wait()
      pltpu.make_async_copy(ew_hbm.at[pl.ds(base, CH)], ew_v.at[b],
                            sems[b]).wait()

    def process(b):
      @plsc.parallel_loop(0, CH // LANES, unroll=8)
      def _(g):
        pv = pk_v[b, pl.ds(g * LANES, LANES)]
        wv = ew_v[b, pl.ds(g * LANES, LANES)]
        sv = pv & ((1 << SH) - 1)
        dv = lax.shift_right_logical(pv, SH)
        for p in range(FP):
          gp = plsc.load_gather(xfp[p], [sv])
          ga, gb = plsc.unpack(plsc.bitcast(gp, jnp.bfloat16),
                               format=plsc.PackFormat.INTERLEAVED,
                               preferred_element_type=jnp.float32)
          plsc.addupdate_scatter(acc[2 * p], [dv], ga * wv)
          plsc.addupdate_scatter(acc[2 * p + 1], [dv], gb * wv)

    issue(0, 0)

    def chunk_pair(c2, carry):
      c = 2 * c2
      issue(c + 1, 1)
      drain(c, 0)
      process(0)

      @pl.when(c2 < NCH // 2 - 1)
      def _():
        issue(c + 2, 0)

      drain(c + 1, 1)
      process(1)
      return carry

    lax.fori_loop(0, NCH // 2, chunk_pair, 0)

    bspl = {}
    for p in range(FP):
      bspl[2 * p] = plsc.load_gather(
          b_v, [jnp.zeros((LANES,), jnp.int32) + (rlo + p)])
      bspl[2 * p + 1] = plsc.load_gather(
          b_v, [jnp.zeros((LANES,), jnp.int32) + (rlo + p + nhalf)])

    @plsc.parallel_loop(0, NP // LANES, unroll=8)
    def _(i):
      sl = pl.ds(i * LANES, LANES)
      dv = dinv_v[sl]
      for p in range(FP):
        ya, yb = plsc.unpack(plsc.bitcast(xfp[p][sl], jnp.bfloat16),
                             format=plsc.PackFormat.INTERLEAVED,
                             preferred_element_type=jnp.float32)
        acc[2 * p][sl] = dv * (acc[2 * p][sl] + ya) + bspl[2 * p]
        acc[2 * p + 1][sl] = dv * (acc[2 * p + 1][sl] + yb) + bspl[2 * p + 1]

    post = []
    for p in range(FP):
      post.append(pltpu.async_copy(acc[2 * p], out_hbm.at[rlo + p], sems[0]))
      post.append(pltpu.async_copy(acc[2 * p + 1],
                                   out_hbm.at[rlo + p + nhalf], sems[0]))
    for cp in post:
      cp.wait()

  return agg_k


def _pack_rows_bf16(y, H):
  u16 = lax.bitcast_convert_type(y.astype(jnp.bfloat16), jnp.uint16)
  top = u16[:H // 2].astype(jnp.uint32)
  bot = u16[H // 2:].astype(jnp.uint32)
  return lax.bitcast_convert_type(top | (bot << 16), jnp.int32)


def _make_tc_prep(NP, D, H, BN):

  def body(parts_ref, xT_ref, w1_ref, y1_ref, dinv_ref):
    deg = 1.0 + jnp.sum(parts_ref[...], axis=0)
    dinv = jnp.where(deg > 0, lax.rsqrt(jnp.maximum(deg, 1e-12)), 0.0)
    xw = lax.dot_general(w1_ref[...], xT_ref[...],
                         (((0,), (0,)), ((), ())),
                         preferred_element_type=jnp.float32)
    y1_ref[...] = _pack_rows_bf16(xw * dinv[None, :], H)
    dinv_ref[...] = dinv[None, :]

  return pl.pallas_call(
      body,
      grid=(NP // BN,),
      in_specs=[
          pl.BlockSpec((NW, BN), lambda j: (0, j)),
          pl.BlockSpec((D, BN), lambda j: (0, j)),
          pl.BlockSpec((D, H), lambda j: (0, 0)),
      ],
      out_specs=[
          pl.BlockSpec((H // 2, BN), lambda j: (0, j)),
          pl.BlockSpec((1, BN), lambda j: (0, j)),
      ],
      out_shape=[
          jax.ShapeDtypeStruct((H // 2, NP), jnp.int32),
          jax.ShapeDtypeStruct((1, NP), jnp.float32),
      ],
  )


def _make_tc_mid(NP, H, O, BN):

  def body(h_ref, dinv_ref, w2_ref, y2_ref):
    xw2 = lax.dot_general(w2_ref[...], h_ref[...],
                          (((0,), (0,)), ((), ())),
                          preferred_element_type=jnp.float32)
    y2_ref[...] = _pack_rows_bf16(xw2 * dinv_ref[...], O)

  return pl.pallas_call(
      body,
      grid=(NP // BN,),
      in_specs=[
          pl.BlockSpec((H, BN), lambda j: (0, j)),
          pl.BlockSpec((1, BN), lambda j: (0, j)),
          pl.BlockSpec((H, O), lambda j: (0, 0)),
      ],
      out_specs=pl.BlockSpec((O // 2, BN), lambda j: (0, j)),
      out_shape=jax.ShapeDtypeStruct((O // 2, NP), jnp.int32),
  )


def kernel(x, edge_index, edge_weight, W1, b1, W2, b2):
  N, D = x.shape
  H = W1.shape[1]
  O = W2.shape[1]
  E = edge_weight.shape[0]

  BN = 512
  NP = ((N + BN - 1) // BN) * BN
  F = H // NW
  CH = 6400
  SH = max(int(N - 1).bit_length(), 1)
  assert 2 * SH <= 31

  src = edge_index[0]
  dst = edge_index[1]
  xT = jnp.pad(x, ((0, NP - N), (0, 0))).T
  packed = jnp.bitwise_or(jnp.left_shift(dst, SH), src)

  deg_k = _make_deg_kernel(NP, E)
  agg_k = _make_agg_kernel(NP, E, F, CH, SH)
  tc_prep = _make_tc_prep(NP, D, H, BN)
  tc_mid = _make_tc_mid(NP, H, O, BN)

  parts = deg_k(dst, edge_weight)
  y1, dinv = tc_prep(parts, xT, W1)
  dinv_flat = dinv.reshape(NP)
  h = agg_k(y1, packed, edge_weight, dinv_flat, b1)
  y2 = tc_mid(h, dinv, W2)
  outT = agg_k(y2, packed, edge_weight, dinv_flat, b2)
  return outT[:, :N].T

# --- scband reference (transcript-rebuilt; emitter-appended) ---
"""Pipeline reference for scband-reconstructor-hgnn-25933012533353 (READ-ONLY COPY).

The authoritative reference and input builder live on the scoring server;
editing this copy changes nothing except your own understanding.
"""

import jax, jax.numpy as jnp
import numpy as np

N = 10000
E = 320000
D = 128
H = 128
O = 128


def setup_inputs(seed: int = 0) -> dict:
    key = jax.random.key(seed)
    k1, k2, k3, k4, k5 = jax.random.split(key, 5)
    x = jax.random.normal(k1, (N, D), dtype=jnp.float32)
    edge_index = jax.random.randint(k2, (2, E), 0, N, dtype=jnp.int32)
    edge_weight = jax.random.uniform(k3, (E,), dtype=jnp.float32)
    # GCNConv layer 1 params (lazy in_channels resolved to D)
    W1 = jax.random.normal(k4, (D, H), dtype=jnp.float32) * (1.0 / np.sqrt(D))
    b1 = jnp.zeros((H,), dtype=jnp.float32)
    # GCNConv layer 2 params
    W2 = jax.random.normal(k5, (H, O), dtype=jnp.float32) * (1.0 / np.sqrt(H))
    b2 = jnp.zeros((O,), dtype=jnp.float32)
    return {"x": x, "edge_index": edge_index, "edge_weight": edge_weight,
            "W1": W1, "b1": b1, "W2": W2, "b2": b2}


def gcn_conv(x, edge_index, edge_weight, W, b):
    # Faithful GCNConv with edge_weight: add self-loops (weight 1),
    # symmetric normalization D^{-1/2} A_hat D^{-1/2}, out = A_norm X W + b
    num_nodes = x.shape[0]
    src = edge_index[0]
    dst = edge_index[1]
    loop = jnp.arange(num_nodes, dtype=edge_index.dtype)
    src_f = jnp.concatenate([src, loop])
    dst_f = jnp.concatenate([dst, loop])
    ew = jnp.concatenate([edge_weight, jnp.ones((num_nodes,), dtype=edge_weight.dtype)])
    deg = jnp.zeros((num_nodes,), dtype=x.dtype).at[dst_f].add(ew)
    dinv = jnp.where(deg > 0, jax.lax.rsqrt(jnp.maximum(deg, 1e-12)), 0.0)
    norm = dinv[src_f] * ew * dinv[dst_f]
    xw = x @ W
    msg = jnp.take(xw, src_f, axis=0) * norm[:, None]
    out = jnp.zeros((num_nodes, W.shape[1]), dtype=x.dtype).at[dst_f].add(msg)
    return out + b


def reference(x, edge_index, edge_weight, W1, b1, W2, b2):
    # ReconstructorHGNN: HeteroConv({('app','connects','app'): GCNConv}) x 2, aggr='sum'
    # With a single node/edge type this is two stacked weighted GCNConv layers.
    h = gcn_conv(x, edge_index, edge_weight, W1, b1)
    out = gcn_conv(h, edge_index, edge_weight, W2, b2)
    return out

if __name__ == "__main__":
    import jax
    _d = setup_inputs()
    print(jax.jit(kernel)(*tuple(_d.values())))

</pallas_src>

<mosaic_0001>
#map = affine_map<(d0, d1) -> (0, 0)>
#map1 = affine_map<(d0, d1) -> (0)>
module attributes {stable_mosaic.version = 14 : i64} {
  func.func @agg_k(%arg0: i32, %arg1: i32, %arg2: memref<64x10240xi32, #tpu.memory_space<hbm>>, %arg3: memref<320000xi32, #tpu.memory_space<hbm>>, %arg4: memref<320000xf32, #tpu.memory_space<hbm>>, %arg5: memref<10240xf32, #tpu.memory_space<hbm>>, %arg6: memref<128xf32, #tpu.memory_space<hbm>>, %arg7: memref<128x10240xf32, #tpu.memory_space<hbm>>, %arg8: memref<10240xi32, #tpu.memory_space<vmem>>, %arg9: memref<10240xi32, #tpu.memory_space<vmem>>, %arg10: memref<10240xf32, #tpu.memory_space<vmem>>, %arg11: memref<10240xf32, #tpu.memory_space<vmem>>, %arg12: memref<10240xf32, #tpu.memory_space<vmem>>, %arg13: memref<10240xf32, #tpu.memory_space<vmem>>, %arg14: memref<2x6400xi32, #tpu.memory_space<vmem>>, %arg15: memref<2x6400xf32, #tpu.memory_space<vmem>>, %arg16: memref<10240xf32, #tpu.memory_space<vmem>>, %arg17: memref<128xf32, #tpu.memory_space<vmem>>, %arg18: memref<!tpu.dma_semaphore, #tpu.memory_space<semaphore_mem>>, %arg19: memref<!tpu.dma_semaphore, #tpu.memory_space<semaphore_mem>>) attributes {dimension_semantics = [#tpu.dimension_semantics<core_parallel>, #tpu.dimension_semantics<subcore_parallel>], iteration_bounds = array<i64: 2, 16>, scalar_prefetch = 0 : i64, scratch_operands = 12 : i64, tpu.core_type = #tpu.core_type<sc_vector_subcore>, window_params = [{transform_indices = #map}, {transform_indices = #map1}, {transform_indices = #map1}, {transform_indices = #map1}, {transform_indices = #map1}, {transform_indices = #map}]} {
    %mul3A = arith.constant 2 : i32
    %mul3A_0 = arith.muli %arg1, %mul3A : i32
    %add3A = arith.addi %mul3A_0, %arg0 : i32
    %mul3A_1 = arith.constant 2 : i32
    %mul3A_2 = arith.muli %mul3A_1, %add3A : i32
    %add3A_3 = arith.constant 0 : i32
    %add3A_4 = arith.addi %mul3A_2, %add3A_3 : i32
    %dma_start3A = arith.constant 0 : i32
    %dma_start3A_5 = tpu.memref_slice %arg2[%add3A_4, %dma_start3A] : memref<64x10240xi32, #tpu.memory_space<hbm>> -> memref<1x10240xi32, #tpu.memory_space<hbm>>
    %dma_start3A_6 = tpu.memref_squeeze %dma_start3A_5 : memref<1x10240xi32, #tpu.memory_space<hbm>> -> memref<10240xi32, #tpu.memory_space<hbm>>
    %dma_start3A_7 = arith.constant 0 : i32
    %dma_start3A_8 = tpu.memref_slice %arg2[%add3A_4, %dma_start3A_7] : memref<64x10240xi32, #tpu.memory_space<hbm>> -> memref<1x10240xi32, #tpu.memory_space<hbm>>
    %dma_start3A_9 = tpu.memref_squeeze %dma_start3A_8 : memref<1x10240xi32, #tpu.memory_space<hbm>> -> memref<10240xi32, #tpu.memory_space<hbm>>
    tpu.enqueue_dma source(%dma_start3A_9 : memref<10240xi32, #tpu.memory_space<hbm>>) target(%arg8 : memref<10240xi32, #tpu.memory_space<vmem>>) target_semaphore(%arg18 : memref<!tpu.dma_semaphore, #tpu.memory_space<semaphore_mem>>)
    %add3A_10 = arith.constant 1 : i32
    %add3A_11 = arith.addi %mul3A_2, %add3A_10 : i32
    %dma_start3A_12 = arith.constant 0 : i32
    %dma_start3A_13 = tpu.memref_slice %arg2[%add3A_11, %dma_start3A_12] : memref<64x10240xi32, #tpu.memory_space<hbm>> -> memref<1x10240xi32, #tpu.memory_space<hbm>>
    %dma_start3A_14 = tpu.memref_squeeze %dma_start3A_13 : memref<1x10240xi32, #tpu.memory_space<hbm>> -> memref<10240xi32, #tpu.memory_space<hbm>>
    %dma_start3A_15 = arith.constant 0 : i32
    %dma_start3A_16 = tpu.memref_slice %arg2[%add3A_11, %dma_start3A_15] : memref<64x10240xi32, #tpu.memory_space<hbm>> -> memref<1x10240xi32, #tpu.memory_space<hbm>>
    %dma_start3A_17 = tpu.memref_squeeze %dma_start3A_16 : memref<1x10240xi32, #tpu.memory_space<hbm>> -> memref<10240xi32, #tpu.memory_space<hbm>>
    tpu.enqueue_dma source(%dma_start3A_17 : memref<10240xi32, #tpu.memory_space<hbm>>) target(%arg9 : memref<10240xi32, #tpu.memory_space<vmem>>) target_semaphore(%arg18 : memref<!tpu.dma_semaphore, #tpu.memory_space<semaphore_mem>>)
    tpu.enqueue_dma source(%arg5 : memref<10240xf32, #tpu.memory_space<hbm>>) target(%arg16 : memref<10240xf32, #tpu.memory_space<vmem>>) target_semaphore(%arg19 : memref<!tpu.dma_semaphore, #tpu.memory_space<semaphore_mem>>)
    tpu.enqueue_dma source(%arg6 : memref<128xf32, #tpu.memory_space<hbm>>) target(%arg17 : memref<128xf32, #tpu.memory_space<vmem>>) target_semaphore(%arg19 : memref<!tpu.dma_semaphore, #tpu.memory_space<semaphore_mem>>)
    %parallel_loop3A = arith.constant 0 : i32
    %parallel_loop3A_18 = arith.constant 640 : i32
    %parallel_loop3A_19 = arith.constant 1 : i32
    scf.for %parallel_loop3A_151 = %parallel_loop3A to %parallel_loop3A_18 step %parallel_loop3A_19  : i32 {
      %parallel_loop3A_152 = arith.constant 0.000000e+00 : f32
      %parallel_loop3A_153 = vector.broadcast %parallel_loop3A_152 : f32 to vector<16xf32>
      %parallel_loop3A_154 = arith.constant 16 : i32
      %parallel_loop3A_155 = arith.muli %parallel_loop3A_151, %parallel_loop3A_154 : i32
      %parallel_loop3A_156 = arith.index_cast %parallel_loop3A_155 : i32 to index
      %parallel_loop3A_157 = tpu.vector_load %arg10[%parallel_loop3A_156] {strides = array<i32>} : memref<10240xf32, #tpu.memory_space<vmem>>, vector<16xf32>,
      tpu.vector_store %arg10[%parallel_loop3A_156], %parallel_loop3A_153 {strides = array<i32>} : memref<10240xf32, #tpu.memory_space<vmem>>, vector<16xf32>,
      %parallel_loop3A_158 = arith.constant 0.000000e+00 : f32
      %parallel_loop3A_159 = vector.broadcast %parallel_loop3A_158 : f32 to vector<16xf32>
      %parallel_loop3A_160 = arith.constant 16 : i32
      %parallel_loop3A_161 = arith.muli %parallel_loop3A_151, %parallel_loop3A_160 : i32
      %parallel_loop3A_162 = arith.index_cast %parallel_loop3A_161 : i32 to index
      %parallel_loop3A_163 = tpu.vector_load %arg11[%parallel_loop3A_162] {strides = array<i32>} : memref<10240xf32, #tpu.memory_space<vmem>>, vector<16xf32>,
      tpu.vector_store %arg11[%parallel_loop3A_162], %parallel_loop3A_159 {strides = array<i32>} : memref<10240xf32, #tpu.memory_space<vmem>>, vector<16xf32>,
      %parallel_loop3A_164 = arith.constant 0.000000e+00 : f32
      %parallel_loop3A_165 = vector.broadcast %parallel_loop3A_164 : f32 to vector<16xf32>
      %parallel_loop3A_166 = arith.constant 16 : i32
      %parallel_loop3A_167 = arith.muli %parallel_loop3A_151, %parallel_loop3A_166 : i32
      %parallel_loop3A_168 = arith.index_cast %parallel_loop3A_167 : i32 to index
      %parallel_loop3A_169 = tpu.vector_load %arg12[%parallel_loop3A_168] {strides = array<i32>} : memref<10240xf32, #tpu.memory_space<vmem>>, vector<16xf32>,
      tpu.vector_store %arg12[%parallel_loop3A_168], %parallel_loop3A_165 {strides = array<i32>} : memref<10240xf32, #tpu.memory_space<vmem>>, vector<16xf32>,
      %parallel_loop3A_170 = arith.constant 0.000000e+00 : f32
      %parallel_loop3A_171 = vector.broadcast %parallel_loop3A_170 : f32 to vector<16xf32>
      %parallel_loop3A_172 = arith.constant 16 : i32
      %parallel_loop3A_173 = arith.muli %parallel_loop3A_151, %parallel_loop3A_172 : i32
      %parallel_loop3A_174 = arith.index_cast %parallel_loop3A_173 : i32 to index
      %parallel_loop3A_175 = tpu.vector_load %arg13[%parallel_loop3A_174] {strides = array<i32>} : memref<10240xf32, #tpu.memory_space<vmem>>, vector<16xf32>,
      tpu.vector_store %arg13[%parallel_loop3A_174], %parallel_loop3A_171 {strides = array<i32>} : memref<10240xf32, #tpu.memory_space<vmem>>, vector<16xf32>,
    } {sc.loop_unroll_factor = 8 : i64, sc.parallel_access}
    %dma_wait3A = arith.constant 0 : i32
    %dma_wait3A_20 = tpu.memref_slice %arg2[%add3A_4, %dma_wait3A] : memref<64x10240xi32, #tpu.memory_space<hbm>> -> memref<1x10240xi32, #tpu.memory_space<hbm>>
    %dma_wait3A_21 = tpu.memref_squeeze %dma_wait3A_20 : memref<1x10240xi32, #tpu.memory_space<hbm>> -> memref<10240xi32, #tpu.memory_space<hbm>>
    %dma_wait3A_22 = arith.constant 0 : i32
    %dma_wait3A_23 = tpu.memref_slice %arg2[%add3A_4, %dma_wait3A_22] : memref<64x10240xi32, #tpu.memory_space<hbm>> -> memref<1x10240xi32, #tpu.memory_space<hbm>>
    %dma_wait3A_24 = tpu.memref_squeeze %dma_wait3A_23 : memref<1x10240xi32, #tpu.memory_space<hbm>> -> memref<10240xi32, #tpu.memory_space<hbm>>
    tpu.wait_dma2 semaphore(%arg18 : memref<!tpu.dma_semaphore, #tpu.memory_space<semaphore_mem>>) src(%dma_wait3A_24 : memref<10240xi32, #tpu.memory_space<hbm>>) dst(%arg8 : memref<10240xi32, #tpu.memory_space<vmem>>)
    %dma_wait3A_25 = arith.constant 0 : i32
    %dma_wait3A_26 = tpu.memref_slice %arg2[%add3A_11, %dma_wait3A_25] : memref<64x10240xi32, #tpu.memory_space<hbm>> -> memref<1x10240xi32, #tpu.memory_space<hbm>>
    %dma_wait3A_27 = tpu.memref_squeeze %dma_wait3A_26 : memref<1x10240xi32, #tpu.memory_space<hbm>> -> memref<10240xi32, #tpu.memory_space<hbm>>
    %dma_wait3A_28 = arith.constant 0 : i32
    %dma_wait3A_29 = tpu.memref_slice %arg2[%add3A_11, %dma_wait3A_28] : memref<64x10240xi32, #tpu.memory_space<hbm>> -> memref<1x10240xi32, #tpu.memory_space<hbm>>
    %dma_wait3A_30 = tpu.memref_squeeze %dma_wait3A_29 : memref<1x10240xi32, #tpu.memory_space<hbm>> -> memref<10240xi32, #tpu.memory_space<hbm>>
    tpu.wait_dma2 semaphore(%arg18 : memref<!tpu.dma_semaphore, #tpu.memory_space<semaphore_mem>>) src(%dma_wait3A_30 : memref<10240xi32, #tpu.memory_space<hbm>>) dst(%arg9 : memref<10240xi32, #tpu.memory_space<vmem>>)
    tpu.wait_dma2 semaphore(%arg19 : memref<!tpu.dma_semaphore, #tpu.memory_space<semaphore_mem>>) src(%arg5 : memref<10240xf32, #tpu.memory_space<hbm>>) dst(%arg16 : memref<10240xf32, #tpu.memory_space<vmem>>)
    tpu.wait_dma2 semaphore(%arg19 : memref<!tpu.dma_semaphore, #tpu.memory_space<semaphore_mem>>) src(%arg6 : memref<128xf32, #tpu.memory_space<hbm>>) dst(%arg17 : memref<128xf32, #tpu.memory_space<vmem>>)
    %dma_start3A_31 = arith.constant 0 : i32
    %dma_start3A_32 = arith.constant 0 : i32
    %dma_start3A_33 = tpu.memref_slice %arg14[%dma_start3A_31, %dma_start3A_32] : memref<2x6400xi32, #tpu.memory_space<vmem>> -> memref<1x6400xi32, #tpu.memory_space<vmem>>
    %dma_start3A_34 = tpu.memref_squeeze %dma_start3A_33 : memref<1x6400xi32, #tpu.memory_space<vmem>> -> memref<6400xi32, #tpu.memory_space<vmem>>
    %dma_start3A_35 = arith.constant 0 : i32
    %dma_start3A_36 = tpu.memref_slice %arg3[%dma_start3A_35] : memref<320000xi32, #tpu.memory_space<hbm>> -> memref<6400xi32, #tpu.memory_space<hbm>>
    %dma_start3A_37 = arith.constant 0 : i32
    %dma_start3A_38 = tpu.memref_slice %arg14[%dma_start3A_31, %dma_start3A_37] : memref<2x6400xi32, #tpu.memory_space<vmem>> -> memref<1x6400xi32, #tpu.memory_space<vmem>>
    %dma_start3A_39 = tpu.memref_squeeze %dma_start3A_38 : memref<1x6400xi32, #tpu.memory_space<vmem>> -> memref<6400xi32, #tpu.memory_space<vmem>>
    %dma_start3A_40 = arith.constant 0 : i32
    %dma_start3A_41 = tpu.memref_slice %arg3[%dma_start3A_40] : memref<320000xi32, #tpu.memory_space<hbm>> -> memref<6400xi32, #tpu.memory_space<hbm>>
    tpu.enqueue_dma source(%dma_start3A_41 : memref<6400xi32, #tpu.memory_space<hbm>>) target(%dma_start3A_39 : memref<6400xi32, #tpu.memory_space<vmem>>) target_semaphore(%arg18 : memref<!tpu.dma_semaphore, #tpu.memory_space<semaphore_mem>>)
    %dma_start3A_42 = arith.constant 0 : i32
    %dma_start3A_43 = arith.constant 0 : i32
    %dma_start3A_44 = tpu.memref_slice %arg15[%dma_start3A_42, %dma_start3A_43] : memref<2x6400xf32, #tpu.memory_space<vmem>> -> memref<1x6400xf32, #tpu.memory_space<vmem>>
    %dma_start3A_45 = tpu.memref_squeeze %dma_start3A_44 : memref<1x6400xf32, #tpu.memory_space<vmem>> -> memref<6400xf32, #tpu.memory_space<vmem>>
    %dma_start3A_46 = arith.constant 0 : i32
    %dma_start3A_47 = tpu.memref_slice %arg4[%dma_start3A_46] : memref<320000xf32, #tpu.memory_space<hbm>> -> memref<6400xf32, #tpu.memory_space<hbm>>
    %dma_start3A_48 = arith.constant 0 : i32
    %dma_start3A_49 = tpu.memref_slice %arg15[%dma_start3A_42, %dma_start3A_48] : memref<2x6400xf32, #tpu.memory_space<vmem>> -> memref<1x6400xf32, #tpu.memory_space<vmem>>
    %dma_start3A_50 = tpu.memref_squeeze %dma_start3A_49 : memref<1x6400xf32, #tpu.memory_space<vmem>> -> memref<6400xf32, #tpu.memory_space<vmem>>
    %dma_start3A_51 = arith.constant 0 : i32
    %dma_start3A_52 = tpu.memref_slice %arg4[%dma_start3A_51] : memref<320000xf32, #tpu.memory_space<hbm>> -> memref<6400xf32, #tpu.memory_space<hbm>>
    tpu.enqueue_dma source(%dma_start3A_52 : memref<6400xf32, #tpu.memory_space<hbm>>) target(%dma_start3A_50 : memref<6400xf32, #tpu.memory_space<vmem>>) target_semaphore(%arg18 : memref<!tpu.dma_semaphore, #tpu.memory_space<semaphore_mem>>)
    %scan3A = arith.constant 0 : i32
    %scan3A_53 = arith.constant 0 : i32
    %scan3A_54 = arith.constant 25 : i32
    %scan3A_55 = arith.addi %scan3A_53, %scan3A_54 : i32
    %scan3A_56 = arith.constant 1 : i32
    scf.for %scan3A_151 = %scan3A_53 to %scan3A_55 step %scan3A_56  : i32 {
      %mul3A_152 = arith.constant 2 : i32
      %mul3A_153 = arith.muli %mul3A_152, %scan3A_151 : i32
      %add3A_154 = arith.constant 1 : i32
      %add3A_155 = arith.addi %mul3A_153, %add3A_154 : i32
      %mul3A_156 = arith.constant 6400 : i32
      %mul3A_157 = arith.muli %add3A_155, %mul3A_156 : i32
      %dma_start3A_158 = arith.constant 1 : i32
      %dma_start3A_159 = arith.constant 0 : i32
      %dma_start3A_160 = tpu.memref_slice %arg14[%dma_start3A_158, %dma_start3A_159] : memref<2x6400xi32, #tpu.memory_space<vmem>> -> memref<1x6400xi32, #tpu.memory_space<vmem>>
      %dma_start3A_161 = tpu.memref_squeeze %dma_start3A_160 : memref<1x6400xi32, #tpu.memory_space<vmem>> -> memref<6400xi32, #tpu.memory_space<vmem>>
      %dma_start3A_162 = tpu.memref_slice %arg3[%mul3A_157] : memref<320000xi32, #tpu.memory_space<hbm>> -> memref<6400xi32, #tpu.memory_space<hbm>>
      %dma_start3A_163 = arith.constant 0 : i32
      %dma_start3A_164 = tpu.memref_slice %arg14[%dma_start3A_158, %dma_start3A_163] : memref<2x6400xi32, #tpu.memory_space<vmem>> -> memref<1x6400xi32, #tpu.memory_space<vmem>>
      %dma_start3A_165 = tpu.memref_squeeze %dma_start3A_164 : memref<1x6400xi32, #tpu.memory_space<vmem>> -> memref<6400xi32, #tpu.memory_space<vmem>>
      %dma_start3A_166 = tpu.memref_slice %arg3[%mul3A_157] : memref<320000xi32, #tpu.memory_space<hbm>> -> memref<6400xi32, #tpu.memory_space<hbm>>
      tpu.enqueue_dma source(%dma_start3A_166 : memref<6400xi32, #tpu.memory_space<hbm>>) target(%dma_start3A_165 : memref<6400xi32, #tpu.memory_space<vmem>>) target_semaphore(%arg19 : memref<!tpu.dma_semaphore, #tpu.memory_space<semaphore_mem>>)
      %dma_start3A_167 = arith.constant 1 : i32
      %dma_start3A_168 = arith.constant 0 : i32
      %dma_start3A_169 = tpu.memref_slice %arg15[%dma_start3A_167, %dma_start3A_168] : memref<2x6400xf32, #tpu.memory_space<vmem>> -> memref<1x6400xf32, #tpu.memory_space<vmem>>
      %dma_start3A_170 = tpu.memref_squeeze %dma_start3A_169 : memref<1x6400xf32, #tpu.memory_space<vmem>> -> memref<6400xf32, #tpu.memory_space<vmem>>
      %dma_start3A_171 = tpu.memref_slice %arg4[%mul3A_157] : memref<320000xf32, #tpu.memory_space<hbm>> -> memref<6400xf32, #tpu.memory_space<hbm>>
      %dma_start3A_172 = arith.constant 0 : i32
      %dma_start3A_173 = tpu.memref_slice %arg15[%dma_start3A_167, %dma_start3A_172] : memref<2x6400xf32, #tpu.memory_space<vmem>> -> memref<1x6400xf32, #tpu.memory_space<vmem>>
      %dma_start3A_174 = tpu.memref_squeeze %dma_start3A_173 : memref<1x6400xf32, #tpu.memory_space<vmem>> -> memref<6400xf32, #tpu.memory_space<vmem>>
      %dma_start3A_175 = tpu.memref_slice %arg4[%mul3A_157] : memref<320000xf32, #tpu.memory_space<hbm>> -> memref<6400xf32, #tpu.memory_space<hbm>>
      tpu.enqueue_dma source(%dma_start3A_175 : memref<6400xf32, #tpu.memory_space<hbm>>) target(%dma_start3A_174 : memref<6400xf32, #tpu.memory_space<vmem>>) target_semaphore(%arg19 : memref<!tpu.dma_semaphore, #tpu.memory_space<semaphore_mem>>)
      %mul3A_176 = arith.constant 6400 : i32
      %mul3A_177 = arith.muli %mul3A_153, %mul3A_176 : i32
      %dma_wait3A_178 = arith.constant 0 : i32
      %dma_wait3A_179 = arith.constant 0 : i32
      %dma_wait3A_180 = tpu.memref_slice %arg14[%dma_wait3A_178, %dma_wait3A_179] : memref<2x6400xi32, #tpu.memory_space<vmem>> -> memref<1x6400xi32, #tpu.memory_space<vmem>>
      %dma_wait3A_181 = tpu.memref_squeeze %dma_wait3A_180 : memref<1x6400xi32, #tpu.memory_space<vmem>> -> memref<6400xi32, #tpu.memory_space<vmem>>
      %dma_wait3A_182 = tpu.memref_slice %arg3[%mul3A_177] : memref<320000xi32, #tpu.memory_space<hbm>> -> memref<6400xi32, #tpu.memory_space<hbm>>
      %dma_wait3A_183 = arith.constant 0 : i32
      %dma_wait3A_184 = tpu.memref_slice %arg14[%dma_wait3A_178, %dma_wait3A_183] : memref<2x6400xi32, #tpu.memory_space<vmem>> -> memref<1x6400xi32, #tpu.memory_space<vmem>>
      %dma_wait3A_185 = tpu.memref_squeeze %dma_wait3A_184 : memref<1x6400xi32, #tpu.memory_space<vmem>> -> memref<6400xi32, #tpu.memory_space<vmem>>
      %dma_wait3A_186 = tpu.memref_slice %arg3[%mul3A_177] : memref<320000xi32, #tpu.memory_space<hbm>> -> memref<6400xi32, #tpu.memory_space<hbm>>
      tpu.wait_dma2 semaphore(%arg18 : memref<!tpu.dma_semaphore, #tpu.memory_space<semaphore_mem>>) src(%dma_wait3A_186 : memref<6400xi32, #tpu.memory_space<hbm>>) dst(%dma_wait3A_185 : memref<6400xi32, #tpu.memory_space<vmem>>)
      %dma_wait3A_187 = arith.constant 0 : i32
      %dma_wait3A_188 = arith.constant 0 : i32
      %dma_wait3A_189 = tpu.memref_slice %arg15[%dma_wait3A_187, %dma_wait3A_188] : memref<2x6400xf32, #tpu.memory_space<vmem>> -> memref<1x6400xf32, #tpu.memory_space<vmem>>
      %dma_wait3A_190 = tpu.memref_squeeze %dma_wait3A_189 : memref<1x6400xf32, #tpu.memory_space<vmem>> -> memref<6400xf32, #tpu.memory_space<vmem>>
      %dma_wait3A_191 = tpu.memref_slice %arg4[%mul3A_177] : memref<320000xf32, #tpu.memory_space<hbm>> -> memref<6400xf32, #tpu.memory_space<hbm>>
      %dma_wait3A_192 = arith.constant 0 : i32
      %dma_wait3A_193 = tpu.memref_slice %arg15[%dma_wait3A_187, %dma_wait3A_192] : memref<2x6400xf32, #tpu.memory_space<vmem>> -> memref<1x6400xf32, #tpu.memory_space<vmem>>
      %dma_wait3A_194 = tpu.memref_squeeze %dma_wait3A_193 : memref<1x6400xf32, #tpu.memory_space<vmem>> -> memref<6400xf32, #tpu.memory_space<vmem>>
      %dma_wait3A_195 = tpu.memref_slice %arg4[%mul3A_177] : memref<320000xf32, #tpu.memory_space<hbm>> -> memref<6400xf32, #tpu.memory_space<hbm>>
      tpu.wait_dma2 semaphore(%arg18 : memref<!tpu.dma_semaphore, #tpu.memory_space<semaphore_mem>>) src(%dma_wait3A_195 : memref<6400xf32, #tpu.memory_space<hbm>>) dst(%dma_wait3A_194 : memref<6400xf32, #tpu.memory_space<vmem>>)
      %parallel_loop3A_196 = arith.constant 0 : i32
      %parallel_loop3A_197 = arith.constant 400 : i32
      %parallel_loop3A_198 = arith.constant 1 : i32
      scf.for %parallel_loop3A_226 = %parallel_loop3A_196 to %parallel_loop3A_197 step %parallel_loop3A_198  : i32 {
        %parallel_loop3A_227 = arith.constant 16 : i32
        %parallel_loop3A_228 = arith.muli %parallel_loop3A_226, %parallel_loop3A_227 : i32
        %parallel_loop3A_229 = arith.constant 0 : i32
        %parallel_loop3A_230 = arith.index_cast %parallel_loop3A_229 : i32 to index
        %parallel_loop3A_231 = arith.index_cast %parallel_loop3A_228 : i32 to index
        %parallel_loop3A_232 = tpu.vector_load %arg14[%parallel_loop3A_230, %parallel_loop3A_231] {strides = array<i32>} : memref<2x6400xi32, #tpu.memory_space<vmem>>, vector<16xi32>,
        %parallel_loop3A_233 = arith.constant 16 : i32
        %parallel_loop3A_234 = arith.muli %parallel_loop3A_226, %parallel_loop3A_233 : i32
        %parallel_loop3A_235 = arith.constant 0 : i32
        %parallel_loop3A_236 = arith.index_cast %parallel_loop3A_235 : i32 to index
        %parallel_loop3A_237 = arith.index_cast %parallel_loop3A_234 : i32 to index
        %parallel_loop3A_238 = tpu.vector_load %arg15[%parallel_loop3A_236, %parallel_loop3A_237] {strides = array<i32>} : memref<2x6400xf32, #tpu.memory_space<vmem>>, vector<16xf32>,
        %parallel_loop3A_239 = arith.constant 16383 : i32
        %parallel_loop3A_240 = vector.broadcast %parallel_loop3A_239 : i32 to vector<16xi32>
        %parallel_loop3A_241 = arith.andi %parallel_loop3A_232, %parallel_loop3A_240 : vector<16xi32>
        %parallel_loop3A_242 = arith.constant 14 : i32
        %parallel_loop3A_243 = vector.broadcast %parallel_loop3A_242 : i32 to vector<16xi32>
        %parallel_loop3A_244 = arith.shrui %parallel_loop3A_232, %parallel_loop3A_243 : vector<16xi32>
        %parallel_loop3A_245 = tpu.vector_load_idx %arg8[%parallel_loop3A_241] : memref<10240xi32, #tpu.memory_space<vmem>>[vector<16xi32>], vector<16xi32>,
        %parallel_loop3A_246 = vector.bitcast %parallel_loop3A_245 : vector<16xi32> to vector<32xbf16>
        %parallel_loop3A_247 = tpu.unpack_subelements %parallel_loop3A_246, 0 {pack_format = #tpu.pack_format<interleaved>} : vector<32xbf16> -> vector<16xf32>
        %parallel_loop3A_248 = tpu.unpack_subelements %parallel_loop3A_246, 1 {pack_format = #tpu.pack_format<interleaved>} : vector<32xbf16> -> vector<16xf32>
        %parallel_loop3A_249 = arith.mulf %parallel_loop3A_247, %parallel_loop3A_238 : vector<16xf32>
        tpu.vector_store_idx %arg10[%parallel_loop3A_244], %parallel_loop3A_249 {add = true} : memref<10240xf32, #tpu.memory_space<vmem>>[vector<16xi32>], vector<16xf32>,
        %parallel_loop3A_250 = arith.mulf %parallel_loop3A_248, %parallel_loop3A_238 : vector<16xf32>
        tpu.vector_store_idx %arg11[%parallel_loop3A_244], %parallel_loop3A_250 {add = true} : memref<10240xf32, #tpu.memory_space<vmem>>[vector<16xi32>], vector<16xf32>,
        %parallel_loop3A_251 = tpu.vector_load_idx %arg9[%parallel_loop3A_241] : memref<10240xi32, #tpu.memory_space<vmem>>[vector<16xi32>], vector<16xi32>,
        %parallel_loop3A_252 = vector.bitcast %parallel_loop3A_251 : vector<16xi32> to vector<32xbf16>
        %parallel_loop3A_253 = tpu.unpack_subelements %parallel_loop3A_252, 0 {pack_format = #tpu.pack_format<interleaved>} : vector<32xbf16> -> vector<16xf32>
        %parallel_loop3A_254 = tpu.unpack_subelements %parallel_loop3A_252, 1 {pack_format = #tpu.pack_format<interleaved>} : vector<32xbf16> -> vector<16xf32>
        %parallel_loop3A_255 = arith.mulf %parallel_loop3A_253, %parallel_loop3A_238 : vector<16xf32>
        tpu.vector_store_idx %arg12[%parallel_loop3A_244], %parallel_loop3A_255 {add = true} : memref<10240xf32, #tpu.memory_space<vmem>>[vector<16xi32>], vector<16xf32>,
        %parallel_loop3A_256 = arith.mulf %parallel_loop3A_254, %parallel_loop3A_238 : vector<16xf32>
        tpu.vector_store_idx %arg13[%parallel_loop3A_244], %parallel_loop3A_256 {add = true} : memref<10240xf32, #tpu.memory_space<vmem>>[vector<16xi32>], vector<16xf32>,
      } {sc.loop_unroll_factor = 8 : i64, sc.parallel_access}
      %lt3A = arith.constant 24 : i32
      %lt3A_199 = arith.cmpi slt, %scan3A_151, %lt3A : i32
      %convert_element_type3A = arith.extui %lt3A_199 : i1 to i32
      %cond3A = arith.constant 0 : i32
      %cond3A_200 = arith.cmpi ne, %convert_element_type3A, %cond3A : i32
      scf.if %cond3A_200 {
        %add3A_226 = arith.constant 2 : i32
        %add3A_227 = arith.addi %mul3A_153, %add3A_226 : i32
        %mul3A_228 = arith.constant 6400 : i32
        %mul3A_229 = arith.muli %add3A_227, %mul3A_228 : i32
        %dma_start3A_230 = arith.constant 0 : i32
        %dma_start3A_231 = arith.constant 0 : i32
        %dma_start3A_232 = tpu.memref_slice %arg14[%dma_start3A_230, %dma_start3A_231] : memref<2x6400xi32, #tpu.memory_space<vmem>> -> memref<1x6400xi32, #tpu.memory_space<vmem>>
        %dma_start3A_233 = tpu.memref_squeeze %dma_start3A_232 : memref<1x6400xi32, #tpu.memory_space<vmem>> -> memref<6400xi32, #tpu.memory_space<vmem>>
        %dma_start3A_234 = tpu.memref_slice %arg3[%mul3A_229] : memref<320000xi32, #tpu.memory_space<hbm>> -> memref<6400xi32, #tpu.memory_space<hbm>>
        %dma_start3A_235 = arith.constant 0 : i32
        %dma_start3A_236 = tpu.memref_slice %arg14[%dma_start3A_230, %dma_start3A_235] : memref<2x6400xi32, #tpu.memory_space<vmem>> -> memref<1x6400xi32, #tpu.memory_space<vmem>>
        %dma_start3A_237 = tpu.memref_squeeze %dma_start3A_236 : memref<1x6400xi32, #tpu.memory_space<vmem>> -> memref<6400xi32, #tpu.memory_space<vmem>>
        %dma_start3A_238 = tpu.memref_slice %arg3[%mul3A_229] : memref<320000xi32, #tpu.memory_space<hbm>> -> memref<6400xi32, #tpu.memory_space<hbm>>
        tpu.enqueue_dma source(%dma_start3A_238 : memref<6400xi32, #tpu.memory_space<hbm>>) target(%dma_start3A_237 : memref<6400xi32, #tpu.memory_space<vmem>>) target_semaphore(%arg18 : memref<!tpu.dma_semaphore, #tpu.memory_space<semaphore_mem>>)
        %dma_start3A_239 = arith.constant 0 : i32
        %dma_start3A_240 = arith.constant 0 : i32
        %dma_start3A_241 = tpu.memref_slice %arg15[%dma_start3A_239, %dma_start3A_240] : memref<2x6400xf32, #tpu.memory_space<vmem>> -> memref<1x6400xf32, #tpu.memory_space<vmem>>
        %dma_start3A_242 = tpu.memref_squeeze %dma_start3A_241 : memref<1x6400xf32, #tpu.memory_space<vmem>> -> memref<6400xf32, #tpu.memory_space<vmem>>
        %dma_start3A_243 = tpu.memref_slice %arg4[%mul3A_229] : memref<320000xf32, #tpu.memory_space<hbm>> -> memref<6400xf32, #tpu.memory_space<hbm>>
        %dma_start3A_244 = arith.constant 0 : i32
        %dma_start3A_245 = tpu.memref_slice %arg15[%dma_start3A_239, %dma_start3A_244] : memref<2x6400xf32, #tpu.memory_space<vmem>> -> memref<1x6400xf32, #tpu.memory_space<vmem>>
        %dma_start3A_246 = tpu.memref_squeeze %dma_start3A_245 : memref<1x6400xf32, #tpu.memory_space<vmem>> -> memref<6400xf32, #tpu.memory_space<vmem>>
        %dma_start3A_247 = tpu.memref_slice %arg4[%mul3A_229] : memref<320000xf32, #tpu.memory_space<hbm>> -> memref<6400xf32, #tpu.memory_space<hbm>>
        tpu.enqueue_dma source(%dma_start3A_247 : memref<6400xf32, #tpu.memory_space<hbm>>) target(%dma_start3A_246 : memref<6400xf32, #tpu.memory_space<vmem>>) target_semaphore(%arg18 : memref<!tpu.dma_semaphore, #tpu.memory_space<semaphore_mem>>)
      } else {
      }
      %add3A_201 = arith.constant 1 : i32
      %add3A_202 = arith.addi %mul3A_153, %add3A_201 : i32
      %mul3A_203 = arith.constant 6400 : i32
      %mul3A_204 = arith.muli %add3A_202, %mul3A_203 : i32
      %dma_wait3A_205 = arith.constant 1 : i32
      %dma_wait3A_206 = arith.constant 0 : i32
      %dma_wait3A_207 = tpu.memref_slice %arg14[%dma_wait3A_205, %dma_wait3A_206] : memref<2x6400xi32, #tpu.memory_space<vmem>> -> memref<1x6400xi32, #tpu.memory_space<vmem>>
      %dma_wait3A_208 = tpu.memref_squeeze %dma_wait3A_207 : memref<1x6400xi32, #tpu.memory_space<vmem>> -> memref<6400xi32, #tpu.memory_space<vmem>>
      %dma_wait3A_209 = tpu.memref_slice %arg3[%mul3A_204] : memref<320000xi32, #tpu.memory_space<hbm>> -> memref<6400xi32, #tpu.memory_space<hbm>>
      %dma_wait3A_210 = arith.constant 0 : i32
      %dma_wait3A_211 = tpu.memref_slice %arg14[%dma_wait3A_205, %dma_wait3A_210] : memref<2x6400xi32, #tpu.memory_space<vmem>> -> memref<1x6400xi32, #tpu.memory_space<vmem>>
      %dma_wait3A_212 = tpu.memref_squeeze %dma_wait3A_211 : memref<1x6400xi32, #tpu.memory_space<vmem>> -> memref<6400xi32, #tpu.memory_space<vmem>>
      %dma_wait3A_213 = tpu.memref_slice %arg3[%mul3A_204] : memref<320000xi32, #tpu.memory_space<hbm>> -> memref<6400xi32, #tpu.memory_space<hbm>>
      tpu.wait_dma2 semaphore(%arg19 : memref<!tpu.dma_semaphore, #tpu.memory_space<semaphore_mem>>) src(%dma_wait3A_213 : memref<6400xi32, #tpu.memory_space<hbm>>) dst(%dma_wait3A_212 : memref<6400xi32, #tpu.memory_space<vmem>>)
      %dma_wait3A_214 = arith.constant 1 : i32
      %dma_wait3A_215 = arith.constant 0 : i32
      %dma_wait3A_216 = tpu.memref_slice %arg15[%dma_wait3A_214, %dma_wait3A_215] : memref<2x6400xf32, #tpu.memory_space<vmem>> -> memref<1x6400xf32, #tpu.memory_space<vmem>>
      %dma_wait3A_217 = tpu.memref_squeeze %dma_wait3A_216 : memref<1x6400xf32, #tpu.memory_space<vmem>> -> memref<6400xf32, #tpu.memory_space<vmem>>
      %dma_wait3A_218 = tpu.memref_slice %arg4[%mul3A_204] : memref<320000xf32, #tpu.memory_space<hbm>> -> memref<6400xf32, #tpu.memory_space<hbm>>
      %dma_wait3A_219 = arith.constant 0 : i32
      %dma_wait3A_220 = tpu.memref_slice %arg15[%dma_wait3A_214, %dma_wait3A_219] : memref<2x6400xf32, #tpu.memory_space<vmem>> -> memref<1x6400xf32, #tpu.memory_space<vmem>>
      %dma_wait3A_221 = tpu.memref_squeeze %dma_wait3A_220 : memref<1x6400xf32, #tpu.memory_space<vmem>> -> memref<6400xf32, #tpu.memory_space<vmem>>
      %dma_wait3A_222 = tpu.memref_slice %arg4[%mul3A_204] : memref<320000xf32, #tpu.memory_space<hbm>> -> memref<6400xf32, #tpu.memory_space<hbm>>
      tpu.wait_dma2 semaphore(%arg19 : memref<!tpu.dma_semaphore, #tpu.memory_space<semaphore_mem>>) src(%dma_wait3A_222 : memref<6400xf32, #tpu.memory_space<hbm>>) dst(%dma_wait3A_221 : memref<6400xf32, #tpu.memory_space<vmem>>)
      %parallel_loop3A_223 = arith.constant 0 : i32
      %parallel_loop3A_224 = arith.constant 400 : i32
      %parallel_loop3A_225 = arith.constant 1 : i32
      scf.for %parallel_loop3A_226 = %parallel_loop3A_223 to %parallel_loop3A_224 step %parallel_loop3A_225  : i32 {
        %parallel_loop3A_227 = arith.constant 16 : i32
        %parallel_loop3A_228 = arith.muli %parallel_loop3A_226, %parallel_loop3A_227 : i32
        %parallel_loop3A_229 = arith.constant 1 : i32
        %parallel_loop3A_230 = arith.index_cast %parallel_loop3A_229 : i32 to index
        %parallel_loop3A_231 = arith.index_cast %parallel_loop3A_228 : i32 to index
        %parallel_loop3A_232 = tpu.vector_load %arg14[%parallel_loop3A_230, %parallel_loop3A_231] {strides = array<i32>} : memref<2x6400xi32, #tpu.memory_space<vmem>>, vector<16xi32>,
        %parallel_loop3A_233 = arith.constant 16 : i32
        %parallel_loop3A_234 = arith.muli %parallel_loop3A_226, %parallel_loop3A_233 : i32
        %parallel_loop3A_235 = arith.constant 1 : i32
        %parallel_loop3A_236 = arith.index_cast %parallel_loop3A_235 : i32 to index
        %parallel_loop3A_237 = arith.index_cast %parallel_loop3A_234 : i32 to index
        %parallel_loop3A_238 = tpu.vector_load %arg15[%parallel_loop3A_236, %parallel_loop3A_237] {strides = array<i32>} : memref<2x6400xf32, #tpu.memory_space<vmem>>, vector<16xf32>,
        %parallel_loop3A_239 = arith.constant 16383 : i32
        %parallel_loop3A_240 = vector.broadcast %parallel_loop3A_239 : i32 to vector<16xi32>
        %parallel_loop3A_241 = arith.andi %parallel_loop3A_232, %parallel_loop3A_240 : vector<16xi32>
        %parallel_loop3A_242 = arith.constant 14 : i32
        %parallel_loop3A_243 = vector.broadcast %parallel_loop3A_242 : i32 to vector<16xi32>
        %parallel_loop3A_244 = arith.shrui %parallel_loop3A_232, %parallel_loop3A_243 : vector<16xi32>
        %parallel_loop3A_245 = tpu.vector_load_idx %arg8[%parallel_loop3A_241] : memref<10240xi32, #tpu.memory_space<vmem>>[vector<16xi32>], vector<16xi32>,
        %parallel_loop3A_246 = vector.bitcast %parallel_loop3A_245 : vector<16xi32> to vector<32xbf16>
        %parallel_loop3A_247 = tpu.unpack_subelements %parallel_loop3A_246, 0 {pack_format = #tpu.pack_format<interleaved>} : vector<32xbf16> -> vector<16xf32>
        %parallel_loop3A_248 = tpu.unpack_subelements %parallel_loop3A_246, 1 {pack_format = #tpu.pack_format<interleaved>} : vector<32xbf16> -> vector<16xf32>
        %parallel_loop3A_249 = arith.mulf %parallel_loop3A_247, %parallel_loop3A_238 : vector<16xf32>
        tpu.vector_store_idx %arg10[%parallel_loop3A_244], %parallel_loop3A_249 {add = true} : memref<10240xf32, #tpu.memory_space<vmem>>[vector<16xi32>], vector<16xf32>,
        %parallel_loop3A_250 = arith.mulf %parallel_loop3A_248, %parallel_loop3A_238 : vector<16xf32>
        tpu.vector_store_idx %arg11[%parallel_loop3A_244], %parallel_loop3A_250 {add = true} : memref<10240xf32, #tpu.memory_space<vmem>>[vector<16xi32>], vector<16xf32>,
        %parallel_loop3A_251 = tpu.vector_load_idx %arg9[%parallel_loop3A_241] : memref<10240xi32, #tpu.memory_space<vmem>>[vector<16xi32>], vector<16xi32>,
        %parallel_loop3A_252 = vector.bitcast %parallel_loop3A_251 : vector<16xi32> to vector<32xbf16>
        %parallel_loop3A_253 = tpu.unpack_subelements %parallel_loop3A_252, 0 {pack_format = #tpu.pack_format<interleaved>} : vector<32xbf16> -> vector<16xf32>
        %parallel_loop3A_254 = tpu.unpack_subelements %parallel_loop3A_252, 1 {pack_format = #tpu.pack_format<interleaved>} : vector<32xbf16> -> vector<16xf32>
        %parallel_loop3A_255 = arith.mulf %parallel_loop3A_253, %parallel_loop3A_238 : vector<16xf32>
        tpu.vector_store_idx %arg12[%parallel_loop3A_244], %parallel_loop3A_255 {add = true} : memref<10240xf32, #tpu.memory_space<vmem>>[vector<16xi32>], vector<16xf32>,
        %parallel_loop3A_256 = arith.mulf %parallel_loop3A_254, %parallel_loop3A_238 : vector<16xf32>
        tpu.vector_store_idx %arg13[%parallel_loop3A_244], %parallel_loop3A_256 {add = true} : memref<10240xf32, #tpu.memory_space<vmem>>[vector<16xi32>], vector<16xf32>,
      } {sc.loop_unroll_factor = 8 : i64, sc.parallel_access}
    }
    %scan3A_57 = arith.constant 25 : i32
    %broadcast_in_dim3A = arith.constant 0 : i32
    %broadcast_in_dim3A_58 = vector.broadcast %broadcast_in_dim3A : i32 to vector<16xi32>
    %add3A_59 = arith.constant 0 : i32
    %add3A_60 = arith.addi %mul3A_2, %add3A_59 : i32
    %add3A_61 = vector.broadcast %add3A_60 : i32 to vector<16xi32>
    %add3A_62 = arith.addi %broadcast_in_dim3A_58, %add3A_61 : vector<16xi32>
    %gather3A = tpu.vector_load_idx %arg17[%add3A_62] : memref<128xf32, #tpu.memory_space<vmem>>[vector<16xi32>], vector<16xf32>,
    %broadcast_in_dim3A_63 = arith.constant 0 : i32
    %broadcast_in_dim3A_64 = vector.broadcast %broadcast_in_dim3A_63 : i32 to vector<16xi32>
    %add3A_65 = arith.constant 0 : i32
    %add3A_66 = arith.addi %mul3A_2, %add3A_65 : i32
    %add3A_67 = arith.constant 64 : i32
    %add3A_68 = arith.addi %add3A_66, %add3A_67 : i32
    %add3A_69 = vector.broadcast %add3A_68 : i32 to vector<16xi32>
    %add3A_70 = arith.addi %broadcast_in_dim3A_64, %add3A_69 : vector<16xi32>
    %gather3A_71 = tpu.vector_load_idx %arg17[%add3A_70] : memref<128xf32, #tpu.memory_space<vmem>>[vector<16xi32>], vector<16xf32>,
    %broadcast_in_dim3A_72 = arith.constant 0 : i32
    %broadcast_in_dim3A_73 = vector.broadcast %broadcast_in_dim3A_72 : i32 to vector<16xi32>
    %add3A_74 = arith.constant 1 : i32
    %add3A_75 = arith.addi %mul3A_2, %add3A_74 : i32
    %add3A_76 = vector.broadcast %add3A_75 : i32 to vector<16xi32>
    %add3A_77 = arith.addi %broadcast_in_dim3A_73, %add3A_76 : vector<16xi32>
    %gather3A_78 = tpu.vector_load_idx %arg17[%add3A_77] : memref<128xf32, #tpu.memory_space<vmem>>[vector<16xi32>], vector<16xf32>,
    %broadcast_in_dim3A_79 = arith.constant 0 : i32
    %broadcast_in_dim3A_80 = vector.broadcast %broadcast_in_dim3A_79 : i32 to vector<16xi32>
    %add3A_81 = arith.constant 1 : i32
    %add3A_82 = arith.addi %mul3A_2, %add3A_81 : i32
    %add3A_83 = arith.constant 64 : i32
    %add3A_84 = arith.addi %add3A_82, %add3A_83 : i32
    %add3A_85 = vector.broadcast %add3A_84 : i32 to vector<16xi32>
    %add3A_86 = arith.addi %broadcast_in_dim3A_80, %add3A_85 : vector<16xi32>
    %gather3A_87 = tpu.vector_load_idx %arg17[%add3A_86] : memref<128xf32, #tpu.memory_space<vmem>>[vector<16xi32>], vector<16xf32>,
    %parallel_loop3A_88 = arith.constant 0 : i32
    %parallel_loop3A_89 = arith.constant 640 : i32
    %parallel_loop3A_90 = arith.constant 1 : i32
    scf.for %parallel_loop3A_151 = %parallel_loop3A_88 to %parallel_loop3A_89 step %parallel_loop3A_90  : i32 {
      %parallel_loop3A_152 = arith.constant 16 : i32
      %parallel_loop3A_153 = arith.muli %parallel_loop3A_151, %parallel_loop3A_152 : i32
      %parallel_loop3A_154 = arith.index_cast %parallel_loop3A_153 : i32 to index
      %parallel_loop3A_155 = tpu.vector_load %arg16[%parallel_loop3A_154] {strides = array<i32>} : memref<10240xf32, #tpu.memory_space<vmem>>, vector<16xf32>,
      %parallel_loop3A_156 = arith.index_cast %parallel_loop3A_153 : i32 to index
      %parallel_loop3A_157 = tpu.vector_load %arg8[%parallel_loop3A_156] {strides = array<i32>} : memref<10240xi32, #tpu.memory_space<vmem>>, vector<16xi32>,
      %parallel_loop3A_158 = vector.bitcast %parallel_loop3A_157 : vector<16xi32> to vector<32xbf16>
      %parallel_loop3A_159 = tpu.unpack_subelements %parallel_loop3A_158, 0 {pack_format = #tpu.pack_format<interleaved>} : vector<32xbf16> -> vector<16xf32>
      %parallel_loop3A_160 = tpu.unpack_subelements %parallel_loop3A_158, 1 {pack_format = #tpu.pack_format<interleaved>} : vector<32xbf16> -> vector<16xf32>
      %parallel_loop3A_161 = arith.index_cast %parallel_loop3A_153 : i32 to index
      %parallel_loop3A_162 = tpu.vector_load %arg10[%parallel_loop3A_161] {strides = array<i32>} : memref<10240xf32, #tpu.memory_space<vmem>>, vector<16xf32>,
      %parallel_loop3A_163 = arith.addf %parallel_loop3A_162, %parallel_loop3A_159 : vector<16xf32>
      %parallel_loop3A_164 = arith.mulf %parallel_loop3A_155, %parallel_loop3A_163 : vector<16xf32>
      %parallel_loop3A_165 = arith.addf %parallel_loop3A_164, %gather3A : vector<16xf32>
      %parallel_loop3A_166 = arith.index_cast %parallel_loop3A_153 : i32 to index
      %parallel_loop3A_167 = tpu.vector_load %arg10[%parallel_loop3A_166] {strides = array<i32>} : memref<10240xf32, #tpu.memory_space<vmem>>, vector<16xf32>,
      tpu.vector_store %arg10[%parallel_loop3A_166], %parallel_loop3A_165 {strides = array<i32>} : memref<10240xf32, #tpu.memory_space<vmem>>, vector<16xf32>,
      %parallel_loop3A_168 = arith.index_cast %parallel_loop3A_153 : i32 to index
      %parallel_loop3A_169 = tpu.vector_load %arg11[%parallel_loop3A_168] {strides = array<i32>} : memref<10240xf32, #tpu.memory_space<vmem>>, vector<16xf32>,
      %parallel_loop3A_170 = arith.addf %parallel_loop3A_169, %parallel_loop3A_160 : vector<16xf32>
      %parallel_loop3A_171 = arith.mulf %parallel_loop3A_155, %parallel_loop3A_170 : vector<16xf32>
      %parallel_loop3A_172 = arith.addf %parallel_loop3A_171, %gather3A_71 : vector<16xf32>
      %parallel_loop3A_173 = arith.index_cast %parallel_loop3A_153 : i32 to index
      %parallel_loop3A_174 = tpu.vector_load %arg11[%parallel_loop3A_173] {strides = array<i32>} : memref<10240xf32, #tpu.memory_space<vmem>>, vector<16xf32>,
      tpu.vector_store %arg11[%parallel_loop3A_173], %parallel_loop3A_172 {strides = array<i32>} : memref<10240xf32, #tpu.memory_space<vmem>>, vector<16xf32>,
      %parallel_loop3A_175 = arith.index_cast %parallel_loop3A_153 : i32 to index
      %parallel_loop3A_176 = tpu.vector_load %arg9[%parallel_loop3A_175] {strides = array<i32>} : memref<10240xi32, #tpu.memory_space<vmem>>, vector<16xi32>,
      %parallel_loop3A_177 = vector.bitcast %parallel_loop3A_176 : vector<16xi32> to vector<32xbf16>
      %parallel_loop3A_178 = tpu.unpack_subelements %parallel_loop3A_177, 0 {pack_format = #tpu.pack_format<interleaved>} : vector<32xbf16> -> vector<16xf32>
      %parallel_loop3A_179 = tpu.unpack_subelements %parallel_loop3A_177, 1 {pack_format = #tpu.pack_format<interleaved>} : vector<32xbf16> -> vector<16xf32>
      %parallel_loop3A_180 = arith.index_cast %parallel_loop3A_153 : i32 to index
      %parallel_loop3A_181 = tpu.vector_load %arg12[%parallel_loop3A_180] {strides = array<i32>} : memref<10240xf32, #tpu.memory_space<vmem>>, vector<16xf32>,
      %parallel_loop3A_182 = arith.addf %parallel_loop3A_181, %parallel_loop3A_178 : vector<16xf32>
      %parallel_loop3A_183 = arith.mulf %parallel_loop3A_155, %parallel_loop3A_182 : vector<16xf32>
      %parallel_loop3A_184 = arith.addf %parallel_loop3A_183, %gather3A_78 : vector<16xf32>
      %parallel_loop3A_185 = arith.index_cast %parallel_loop3A_153 : i32 to index
      %parallel_loop3A_186 = tpu.vector_load %arg12[%parallel_loop3A_185] {strides = array<i32>} : memref<10240xf32, #tpu.memory_space<vmem>>, vector<16xf32>,
      tpu.vector_store %arg12[%parallel_loop3A_185], %parallel_loop3A_184 {strides = array<i32>} : memref<10240xf32, #tpu.memory_space<vmem>>, vector<16xf32>,
      %parallel_loop3A_187 = arith.index_cast %parallel_loop3A_153 : i32 to index
      %parallel_loop3A_188 = tpu.vector_load %arg13[%parallel_loop3A_187] {strides = array<i32>} : memref<10240xf32, #tpu.memory_space<vmem>>, vector<16xf32>,
      %parallel_loop3A_189 = arith.addf %parallel_loop3A_188, %parallel_loop3A_179 : vector<16xf32>
      %parallel_loop3A_190 = arith.mulf %parallel_loop3A_155, %parallel_loop3A_189 : vector<16xf32>
      %parallel_loop3A_191 = arith.addf %parallel_loop3A_190, %gather3A_87 : vector<16xf32>
      %parallel_loop3A_192 = arith.index_cast %parallel_loop3A_153 : i32 to index
      %parallel_loop3A_193 = tpu.vector_load %arg13[%parallel_loop3A_192] {strides = array<i32>} : memref<10240xf32, #tpu.memory_space<vmem>>, vector<16xf32>,
      tpu.vector_store %arg13[%parallel_loop3A_192], %parallel_loop3A_191 {strides = array<i32>} : memref<10240xf32, #tpu.memory_space<vmem>>, vector<16xf32>,
    } {sc.loop_unroll_factor = 8 : i64, sc.parallel_access}
    %add3A_91 = arith.constant 0 : i32
    %add3A_92 = arith.addi %mul3A_2, %add3A_91 : i32
    %dma_start3A_93 = arith.constant 0 : i32
    %dma_start3A_94 = tpu.memref_slice %arg7[%add3A_92, %dma_start3A_93] : memref<128x10240xf32, #tpu.memory_space<hbm>> -> memref<1x10240xf32, #tpu.memory_space<hbm>>
    %dma_start3A_95 = tpu.memref_squeeze %dma_start3A_94 : memref<1x10240xf32, #tpu.memory_space<hbm>> -> memref<10240xf32, #tpu.memory_space<hbm>>
    %dma_start3A_96 = arith.constant 0 : i32
    %dma_start3A_97 = tpu.memref_slice %arg7[%add3A_92, %dma_start3A_96] : memref<128x10240xf32, #tpu.memory_space<hbm>> -> memref<1x10240xf32, #tpu.memory_space<hbm>>
    %dma_start3A_98 = tpu.memref_squeeze %dma_start3A_97 : memref<1x10240xf32, #tpu.memory_space<hbm>> -> memref<10240xf32, #tpu.memory_space<hbm>>
    tpu.enqueue_dma source(%arg10 : memref<10240xf32, #tpu.memory_space<vmem>>) target(%dma_start3A_98 : memref<10240xf32, #tpu.memory_space<hbm>>) target_semaphore(%arg18 : memref<!tpu.dma_semaphore, #tpu.memory_space<semaphore_mem>>)
    %add3A_99 = arith.constant 0 : i32
    %add3A_100 = arith.addi %mul3A_2, %add3A_99 : i32
    %add3A_101 = arith.constant 64 : i32
    %add3A_102 = arith.addi %add3A_100, %add3A_101 : i32
    %dma_start3A_103 = arith.constant 0 : i32
    %dma_start3A_104 = tpu.memref_slice %arg7[%add3A_102, %dma_start3A_103] : memref<128x10240xf32, #tpu.memory_space<hbm>> -> memref<1x10240xf32, #tpu.memory_space<hbm>>
    %dma_start3A_105 = tpu.memref_squeeze %dma_start3A_104 : memref<1x10240xf32, #tpu.memory_space<hbm>> -> memref<10240xf32, #tpu.memory_space<hbm>>
    %dma_start3A_106 = arith.constant 0 : i32
    %dma_start3A_107 = tpu.memref_slice %arg7[%add3A_102, %dma_start3A_106] : memref<128x10240xf32, #tpu.memory_space<hbm>> -> memref<1x10240xf32, #tpu.memory_space<hbm>>
    %dma_start3A_108 = tpu.memref_squeeze %dma_start3A_107 : memref<1x10240xf32, #tpu.memory_space<hbm>> -> memref<10240xf32, #tpu.memory_space<hbm>>
    tpu.enqueue_dma source(%arg11 : memref<10240xf32, #tpu.memory_space<vmem>>) target(%dma_start3A_108 : memref<10240xf32, #tpu.memory_space<hbm>>) target_semaphore(%arg18 : memref<!tpu.dma_semaphore, #tpu.memory_space<semaphore_mem>>)
    %add3A_109 = arith.constant 1 : i32
    %add3A_110 = arith.addi %mul3A_2, %add3A_109 : i32
    %dma_start3A_111 = arith.constant 0 : i32
    %dma_start3A_112 = tpu.memref_slice %arg7[%add3A_110, %dma_start3A_111] : memref<128x10240xf32, #tpu.memory_space<hbm>> -> memref<1x10240xf32, #tpu.memory_space<hbm>>
    %dma_start3A_113 = tpu.memref_squeeze %dma_start3A_112 : memref<1x10240xf32, #tpu.memory_space<hbm>> -> memref<10240xf32, #tpu.memory_space<hbm>>
    %dma_start3A_114 = arith.constant 0 : i32
    %dma_start3A_115 = tpu.memref_slice %arg7[%add3A_110, %dma_start3A_114] : memref<128x10240xf32, #tpu.memory_space<hbm>> -> memref<1x10240xf32, #tpu.memory_space<hbm>>
    %dma_start3A_116 = tpu.memref_squeeze %dma_start3A_115 : memref<1x10240xf32, #tpu.memory_space<hbm>> -> memref<10240xf32, #tpu.memory_space<hbm>>
    tpu.enqueue_dma source(%arg12 : memref<10240xf32, #tpu.memory_space<vmem>>) target(%dma_start3A_116 : memref<10240xf32, #tpu.memory_space<hbm>>) target_semaphore(%arg18 : memref<!tpu.dma_semaphore, #tpu.memory_space<semaphore_mem>>)
    %add3A_117 = arith.constant 1 : i32
    %add3A_118 = arith.addi %mul3A_2, %add3A_117 : i32
    %add3A_119 = arith.constant 64 : i32
    %add3A_120 = arith.addi %add3A_118, %add3A_119 : i32
    %dma_start3A_121 = arith.constant 0 : i32
    %dma_start3A_122 = tpu.memref_slice %arg7[%add3A_120, %dma_start3A_121] : memref<128x10240xf32, #tpu.memory_space<hbm>> -> memref<1x10240xf32, #tpu.memory_space<hbm>>
    %dma_start3A_123 = tpu.memref_squeeze %dma_start3A_122 : memref<1x10240xf32, #tpu.memory_space<hbm>> -> memref<10240xf32, #tpu.memory_space<hbm>>
    %dma_start3A_124 = arith.constant 0 : i32
    %dma_start3A_125 = tpu.memref_slice %arg7[%add3A_120, %dma_start3A_124] : memref<128x10240xf32, #tpu.memory_space<hbm>> -> memref<1x10240xf32, #tpu.memory_space<hbm>>
    %dma_start3A_126 = tpu.memref_squeeze %dma_start3A_125 : memref<1x10240xf32, #tpu.memory_space<hbm>> -> memref<10240xf32, #tpu.memory_space<hbm>>
    tpu.enqueue_dma source(%arg13 : memref<10240xf32, #tpu.memory_space<vmem>>) target(%dma_start3A_126 : memref<10240xf32, #tpu.memory_space<hbm>>) target_semaphore(%arg18 : memref<!tpu.dma_semaphore, #tpu.memory_space<semaphore_mem>>)
    %dma_wait3A_127 = arith.constant 0 : i32
    %dma_wait3A_128 = tpu.memref_slice %arg7[%add3A_92, %dma_wait3A_127] : memref<128x10240xf32, #tpu.memory_space<hbm>> -> memref<1x10240xf32, #tpu.memory_space<hbm>>
    %dma_wait3A_129 = tpu.memref_squeeze %dma_wait3A_128 : memref<1x10240xf32, #tpu.memory_space<hbm>> -> memref<10240xf32, #tpu.memory_space<hbm>>
    %dma_wait3A_130 = arith.constant 0 : i32
    %dma_wait3A_131 = tpu.memref_slice %arg7[%add3A_92, %dma_wait3A_130] : memref<128x10240xf32, #tpu.memory_space<hbm>> -> memref<1x10240xf32, #tpu.memory_space<hbm>>
    %dma_wait3A_132 = tpu.memref_squeeze %dma_wait3A_131 : memref<1x10240xf32, #tpu.memory_space<hbm>> -> memref<10240xf32, #tpu.memory_space<hbm>>
    tpu.wait_dma2 semaphore(%arg18 : memref<!tpu.dma_semaphore, #tpu.memory_space<semaphore_mem>>) src(%arg10 : memref<10240xf32, #tpu.memory_space<vmem>>) dst(%dma_wait3A_132 : memref<10240xf32, #tpu.memory_space<hbm>>)
    %dma_wait3A_133 = arith.constant 0 : i32
    %dma_wait3A_134 = tpu.memref_slice %arg7[%add3A_102, %dma_wait3A_133] : memref<128x10240xf32, #tpu.memory_space<hbm>> -> memref<1x10240xf32, #tpu.memory_space<hbm>>
    %dma_wait3A_135 = tpu.memref_squeeze %dma_wait3A_134 : memref<1x10240xf32, #tpu.memory_space<hbm>> -> memref<10240xf32, #tpu.memory_space<hbm>>
    %dma_wait3A_136 = arith.constant 0 : i32
    %dma_wait3A_137 = tpu.memref_slice %arg7[%add3A_102, %dma_wait3A_136] : memref<128x10240xf32, #tpu.memory_space<hbm>> -> memref<1x10240xf32, #tpu.memory_space<hbm>>
    %dma_wait3A_138 = tpu.memref_squeeze %dma_wait3A_137 : memref<1x10240xf32, #tpu.memory_space<hbm>> -> memref<10240xf32, #tpu.memory_space<hbm>>
    tpu.wait_dma2 semaphore(%arg18 : memref<!tpu.dma_semaphore, #tpu.memory_space<semaphore_mem>>) src(%arg11 : memref<10240xf32, #tpu.memory_space<vmem>>) dst(%dma_wait3A_138 : memref<10240xf32, #tpu.memory_space<hbm>>)
    %dma_wait3A_139 = arith.constant 0 : i32
    %dma_wait3A_140 = tpu.memref_slice %arg7[%add3A_110, %dma_wait3A_139] : memref<128x10240xf32, #tpu.memory_space<hbm>> -> memref<1x10240xf32, #tpu.memory_space<hbm>>
    %dma_wait3A_141 = tpu.memref_squeeze %dma_wait3A_140 : memref<1x10240xf32, #tpu.memory_space<hbm>> -> memref<10240xf32, #tpu.memory_space<hbm>>
    %dma_wait3A_142 = arith.constant 0 : i32
    %dma_wait3A_143 = tpu.memref_slice %arg7[%add3A_110, %dma_wait3A_142] : memref<128x10240xf32, #tpu.memory_space<hbm>> -> memref<1x10240xf32, #tpu.memory_space<hbm>>
    %dma_wait3A_144 = tpu.memref_squeeze %dma_wait3A_143 : memref<1x10240xf32, #tpu.memory_space<hbm>> -> memref<10240xf32, #tpu.memory_space<hbm>>
    tpu.wait_dma2 semaphore(%arg18 : memref<!tpu.dma_semaphore, #tpu.memory_space<semaphore_mem>>) src(%arg12 : memref<10240xf32, #tpu.memory_space<vmem>>) dst(%dma_wait3A_144 : memref<10240xf32, #tpu.memory_space<hbm>>)
    %dma_wait3A_145 = arith.constant 0 : i32
    %dma_wait3A_146 = tpu.memref_slice %arg7[%add3A_120, %dma_wait3A_145] : memref<128x10240xf32, #tpu.memory_space<hbm>> -> memref<1x10240xf32, #tpu.memory_space<hbm>>
    %dma_wait3A_147 = tpu.memref_squeeze %dma_wait3A_146 : memref<1x10240xf32, #tpu.memory_space<hbm>> -> memref<10240xf32, #tpu.memory_space<hbm>>
    %dma_wait3A_148 = arith.constant 0 : i32
    %dma_wait3A_149 = tpu.memref_slice %arg7[%add3A_120, %dma_wait3A_148] : memref<128x10240xf32, #tpu.memory_space<hbm>> -> memref<1x10240xf32, #tpu.memory_space<hbm>>
    %dma_wait3A_150 = tpu.memref_squeeze %dma_wait3A_149 : memref<1x10240xf32, #tpu.memory_space<hbm>> -> memref<10240xf32, #tpu.memory_space<hbm>>
    tpu.wait_dma2 semaphore(%arg18 : memref<!tpu.dma_semaphore, #tpu.memory_space<semaphore_mem>>) src(%arg13 : memref<10240xf32, #tpu.memory_space<vmem>>) dst(%dma_wait3A_150 : memref<10240xf32, #tpu.memory_space<hbm>>)
    return
  }
}

#map = affine_map<(d0, d1) -> (0)>
#map1 = affine_map<(d0, d1) -> (0, 0)>
module attributes {stable_mosaic.version = 14 : i64} {
  func.func @deg_k(%arg0: i32, %arg1: i32, %arg2: memref<320000xi32, #tpu.memory_space<hbm>>, %arg3: memref<320000xf32, #tpu.memory_space<hbm>>, %arg4: memref<32x10240xf32, #tpu.memory_space<hbm>>, %arg5: memref<10000xi32, #tpu.memory_space<vmem>>, %arg6: memref<10000xf32, #tpu.memory_space<vmem>>, %arg7: memref<10240xf32, #tpu.memory_space<vmem>>) attributes {dimension_semantics = [#tpu.dimension_semantics<core_parallel>, #tpu.dimension_semantics<subcore_parallel>], iteration_bounds = array<i64: 2, 16>, scalar_prefetch = 0 : i64, scratch_operands = 3 : i64, tpu.core_type = #tpu.core_type<sc_vector_subcore>, window_params = [{transform_indices = #map}, {transform_indices = #map}, {transform_indices = #map1}]} {
    %mul3A = arith.constant 2 : i32
    %mul3A_0 = arith.muli %arg1, %mul3A : i32
    %add3A = arith.addi %mul3A_0, %arg0 : i32
    %mul3A_1 = arith.constant 10000 : i32
    %mul3A_2 = arith.muli %add3A, %mul3A_1 : i32
    "tpu.region"() ({
      %run_scoped3A = tpu.sem_alloc : memref<!tpu.dma_semaphore, #tpu.memory_space<semaphore_mem>>
      %dma_start3A = tpu.memref_slice %arg2[%mul3A_2] : memref<320000xi32, #tpu.memory_space<hbm>> -> memref<10000xi32, #tpu.memory_space<hbm>>
      %dma_start3A_8 = tpu.memref_slice %arg2[%mul3A_2] : memref<320000xi32, #tpu.memory_space<hbm>> -> memref<10000xi32, #tpu.memory_space<hbm>>
      tpu.enqueue_dma source(%dma_start3A_8 : memref<10000xi32, #tpu.memory_space<hbm>>) target(%arg5 : memref<10000xi32, #tpu.memory_space<vmem>>) target_semaphore(%run_scoped3A : memref<!tpu.dma_semaphore, #tpu.memory_space<semaphore_mem>>)
      %dma_wait3A = tpu.memref_slice %arg2[%mul3A_2] : memref<320000xi32, #tpu.memory_space<hbm>> -> memref<10000xi32, #tpu.memory_space<hbm>>
      %dma_wait3A_9 = tpu.memref_slice %arg2[%mul3A_2] : memref<320000xi32, #tpu.memory_space<hbm>> -> memref<10000xi32, #tpu.memory_space<hbm>>
      tpu.wait_dma2 semaphore(%run_scoped3A : memref<!tpu.dma_semaphore, #tpu.memory_space<semaphore_mem>>) src(%dma_wait3A_9 : memref<10000xi32, #tpu.memory_space<hbm>>) dst(%arg5 : memref<10000xi32, #tpu.memory_space<vmem>>)
      tpu.yield
    }) : () -> ()
    "tpu.region"() ({
      %run_scoped3A = tpu.sem_alloc : memref<!tpu.dma_semaphore, #tpu.memory_space<semaphore_mem>>
      %dma_start3A = tpu.memref_slice %arg3[%mul3A_2] : memref<320000xf32, #tpu.memory_space<hbm>> -> memref<10000xf32, #tpu.memory_space<hbm>>
      %dma_start3A_8 = tpu.memref_slice %arg3[%mul3A_2] : memref<320000xf32, #tpu.memory_space<hbm>> -> memref<10000xf32, #tpu.memory_space<hbm>>
      tpu.enqueue_dma source(%dma_start3A_8 : memref<10000xf32, #tpu.memory_space<hbm>>) target(%arg6 : memref<10000xf32, #tpu.memory_space<vmem>>) target_semaphore(%run_scoped3A : memref<!tpu.dma_semaphore, #tpu.memory_space<semaphore_mem>>)
      %dma_wait3A = tpu.memref_slice %arg3[%mul3A_2] : memref<320000xf32, #tpu.memory_space<hbm>> -> memref<10000xf32, #tpu.memory_space<hbm>>
      %dma_wait3A_9 = tpu.memref_slice %arg3[%mul3A_2] : memref<320000xf32, #tpu.memory_space<hbm>> -> memref<10000xf32, #tpu.memory_space<hbm>>
      tpu.wait_dma2 semaphore(%run_scoped3A : memref<!tpu.dma_semaphore, #tpu.memory_space<semaphore_mem>>) src(%dma_wait3A_9 : memref<10000xf32, #tpu.memory_space<hbm>>) dst(%arg6 : memref<10000xf32, #tpu.memory_space<vmem>>)
      tpu.yield
    }) : () -> ()
    %parallel_loop3A = arith.constant 0 : i32
    %parallel_loop3A_3 = arith.constant 640 : i32
    %parallel_loop3A_4 = arith.constant 1 : i32
    scf.for %parallel_loop3A_8 = %parallel_loop3A to %parallel_loop3A_3 step %parallel_loop3A_4  : i32 {
      %parallel_loop3A_9 = arith.constant 0.000000e+00 : f32
      %parallel_loop3A_10 = vector.broadcast %parallel_loop3A_9 : f32 to vector<16xf32>
      %parallel_loop3A_11 = arith.constant 16 : i32
      %parallel_loop3A_12 = arith.muli %parallel_loop3A_8, %parallel_loop3A_11 : i32
      %parallel_loop3A_13 = arith.index_cast %parallel_loop3A_12 : i32 to index
      %parallel_loop3A_14 = tpu.vector_load %arg7[%parallel_loop3A_13] {strides = array<i32>} : memref<10240xf32, #tpu.memory_space<vmem>>, vector<16xf32>,
      tpu.vector_store %arg7[%parallel_loop3A_13], %parallel_loop3A_10 {strides = array<i32>} : memref<10240xf32, #tpu.memory_space<vmem>>, vector<16xf32>,
    } {sc.loop_unroll_factor = 8 : i64, sc.parallel_access}
    %parallel_loop3A_5 = arith.constant 0 : i32
    %parallel_loop3A_6 = arith.constant 625 : i32
    %parallel_loop3A_7 = arith.constant 1 : i32
    scf.for %parallel_loop3A_8 = %parallel_loop3A_5 to %parallel_loop3A_6 step %parallel_loop3A_7  : i32 {
      %parallel_loop3A_9 = arith.constant 16 : i32
      %parallel_loop3A_10 = arith.muli %parallel_loop3A_8, %parallel_loop3A_9 : i32
      %parallel_loop3A_11 = arith.index_cast %parallel_loop3A_10 : i32 to index
      %parallel_loop3A_12 = tpu.vector_load %arg5[%parallel_loop3A_11] {strides = array<i32>} : memref<10000xi32, #tpu.memory_space<vmem>>, vector<16xi32>,
      %parallel_loop3A_13 = arith.constant 16 : i32
      %parallel_loop3A_14 = arith.muli %parallel_loop3A_8, %parallel_loop3A_13 : i32
      %parallel_loop3A_15 = arith.index_cast %parallel_loop3A_14 : i32 to index
      %parallel_loop3A_16 = tpu.vector_load %arg6[%parallel_loop3A_15] {strides = array<i32>} : memref<10000xf32, #tpu.memory_space<vmem>>, vector<16xf32>,
      tpu.vector_store_idx %arg7[%parallel_loop3A_12], %parallel_loop3A_16 {add = true} : memref<10240xf32, #tpu.memory_space<vmem>>[vector<16xi32>], vector<16xf32>,
    } {sc.loop_unroll_factor = 8 : i64, sc.parallel_access}
    "tpu.region"() ({
      %run_scoped3A = tpu.sem_alloc : memref<!tpu.dma_semaphore, #tpu.memory_space<semaphore_mem>>
      %dma_start3A = arith.constant 0 : i32
      %dma_start3A_8 = tpu.memref_slice %arg4[%add3A, %dma_start3A] : memref<32x10240xf32, #tpu.memory_space<hbm>> -> memref<1x10240xf32, #tpu.memory_space<hbm>>
      %dma_start3A_9 = tpu.memref_squeeze %dma_start3A_8 : memref<1x10240xf32, #tpu.memory_space<hbm>> -> memref<10240xf32, #tpu.memory_space<hbm>>
      %dma_start3A_10 = arith.constant 0 : i32
      %dma_start3A_11 = tpu.memref_slice %arg4[%add3A, %dma_start3A_10] : memref<32x10240xf32, #tpu.memory_space<hbm>> -> memref<1x10240xf32, #tpu.memory_space<hbm>>
      %dma_start3A_12 = tpu.memref_squeeze %dma_start3A_11 : memref<1x10240xf32, #tpu.memory_space<hbm>> -> memref<10240xf32, #tpu.memory_space<hbm>>
      tpu.enqueue_dma source(%arg7 : memref<10240xf32, #tpu.memory_space<vmem>>) target(%dma_start3A_12 : memref<10240xf32, #tpu.memory_space<hbm>>) target_semaphore(%run_scoped3A : memref<!tpu.dma_semaphore, #tpu.memory_space<semaphore_mem>>)
      %dma_wait3A = arith.constant 0 : i32
      %dma_wait3A_13 = tpu.memref_slice %arg4[%add3A, %dma_wait3A] : memref<32x10240xf32, #tpu.memory_space<hbm>> -> memref<1x10240xf32, #tpu.memory_space<hbm>>
      %dma_wait3A_14 = tpu.memref_squeeze %dma_wait3A_13 : memref<1x10240xf32, #tpu.memory_space<hbm>> -> memref<10240xf32, #tpu.memory_space<hbm>>
      %dma_wait3A_15 = arith.constant 0 : i32
      %dma_wait3A_16 = tpu.memref_slice %arg4[%add3A, %dma_wait3A_15] : memref<32x10240xf32, #tpu.memory_space<hbm>> -> memref<1x10240xf32, #tpu.memory_space<hbm>>
      %dma_wait3A_17 = tpu.memref_squeeze %dma_wait3A_16 : memref<1x10240xf32, #tpu.memory_space<hbm>> -> memref<10240xf32, #tpu.memory_space<hbm>>
      tpu.wait_dma2 semaphore(%run_scoped3A : memref<!tpu.dma_semaphore, #tpu.memory_space<semaphore_mem>>) src(%arg7 : memref<10240xf32, #tpu.memory_space<vmem>>) dst(%dma_wait3A_17 : memref<10240xf32, #tpu.memory_space<hbm>>)
      tpu.yield
    }) : () -> ()
    return
  }
}

#map = affine_map<(d0, d1) -> (0, 0)>
#map1 = affine_map<(d0, d1) -> (0)>
module attributes {stable_mosaic.version = 14 : i64} {
  func.func @agg_k(%arg0: i32, %arg1: i32, %arg2: memref<64x10240xi32, #tpu.memory_space<hbm>>, %arg3: memref<320000xi32, #tpu.memory_space<hbm>>, %arg4: memref<320000xf32, #tpu.memory_space<hbm>>, %arg5: memref<10240xf32, #tpu.memory_space<hbm>>, %arg6: memref<128xf32, #tpu.memory_space<hbm>>, %arg7: memref<128x10240xf32, #tpu.memory_space<hbm>>, %arg8: memref<10240xi32, #tpu.memory_space<vmem>>, %arg9: memref<10240xi32, #tpu.memory_space<vmem>>, %arg10: memref<10240xf32, #tpu.memory_space<vmem>>, %arg11: memref<10240xf32, #tpu.memory_space<vmem>>, %arg12: memref<10240xf32, #tpu.memory_space<vmem>>, %arg13: memref<10240xf32, #tpu.memory_space<vmem>>, %arg14: memref<2x6400xi32, #tpu.memory_space<vmem>>, %arg15: memref<2x6400xf32, #tpu.memory_space<vmem>>, %arg16: memref<10240xf32, #tpu.memory_space<vmem>>, %arg17: memref<128xf32, #tpu.memory_space<vmem>>, %arg18: memref<!tpu.dma_semaphore, #tpu.memory_space<semaphore_mem>>, %arg19: memref<!tpu.dma_semaphore, #tpu.memory_space<semaphore_mem>>) attributes {dimension_semantics = [#tpu.dimension_semantics<core_parallel>, #tpu.dimension_semantics<subcore_parallel>], iteration_bounds = array<i64: 2, 16>, scalar_prefetch = 0 : i64, scratch_operands = 12 : i64, tpu.core_type = #tpu.core_type<sc_vector_subcore>, window_params = [{transform_indices = #map}, {transform_indices = #map1}, {transform_indices = #map1}, {transform_indices = #map1}, {transform_indices = #map1}, {transform_indices = #map}]} {
    %mul3A = arith.constant 2 : i32
    %mul3A_0 = arith.muli %arg1, %mul3A : i32
    %add3A = arith.addi %mul3A_0, %arg0 : i32
    %mul3A_1 = arith.constant 2 : i32
    %mul3A_2 = arith.muli %mul3A_1, %add3A : i32
    %add3A_3 = arith.constant 0 : i32
    %add3A_4 = arith.addi %mul3A_2, %add3A_3 : i32
    %dma_start3A = arith.constant 0 : i32
    %dma_start3A_5 = tpu.memref_slice %arg2[%add3A_4, %dma_start3A] : memref<64x10240xi32, #tpu.memory_space<hbm>> -> memref<1x10240xi32, #tpu.memory_space<hbm>>
    %dma_start3A_6 = tpu.memref_squeeze %dma_start3A_5 : memref<1x10240xi32, #tpu.memory_space<hbm>> -> memref<10240xi32, #tpu.memory_space<hbm>>
    %dma_start3A_7 = arith.constant 0 : i32
    %dma_start3A_8 = tpu.memref_slice %arg2[%add3A_4, %dma_start3A_7] : memref<64x10240xi32, #tpu.memory_space<hbm>> -> memref<1x10240xi32, #tpu.memory_space<hbm>>
    %dma_start3A_9 = tpu.memref_squeeze %dma_start3A_8 : memref<1x10240xi32, #tpu.memory_space<hbm>> -> memref<10240xi32, #tpu.memory_space<hbm>>
    tpu.enqueue_dma source(%dma_start3A_9 : memref<10240xi32, #tpu.memory_space<hbm>>) target(%arg8 : memref<10240xi32, #tpu.memory_space<vmem>>) target_semaphore(%arg18 : memref<!tpu.dma_semaphore, #tpu.memory_space<semaphore_mem>>)
    %add3A_10 = arith.constant 1 : i32
    %add3A_11 = arith.addi %mul3A_2, %add3A_10 : i32
    %dma_start3A_12 = arith.constant 0 : i32
    %dma_start3A_13 = tpu.memref_slice %arg2[%add3A_11, %dma_start3A_12] : memref<64x10240xi32, #tpu.memory_space<hbm>> -> memref<1x10240xi32, #tpu.memory_space<hbm>>
    %dma_start3A_14 = tpu.memref_squeeze %dma_start3A_13 : memref<1x10240xi32, #tpu.memory_space<hbm>> -> memref<10240xi32, #tpu.memory_space<hbm>>
    %dma_start3A_15 = arith.constant 0 : i32
    %dma_start3A_16 = tpu.memref_slice %arg2[%add3A_11, %dma_start3A_15] : memref<64x10240xi32, #tpu.memory_space<hbm>> -> memref<1x10240xi32, #tpu.memory_space<hbm>>
    %dma_start3A_17 = tpu.memref_squeeze %dma_start3A_16 : memref<1x10240xi32, #tpu.memory_space<hbm>> -> memref<10240xi32, #tpu.memory_space<hbm>>
    tpu.enqueue_dma source(%dma_start3A_17 : memref<10240xi32, #tpu.memory_space<hbm>>) target(%arg9 : memref<10240xi32, #tpu.memory_space<vmem>>) target_semaphore(%arg18 : memref<!tpu.dma_semaphore, #tpu.memory_space<semaphore_mem>>)
    tpu.enqueue_dma source(%arg5 : memref<10240xf32, #tpu.memory_space<hbm>>) target(%arg16 : memref<10240xf32, #tpu.memory_space<vmem>>) target_semaphore(%arg19 : memref<!tpu.dma_semaphore, #tpu.memory_space<semaphore_mem>>)
    tpu.enqueue_dma source(%arg6 : memref<128xf32, #tpu.memory_space<hbm>>) target(%arg17 : memref<128xf32, #tpu.memory_space<vmem>>) target_semaphore(%arg19 : memref<!tpu.dma_semaphore, #tpu.memory_space<semaphore_mem>>)
    %parallel_loop3A = arith.constant 0 : i32
    %parallel_loop3A_18 = arith.constant 640 : i32
    %parallel_loop3A_19 = arith.constant 1 : i32
    scf.for %parallel_loop3A_151 = %parallel_loop3A to %parallel_loop3A_18 step %parallel_loop3A_19  : i32 {
      %parallel_loop3A_152 = arith.constant 0.000000e+00 : f32
      %parallel_loop3A_153 = vector.broadcast %parallel_loop3A_152 : f32 to vector<16xf32>
      %parallel_loop3A_154 = arith.constant 16 : i32
      %parallel_loop3A_155 = arith.muli %parallel_loop3A_151, %parallel_loop3A_154 : i32
      %parallel_loop3A_156 = arith.index_cast %parallel_loop3A_155 : i32 to index
      %parallel_loop3A_157 = tpu.vector_load %arg10[%parallel_loop3A_156] {strides = array<i32>} : memref<10240xf32, #tpu.memory_space<vmem>>, vector<16xf32>,
      tpu.vector_store %arg10[%parallel_loop3A_156], %parallel_loop3A_153 {strides = array<i32>} : memref<10240xf32, #tpu.memory_space<vmem>>, vector<16xf32>,
      %parallel_loop3A_158 = arith.constant 0.000000e+00 : f32
      %parallel_loop3A_159 = vector.broadcast %parallel_loop3A_158 : f32 to vector<16xf32>
      %parallel_loop3A_160 = arith.constant 16 : i32
      %parallel_loop3A_161 = arith.muli %parallel_loop3A_151, %parallel_loop3A_160 : i32
      %parallel_loop3A_162 = arith.index_cast %parallel_loop3A_161 : i32 to index
      %parallel_loop3A_163 = tpu.vector_load %arg11[%parallel_loop3A_162] {strides = array<i32>} : memref<10240xf32, #tpu.memory_space<vmem>>, vector<16xf32>,
      tpu.vector_store %arg11[%parallel_loop3A_162], %parallel_loop3A_159 {strides = array<i32>} : memref<10240xf32, #tpu.memory_space<vmem>>, vector<16xf32>,
      %parallel_loop3A_164 = arith.constant 0.000000e+00 : f32
      %parallel_loop3A_165 = vector.broadcast %parallel_loop3A_164 : f32 to vector<16xf32>
      %parallel_loop3A_166 = arith.constant 16 : i32
      %parallel_loop3A_167 = arith.muli %parallel_loop3A_151, %parallel_loop3A_166 : i32
      %parallel_loop3A_168 = arith.index_cast %parallel_loop3A_167 : i32 to index
      %parallel_loop3A_169 = tpu.vector_load %arg12[%parallel_loop3A_168] {strides = array<i32>} : memref<10240xf32, #tpu.memory_space<vmem>>, vector<16xf32>,
      tpu.vector_store %arg12[%parallel_loop3A_168], %parallel_loop3A_165 {strides = array<i32>} : memref<10240xf32, #tpu.memory_space<vmem>>, vector<16xf32>,
      %parallel_loop3A_170 = arith.constant 0.000000e+00 : f32
      %parallel_loop3A_171 = vector.broadcast %parallel_loop3A_170 : f32 to vector<16xf32>
      %parallel_loop3A_172 = arith.constant 16 : i32
      %parallel_loop3A_173 = arith.muli %parallel_loop3A_151, %parallel_loop3A_172 : i32
      %parallel_loop3A_174 = arith.index_cast %parallel_loop3A_173 : i32 to index
      %parallel_loop3A_175 = tpu.vector_load %arg13[%parallel_loop3A_174] {strides = array<i32>} : memref<10240xf32, #tpu.memory_space<vmem>>, vector<16xf32>,
      tpu.vector_store %arg13[%parallel_loop3A_174], %parallel_loop3A_171 {strides = array<i32>} : memref<10240xf32, #tpu.memory_space<vmem>>, vector<16xf32>,
    } {sc.loop_unroll_factor = 8 : i64, sc.parallel_access}
    %dma_wait3A = arith.constant 0 : i32
    %dma_wait3A_20 = tpu.memref_slice %arg2[%add3A_4, %dma_wait3A] : memref<64x10240xi32, #tpu.memory_space<hbm>> -> memref<1x10240xi32, #tpu.memory_space<hbm>>
    %dma_wait3A_21 = tpu.memref_squeeze %dma_wait3A_20 : memref<1x10240xi32, #tpu.memory_space<hbm>> -> memref<10240xi32, #tpu.memory_space<hbm>>
    %dma_wait3A_22 = arith.constant 0 : i32
    %dma_wait3A_23 = tpu.memref_slice %arg2[%add3A_4, %dma_wait3A_22] : memref<64x10240xi32, #tpu.memory_space<hbm>> -> memref<1x10240xi32, #tpu.memory_space<hbm>>
    %dma_wait3A_24 = tpu.memref_squeeze %dma_wait3A_23 : memref<1x10240xi32, #tpu.memory_space<hbm>> -> memref<10240xi32, #tpu.memory_space<hbm>>
    tpu.wait_dma2 semaphore(%arg18 : memref<!tpu.dma_semaphore, #tpu.memory_space<semaphore_mem>>) src(%dma_wait3A_24 : memref<10240xi32, #tpu.memory_space<hbm>>) dst(%arg8 : memref<10240xi32, #tpu.memory_space<vmem>>)
    %dma_wait3A_25 = arith.constant 0 : i32
    %dma_wait3A_26 = tpu.memref_slice %arg2[%add3A_11, %dma_wait3A_25] : memref<64x10240xi32, #tpu.memory_space<hbm>> -> memref<1x10240xi32, #tpu.memory_space<hbm>>
    %dma_wait3A_27 = tpu.memref_squeeze %dma_wait3A_26 : memref<1x10240xi32, #tpu.memory_space<hbm>> -> memref<10240xi32, #tpu.memory_space<hbm>>
    %dma_wait3A_28 = arith.constant 0 : i32
    %dma_wait3A_29 = tpu.memref_slice %arg2[%add3A_11, %dma_wait3A_28] : memref<64x10240xi32, #tpu.memory_space<hbm>> -> memref<1x10240xi32, #tpu.memory_space<hbm>>
    %dma_wait3A_30 = tpu.memref_squeeze %dma_wait3A_29 : memref<1x10240xi32, #tpu.memory_space<hbm>> -> memref<10240xi32, #tpu.memory_space<hbm>>
    tpu.wait_dma2 semaphore(%arg18 : memref<!tpu.dma_semaphore, #tpu.memory_space<semaphore_mem>>) src(%dma_wait3A_30 : memref<10240xi32, #tpu.memory_space<hbm>>) dst(%arg9 : memref<10240xi32, #tpu.memory_space<vmem>>)
    tpu.wait_dma2 semaphore(%arg19 : memref<!tpu.dma_semaphore, #tpu.memory_space<semaphore_mem>>) src(%arg5 : memref<10240xf32, #tpu.memory_space<hbm>>) dst(%arg16 : memref<10240xf32, #tpu.memory_space<vmem>>)
    tpu.wait_dma2 semaphore(%arg19 : memref<!tpu.dma_semaphore, #tpu.memory_space<semaphore_mem>>) src(%arg6 : memref<128xf32, #tpu.memory_space<hbm>>) dst(%arg17 : memref<128xf32, #tpu.memory_space<vmem>>)
    %dma_start3A_31 = arith.constant 0 : i32
    %dma_start3A_32 = arith.constant 0 : i32
    %dma_start3A_33 = tpu.memref_slice %arg14[%dma_start3A_31, %dma_start3A_32] : memref<2x6400xi32, #tpu.memory_space<vmem>> -> memref<1x6400xi32, #tpu.memory_space<vmem>>
    %dma_start3A_34 = tpu.memref_squeeze %dma_start3A_33 : memref<1x6400xi32, #tpu.memory_space<vmem>> -> memref<6400xi32, #tpu.memory_space<vmem>>
    %dma_start3A_35 = arith.constant 0 : i32
    %dma_start3A_36 = tpu.memref_slice %arg3[%dma_start3A_35] : memref<320000xi32, #tpu.memory_space<hbm>> -> memref<6400xi32, #tpu.memory_space<hbm>>
    %dma_start3A_37 = arith.constant 0 : i32
    %dma_start3A_38 = tpu.memref_slice %arg14[%dma_start3A_31, %dma_start3A_37] : memref<2x6400xi32, #tpu.memory_space<vmem>> -> memref<1x6400xi32, #tpu.memory_space<vmem>>
    %dma_start3A_39 = tpu.memref_squeeze %dma_start3A_38 : memref<1x6400xi32, #tpu.memory_space<vmem>> -> memref<6400xi32, #tpu.memory_space<vmem>>
    %dma_start3A_40 = arith.constant 0 : i32
    %dma_start3A_41 = tpu.memref_slice %arg3[%dma_start3A_40] : memref<320000xi32, #tpu.memory_space<hbm>> -> memref<6400xi32, #tpu.memory_space<hbm>>
    tpu.enqueue_dma source(%dma_start3A_41 : memref<6400xi32, #tpu.memory_space<hbm>>) target(%dma_start3A_39 : memref<6400xi32, #tpu.memory_space<vmem>>) target_semaphore(%arg18 : memref<!tpu.dma_semaphore, #tpu.memory_space<semaphore_mem>>)
    %dma_start3A_42 = arith.constant 0 : i32
    %dma_start3A_43 = arith.constant 0 : i32
    %dma_start3A_44 = tpu.memref_slice %arg15[%dma_start3A_42, %dma_start3A_43] : memref<2x6400xf32, #tpu.memory_space<vmem>> -> memref<1x6400xf32, #tpu.memory_space<vmem>>
    %dma_start3A_45 = tpu.memref_squeeze %dma_start3A_44 : memref<1x6400xf32, #tpu.memory_space<vmem>> -> memref<6400xf32, #tpu.memory_space<vmem>>
    %dma_start3A_46 = arith.constant 0 : i32
    %dma_start3A_47 = tpu.memref_slice %arg4[%dma_start3A_46] : memref<320000xf32, #tpu.memory_space<hbm>> -> memref<6400xf32, #tpu.memory_space<hbm>>
    %dma_start3A_48 = arith.constant 0 : i32
    %dma_start3A_49 = tpu.memref_slice %arg15[%dma_start3A_42, %dma_start3A_48] : memref<2x6400xf32, #tpu.memory_space<vmem>> -> memref<1x6400xf32, #tpu.memory_space<vmem>>
    %dma_start3A_50 = tpu.memref_squeeze %dma_start3A_49 : memref<1x6400xf32, #tpu.memory_space<vmem>> -> memref<6400xf32, #tpu.memory_space<vmem>>
    %dma_start3A_51 = arith.constant 0 : i32
    %dma_start3A_52 = tpu.memref_slice %arg4[%dma_start3A_51] : memref<320000xf32, #tpu.memory_space<hbm>> -> memref<6400xf32, #tpu.memory_space<hbm>>
    tpu.enqueue_dma source(%dma_start3A_52 : memref<6400xf32, #tpu.memory_space<hbm>>) target(%dma_start3A_50 : memref<6400xf32, #tpu.memory_space<vmem>>) target_semaphore(%arg18 : memref<!tpu.dma_semaphore, #tpu.memory_space<semaphore_mem>>)
    %scan3A = arith.constant 0 : i32
    %scan3A_53 = arith.constant 0 : i32
    %scan3A_54 = arith.constant 25 : i32
    %scan3A_55 = arith.addi %scan3A_53, %scan3A_54 : i32
    %scan3A_56 = arith.constant 1 : i32
    scf.for %scan3A_151 = %scan3A_53 to %scan3A_55 step %scan3A_56  : i32 {
      %mul3A_152 = arith.constant 2 : i32
      %mul3A_153 = arith.muli %mul3A_152, %scan3A_151 : i32
      %add3A_154 = arith.constant 1 : i32
      %add3A_155 = arith.addi %mul3A_153, %add3A_154 : i32
      %mul3A_156 = arith.constant 6400 : i32
      %mul3A_157 = arith.muli %add3A_155, %mul3A_156 : i32
      %dma_start3A_158 = arith.constant 1 : i32
      %dma_start3A_159 = arith.constant 0 : i32
      %dma_start3A_160 = tpu.memref_slice %arg14[%dma_start3A_158, %dma_start3A_159] : memref<2x6400xi32, #tpu.memory_space<vmem>> -> memref<1x6400xi32, #tpu.memory_space<vmem>>
      %dma_start3A_161 = tpu.memref_squeeze %dma_start3A_160 : memref<1x6400xi32, #tpu.memory_space<vmem>> -> memref<6400xi32, #tpu.memory_space<vmem>>
      %dma_start3A_162 = tpu.memref_slice %arg3[%mul3A_157] : memref<320000xi32, #tpu.memory_space<hbm>> -> memref<6400xi32, #tpu.memory_space<hbm>>
      %dma_start3A_163 = arith.constant 0 : i32
      %dma_start3A_164 = tpu.memref_slice %arg14[%dma_start3A_158, %dma_start3A_163] : memref<2x6400xi32, #tpu.memory_space<vmem>> -> memref<1x6400xi32, #tpu.memory_space<vmem>>
      %dma_start3A_165 = tpu.memref_squeeze %dma_start3A_164 : memref<1x6400xi32, #tpu.memory_space<vmem>> -> memref<6400xi32, #tpu.memory_space<vmem>>
      %dma_start3A_166 = tpu.memref_slice %arg3[%mul3A_157] : memref<320000xi32, #tpu.memory_space<hbm>> -> memref<6400xi32, #tpu.memory_space<hbm>>
      tpu.enqueue_dma source(%dma_start3A_166 : memref<6400xi32, #tpu.memory_space<hbm>>) target(%dma_start3A_165 : memref<6400xi32, #tpu.memory_space<vmem>>) target_semaphore(%arg19 : memref<!tpu.dma_semaphore, #tpu.memory_space<semaphore_mem>>)
      %dma_start3A_167 = arith.constant 1 : i32
      %dma_start3A_168 = arith.constant 0 : i32
      %dma_start3A_169 = tpu.memref_slice %arg15[%dma_start3A_167, %dma_start3A_168] : memref<2x6400xf32, #tpu.memory_space<vmem>> -> memref<1x6400xf32, #tpu.memory_space<vmem>>
      %dma_start3A_170 = tpu.memref_squeeze %dma_start3A_169 : memref<1x6400xf32, #tpu.memory_space<vmem>> -> memref<6400xf32, #tpu.memory_space<vmem>>
      %dma_start3A_171 = tpu.memref_slice %arg4[%mul3A_157] : memref<320000xf32, #tpu.memory_space<hbm>> -> memref<6400xf32, #tpu.memory_space<hbm>>
      %dma_start3A_172 = arith.constant 0 : i32
      %dma_start3A_173 = tpu.memref_slice %arg15[%dma_start3A_167, %dma_start3A_172] : memref<2x6400xf32, #tpu.memory_space<vmem>> -> memref<1x6400xf32, #tpu.memory_space<vmem>>
      %dma_start3A_174 = tpu.memref_squeeze %dma_start3A_173 : memref<1x6400xf32, #tpu.memory_space<vmem>> -> memref<6400xf32, #tpu.memory_space<vmem>>
      %dma_start3A_175 = tpu.memref_slice %arg4[%mul3A_157] : memref<320000xf32, #tpu.memory_space<hbm>> -> memref<6400xf32, #tpu.memory_space<hbm>>
      tpu.enqueue_dma source(%dma_start3A_175 : memref<6400xf32, #tpu.memory_space<hbm>>) target(%dma_start3A_174 : memref<6400xf32, #tpu.memory_space<vmem>>) target_semaphore(%arg19 : memref<!tpu.dma_semaphore, #tpu.memory_space<semaphore_mem>>)
      %mul3A_176 = arith.constant 6400 : i32
      %mul3A_177 = arith.muli %mul3A_153, %mul3A_176 : i32
      %dma_wait3A_178 = arith.constant 0 : i32
      %dma_wait3A_179 = arith.constant 0 : i32
      %dma_wait3A_180 = tpu.memref_slice %arg14[%dma_wait3A_178, %dma_wait3A_179] : memref<2x6400xi32, #tpu.memory_space<vmem>> -> memref<1x6400xi32, #tpu.memory_space<vmem>>
      %dma_wait3A_181 = tpu.memref_squeeze %dma_wait3A_180 : memref<1x6400xi32, #tpu.memory_space<vmem>> -> memref<6400xi32, #tpu.memory_space<vmem>>
      %dma_wait3A_182 = tpu.memref_slice %arg3[%mul3A_177] : memref<320000xi32, #tpu.memory_space<hbm>> -> memref<6400xi32, #tpu.memory_space<hbm>>
      %dma_wait3A_183 = arith.constant 0 : i32
      %dma_wait3A_184 = tpu.memref_slice %arg14[%dma_wait3A_178, %dma_wait3A_183] : memref<2x6400xi32, #tpu.memory_space<vmem>> -> memref<1x6400xi32, #tpu.memory_space<vmem>>
      %dma_wait3A_185 = tpu.memref_squeeze %dma_wait3A_184 : memref<1x6400xi32, #tpu.memory_space<vmem>> -> memref<6400xi32, #tpu.memory_space<vmem>>
      %dma_wait3A_186 = tpu.memref_slice %arg3[%mul3A_177] : memref<320000xi32, #tpu.memory_space<hbm>> -> memref<6400xi32, #tpu.memory_space<hbm>>
      tpu.wait_dma2 semaphore(%arg18 : memref<!tpu.dma_semaphore, #tpu.memory_space<semaphore_mem>>) src(%dma_wait3A_186 : memref<6400xi32, #tpu.memory_space<hbm>>) dst(%dma_wait3A_185 : memref<6400xi32, #tpu.memory_space<vmem>>)
      %dma_wait3A_187 = arith.constant 0 : i32
      %dma_wait3A_188 = arith.constant 0 : i32
      %dma_wait3A_189 = tpu.memref_slice %arg15[%dma_wait3A_187, %dma_wait3A_188] : memref<2x6400xf32, #tpu.memory_space<vmem>> -> memref<1x6400xf32, #tpu.memory_space<vmem>>
      %dma_wait3A_190 = tpu.memref_squeeze %dma_wait3A_189 : memref<1x6400xf32, #tpu.memory_space<vmem>> -> memref<6400xf32, #tpu.memory_space<vmem>>
      %dma_wait3A_191 = tpu.memref_slice %arg4[%mul3A_177] : memref<320000xf32, #tpu.memory_space<hbm>> -> memref<6400xf32, #tpu.memory_space<hbm>>
      %dma_wait3A_192 = arith.constant 0 : i32
      %dma_wait3A_193 = tpu.memref_slice %arg15[%dma_wait3A_187, %dma_wait3A_192] : memref<2x6400xf32, #tpu.memory_space<vmem>> -> memref<1x6400xf32, #tpu.memory_space<vmem>>
      %dma_wait3A_194 = tpu.memref_squeeze %dma_wait3A_193 : memref<1x6400xf32, #tpu.memory_space<vmem>> -> memref<6400xf32, #tpu.memory_space<vmem>>
      %dma_wait3A_195 = tpu.memref_slice %arg4[%mul3A_177] : memref<320000xf32, #tpu.memory_space<hbm>> -> memref<6400xf32, #tpu.memory_space<hbm>>
      tpu.wait_dma2 semaphore(%arg18 : memref<!tpu.dma_semaphore, #tpu.memory_space<semaphore_mem>>) src(%dma_wait3A_195 : memref<6400xf32, #tpu.memory_space<hbm>>) dst(%dma_wait3A_194 : memref<6400xf32, #tpu.memory_space<vmem>>)
      %parallel_loop3A_196 = arith.constant 0 : i32
      %parallel_loop3A_197 = arith.constant 400 : i32
      %parallel_loop3A_198 = arith.constant 1 : i32
      scf.for %parallel_loop3A_226 = %parallel_loop3A_196 to %parallel_loop3A_197 step %parallel_loop3A_198  : i32 {
        %parallel_loop3A_227 = arith.constant 16 : i32
        %parallel_loop3A_228 = arith.muli %parallel_loop3A_226, %parallel_loop3A_227 : i32
        %parallel_loop3A_229 = arith.constant 0 : i32
        %parallel_loop3A_230 = arith.index_cast %parallel_loop3A_229 : i32 to index
        %parallel_loop3A_231 = arith.index_cast %parallel_loop3A_228 : i32 to index
        %parallel_loop3A_232 = tpu.vector_load %arg14[%parallel_loop3A_230, %parallel_loop3A_231] {strides = array<i32>} : memref<2x6400xi32, #tpu.memory_space<vmem>>, vector<16xi32>,
        %parallel_loop3A_233 = arith.constant 16 : i32
        %parallel_loop3A_234 = arith.muli %parallel_loop3A_226, %parallel_loop3A_233 : i32
        %parallel_loop3A_235 = arith.constant 0 : i32
        %parallel_loop3A_236 = arith.index_cast %parallel_loop3A_235 : i32 to index
        %parallel_loop3A_237 = arith.index_cast %parallel_loop3A_234 : i32 to index
        %parallel_loop3A_238 = tpu.vector_load %arg15[%parallel_loop3A_236, %parallel_loop3A_237] {strides = array<i32>} : memref<2x6400xf32, #tpu.memory_space<vmem>>, vector<16xf32>,
        %parallel_loop3A_239 = arith.constant 16383 : i32
        %parallel_loop3A_240 = vector.broadcast %parallel_loop3A_239 : i32 to vector<16xi32>
        %parallel_loop3A_241 = arith.andi %parallel_loop3A_232, %parallel_loop3A_240 : vector<16xi32>
        %parallel_loop3A_242 = arith.constant 14 : i32
        %parallel_loop3A_243 = vector.broadcast %parallel_loop3A_242 : i32 to vector<16xi32>
        %parallel_loop3A_244 = arith.shrui %parallel_loop3A_232, %parallel_loop3A_243 : vector<16xi32>
        %parallel_loop3A_245 = tpu.vector_load_idx %arg8[%parallel_loop3A_241] : memref<10240xi32, #tpu.memory_space<vmem>>[vector<16xi32>], vector<16xi32>,
        %parallel_loop3A_246 = vector.bitcast %parallel_loop3A_245 : vector<16xi32> to vector<32xbf16>
        %parallel_loop3A_247 = tpu.unpack_subelements %parallel_loop3A_246, 0 {pack_format = #tpu.pack_format<interleaved>} : vector<32xbf16> -> vector<16xf32>
        %parallel_loop3A_248 = tpu.unpack_subelements %parallel_loop3A_246, 1 {pack_format = #tpu.pack_format<interleaved>} : vector<32xbf16> -> vector<16xf32>
        %parallel_loop3A_249 = arith.mulf %parallel_loop3A_247, %parallel_loop3A_238 : vector<16xf32>
        tpu.vector_store_idx %arg10[%parallel_loop3A_244], %parallel_loop3A_249 {add = true} : memref<10240xf32, #tpu.memory_space<vmem>>[vector<16xi32>], vector<16xf32>,
        %parallel_loop3A_250 = arith.mulf %parallel_loop3A_248, %parallel_loop3A_238 : vector<16xf32>
        tpu.vector_store_idx %arg11[%parallel_loop3A_244], %parallel_loop3A_250 {add = true} : memref<10240xf32, #tpu.memory_space<vmem>>[vector<16xi32>], vector<16xf32>,
        %parallel_loop3A_251 = tpu.vector_load_idx %arg9[%parallel_loop3A_241] : memref<10240xi32, #tpu.memory_space<vmem>>[vector<16xi32>], vector<16xi32>,
        %parallel_loop3A_252 = vector.bitcast %parallel_loop3A_251 : vector<16xi32> to vector<32xbf16>
        %parallel_loop3A_253 = tpu.unpack_subelements %parallel_loop3A_252, 0 {pack_format = #tpu.pack_format<interleaved>} : vector<32xbf16> -> vector<16xf32>
        %parallel_loop3A_254 = tpu.unpack_subelements %parallel_loop3A_252, 1 {pack_format = #tpu.pack_format<interleaved>} : vector<32xbf16> -> vector<16xf32>
        %parallel_loop3A_255 = arith.mulf %parallel_loop3A_253, %parallel_loop3A_238 : vector<16xf32>
        tpu.vector_store_idx %arg12[%parallel_loop3A_244], %parallel_loop3A_255 {add = true} : memref<10240xf32, #tpu.memory_space<vmem>>[vector<16xi32>], vector<16xf32>,
        %parallel_loop3A_256 = arith.mulf %parallel_loop3A_254, %parallel_loop3A_238 : vector<16xf32>
        tpu.vector_store_idx %arg13[%parallel_loop3A_244], %parallel_loop3A_256 {add = true} : memref<10240xf32, #tpu.memory_space<vmem>>[vector<16xi32>], vector<16xf32>,
      } {sc.loop_unroll_factor = 8 : i64, sc.parallel_access}
      %lt3A = arith.constant 24 : i32
      %lt3A_199 = arith.cmpi slt, %scan3A_151, %lt3A : i32
      %convert_element_type3A = arith.extui %lt3A_199 : i1 to i32
      %cond3A = arith.constant 0 : i32
      %cond3A_200 = arith.cmpi ne, %convert_element_type3A, %cond3A : i32
      scf.if %cond3A_200 {
        %add3A_226 = arith.constant 2 : i32
        %add3A_227 = arith.addi %mul3A_153, %add3A_226 : i32
        %mul3A_228 = arith.constant 6400 : i32
        %mul3A_229 = arith.muli %add3A_227, %mul3A_228 : i32
        %dma_start3A_230 = arith.constant 0 : i32
        %dma_start3A_231 = arith.constant 0 : i32
        %dma_start3A_232 = tpu.memref_slice %arg14[%dma_start3A_230, %dma_start3A_231] : memref<2x6400xi32, #tpu.memory_space<vmem>> -> memref<1x6400xi32, #tpu.memory_space<vmem>>
        %dma_start3A_233 = tpu.memref_squeeze %dma_start3A_232 : memref<1x6400xi32, #tpu.memory_space<vmem>> -> memref<6400xi32, #tpu.memory_space<vmem>>
        %dma_start3A_234 = tpu.memref_slice %arg3[%mul3A_229] : memref<320000xi32, #tpu.memory_space<hbm>> -> memref<6400xi32, #tpu.memory_space<hbm>>
        %dma_start3A_235 = arith.constant 0 : i32
        %dma_start3A_236 = tpu.memref_slice %arg14[%dma_start3A_230, %dma_start3A_235] : memref<2x6400xi32, #tpu.memory_space<vmem>> -> memref<1x6400xi32, #tpu.memory_space<vmem>>
        %dma_start3A_237 = tpu.memref_squeeze %dma_start3A_236 : memref<1x6400xi32, #tpu.memory_space<vmem>> -> memref<6400xi32, #tpu.memory_space<vmem>>
        %dma_start3A_238 = tpu.memref_slice %arg3[%mul3A_229] : memref<320000xi32, #tpu.memory_space<hbm>> -> memref<6400xi32, #tpu.memory_space<hbm>>
        tpu.enqueue_dma source(%dma_start3A_238 : memref<6400xi32, #tpu.memory_space<hbm>>) target(%dma_start3A_237 : memref<6400xi32, #tpu.memory_space<vmem>>) target_semaphore(%arg18 : memref<!tpu.dma_semaphore, #tpu.memory_space<semaphore_mem>>)
        %dma_start3A_239 = arith.constant 0 : i32
        %dma_start3A_240 = arith.constant 0 : i32
        %dma_start3A_241 = tpu.memref_slice %arg15[%dma_start3A_239, %dma_start3A_240] : memref<2x6400xf32, #tpu.memory_space<vmem>> -> memref<1x6400xf32, #tpu.memory_space<vmem>>
        %dma_start3A_242 = tpu.memref_squeeze %dma_start3A_241 : memref<1x6400xf32, #tpu.memory_space<vmem>> -> memref<6400xf32, #tpu.memory_space<vmem>>
        %dma_start3A_243 = tpu.memref_slice %arg4[%mul3A_229] : memref<320000xf32, #tpu.memory_space<hbm>> -> memref<6400xf32, #tpu.memory_space<hbm>>
        %dma_start3A_244 = arith.constant 0 : i32
        %dma_start3A_245 = tpu.memref_slice %arg15[%dma_start3A_239, %dma_start3A_244] : memref<2x6400xf32, #tpu.memory_space<vmem>> -> memref<1x6400xf32, #tpu.memory_space<vmem>>
        %dma_start3A_246 = tpu.memref_squeeze %dma_start3A_245 : memref<1x6400xf32, #tpu.memory_space<vmem>> -> memref<6400xf32, #tpu.memory_space<vmem>>
        %dma_start3A_247 = tpu.memref_slice %arg4[%mul3A_229] : memref<320000xf32, #tpu.memory_space<hbm>> -> memref<6400xf32, #tpu.memory_space<hbm>>
        tpu.enqueue_dma source(%dma_start3A_247 : memref<6400xf32, #tpu.memory_space<hbm>>) target(%dma_start3A_246 : memref<6400xf32, #tpu.memory_space<vmem>>) target_semaphore(%arg18 : memref<!tpu.dma_semaphore, #tpu.memory_space<semaphore_mem>>)
      } else {
      }
      %add3A_201 = arith.constant 1 : i32
      %add3A_202 = arith.addi %mul3A_153, %add3A_201 : i32
      %mul3A_203 = arith.constant 6400 : i32
      %mul3A_204 = arith.muli %add3A_202, %mul3A_203 : i32
      %dma_wait3A_205 = arith.constant 1 : i32
      %dma_wait3A_206 = arith.constant 0 : i32
      %dma_wait3A_207 = tpu.memref_slice %arg14[%dma_wait3A_205, %dma_wait3A_206] : memref<2x6400xi32, #tpu.memory_space<vmem>> -> memref<1x6400xi32, #tpu.memory_space<vmem>>
      %dma_wait3A_208 = tpu.memref_squeeze %dma_wait3A_207 : memref<1x6400xi32, #tpu.memory_space<vmem>> -> memref<6400xi32, #tpu.memory_space<vmem>>
      %dma_wait3A_209 = tpu.memref_slice %arg3[%mul3A_204] : memref<320000xi32, #tpu.memory_space<hbm>> -> memref<6400xi32, #tpu.memory_space<hbm>>
      %dma_wait3A_210 = arith.constant 0 : i32
      %dma_wait3A_211 = tpu.memref_slice %arg14[%dma_wait3A_205, %dma_wait3A_210] : memref<2x6400xi32, #tpu.memory_space<vmem>> -> memref<1x6400xi32, #tpu.memory_space<vmem>>
      %dma_wait3A_212 = tpu.memref_squeeze %dma_wait3A_211 : memref<1x6400xi32, #tpu.memory_space<vmem>> -> memref<6400xi32, #tpu.memory_space<vmem>>
      %dma_wait3A_213 = tpu.memref_slice %arg3[%mul3A_204] : memref<320000xi32, #tpu.memory_space<hbm>> -> memref<6400xi32, #tpu.memory_space<hbm>>
      tpu.wait_dma2 semaphore(%arg19 : memref<!tpu.dma_semaphore, #tpu.memory_space<semaphore_mem>>) src(%dma_wait3A_213 : memref<6400xi32, #tpu.memory_space<hbm>>) dst(%dma_wait3A_212 : memref<6400xi32, #tpu.memory_space<vmem>>)
      %dma_wait3A_214 = arith.constant 1 : i32
      %dma_wait3A_215 = arith.constant 0 : i32
      %dma_wait3A_216 = tpu.memref_slice %arg15[%dma_wait3A_214, %dma_wait3A_215] : memref<2x6400xf32, #tpu.memory_space<vmem>> -> memref<1x6400xf32, #tpu.memory_space<vmem>>
      %dma_wait3A_217 = tpu.memref_squeeze %dma_wait3A_216 : memref<1x6400xf32, #tpu.memory_space<vmem>> -> memref<6400xf32, #tpu.memory_space<vmem>>
      %dma_wait3A_218 = tpu.memref_slice %arg4[%mul3A_204] : memref<320000xf32, #tpu.memory_space<hbm>> -> memref<6400xf32, #tpu.memory_space<hbm>>
      %dma_wait3A_219 = arith.constant 0 : i32
      %dma_wait3A_220 = tpu.memref_slice %arg15[%dma_wait3A_214, %dma_wait3A_219] : memref<2x6400xf32, #tpu.memory_space<vmem>> -> memref<1x6400xf32, #tpu.memory_space<vmem>>
      %dma_wait3A_221 = tpu.memref_squeeze %dma_wait3A_220 : memref<1x6400xf32, #tpu.memory_space<vmem>> -> memref<6400xf32, #tpu.memory_space<vmem>>
      %dma_wait3A_222 = tpu.memref_slice %arg4[%mul3A_204] : memref<320000xf32, #tpu.memory_space<hbm>> -> memref<6400xf32, #tpu.memory_space<hbm>>
      tpu.wait_dma2 semaphore(%arg19 : memref<!tpu.dma_semaphore, #tpu.memory_space<semaphore_mem>>) src(%dma_wait3A_222 : memref<6400xf32, #tpu.memory_space<hbm>>) dst(%dma_wait3A_221 : memref<6400xf32, #tpu.memory_space<vmem>>)
      %parallel_loop3A_223 = arith.constant 0 : i32
      %parallel_loop3A_224 = arith.constant 400 : i32
      %parallel_loop3A_225 = arith.constant 1 : i32
      scf.for %parallel_loop3A_226 = %parallel_loop3A_223 to %parallel_loop3A_224 step %parallel_loop3A_225  : i32 {
        %parallel_loop3A_227 = arith.constant 16 : i32
        %parallel_loop3A_228 = arith.muli %parallel_loop3A_226, %parallel_loop3A_227 : i32
        %parallel_loop3A_229 = arith.constant 1 : i32
        %parallel_loop3A_230 = arith.index_cast %parallel_loop3A_229 : i32 to index
        %parallel_loop3A_231 = arith.index_cast %parallel_loop3A_228 : i32 to index
        %parallel_loop3A_232 = tpu.vector_load %arg14[%parallel_loop3A_230, %parallel_loop3A_231] {strides = array<i32>} : memref<2x6400xi32, #tpu.memory_space<vmem>>, vector<16xi32>,
        %parallel_loop3A_233 = arith.constant 16 : i32
        %parallel_loop3A_234 = arith.muli %parallel_loop3A_226, %parallel_loop3A_233 : i32
        %parallel_loop3A_235 = arith.constant 1 : i32
        %parallel_loop3A_236 = arith.index_cast %parallel_loop3A_235 : i32 to index
        %parallel_loop3A_237 = arith.index_cast %parallel_loop3A_234 : i32 to index
        %parallel_loop3A_238 = tpu.vector_load %arg15[%parallel_loop3A_236, %parallel_loop3A_237] {strides = array<i32>} : memref<2x6400xf32, #tpu.memory_space<vmem>>, vector<16xf32>,
        %parallel_loop3A_239 = arith.constant 16383 : i32
        %parallel_loop3A_240 = vector.broadcast %parallel_loop3A_239 : i32 to vector<16xi32>
        %parallel_loop3A_241 = arith.andi %parallel_loop3A_232, %parallel_loop3A_240 : vector<16xi32>
        %parallel_loop3A_242 = arith.constant 14 : i32
        %parallel_loop3A_243 = vector.broadcast %parallel_loop3A_242 : i32 to vector<16xi32>
        %parallel_loop3A_244 = arith.shrui %parallel_loop3A_232, %parallel_loop3A_243 : vector<16xi32>
        %parallel_loop3A_245 = tpu.vector_load_idx %arg8[%parallel_loop3A_241] : memref<10240xi32, #tpu.memory_space<vmem>>[vector<16xi32>], vector<16xi32>,
        %parallel_loop3A_246 = vector.bitcast %parallel_loop3A_245 : vector<16xi32> to vector<32xbf16>
        %parallel_loop3A_247 = tpu.unpack_subelements %parallel_loop3A_246, 0 {pack_format = #tpu.pack_format<interleaved>} : vector<32xbf16> -> vector<16xf32>
        %parallel_loop3A_248 = tpu.unpack_subelements %parallel_loop3A_246, 1 {pack_format = #tpu.pack_format<interleaved>} : vector<32xbf16> -> vector<16xf32>
        %parallel_loop3A_249 = arith.mulf %parallel_loop3A_247, %parallel_loop3A_238 : vector<16xf32>
        tpu.vector_store_idx %arg10[%parallel_loop3A_244], %parallel_loop3A_249 {add = true} : memref<10240xf32, #tpu.memory_space<vmem>>[vector<16xi32>], vector<16xf32>,
        %parallel_loop3A_250 = arith.mulf %parallel_loop3A_248, %parallel_loop3A_238 : vector<16xf32>
        tpu.vector_store_idx %arg11[%parallel_loop3A_244], %parallel_loop3A_250 {add = true} : memref<10240xf32, #tpu.memory_space<vmem>>[vector<16xi32>], vector<16xf32>,
        %parallel_loop3A_251 = tpu.vector_load_idx %arg9[%parallel_loop3A_241] : memref<10240xi32, #tpu.memory_space<vmem>>[vector<16xi32>], vector<16xi32>,
        %parallel_loop3A_252 = vector.bitcast %parallel_loop3A_251 : vector<16xi32> to vector<32xbf16>
        %parallel_loop3A_253 = tpu.unpack_subelements %parallel_loop3A_252, 0 {pack_format = #tpu.pack_format<interleaved>} : vector<32xbf16> -> vector<16xf32>
        %parallel_loop3A_254 = tpu.unpack_subelements %parallel_loop3A_252, 1 {pack_format = #tpu.pack_format<interleaved>} : vector<32xbf16> -> vector<16xf32>
        %parallel_loop3A_255 = arith.mulf %parallel_loop3A_253, %parallel_loop3A_238 : vector<16xf32>
        tpu.vector_store_idx %arg12[%parallel_loop3A_244], %parallel_loop3A_255 {add = true} : memref<10240xf32, #tpu.memory_space<vmem>>[vector<16xi32>], vector<16xf32>,
        %parallel_loop3A_256 = arith.mulf %parallel_loop3A_254, %parallel_loop3A_238 : vector<16xf32>
        tpu.vector_store_idx %arg13[%parallel_loop3A_244], %parallel_loop3A_256 {add = true} : memref<10240xf32, #tpu.memory_space<vmem>>[vector<16xi32>], vector<16xf32>,
      } {sc.loop_unroll_factor = 8 : i64, sc.parallel_access}
    }
    %scan3A_57 = arith.constant 25 : i32
    %broadcast_in_dim3A = arith.constant 0 : i32
    %broadcast_in_dim3A_58 = vector.broadcast %broadcast_in_dim3A : i32 to vector<16xi32>
    %add3A_59 = arith.constant 0 : i32
    %add3A_60 = arith.addi %mul3A_2, %add3A_59 : i32
    %add3A_61 = vector.broadcast %add3A_60 : i32 to vector<16xi32>
    %add3A_62 = arith.addi %broadcast_in_dim3A_58, %add3A_61 : vector<16xi32>
    %gather3A = tpu.vector_load_idx %arg17[%add3A_62] : memref<128xf32, #tpu.memory_space<vmem>>[vector<16xi32>], vector<16xf32>,
    %broadcast_in_dim3A_63 = arith.constant 0 : i32
    %broadcast_in_dim3A_64 = vector.broadcast %broadcast_in_dim3A_63 : i32 to vector<16xi32>
    %add3A_65 = arith.constant 0 : i32
    %add3A_66 = arith.addi %mul3A_2, %add3A_65 : i32
    %add3A_67 = arith.constant 64 : i32
    %add3A_68 = arith.addi %add3A_66, %add3A_67 : i32
    %add3A_69 = vector.broadcast %add3A_68 : i32 to vector<16xi32>
    %add3A_70 = arith.addi %broadcast_in_dim3A_64, %add3A_69 : vector<16xi32>
    %gather3A_71 = tpu.vector_load_idx %arg17[%add3A_70] : memref<128xf32, #tpu.memory_space<vmem>>[vector<16xi32>], vector<16xf32>,
    %broadcast_in_dim3A_72 = arith.constant 0 : i32
    %broadcast_in_dim3A_73 = vector.broadcast %broadcast_in_dim3A_72 : i32 to vector<16xi32>
    %add3A_74 = arith.constant 1 : i32
    %add3A_75 = arith.addi %mul3A_2, %add3A_74 : i32
    %add3A_76 = vector.broadcast %add3A_75 : i32 to vector<16xi32>
    %add3A_77 = arith.addi %broadcast_in_dim3A_73, %add3A_76 : vector<16xi32>
    %gather3A_78 = tpu.vector_load_idx %arg17[%add3A_77] : memref<128xf32, #tpu.memory_space<vmem>>[vector<16xi32>], vector<16xf32>,
    %broadcast_in_dim3A_79 = arith.constant 0 : i32
    %broadcast_in_dim3A_80 = vector.broadcast %broadcast_in_dim3A_79 : i32 to vector<16xi32>
    %add3A_81 = arith.constant 1 : i32
    %add3A_82 = arith.addi %mul3A_2, %add3A_81 : i32
    %add3A_83 = arith.constant 64 : i32
    %add3A_84 = arith.addi %add3A_82, %add3A_83 : i32
    %add3A_85 = vector.broadcast %add3A_84 : i32 to vector<16xi32>
    %add3A_86 = arith.addi %broadcast_in_dim3A_80, %add3A_85 : vector<16xi32>
    %gather3A_87 = tpu.vector_load_idx %arg17[%add3A_86] : memref<128xf32, #tpu.memory_space<vmem>>[vector<16xi32>], vector<16xf32>,
    %parallel_loop3A_88 = arith.constant 0 : i32
    %parallel_loop3A_89 = arith.constant 640 : i32
    %parallel_loop3A_90 = arith.constant 1 : i32
    scf.for %parallel_loop3A_151 = %parallel_loop3A_88 to %parallel_loop3A_89 step %parallel_loop3A_90  : i32 {
      %parallel_loop3A_152 = arith.constant 16 : i32
      %parallel_loop3A_153 = arith.muli %parallel_loop3A_151, %parallel_loop3A_152 : i32
      %parallel_loop3A_154 = arith.index_cast %parallel_loop3A_153 : i32 to index
      %parallel_loop3A_155 = tpu.vector_load %arg16[%parallel_loop3A_154] {strides = array<i32>} : memref<10240xf32, #tpu.memory_space<vmem>>, vector<16xf32>,
      %parallel_loop3A_156 = arith.index_cast %parallel_loop3A_153 : i32 to index
      %parallel_loop3A_157 = tpu.vector_load %arg8[%parallel_loop3A_156] {strides = array<i32>} : memref<10240xi32, #tpu.memory_space<vmem>>, vector<16xi32>,
      %parallel_loop3A_158 = vector.bitcast %parallel_loop3A_157 : vector<16xi32> to vector<32xbf16>
      %parallel_loop3A_159 = tpu.unpack_subelements %parallel_loop3A_158, 0 {pack_format = #tpu.pack_format<interleaved>} : vector<32xbf16> -> vector<16xf32>
      %parallel_loop3A_160 = tpu.unpack_subelements %parallel_loop3A_158, 1 {pack_format = #tpu.pack_format<interleaved>} : vector<32xbf16> -> vector<16xf32>
      %parallel_loop3A_161 = arith.index_cast %parallel_loop3A_153 : i32 to index
      %parallel_loop3A_162 = tpu.vector_load %arg10[%parallel_loop3A_161] {strides = array<i32>} : memref<10240xf32, #tpu.memory_space<vmem>>, vector<16xf32>,
      %parallel_loop3A_163 = arith.addf %parallel_loop3A_162, %parallel_loop3A_159 : vector<16xf32>
      %parallel_loop3A_164 = arith.mulf %parallel_loop3A_155, %parallel_loop3A_163 : vector<16xf32>
      %parallel_loop3A_165 = arith.addf %parallel_loop3A_164, %gather3A : vector<16xf32>
      %parallel_loop3A_166 = arith.index_cast %parallel_loop3A_153 : i32 to index
      %parallel_loop3A_167 = tpu.vector_load %arg10[%parallel_loop3A_166] {strides = array<i32>} : memref<10240xf32, #tpu.memory_space<vmem>>, vector<16xf32>,
      tpu.vector_store %arg10[%parallel_loop3A_166], %parallel_loop3A_165 {strides = array<i32>} : memref<10240xf32, #tpu.memory_space<vmem>>, vector<16xf32>,
      %parallel_loop3A_168 = arith.index_cast %parallel_loop3A_153 : i32 to index
      %parallel_loop3A_169 = tpu.vector_load %arg11[%parallel_loop3A_168] {strides = array<i32>} : memref<10240xf32, #tpu.memory_space<vmem>>, vector<16xf32>,
      %parallel_loop3A_170 = arith.addf %parallel_loop3A_169, %parallel_loop3A_160 : vector<16xf32>
      %parallel_loop3A_171 = arith.mulf %parallel_loop3A_155, %parallel_loop3A_170 : vector<16xf32>
      %parallel_loop3A_172 = arith.addf %parallel_loop3A_171, %gather3A_71 : vector<16xf32>
      %parallel_loop3A_173 = arith.index_cast %parallel_loop3A_153 : i32 to index
      %parallel_loop3A_174 = tpu.vector_load %arg11[%parallel_loop3A_173] {strides = array<i32>} : memref<10240xf32, #tpu.memory_space<vmem>>, vector<16xf32>,
      tpu.vector_store %arg11[%parallel_loop3A_173], %parallel_loop3A_172 {strides = array<i32>} : memref<10240xf32, #tpu.memory_space<vmem>>, vector<16xf32>,
      %parallel_loop3A_175 = arith.index_cast %parallel_loop3A_153 : i32 to index
      %parallel_loop3A_176 = tpu.vector_load %arg9[%parallel_loop3A_175] {strides = array<i32>} : memref<10240xi32, #tpu.memory_space<vmem>>, vector<16xi32>,
      %parallel_loop3A_177 = vector.bitcast %parallel_loop3A_176 : vector<16xi32> to vector<32xbf16>
      %parallel_loop3A_178 = tpu.unpack_subelements %parallel_loop3A_177, 0 {pack_format = #tpu.pack_format<interleaved>} : vector<32xbf16> -> vector<16xf32>
      %parallel_loop3A_179 = tpu.unpack_subelements %parallel_loop3A_177, 1 {pack_format = #tpu.pack_format<interleaved>} : vector<32xbf16> -> vector<16xf32>
      %parallel_loop3A_180 = arith.index_cast %parallel_loop3A_153 : i32 to index
      %parallel_loop3A_181 = tpu.vector_load %arg12[%parallel_loop3A_180] {strides = array<i32>} : memref<10240xf32, #tpu.memory_space<vmem>>, vector<16xf32>,
      %parallel_loop3A_182 = arith.addf %parallel_loop3A_181, %parallel_loop3A_178 : vector<16xf32>
      %parallel_loop3A_183 = arith.mulf %parallel_loop3A_155, %parallel_loop3A_182 : vector<16xf32>
      %parallel_loop3A_184 = arith.addf %parallel_loop3A_183, %gather3A_78 : vector<16xf32>
      %parallel_loop3A_185 = arith.index_cast %parallel_loop3A_153 : i32 to index
      %parallel_loop3A_186 = tpu.vector_load %arg12[%parallel_loop3A_185] {strides = array<i32>} : memref<10240xf32, #tpu.memory_space<vmem>>, vector<16xf32>,
      tpu.vector_store %arg12[%parallel_loop3A_185], %parallel_loop3A_184 {strides = array<i32>} : memref<10240xf32, #tpu.memory_space<vmem>>, vector<16xf32>,
      %parallel_loop3A_187 = arith.index_cast %parallel_loop3A_153 : i32 to index
      %parallel_loop3A_188 = tpu.vector_load %arg13[%parallel_loop3A_187] {strides = array<i32>} : memref<10240xf32, #tpu.memory_space<vmem>>, vector<16xf32>,
      %parallel_loop3A_189 = arith.addf %parallel_loop3A_188, %parallel_loop3A_179 : vector<16xf32>
      %parallel_loop3A_190 = arith.mulf %parallel_loop3A_155, %parallel_loop3A_189 : vector<16xf32>
      %parallel_loop3A_191 = arith.addf %parallel_loop3A_190, %gather3A_87 : vector<16xf32>
      %parallel_loop3A_192 = arith.index_cast %parallel_loop3A_153 : i32 to index
      %parallel_loop3A_193 = tpu.vector_load %arg13[%parallel_loop3A_192] {strides = array<i32>} : memref<10240xf32, #tpu.memory_space<vmem>>, vector<16xf32>,
      tpu.vector_store %arg13[%parallel_loop3A_192], %parallel_loop3A_191 {strides = array<i32>} : memref<10240xf32, #tpu.memory_space<vmem>>, vector<16xf32>,
    } {sc.loop_unroll_factor = 8 : i64, sc.parallel_access}
    %add3A_91 = arith.constant 0 : i32
    %add3A_92 = arith.addi %mul3A_2, %add3A_91 : i32
    %dma_start3A_93 = arith.constant 0 : i32
    %dma_start3A_94 = tpu.memref_slice %arg7[%add3A_92, %dma_start3A_93] : memref<128x10240xf32, #tpu.memory_space<hbm>> -> memref<1x10240xf32, #tpu.memory_space<hbm>>
    %dma_start3A_95 = tpu.memref_squeeze %dma_start3A_94 : memref<1x10240xf32, #tpu.memory_space<hbm>> -> memref<10240xf32, #tpu.memory_space<hbm>>
    %dma_start3A_96 = arith.constant 0 : i32
    %dma_start3A_97 = tpu.memref_slice %arg7[%add3A_92, %dma_start3A_96] : memref<128x10240xf32, #tpu.memory_space<hbm>> -> memref<1x10240xf32, #tpu.memory_space<hbm>>
    %dma_start3A_98 = tpu.memref_squeeze %dma_start3A_97 : memref<1x10240xf32, #tpu.memory_space<hbm>> -> memref<10240xf32, #tpu.memory_space<hbm>>
    tpu.enqueue_dma source(%arg10 : memref<10240xf32, #tpu.memory_space<vmem>>) target(%dma_start3A_98 : memref<10240xf32, #tpu.memory_space<hbm>>) target_semaphore(%arg18 : memref<!tpu.dma_semaphore, #tpu.memory_space<semaphore_mem>>)
    %add3A_99 = arith.constant 0 : i32
    %add3A_100 = arith.addi %mul3A_2, %add3A_99 : i32
    %add3A_101 = arith.constant 64 : i32
    %add3A_102 = arith.addi %add3A_100, %add3A_101 : i32
    %dma_start3A_103 = arith.constant 0 : i32
    %dma_start3A_104 = tpu.memref_slice %arg7[%add3A_102, %dma_start3A_103] : memref<128x10240xf32, #tpu.memory_space<hbm>> -> memref<1x10240xf32, #tpu.memory_space<hbm>>
    %dma_start3A_105 = tpu.memref_squeeze %dma_start3A_104 : memref<1x10240xf32, #tpu.memory_space<hbm>> -> memref<10240xf32, #tpu.memory_space<hbm>>
    %dma_start3A_106 = arith.constant 0 : i32
    %dma_start3A_107 = tpu.memref_slice %arg7[%add3A_102, %dma_start3A_106] : memref<128x10240xf32, #tpu.memory_space<hbm>> -> memref<1x10240xf32, #tpu.memory_space<hbm>>
    %dma_start3A_108 = tpu.memref_squeeze %dma_start3A_107 : memref<1x10240xf32, #tpu.memory_space<hbm>> -> memref<10240xf32, #tpu.memory_space<hbm>>
    tpu.enqueue_dma source(%arg11 : memref<10240xf32, #tpu.memory_space<vmem>>) target(%dma_start3A_108 : memref<10240xf32, #tpu.memory_space<hbm>>) target_semaphore(%arg18 : memref<!tpu.dma_semaphore, #tpu.memory_space<semaphore_mem>>)
    %add3A_109 = arith.constant 1 : i32
    %add3A_110 = arith.addi %mul3A_2, %add3A_109 : i32
    %dma_start3A_111 = arith.constant 0 : i32
    %dma_start3A_112 = tpu.memref_slice %arg7[%add3A_110, %dma_start3A_111] : memref<128x10240xf32, #tpu.memory_space<hbm>> -> memref<1x10240xf32, #tpu.memory_space<hbm>>
    %dma_start3A_113 = tpu.memref_squeeze %dma_start3A_112 : memref<1x10240xf32, #tpu.memory_space<hbm>> -> memref<10240xf32, #tpu.memory_space<hbm>>
    %dma_start3A_114 = arith.constant 0 : i32
    %dma_start3A_115 = tpu.memref_slice %arg7[%add3A_110, %dma_start3A_114] : memref<128x10240xf32, #tpu.memory_space<hbm>> -> memref<1x10240xf32, #tpu.memory_space<hbm>>
    %dma_start3A_116 = tpu.memref_squeeze %dma_start3A_115 : memref<1x10240xf32, #tpu.memory_space<hbm>> -> memref<10240xf32, #tpu.memory_space<hbm>>
    tpu.enqueue_dma source(%arg12 : memref<10240xf32, #tpu.memory_space<vmem>>) target(%dma_start3A_116 : memref<10240xf32, #tpu.memory_space<hbm>>) target_semaphore(%arg18 : memref<!tpu.dma_semaphore, #tpu.memory_space<semaphore_mem>>)
    %add3A_117 = arith.constant 1 : i32
    %add3A_118 = arith.addi %mul3A_2, %add3A_117 : i32
    %add3A_119 = arith.constant 64 : i32
    %add3A_120 = arith.addi %add3A_118, %add3A_119 : i32
    %dma_start3A_121 = arith.constant 0 : i32
    %dma_start3A_122 = tpu.memref_slice %arg7[%add3A_120, %dma_start3A_121] : memref<128x10240xf32, #tpu.memory_space<hbm>> -> memref<1x10240xf32, #tpu.memory_space<hbm>>
    %dma_start3A_123 = tpu.memref_squeeze %dma_start3A_122 : memref<1x10240xf32, #tpu.memory_space<hbm>> -> memref<10240xf32, #tpu.memory_space<hbm>>
    %dma_start3A_124 = arith.constant 0 : i32
    %dma_start3A_125 = tpu.memref_slice %arg7[%add3A_120, %dma_start3A_124] : memref<128x10240xf32, #tpu.memory_space<hbm>> -> memref<1x10240xf32, #tpu.memory_space<hbm>>
    %dma_start3A_126 = tpu.memref_squeeze %dma_start3A_125 : memref<1x10240xf32, #tpu.memory_space<hbm>> -> memref<10240xf32, #tpu.memory_space<hbm>>
    tpu.enqueue_dma source(%arg13 : memref<10240xf32, #tpu.memory_space<vmem>>) target(%dma_start3A_126 : memref<10240xf32, #tpu.memory_space<hbm>>) target_semaphore(%arg18 : memref<!tpu.dma_semaphore, #tpu.memory_space<semaphore_mem>>)
    %dma_wait3A_127 = arith.constant 0 : i32
    %dma_wait3A_128 = tpu.memref_slice %arg7[%add3A_92, %dma_wait3A_127] : memref<128x10240xf32, #tpu.memory_space<hbm>> -> memref<1x10240xf32, #tpu.memory_space<hbm>>
    %dma_wait3A_129 = tpu.memref_squeeze %dma_wait3A_128 : memref<1x10240xf32, #tpu.memory_space<hbm>> -> memref<10240xf32, #tpu.memory_space<hbm>>
    %dma_wait3A_130 = arith.constant 0 : i32
    %dma_wait3A_131 = tpu.memref_slice %arg7[%add3A_92, %dma_wait3A_130] : memref<128x10240xf32, #tpu.memory_space<hbm>> -> memref<1x10240xf32, #tpu.memory_space<hbm>>
    %dma_wait3A_132 = tpu.memref_squeeze %dma_wait3A_131 : memref<1x10240xf32, #tpu.memory_space<hbm>> -> memref<10240xf32, #tpu.memory_space<hbm>>
    tpu.wait_dma2 semaphore(%arg18 : memref<!tpu.dma_semaphore, #tpu.memory_space<semaphore_mem>>) src(%arg10 : memref<10240xf32, #tpu.memory_space<vmem>>) dst(%dma_wait3A_132 : memref<10240xf32, #tpu.memory_space<hbm>>)
    %dma_wait3A_133 = arith.constant 0 : i32
    %dma_wait3A_134 = tpu.memref_slice %arg7[%add3A_102, %dma_wait3A_133] : memref<128x10240xf32, #tpu.memory_space<hbm>> -> memref<1x10240xf32, #tpu.memory_space<hbm>>
    %dma_wait3A_135 = tpu.memref_squeeze %dma_wait3A_134 : memref<1x10240xf32, #tpu.memory_space<hbm>> -> memref<10240xf32, #tpu.memory_space<hbm>>
    %dma_wait3A_136 = arith.constant 0 : i32
    %dma_wait3A_137 = tpu.memref_slice %arg7[%add3A_102, %dma_wait3A_136] : memref<128x10240xf32, #tpu.memory_space<hbm>> -> memref<1x10240xf32, #tpu.memory_space<hbm>>
    %dma_wait3A_138 = tpu.memref_squeeze %dma_wait3A_137 : memref<1x10240xf32, #tpu.memory_space<hbm>> -> memref<10240xf32, #tpu.memory_space<hbm>>
    tpu.wait_dma2 semaphore(%arg18 : memref<!tpu.dma_semaphore, #tpu.memory_space<semaphore_mem>>) src(%arg11 : memref<10240xf32, #tpu.memory_space<vmem>>) dst(%dma_wait3A_138 : memref<10240xf32, #tpu.memory_space<hbm>>)
    %dma_wait3A_139 = arith.constant 0 : i32
    %dma_wait3A_140 = tpu.memref_slice %arg7[%add3A_110, %dma_wait3A_139] : memref<128x10240xf32, #tpu.memory_space<hbm>> -> memref<1x10240xf32, #tpu.memory_space<hbm>>
    %dma_wait3A_141 = tpu.memref_squeeze %dma_wait3A_140 : memref<1x10240xf32, #tpu.memory_space<hbm>> -> memref<10240xf32, #tpu.memory_space<hbm>>
    %dma_wait3A_142 = arith.constant 0 : i32
    %dma_wait3A_143 = tpu.memref_slice %arg7[%add3A_110, %dma_wait3A_142] : memref<128x10240xf32, #tpu.memory_space<hbm>> -> memref<1x10240xf32, #tpu.memory_space<hbm>>
    %dma_wait3A_144 = tpu.memref_squeeze %dma_wait3A_143 : memref<1x10240xf32, #tpu.memory_space<hbm>> -> memref<10240xf32, #tpu.memory_space<hbm>>
    tpu.wait_dma2 semaphore(%arg18 : memref<!tpu.dma_semaphore, #tpu.memory_space<semaphore_mem>>) src(%arg12 : memref<10240xf32, #tpu.memory_space<vmem>>) dst(%dma_wait3A_144 : memref<10240xf32, #tpu.memory_space<hbm>>)
    %dma_wait3A_145 = arith.constant 0 : i32
    %dma_wait3A_146 = tpu.memref_slice %arg7[%add3A_120, %dma_wait3A_145] : memref<128x10240xf32, #tpu.memory_space<hbm>> -> memref<1x10240xf32, #tpu.memory_space<hbm>>
    %dma_wait3A_147 = tpu.memref_squeeze %dma_wait3A_146 : memref<1x10240xf32, #tpu.memory_space<hbm>> -> memref<10240xf32, #tpu.memory_space<hbm>>
    %dma_wait3A_148 = arith.constant 0 : i32
    %dma_wait3A_149 = tpu.memref_slice %arg7[%add3A_120, %dma_wait3A_148] : memref<128x10240xf32, #tpu.memory_space<hbm>> -> memref<1x10240xf32, #tpu.memory_space<hbm>>
    %dma_wait3A_150 = tpu.memref_squeeze %dma_wait3A_149 : memref<1x10240xf32, #tpu.memory_space<hbm>> -> memref<10240xf32, #tpu.memory_space<hbm>>
    tpu.wait_dma2 semaphore(%arg18 : memref<!tpu.dma_semaphore, #tpu.memory_space<semaphore_mem>>) src(%arg13 : memref<10240xf32, #tpu.memory_space<vmem>>) dst(%dma_wait3A_150 : memref<10240xf32, #tpu.memory_space<hbm>>)
    return
  }
}

module attributes {stable_mosaic.version = 14 : i64} {
  func.func @body(%arg0: i32, %arg1: memref<32x512xf32, #tpu.memory_space<vmem>>, %arg2: memref<128x512xf32, #tpu.memory_space<vmem>>, %arg3: memref<128x128xf32, #tpu.memory_space<vmem>>, %arg4: memref<64x512xi32, #tpu.memory_space<vmem>>, %arg5: memref<1x512xf32, #tpu.memory_space<vmem>>) attributes {dimension_semantics = [#tpu.dimension_semantics<arbitrary>], iteration_bounds = array<i64: 20>, scalar_prefetch = 0 : i64, scratch_operands = 0 : i64, tpu.core_type = #tpu.core_type<tc>, window_params = [{transform_indices = @transform_0, window_bounds = array<i64: 32, 512>}, {transform_indices = @transform_1, window_bounds = array<i64: 128, 512>}, {pipeline_mode = #tpu.pipeline_mode<synchronous>, transform_indices = @transform_2, window_bounds = array<i64: 128, 128>}, {transform_indices = @transform_3, window_bounds = array<i64: 64, 512>}, {transform_indices = @transform_4, window_bounds = array<i64: 1, 512>}]} {
    %get3A = arith.constant 0 : index
    %get3A_0 = arith.constant 0 : index
    %get3A_1 = vector.load %arg1[%get3A, %get3A_0] : memref<32x512xf32, #tpu.memory_space<vmem>>, vector<32x512xf32>
    %reduce_sum3A = arith.constant dense<0.000000e+00> : vector<512xf32>
    %reduce_sum3A_2 = vector.multi_reduction <add>, %get3A_1, %reduce_sum3A [0] : vector<32x512xf32> to vector<512xf32>
    %add3A = arith.constant 1.000000e+00 : f32
    %add3A_3 = vector.broadcast %add3A : f32 to vector<512xf32>
    %add3A_4 = arith.addf %add3A_3, %reduce_sum3A_2 : vector<512xf32>
    %gt3A = arith.constant 0.000000e+00 : f32
    %gt3A_5 = vector.broadcast %gt3A : f32 to vector<512xf32>
    %gt3A_6 = arith.cmpf ogt, %add3A_4, %gt3A_5 : vector<512xf32>
    %max3A = arith.constant 9.99999996E-13 : f32
    %max3A_7 = vector.broadcast %max3A : f32 to vector<512xf32>
    %max3A_8 = arith.maximumf %add3A_4, %max3A_7 : vector<512xf32>
    %rsqrt3A = math.rsqrt %max3A_8 : vector<512xf32>
    %jit3A = arith.constant 0.000000e+00 : f32
    %broadcast_in_dim3A = vector.broadcast %jit3A : f32 to vector<512xf32>
    %select_n3A = arith.select %gt3A_6, %rsqrt3A, %broadcast_in_dim3A : vector<512xi1>, vector<512xf32>
    %get3A_9 = arith.constant 0 : index
    %get3A_10 = arith.constant 0 : index
    %get3A_11 = vector.load %arg3[%get3A_9, %get3A_10] : memref<128x128xf32, #tpu.memory_space<vmem>>, vector<128x128xf32>
    %get3A_12 = arith.constant 0 : index
    %get3A_13 = arith.constant 0 : index
    %get3A_14 = vector.load %arg2[%get3A_12, %get3A_13] : memref<128x512xf32, #tpu.memory_space<vmem>>, vector<128x512xf32>
    %dot_general3A = arith.constant dense<0.000000e+00> : vector<128x512xf32>
    %dot_general3A_15 = tpu.matmul %get3A_11, %get3A_14, %dot_general3A {dimension_numbers = #tpu.dot_dimension_numbers<[0], [0], [1], [1], [0, 1, 1, 1], [], []>, transpose_lhs_hint = false} : vector<128x128xf32>, vector<128x512xf32>, vector<128x512xf32> -> vector<128x512xf32>
    %broadcast_in_dim3A_16 = vector.shape_cast %select_n3A : vector<512xf32> to vector<1x512xf32>
    %mul3A = vector.broadcast %broadcast_in_dim3A_16 : vector<1x512xf32> to vector<128x512xf32>
    %mul3A_17 = arith.mulf %dot_general3A_15, %mul3A : vector<128x512xf32>
    %convert_element_type3A = arith.truncf %mul3A_17 : vector<128x512xf32> to vector<128x512xbf16>
    %bitcast_convert_type3A = tpu.bitcast %convert_element_type3A : vector<128x512xbf16> -> vector<128x512xi16>
    %slice3A = vector.extract_strided_slice %bitcast_convert_type3A {offsets = [0, 0], sizes = [64, 512], strides = [1, 1]} : vector<128x512xi16> to vector<64x512xi16>
    %convert_element_type3A_18 = arith.extui %slice3A : vector<64x512xi16> to vector<64x512xi32>
    %slice3A_19 = vector.extract_strided_slice %bitcast_convert_type3A {offsets = [64, 0], sizes = [64, 512], strides = [1, 1]} : vector<128x512xi16> to vector<64x512xi16>
    %convert_element_type3A_20 = arith.extui %slice3A_19 : vector<64x512xi16> to vector<64x512xi32>
    %shift_left3A = arith.constant 16 : i32
    %shift_left3A_21 = vector.broadcast %shift_left3A : i32 to vector<64x512xi32>
    %shift_left3A_22 = arith.shli %convert_element_type3A_20, %shift_left3A_21 : vector<64x512xi32>
    %or3A = arith.ori %convert_element_type3A_18, %shift_left3A_22 : vector<64x512xi32>
    %bitcast_convert_type3A_23 = tpu.bitcast %or3A : vector<64x512xi32> -> vector<64x512xi32>
    %swap3A = arith.constant 0 : index
    %swap3A_24 = arith.constant 0 : index
    %swap3A_25 = vector.load %arg4[%swap3A, %swap3A_24] : memref<64x512xi32, #tpu.memory_space<vmem>>, vector<64x512xi32>
    tpu.vector_store %arg4[%swap3A, %swap3A_24], %bitcast_convert_type3A_23 {strides = array<i32>} : memref<64x512xi32, #tpu.memory_space<vmem>>, vector<64x512xi32>,
    %broadcast_in_dim3A_26 = vector.shape_cast %select_n3A : vector<512xf32> to vector<1x512xf32>
    %swap3A_27 = arith.constant 0 : index
    %swap3A_28 = arith.constant 0 : index
    %swap3A_29 = vector.load %arg5[%swap3A_27, %swap3A_28] : memref<1x512xf32, #tpu.memory_space<vmem>>, vector<1x512xf32>
    tpu.vector_store %arg5[%swap3A_27, %swap3A_28], %broadcast_in_dim3A_26 {strides = array<i32>} : memref<1x512xf32, #tpu.memory_space<vmem>>, vector<1x512xf32>,
    return
  }
  func.func @transform_0(%arg0: i32) -> (i32, i32) {
    %c0_i32 = arith.constant 0 : i32
    %c0_i32_0 = arith.constant 0 : i32
    return %c0_i32, %arg0 : i32, i32
  }
  func.func @transform_1(%arg0: i32) -> (i32, i32) {
    %c0_i32 = arith.constant 0 : i32
    %c0_i32_0 = arith.constant 0 : i32
    return %c0_i32, %arg0 : i32, i32
  }
  func.func @transform_2(%arg0: i32) -> (i32, i32) {
    %c0_i32 = arith.constant 0 : i32
    %c0_i32_0 = arith.constant 0 : i32
    %c0_i32_1 = arith.constant 0 : i32
    return %c0_i32, %c0_i32_0 : i32, i32
  }
  func.func @transform_3(%arg0: i32) -> (i32, i32) {
    %c0_i32 = arith.constant 0 : i32
    %c0_i32_0 = arith.constant 0 : i32
    return %c0_i32, %arg0 : i32, i32
  }
  func.func @transform_4(%arg0: i32) -> (i32, i32) {
    %c0_i32 = arith.constant 0 : i32
    %c0_i32_0 = arith.constant 0 : i32
    return %c0_i32, %arg0 : i32, i32
  }
}

module attributes {stable_mosaic.version = 14 : i64} {
  func.func @body(%arg0: i32, %arg1: memref<128x512xf32, #tpu.memory_space<vmem>>, %arg2: memref<1x512xf32, #tpu.memory_space<vmem>>, %arg3: memref<128x128xf32, #tpu.memory_space<vmem>>, %arg4: memref<64x512xi32, #tpu.memory_space<vmem>>) attributes {dimension_semantics = [#tpu.dimension_semantics<arbitrary>], iteration_bounds = array<i64: 20>, scalar_prefetch = 0 : i64, scratch_operands = 0 : i64, tpu.core_type = #tpu.core_type<tc>, window_params = [{transform_indices = @transform_0, window_bounds = array<i64: 128, 512>}, {transform_indices = @transform_1, window_bounds = array<i64: 1, 512>}, {pipeline_mode = #tpu.pipeline_mode<synchronous>, transform_indices = @transform_2, window_bounds = array<i64: 128, 128>}, {transform_indices = @transform_3, window_bounds = array<i64: 64, 512>}]} {
    %get3A = arith.constant 0 : index
    %get3A_0 = arith.constant 0 : index
    %get3A_1 = vector.load %arg3[%get3A, %get3A_0] : memref<128x128xf32, #tpu.memory_space<vmem>>, vector<128x128xf32>
    %get3A_2 = arith.constant 0 : index
    %get3A_3 = arith.constant 0 : index
    %get3A_4 = vector.load %arg1[%get3A_2, %get3A_3] : memref<128x512xf32, #tpu.memory_space<vmem>>, vector<128x512xf32>
    %dot_general3A = arith.constant dense<0.000000e+00> : vector<128x512xf32>
    %dot_general3A_5 = tpu.matmul %get3A_1, %get3A_4, %dot_general3A {dimension_numbers = #tpu.dot_dimension_numbers<[0], [0], [1], [1], [0, 1, 1, 1], [], []>, transpose_lhs_hint = false} : vector<128x128xf32>, vector<128x512xf32>, vector<128x512xf32> -> vector<128x512xf32>
    %get3A_6 = arith.constant 0 : index
    %get3A_7 = arith.constant 0 : index
    %get3A_8 = vector.load %arg2[%get3A_6, %get3A_7] : memref<1x512xf32, #tpu.memory_space<vmem>>, vector<1x512xf32>
    %mul3A = vector.broadcast %get3A_8 : vector<1x512xf32> to vector<128x512xf32>
    %mul3A_9 = arith.mulf %dot_general3A_5, %mul3A : vector<128x512xf32>
    %convert_element_type3A = arith.truncf %mul3A_9 : vector<128x512xf32> to vector<128x512xbf16>
    %bitcast_convert_type3A = tpu.bitcast %convert_element_type3A : vector<128x512xbf16> -> vector<128x512xi16>
    %slice3A = vector.extract_strided_slice %bitcast_convert_type3A {offsets = [0, 0], sizes = [64, 512], strides = [1, 1]} : vector<128x512xi16> to vector<64x512xi16>
    %convert_element_type3A_10 = arith.extui %slice3A : vector<64x512xi16> to vector<64x512xi32>
    %slice3A_11 = vector.extract_strided_slice %bitcast_convert_type3A {offsets = [64, 0], sizes = [64, 512], strides = [1, 1]} : vector<128x512xi16> to vector<64x512xi16>
    %convert_element_type3A_12 = arith.extui %slice3A_11 : vector<64x512xi16> to vector<64x512xi32>
    %shift_left3A = arith.constant 16 : i32
    %shift_left3A_13 = vector.broadcast %shift_left3A : i32 to vector<64x512xi32>
    %shift_left3A_14 = arith.shli %convert_element_type3A_12, %shift_left3A_13 : vector<64x512xi32>
    %or3A = arith.ori %convert_element_type3A_10, %shift_left3A_14 : vector<64x512xi32>
    %bitcast_convert_type3A_15 = tpu.bitcast %or3A : vector<64x512xi32> -> vector<64x512xi32>
    %swap3A = arith.constant 0 : index
    %swap3A_16 = arith.constant 0 : index
    %swap3A_17 = vector.load %arg4[%swap3A, %swap3A_16] : memref<64x512xi32, #tpu.memory_space<vmem>>, vector<64x512xi32>
    tpu.vector_store %arg4[%swap3A, %swap3A_16], %bitcast_convert_type3A_15 {strides = array<i32>} : memref<64x512xi32, #tpu.memory_space<vmem>>, vector<64x512xi32>,
    return
  }
  func.func @transform_0(%arg0: i32) -> (i32, i32) {
    %c0_i32 = arith.constant 0 : i32
    %c0_i32_0 = arith.constant 0 : i32
    return %c0_i32, %arg0 : i32, i32
  }
  func.func @transform_1(%arg0: i32) -> (i32, i32) {
    %c0_i32 = arith.constant 0 : i32
    %c0_i32_0 = arith.constant 0 : i32
    return %c0_i32, %arg0 : i32, i32
  }
  func.func @transform_2(%arg0: i32) -> (i32, i32) {
    %c0_i32 = arith.constant 0 : i32
    %c0_i32_0 = arith.constant 0 : i32
    %c0_i32_1 = arith.constant 0 : i32
    return %c0_i32, %c0_i32_0 : i32, i32
  }
  func.func @transform_3(%arg0: i32) -> (i32, i32) {
    %c0_i32 = arith.constant 0 : i32
    %c0_i32_0 = arith.constant 0 : i32
    return %c0_i32, %arg0 : i32, i32
  }
}

</mosaic_0001>

<sc_bundles>
// kernel: kernel.10.cloned.1.call-start
scs
__scs_entry_jumppad:
0x0: {  	(pc) =	sbr.rel $0x88, $3  }
0x1: {  	(tag) =	ssettag $0x0;
	lr =	simm.s32 $0x1  }
0x2: {  	[smem:$0x3F9A] =	sst lr;
	_ =	strace $0xD0000000  }
0x3: {  	_ = 	snop  }
0x4: {  	_ = 	snop  }
0x5: {  	_ = 	snop  }
0x6: {  	_ = 	snop  }
0x7: {  	_ = 	snop  }
__scs_overlays_trampoline_lowered:
0x8: {  	[smem:$0x3FA9] =	sst s0  }
0x9: {  	[smem:$0x3FAA] =	sst s1  }
0xa: {  	[smem:$0x3FAB] =	sst s2  }
0xb: {  	[smem:$0x3FAC] =	sst s3  }
0xc: {  	[smem:$0x3FAD] =	sst s4  }
0xd: {  	[smem:$0x3FAE] =	sst s5  }
0xe: {  	[smem:$0x3FAF] =	sst s6  }
0xf: {  	[smem:$0x3FB0] =	sst s7  }
0x10: {  	[smem:$0x3FB1] =	sst s8  }
0x11: {  	[smem:$0x3FB2] =	sst s9;
	s0 =	simm.s32 @!p0 $0x0  }
0x12: {  	s1 =	sld [smem:$0x3F98];
	s0 =	simm.s32 @p0 $0x1  }
0x13: {  	[smem:$0x3FB3] =	sst s0;
	s0 =	simm.s32 @!p1 $0x0  }
0x14: {  	s2 =	sld [smem:$0x3F97];
	s0 =	simm.s32 @p1 $0x1  }
0x15: {  	[smem:$0x3FB4] =	sst s0;
	s0 =	simm.s32 @!p2 $0x0  }
0x16: {  	s3 =	sld [smem:$0x3FDB];
	s0 =	simm.s32 @p2 $0x1  }
0x17: {  	s4 =	simm.s32 $0x1BF5;
	[smem:$0x3FB6] =	sst s0  }
0x18: {  	s0 =	sld [smem:$0x3F99];
	_ =	swait.ge [sflag:s4], $0x0  }
0x19: {  	s7 =	sld [smem:$0x3F9A]  }
0x1a: {  	s8 =	sadd.s32 $0xFFFFE003, lr  }
0x1b: {  	s9 =	sadd.s32 $0xFFFFFEF7, lr;
	s5 =	simm.s32 $0xFFFFFFFF;
	p2 =	slt.u32 s8, $0xFFFFF086  }
0x1c: {  	p1 =	slt.u32 s9, $0xF7A;
	s5 =	simm.s32 @!p2 $0x0  }
0x1d: {  	s5 =	simm.s32 @p1 $0x1;
	p0 =	seq.s32 s7, s2  }
0x1e: {  	s7 =	smul.u32 @!p0 $0xF7A, s2;
	p2 =	seq.s32 @!p0 s5, $0x0  }
0x1f: {  	s9 =	smul.u32 $0xF7A, s1;
	s8 =	simm.s32 @!p0 $0x1BF5;
	p2 =	por !p2, p0  }
0x20: {  	[sflag:s8] =	ssyncset.s32 @!p0 $0xFFFFF086;
	s6 =	sadd.s32 @!p0 s3, s7;
	s7 =	simm.s32 @!p0 $0x108  }
0x21: {  	s3 =	sadd.s32 s3, s9;
	s6 =	sadd.s32 @!p0 $0x88, s6;
	s7 =	simm.s32 @p2 $0x1082  }
0x22: {  	[simem:s7], [sflag:s8] =	dma.local @!p0 [hbm:s6], $0xF7A  }
0x23: {  	s9 =	sor.u32 $0xD0000000, s2;
	s6 =	simm.s32 $0x108;
	_ =	swait.ge @!p0 [sflag:s8], $0x0  }
0x24: {  	s3 =	sadd.s32 $0x88, s3;
	s6 =	simm.s32 @!p1 $0x1082;
	[sflag:s4] =	ssyncset.s32 $0xFFFFF086  }
0x25: {  	[simem:s6], [sflag:s4] =	dma.local [hbm:s3], $0xF7A  }
0x26: {  	[smem:$0x3F9A] =	sst s1;
	(tag) =	ssettag s2;
	_ =	strace s9  }
0x27: {  	s1 =	sld [smem:$0x3FAA]  }
0x28: {  	s2 =	sld [smem:$0x3FAB]  }
0x29: {  	s4 =	sld [smem:$0x3FAD]  }
0x2a: {  	p0 =	seq.s32 s5, $0x0;
	s5 =	sld [smem:$0x3FAE]  }
0x2b: {  	s6 =	sld [smem:$0x3FAF]  }
0x2c: {  	s7 =	sld [smem:$0x3FB0]  }
0x2d: {  	s3 =	simm.s32 $0x108;
	s8 =	sld [smem:$0x3FB1]  }
0x2e: {  	s3 =	simm.s32 @!p0 $0x1082;
	s9 =	sld [smem:$0x3FB2]  }
0x2f: {  	lr =	sadd.s32 s0, s3;
	s0 =	sld [smem:$0x3FA9]  }
0x30: {  	s3 =	sld [smem:$0x3FAC]  }
0x31: {  	[smem:$0x3FB5] =	sst s10  }
0x32: {  	s10 =	sld [smem:$0x3FB3];
	_ =	sdelay $0x3  }
0x33: {  	p0 =	seq.s32 s10, $0x1;
	s10 =	sld [smem:$0x3FB5];
	_ =	sdelay $0x3  }
0x34: {  	[smem:$0x3FB5] =	sst s10  }
0x35: {  	s10 =	sld [smem:$0x3FB4];
	_ =	sdelay $0x3  }
0x36: {  	p1 =	seq.s32 s10, $0x1;
	s10 =	sld [smem:$0x3FB5];
	_ =	sdelay $0x3  }
0x37: {  	[smem:$0x3FB5] =	sst s10  }
0x38: {  	s10 =	sld [smem:$0x3FB6]  }
0x39: {  	_ = 	snop;
	(pc) =	sbr.ind lr, $3  }
0x3a: {  	_ = 	snop  }
0x3b: {  	_ = 	snop  }
0x3c: {  	p2 =	seq.s32 s10, $0x1;
	s10 =	sld [smem:$0x3FB5]  }
0x3d: {  	_ =	shalt  }
0x3e: {  	_ =	shalt  }
0x3f: {  	_ =	shalt  }
0x40: {  	_ =	shalt  }
0x41: {  	_ =	shalt  }
0x42: {  	_ =	shalt  }
0x43: {  	_ =	shalt  }
0x44: {  	_ =	shalt  }
0x45: {  	_ =	shalt  }
0x46: {  	_ =	shalt  }
0x47: {  	_ =	shalt  }
0x48: {  	_ =	shalt  }
0x49: {  	_ =	shalt  }
0x4a: {  	_ =	shalt  }
0x4b: {  	_ =	shalt  }
0x4c: {  	_ =	shalt  }
0x4d: {  	_ =	shalt  }
0x4e: {  	_ =	shalt  }
0x4f: {  	_ =	shalt  }
0x50: {  	_ =	shalt  }
0x51: {  	_ =	shalt  }
0x52: {  	_ =	shalt  }
0x53: {  	_ =	shalt  }
0x54: {  	_ =	shalt  }
0x55: {  	_ =	shalt  }
0x56: {  	_ =	shalt  }
0x57: {  	_ =	shalt  }
0x58: {  	_ =	shalt  }
0x59: {  	_ =	shalt  }
0x5a: {  	_ =	shalt  }
0x5b: {  	_ =	shalt  }
0x5c: {  	_ =	shalt  }
0x5d: {  	_ =	shalt  }
0x5e: {  	_ =	shalt  }
0x5f: {  	_ =	shalt  }
0x60: {  	_ =	shalt  }
0x61: {  	_ =	shalt  }
0x62: {  	_ =	shalt  }
0x63: {  	_ =	shalt  }
0x64: {  	_ =	shalt  }
0x65: {  	_ =	shalt  }
0x66: {  	_ =	shalt  }
0x67: {  	_ =	shalt  }
0x68: {  	_ =	shalt  }
0x69: {  	_ =	shalt  }
0x6a: {  	_ =	shalt  }
0x6b: {  	_ =	shalt  }
0x6c: {  	_ =	shalt  }
0x6d: {  	_ =	shalt  }
0x6e: {  	_ =	shalt  }
0x6f: {  	_ =	shalt  }
0x70: {  	_ =	shalt  }
0x71: {  	_ =	shalt  }
0x72: {  	_ =	shalt  }
0x73: {  	_ =	shalt  }
0x74: {  	_ =	shalt  }
0x75: {  	_ =	shalt  }
0x76: {  	_ =	shalt  }
0x77: {  	_ =	shalt  }
0x78: {  	_ =	shalt  }
0x79: {  	_ =	shalt  }
0x7a: {  	_ =	shalt  }
0x7b: {  	_ =	shalt  }
0x7c: {  	_ =	shalt  }
0x7d: {  	_ =	shalt  }
0x7e: {  	_ =	shalt  }
0x7f: {  	_ =	shalt  }
0x80: {  	_ =	shalt  }
0x81: {  	_ =	shalt  }
0x82: {  	_ =	shalt  }
0x83: {  	_ =	shalt  }
0x84: {  	_ =	shalt  }
0x85: {  	_ =	shalt  }
0x86: {  	_ =	shalt  }
0x87: {  	_ =	shalt  }
.Lfunc_end0:
.L_simem_size_0:
called_computation.1_lowered:
.L_overlay_start_0:
0x88: {  	s2 =	sld [smem:$0x3FD9]  }
0x89: {  	s3 =	sld [smem:$0x3FFE];
	_ =	sdelay $0x1  }
0x8a: {  	s1 =	srdreg.scid  }
0x8b: {  	s0 =	sand.u32 $0x1, s1  }
0x8c: {  	s17 =	sshll.u32 s0, $0xA;
	s2 =	sadd.s32 s3, s2  }
0x8d: {  	s2 =	sadd.s32 s2, s17  }
0x8e: {  	[smem:$0x3FC1] =	sst s2  }
0x8f: {  	_ = 	snop  }
0x90: {  	s2 =	sld [smem:$0x3FC7]  }
0x91: {  	s18 =	sld [smem:$0x3FC5]  }
0x92: {  	s4 =	sld [smem:$0x3FD0];
	(tm) =	ssettm $0x1  }
0x93: {  	s5 =	sld [smem:$0x3FFB];
	_ =	sdelay $0x3  }
0x94: {  	_ =	strace s5  }
0x95: {  	s5 =	sld [smem:$0x3FFC];
	_ =	sdelay $0x3  }
0x96: {  	_ =	strace s5  }
0x97: {  	s5 =	sld [smem:$0x3FFD];
	_ =	sdelay $0x3  }
0x98: {  	_ =	strace s5  }
0x99: {  	_ =	strace $0x8FFFFFFF  }
0x9a: {  	s19 =	sld [smem:$0x3FDB];
	_ =	sdelay $0x1  }
0x9b: {  	s6 =	simm.s32 $_scs_section_size  }
0x9c: {  	s7 =	simm.s32 $_size__tile_overlayer_lowered;
	s8 =	simm.s32 $_tile_overlayer_lowered  }
0x9d: {  	s22 =	simm.s32 $0x1BFF;
	s21 =	sshll.u32 s8, $0x1;
	s5 =	sadd.s32 s6, s19  }
0x9e: {  	s9 =	simm.s32 $0x0;
	s20 =	sshll.u32 s7, $0x1;
	s7 =	sadd.s32 s21, s5  }
0x9f: {  	[timem:s9], [sflag:s22] =	dma.local [hbm:s7], s20  }
0xa0: {  	_ =	swait.ge [sflag:s22], s20  }
0xa1: {  	s6 =	ssub.s32 $0x0, s20;
	[sflag:s22] =	ssyncset.done $0x0  }
0xa2: {  	[sflag:s22] =	ssyncadd.s32 s6;
	_ =	sdelay $0x1  }
0xa3: {  	s23 =	simm.s32 $0x1B8B  }
0xa4: {  	_ =	swait.ge [sflag:s23], $0x1  }
0xa5: {  	[sflag:s23] =	ssyncset.done $0x0  }
0xa6: {  	s25 =	simm.s32 $0x1B8E;
	s24 =	sld [smem:$0x3FFE];
	[sflag:s23] =	ssyncadd.s32 $0xFFFFFFFF  }
0xa7: {  	s26 =	simm.s32 $execute0_lowered;
	[smem:$0x3FD2] =	sst s25  }
0xa8: {  	s7 =	sshll.u32 s26, $0x1;
	_ =	strace $0x80000049;
	[dreg:$0x1] =	wrdreg $0xFFFFFFFF  }
0xa9: {  	s28 =	simm.s32 $_size_execute0_lowered;
	s5 =	sadd.s32 s5, s7;
	[dreg:$0x0] =	wrdreg $0x0  }
0xaa: {  	s7 =	sshll.u32 s28, $0x1;
	[dreg:$0x2] =	wrdreg s5  }
0xab: {  	[dreg:$0x3] =	wrdreg s7  }
0xac: {  	[dreg:$0x4] =	wrdreg $0xC0  }
0xad: {  	_ =	task [dreg:s9], $0x5FFFF  }
0xae: {  	[dreg:$0x1] =	wrdreg $0xFFFFFFFF  }
0xaf: {  	[dreg:$0x0] =	wrdreg $0x60  }
0xb0: {  	[dreg:$0x2] =	wrdreg s4  }
0xb1: {  	[dreg:$0x3] =	wrdreg s24  }
0xb2: {  	[dreg:$0x4] =	wrdreg s2  }
0xb3: {  	[dreg:$0x5] =	wrdreg s18  }
0xb4: {  	[dreg:$0x6] =	wrdreg $0x9  }
0xb5: {  	_ =	task.clear_ibuf [dreg:s9], $0x7FFFF;
	_ =	strace $0x90000049  }
0xb6: {  	s29 =	simm.s32 $0x9;
	_ =	strace $0x8000004B  }
0xb7: {  	_ =	swait.ge [sflag:s29], $0x1  }
0xb8: {  	[sflag:s29] =	ssyncadd.s32 $0xFFFFFFFF  }
0xb9: {  	_ =	strace $0x9000004B  }
0xba: {  	_ =	sfence  }
0xbb: {  	s30 =	sld [smem:$0x0];
	_ =	sdelay $0x2  }
0xbc: {  	s31 =	sshll.u32 s1, $0xD;
	s1 =	sshrl.u32 s1, $0x2  }
0xbd: {  	s3 =	sand.u32 $0x4000, s31;
	s1 =	sadd.s32 s1, s30  }
0xbe: {  	s0 =	sor.u32 s3, s0;
	s1 =	sshll.u32 s1, $0x11  }
0xbf: {  	s0 =	sor.u32 s1, s0  }
0xc0: {  	s0 =	sadd.s32 $0x8F2B, s0  }
0xc1: {  	[sflag:s0] =	ssyncadd.remote.s32 $0x1  }
0xc2: {  	_ =	sfence.sel $0xFFFF  }
0xc3: {  	[dreg:$0x0] =	wrdreg $0xFFFFFFFF;
	(pc) =	sbr.abs _section_cstart, $3  }
0xc4: {  	[dreg:$0x1] =	wrdreg $0xFFFFFFFF  }
0xc5: {  	_ =	task.clear_ibuf [dreg:s9], $0x2FFFF;
	_ =	strace $0x9FFFFFFF  }
0xc6: {  	(tm) =	ssettm $0x7FFFFFFF  }
0xc7: {  	_ =	shalt  }
tec
execute0_lowered:
.L_overlay_start_1:
0x0: {  	(tag) =	ssettag $0x1  }
0x1: {  	s0 =	rddreg [dreg:$0x0]  }
0x2: {  	s1 =	rddreg [dreg:$0x1]  }
0x3: {  	s2 =	rddreg [dreg:$0x2]  }
0x4: {  	s3 =	srdreg.scid;
	s7 =	stileid.u32  }
0x5: {  	s4 =	simm.s32 $0x0;
	s15 =	simm.s32 $0x400;
	s16 =	simm.s32 $0x2800  }
0x6: {  	s19 =	simm.s32 $0x1;
	s20 =	simm.s32 $0x2;
	s21 =	simm.s32 $0x5000  }
0x7: {  	s22 =	simm.s32 $0x7800;
	s3 =	sand.u32 $0x1, s3;
	s5 =	sshll.u32 s7, $0x2  }
0x8: {  	[smem:$0x7FF] =	sst s4;
	s24 =	sshrl.u32 s7, $0x1;
	s6 =	sshll.u32 s3, $0x1  }
0x9: {  	_ =	strace $0x8000004A;
	s8 =	smul.u32 $0x14000, s24;
	s3 =	ssub.s32 $0x2, s3  }
0xa: {  	s17 =	sor.u32 s6, s5;
	s5 =	sadd.s32 $0xBE00, s1;
	s25 =	sshrl.u32 s3, $0x1  }
0xb: {  	s6 =	sshll.u32 s17, $0x7;
	s3 =	ssub.s32 s3, s25;
	s23 =	sor.u32 $0x1, s17  }
0xc: {  	s18 =	sor.u32 $0x40, s17;
	s24 =	sor.u32 $0x41, s17;
	s25 =	simm.s32 $0x0  }
0xd: {  	s9 =	sand.u32 $0x300, s6;
	s6 =	sadd.s32 $0x2000, s1;
	s1 =	sadd.s32 $0x15C00, s1  }
0xe: {  	s11 =	sshll.u32 s23, $0x7;
	s12 =	sshrl.u32 s18, $0x3;
	s13 =	sshrl.u32 s24, $0x3  }
0xf: {  	s28 =	sshll.u32 s24, $0x7;
	v1 =	vmov s18;
	s18 =	simm.s32 $0x17C00;
	v2 =	vmov s23;
	s23 =	simm.s32 $0xA000  }
0x10: {  	v3 =	vmov s24;
	s24 =	simm.s32 $0xC800;
	s10 =	sor.u32 s8, s9;
	s12 =	smul.u32 $0x14000, s12  }
0x11: {  	s11 =	sand.u32 $0x380, s11;
	s26 =	smul.u32 $0x14000, s13;
	s29 =	sand.u32 $0x380, s28  }
0x12: {  	s13 =	smax.u32 s3, $0x1;
	s10 =	sshrl.u32 s10, $0x3;
	s8 =	sor.u32 s8, s11  }
0x13: {  	s7 =	sadd.s32 s0, s10;
	s14 =	sshrl.u32 s8, $0x3;
	s9 =	sor.u32 s9, s12  }
0x14: {  	s11 =	sor.u32 s29, s26;
	s8 =	sadd.s32 s0, s14;
	s30 =	sshrl.u32 s9, $0x3  }
0x15: {  	v0 =	vmov s17;
	s9 =	sadd.s32 s1, s10;
	s31 =	sshrl.u32 s11, $0x3;
	s11 =	sadd.s32 s1, s14  }
0x16: {  	v4 =	vimm.f32 $0.0e+00;
	v0 =	vbroadcast v0, $0x0;
	v1 =	vbroadcast v1, $0x0;
	s14 =	simm.s32 $0x80;
	s10 =	sadd.s32 s1, s30;
	s12 =	sadd.s32 s1, s31  }
.LBB2_1:
0x17: {  	[tilespmem:s4], [sflag:$0x1] =	stream.strided.gather [hbm4b:s7+s14], $0x2800, s15, s14, $0x38;
	[tilespmem:$0x17C80] =	vst v63  }
0x18: {  	_ = 	snop  }
0x19: {  	[tilespmem:s16], [sflag:$0x1] =	stream.strided.gather [hbm4b:s8+s14], $0x2800, s15, s14, $0x38;
	[tilespmem:$0x17C80] =	vst v63  }
0x1a: {  	s0 =	simm.s32 $0x15400  }
0x1b: {  	[tilespmem:s0], [sflag:$0x2] =	stream.linear.gather [hbm4b:s6+s4], $0x2800, $0x38;
	[tilespmem:$0x17C80] =	vst v63  }
0x1c: {  	s31 =	rddreg [dreg:$0x3];
	s3 =	simm.s32 $0x5040  }
0x1d: {  	[tilespmem:s18], [sflag:$0x2] =	stream.linear.gather [hbm4b:s31+s4], $0x80, $0x38;
	[tilespmem:$0x17C80] =	vst v63  }
0x1e: {  	[tilespmem:s3+$0x30] =	vst v4  }
0x1f: {  	[tilespmem:s3+$0xFFFFFFE0] =	vst v4  }
0x20: {  	[tilespmem:s3+$0xFFFFFFF0] =	vst v4  }
0x21: {  	[tilespmem:s3+$0x0] =	vst v4  }
0x22: {  	[tilespmem:s3+$0xFFFFFFC0] =	vst v4  }
0x23: {  	[tilespmem:s3+$0x10] =	vst v4  }
0x24: {  	[tilespmem:s3+$0x20] =	vst v4  }
0x25: {  	s1 =	simm.s32 $0x7840;
	[tilespmem:s3+$0xFFFFFFD0] =	vst v4  }
0x26: {  	[tilespmem:s1+$0x30] =	vst v4  }
0x27: {  	[tilespmem:s1+$0xFFFFFFC0] =	vst v4  }
0x28: {  	[tilespmem:s1+$0x10] =	vst v4  }
0x29: {  	[tilespmem:s1+$0xFFFFFFD0] =	vst v4  }
0x2a: {  	[tilespmem:s1+$0x20] =	vst v4  }
0x2b: {  	[tilespmem:s1+$0x0] =	vst v4  }
0x2c: {  	s0 =	simm.s32 $0xA040;
	[tilespmem:s1+$0xFFFFFFF0] =	vst v4  }
0x2d: {  	[tilespmem:s0+$0x30] =	vst v4  }
0x2e: {  	[tilespmem:s0+$0xFFFFFFC0] =	vst v4  }
0x2f: {  	[tilespmem:s0+$0x10] =	vst v4  }
0x30: {  	[tilespmem:s0+$0xFFFFFFD0] =	vst v4  }
0x31: {  	[tilespmem:s0+$0x20] =	vst v4  }
0x32: {  	[tilespmem:s0+$0x0] =	vst v4  }
0x33: {  	s17 =	simm.s32 $0xC840;
	[tilespmem:s0+$0xFFFFFFF0] =	vst v4  }
0x34: {  	[tilespmem:s17+$0x30] =	vst v4  }
0x35: {  	[tilespmem:s17+$0xFFFFFFC0] =	vst v4  }
0x36: {  	[tilespmem:s17+$0x10] =	vst v4  }
0x37: {  	[tilespmem:s17+$0xFFFFFFD0] =	vst v4  }
0x38: {  	s26 =	simm.s32 $0x0;
	s28 =	simm.s32 $0xA0C0;
	s29 =	simm.s32 $0xC8C0;
	[tilespmem:s17+$0x20] =	vst v4  }
.LBB2_2:
0x39: {  	s26 =	sadd.s32 $0x8, s26;
	[tilespmem:s1+$0xFFFFFFE0] =	vst v4;
	s3 =	sadd.s32 $0x80, s3;
	s1 =	sadd.s32 $0x80, s1  }
0x3a: {  	[tilespmem:s3+$0x30] =	vst v4;
	p0 =	slt.u32 s26, $0x278  }
0x3b: {  	[tilespmem:s1+$0x30] =	vst v4  }
0x3c: {  	[tilespmem:s28+$0x30] =	vst v4  }
0x3d: {  	[tilespmem:s17+$0xFFFFFFF0] =	vst v4  }
0x3e: {  	[tilespmem:s17+$0x0] =	vst v4  }
0x3f: {  	[tilespmem:s0+$0xFFFFFFE0] =	vst v4;
	s0 =	smov.u32 s28  }
0x40: {  	[tilespmem:s17+$0xFFFFFFE0] =	vst v4;
	s17 =	smov.u32 s29  }
0x41: {  	[tilespmem:s29+$0x30] =	vst v4  }
0x42: {  	[tilespmem:s3+$0xFFFFFFE0] =	vst v4  }
0x43: {  	[tilespmem:s3+$0xFFFFFFF0] =	vst v4  }
0x44: {  	[tilespmem:s3+$0x0] =	vst v4  }
0x45: {  	[tilespmem:s3+$0xFFFFFFC0] =	vst v4  }
0x46: {  	[tilespmem:s1+$0xFFFFFFC0] =	vst v4  }
0x47: {  	[tilespmem:s28+$0xFFFFFFC0] =	vst v4  }
0x48: {  	[tilespmem:s29+$0xFFFFFFC0] =	vst v4  }
0x49: {  	[tilespmem:s3+$0x10] =	vst v4  }
0x4a: {  	[tilespmem:s1+$0x10] =	vst v4  }
0x4b: {  	[tilespmem:s28+$0x10] =	vst v4  }
0x4c: {  	[tilespmem:s29+$0x10] =	vst v4  }
0x4d: {  	[tilespmem:s3+$0x20] =	vst v4  }
0x4e: {  	[tilespmem:s3+$0xFFFFFFD0] =	vst v4  }
0x4f: {  	[tilespmem:s1+$0xFFFFFFD0] =	vst v4  }
0x50: {  	[tilespmem:s28+$0xFFFFFFD0] =	vst v4  }
0x51: {  	[tilespmem:s29+$0xFFFFFFD0] =	vst v4  }
0x52: {  	[tilespmem:s1+$0x20] =	vst v4  }
0x53: {  	[tilespmem:s28+$0x20] =	vst v4  }
.Ltmp0:
0x54: {  	[tilespmem:s29+$0x20] =	vst v4;
	(pc) =	sbr.rel @p0 .LBB2_2-.Ltmp0, $4  }
0x55: {  	[tilespmem:s1+$0x0] =	vst v4  }
0x56: {  	[tilespmem:s28+$0x0] =	vst v4  }
0x57: {  	[tilespmem:s1+$0xFFFFFFF0] =	vst v4  }
0x58: {  	s29 =	sadd.s32 $0x80, s29;
	s28 =	sadd.s32 $0x80, s28;
	[tilespmem:s0+$0xFFFFFFF0] =	vst v4  }
0x59: {  	[tilespmem:s1+$0xFFFFFFE0] =	vst v4  }
0x5a: {  	[tilespmem:s17+$0xFFFFFFF0] =	vst v4  }
0x5b: {  	[tilespmem:s17+$0x0] =	vst v4  }
0x5c: {  	[tilespmem:s0+$0xFFFFFFE0] =	vst v4  }
0x5d: {  	[tilespmem:s17+$0xFFFFFFE0] =	vst v4  }
0x5e: {  	_ =	swait.ge [sflag:s19], $0x2800  }
0x5f: {  	[sflag:s19] =	ssyncset.done $0x0  }
0x60: {  	[sflag:s19] =	ssyncadd.s32 $0xFFFFD800  }
0x61: {  	_ =	swait.ge [sflag:s19], $0x2800  }
0x62: {  	[sflag:s19] =	ssyncset.done $0x0  }
0x63: {  	[sflag:s19] =	ssyncadd.s32 $0xFFFFD800  }
0x64: {  	_ =	swait.ge [sflag:s20], $0x2800  }
0x65: {  	[sflag:s20] =	ssyncset.done $0x0  }
0x66: {  	[sflag:s20] =	ssyncadd.s32 $0xFFFFD800  }
0x67: {  	_ =	swait.ge [sflag:s20], $0x80  }
0x68: {  	s1 =	simm.s32 $0xF000;
	[sflag:s20] =	ssyncset.done $0x0  }
0x69: {  	s3 =	simm.s32 $0x0;
	s0 =	simm.s32 $0x0;
	[sflag:s20] =	ssyncadd.s32 $0xFFFFFF80  }
.LBB2_4:
0x6a: {  	p0 =	sne.s32 s3, $0x310  }
.Ltmp1:
0x6b: {  	_ = 	snop;
	(pc) =	sbr.rel @p0 .LBB2_4-.Ltmp1, $4  }
0x6c: {  	_ = 	snop  }
0x6d: {  	s17 =	sadd.s32 s3, s5  }
0x6e: {  	[tilespmem:s1], [sflag:$0x1] =	stream.linear.gather [hbm4b:s17+s0], $0x80, $0x38;
	[tilespmem:$0x17C80] =	vst v63  }
0x6f: {  	s3 =	sadd.s32 $0x10, s3;
	s1 =	sadd.s32 $0x100, s1  }
0x70: {  	s0 =	simm.s32 $0x12200;
	s1 =	sadd.s32 $0x0, s2;
	s26 =	simm.s32 $0x0  }
0x71: {  	[tilespmem:s0], [sflag:$0x1] =	stream.linear.gather [hbm4b:s1+s26], $0x80, $0x38;
	[tilespmem:$0x17C80] =	vst v63  }
0x72: {  	s1 =	simm.s32 $0x10  }
.LBB2_6:
0x73: {  	p0 =	sne.s32 s1, $0x310  }
.Ltmp2:
0x74: {  	_ = 	snop;
	(pc) =	sbr.rel @p0 .LBB2_6-.Ltmp2, $4  }
0x75: {  	_ = 	snop  }
0x76: {  	s3 =	sadd.s32 s1, s2;
	s0 =	sadd.s32 $0x100, s0  }
0x77: {  	s1 =	sadd.s32 $0x10, s1  }
0x78: {  	[tilespmem:s0], [sflag:$0x1] =	stream.linear.gather [hbm4b:s3+s26], $0x80, $0x38;
	[tilespmem:$0x17C80] =	vst v63  }
.LBB2_7:
0x79: {  	s0 =	smul.u32 $0x3200, s26;
	_ =	sdelay $0x1  }
0x7a: {  	s0 =	sshrl.u32 s0, $0x3  }
0x7b: {  	s1 =	sadd.s32 $0x320, s0  }
0x7c: {  	s17 =	simm.s32 $0xF080;
	s3 =	sadd.s32 s5, s1  }
0x7d: {  	s28 =	simm.s32 $0x10;
	s29 =	simm.s32 $0xF180;
	s30 =	sadd.s32 $0x0, s3  }
.LBB2_8:
0x7e: {  	[tilespmem:s17], [sflag:$0x2] =	stream.linear.gather [hbm4b:s30+s4], $0x80, $0x38;
	[tilespmem:$0x17C80] =	vst v63  }
0x7f: {  	s30 =	smov.u32 s28;
	s17 =	smov.u32 s29;
	p0 =	sne.s32 s28, $0x310  }
.Ltmp3:
0x80: {  	s28 =	sadd.s32 $0x10, s28;
	(pc) =	sbr.rel @p0 .LBB2_8-.Ltmp3, $2  }
0x81: {  	_ =	sdelay $0x2  }
0x82: {  	s29 =	sadd.s32 $0x100, s29;
	s30 =	sadd.s32 s30, s3  }
0x83: {  	[tilespmem:s17], [sflag:$0x2] =	stream.linear.gather [hbm4b:s30+s4], $0x80, $0x38;
	[tilespmem:$0x17C80] =	vst v63  }
0x84: {  	s1 =	sadd.s32 s2, s1;
	s3 =	simm.s32 $0x12280  }
0x85: {  	s17 =	simm.s32 $0x10;
	s28 =	simm.s32 $0x12380;
	s29 =	sadd.s32 $0x0, s1  }
.LBB2_10:
0x86: {  	[tilespmem:s3], [sflag:$0x2] =	stream.linear.gather [hbm4b:s29+s4], $0x80, $0x38;
	[tilespmem:$0x17C80] =	vst v63  }
0x87: {  	s29 =	smov.u32 s17;
	s3 =	smov.u32 s28;
	p0 =	sne.s32 s17, $0x310  }
.Ltmp4:
0x88: {  	s17 =	sadd.s32 $0x10, s17;
	(pc) =	sbr.rel @p0 .LBB2_10-.Ltmp4, $2  }
0x89: {  	_ =	sdelay $0x2  }
0x8a: {  	s28 =	sadd.s32 $0x100, s28;
	s29 =	sadd.s32 s29, s1  }
0x8b: {  	[tilespmem:s3], [sflag:$0x2] =	stream.linear.gather [hbm4b:s29+s4], $0x80, $0x38;
	[tilespmem:$0x17C80] =	vst v63  }
0x8c: {  	_ =	swait.ge [sflag:s19], $0x1900  }
0x8d: {  	[sflag:s19] =	ssyncset.done $0x0  }
0x8e: {  	[sflag:s19] =	ssyncadd.s32 $0xFFFFE700  }
0x8f: {  	_ =	swait.ge [sflag:s19], $0x1900  }
0x90: {  	[sflag:s19] =	ssyncset.done $0x0  }
0x91: {  	s1 =	simm.s32 $0xF040;
	[sflag:s19] =	ssyncadd.s32 $0xFFFFE700  }
0x92: {  	v5 =	vld [tilespmem:s1+$0x30]  }
0x93: {  	v6 =	vld [tilespmem:s1+$0xFFFFFFD0]  }
0x94: {  	v7 =	vld [tilespmem:s1+$0xFFFFFFE0]  }
0x95: {  	v8 =	vld [tilespmem:s1+$0xFFFFFFF0]  }
0x96: {  	v9 =	vld [tilespmem:s1+$0x0]  }
0x97: {  	v11 =	vld [tilespmem:s1+$0x10]  }
0x98: {  	v13 =	vld [tilespmem:s1+$0xFFFFFFC0]  }
0x99: {  	v14 =	vld [tilespmem:s1+$0x20];
	s1 =	simm.s32 $0x12240;
	v10 =	vand.u32 $0x3FFF, v5  }
0x9a: {  	v22 =	vld [tilespmem:s1+$0x30]  }
0x9b: {  	v53 =	vld [tilespmem:s1+$0xFFFFFFC0]  }
0x9c: {  	v54 =	vld [tilespmem:s1+$0xFFFFFFD0]  }
0x9d: {  	v31 =	vld [tilespmem:s1+$0xFFFFFFE0]  }
0x9e: {  	v12 =	vand.u32 $0x3FFF, v6;
	v18 =	vld.idx.msk [tilespmem:v10+s4+$0x0], $0xffff  }
0x9f: {  	v32 =	vld [tilespmem:s1+$0xFFFFFFF0];
	v16 =	vand.u32 $0x3FFF, v8  }
0xa0: {  	v34 =	vld [tilespmem:s1+$0x0];
	v21 =	vand.u32 $0x3FFF, v13  }
0xa1: {  	v35 =	vld [tilespmem:s1+$0x10];
	v5 =	vshrl.u32 v5, $0xE  }
0xa2: {  	v38 =	vld [tilespmem:s1+$0x20]  }
0xa3: {  	v20 =	vld.idx.msk [tilespmem:v12+s4+$0x0], $0xffff;
	v28 =	vunpack.i.l.bf16.f32 v18  }
0xa4: {  	v15 =	vand.u32 $0x3FFF, v7;
	v25 =	vld.idx.msk [tilespmem:v16+s4+$0x0], $0xffff;
	v18 =	vunpack.i.u.bf16.f32 v18;
	v28 =	vmul.f32 v28, v22  }
0xa5: {  	v17 =	vand.u32 $0x3FFF, v9;
	v29 =	vld.idx.msk [tilespmem:v21+s4+$0x0], $0xffff;
	v18 =	vmul.f32 v18, v22  }
0xa6: {  	v19 =	vand.u32 $0x3FFF, v11;
	[tilespmem:v5+s21+$0x0] =	vst.idx.add.f32.msk $0xffff, v28  }
0xa7: {  	v23 =	vand.u32 $0x3FFF, v14;
	[tilespmem:v5+s22+$0x0] =	vst.idx.add.f32.msk $0xffff, v18  }
0xa8: {  	v13 =	vshrl.u32 v13, $0xE;
	v10 =	vld.idx.msk [tilespmem:v10+s16+$0x0], $0xffff  }
0xa9: {  	v37 =	vshrl.u32 v6, $0xE;
	v24 =	vld.idx.msk [tilespmem:v15+s4+$0x0], $0xffff  }
0xaa: {  	v8 =	vshrl.u32 v8, $0xE;
	v26 =	vld.idx.msk [tilespmem:v17+s4+$0x0], $0xffff;
	v33 =	vunpack.i.l.bf16.f32 v29  }
0xab: {  	v27 =	vld.idx.msk [tilespmem:v19+s4+$0x0], $0xffff;
	v55 =	vunpack.i.l.bf16.f32 v20;
	v33 =	vmul.f32 v33, v53  }
0xac: {  	v57 =	vshrl.u32 v9, $0xE;
	v30 =	vld.idx.msk [tilespmem:v23+s4+$0x0], $0xffff;
	v9 =	vunpack.i.l.bf16.f32 v25;
	v56 =	vmul.f32 v55, v54  }
0xad: {  	v9 =	vmul.f32 v9, v32;
	[tilespmem:v13+s21+$0x0] =	vst.idx.add.f32.msk $0xffff, v33;
	v36 =	vunpack.i.l.bf16.f32 v10  }
0xae: {  	[tilespmem:v37+s21+$0x0] =	vst.idx.add.f32.msk $0xffff, v56;
	v6 =	vunpack.i.u.bf16.f32 v10;
	v10 =	vmul.f32 v36, v22  }
0xaf: {  	v7 =	vshrl.u32 v7, $0xE;
	v29 =	vunpack.i.u.bf16.f32 v29;
	[tilespmem:v8+s21+$0x0] =	vst.idx.add.f32.msk $0xffff, v9;
	v6 =	vmul.f32 v6, v22  }
0xb0: {  	v29 =	vmul.f32 v29, v53;
	[tilespmem:v5+s23+$0x0] =	vst.idx.add.f32.msk $0xffff, v10;
	v10 =	vunpack.i.u.bf16.f32 v20  }
0xb1: {  	[tilespmem:v5+s24+$0x0] =	vst.idx.add.f32.msk $0xffff, v6;
	v5 =	vunpack.i.l.bf16.f32 v24;
	v6 =	vmul.f32 v10, v54  }
0xb2: {  	[tilespmem:v13+s22+$0x0] =	vst.idx.add.f32.msk $0xffff, v29;
	v10 =	vunpack.i.u.bf16.f32 v24;
	v5 =	vmul.f32 v5, v31  }
0xb3: {  	v10 =	vmul.f32 v10, v31;
	[tilespmem:v37+s22+$0x0] =	vst.idx.add.f32.msk $0xffff, v6;
	v6 =	vunpack.i.u.bf16.f32 v25  }
0xb4: {  	[tilespmem:v7+s21+$0x0] =	vst.idx.add.f32.msk $0xffff, v5;
	v5 =	vshrl.u32 v11, $0xE;
	v11 =	vunpack.i.l.bf16.f32 v26;
	v58 =	vmul.f32 v6, v32  }
0xb5: {  	[tilespmem:v7+s22+$0x0] =	vst.idx.add.f32.msk $0xffff, v10;
	v10 =	vunpack.i.u.bf16.f32 v26;
	v11 =	vmul.f32 v11, v34  }
0xb6: {  	v6 =	vshrl.u32 v14, $0xE;
	v10 =	vmul.f32 v10, v34;
	[tilespmem:v8+s22+$0x0] =	vst.idx.add.f32.msk $0xffff, v58  }
0xb7: {  	v9 =	vunpack.i.l.bf16.f32 v27;
	[tilespmem:v57+s21+$0x0] =	vst.idx.add.f32.msk $0xffff, v11  }
0xb8: {  	v9 =	vmul.f32 v9, v35;
	v11 =	vunpack.i.l.bf16.f32 v30;
	[tilespmem:v57+s22+$0x0] =	vst.idx.add.f32.msk $0xffff, v10  }
0xb9: {  	v10 =	vmul.f32 v11, v38;
	v11 =	vld.idx.msk [tilespmem:v15+s16+$0x0], $0xffff  }
0xba: {  	[tilespmem:v5+s21+$0x0] =	vst.idx.add.f32.msk $0xffff, v9;
	v9 =	vunpack.i.u.bf16.f32 v30  }
0xbb: {  	v9 =	vmul.f32 v9, v38;
	[tilespmem:v6+s21+$0x0] =	vst.idx.add.f32.msk $0xffff, v10  }
0xbc: {  	v14 =	vunpack.i.u.bf16.f32 v27;
	v10 =	vld.idx.msk [tilespmem:v21+s16+$0x0], $0xffff  }
0xbd: {  	v14 =	vmul.f32 v14, v35;
	[tilespmem:v6+s22+$0x0] =	vst.idx.add.f32.msk $0xffff, v9  }
0xbe: {  	v9 =	vld.idx.msk [tilespmem:v12+s16+$0x0], $0xffff  }
0xbf: {  	[tilespmem:v5+s22+$0x0] =	vst.idx.add.f32.msk $0xffff, v14  }
0xc0: {  	v14 =	vld.idx.msk [tilespmem:v17+s16+$0x0], $0xffff  }
0xc1: {  	v59 =	vld.idx.msk [tilespmem:v19+s16+$0x0], $0xffff;
	v15 =	vunpack.i.l.bf16.f32 v10  }
0xc2: {  	v12 =	vld.idx.msk [tilespmem:v16+s16+$0x0], $0xffff;
	v10 =	vunpack.i.u.bf16.f32 v10;
	v15 =	vmul.f32 v15, v53  }
0xc3: {  	v60 =	vld.idx.msk [tilespmem:v23+s16+$0x0], $0xffff;
	v10 =	vmul.f32 v10, v53;
	v61 =	vunpack.i.l.bf16.f32 v9  }
0xc4: {  	v9 =	vunpack.i.u.bf16.f32 v9;
	[tilespmem:v13+s23+$0x0] =	vst.idx.add.f32.msk $0xffff, v15;
	v15 =	vmul.f32 v61, v54  }
0xc5: {  	v62 =	vunpack.i.l.bf16.f32 v11;
	v9 =	vmul.f32 v9, v54;
	[tilespmem:v13+s24+$0x0] =	vst.idx.add.f32.msk $0xffff, v10  }
0xc6: {  	v10 =	vunpack.i.u.bf16.f32 v11;
	v11 =	vmul.f32 v62, v31;
	[tilespmem:v37+s23+$0x0] =	vst.idx.add.f32.msk $0xffff, v15  }
0xc7: {  	v13 =	vunpack.i.l.bf16.f32 v12;
	[tilespmem:v37+s24+$0x0] =	vst.idx.add.f32.msk $0xffff, v9;
	v9 =	vmul.f32 v10, v31  }
0xc8: {  	v10 =	vunpack.i.u.bf16.f32 v12;
	[tilespmem:v7+s23+$0x0] =	vst.idx.add.f32.msk $0xffff, v11;
	v11 =	vmul.f32 v13, v32  }
0xc9: {  	v12 =	vunpack.i.l.bf16.f32 v14;
	v10 =	vmul.f32 v10, v32;
	[tilespmem:v7+s24+$0x0] =	vst.idx.add.f32.msk $0xffff, v9  }
0xca: {  	v15 =	vunpack.i.u.bf16.f32 v60;
	v12 =	vmul.f32 v12, v34;
	v7 =	vunpack.i.u.bf16.f32 v14;
	[tilespmem:v8+s23+$0x0] =	vst.idx.add.f32.msk $0xffff, v11  }
0xcb: {  	v9 =	vunpack.i.u.bf16.f32 v59;
	v11 =	vunpack.i.l.bf16.f32 v59;
	v63 =	vmul.f32 v7, v34;
	[tilespmem:v8+s24+$0x0] =	vst.idx.add.f32.msk $0xffff, v10  }
0xcc: {  	v7 =	vunpack.i.l.bf16.f32 v60;
	v14 =	vmul.f32 v11, v35;
	v13 =	vmul.f32 v9, v35;
	[tilespmem:v57+s23+$0x0] =	vst.idx.add.f32.msk $0xffff, v12  }
0xcd: {  	s3 =	simm.s32 $0x0;
	s17 =	simm.s32 $0xF140;
	v9 =	vmul.f32 v7, v38;
	v7 =	vmul.f32 v15, v38;
	[tilespmem:v57+s24+$0x0] =	vst.idx.add.f32.msk $0xffff, v63  }
.LBB2_12:
0xce: {  	v16 =	vld [tilespmem:s17+$0x30]  }
0xcf: {  	v8 =	vld [tilespmem:s17+$0xFFFFFFD0]  }
0xd0: {  	s3 =	sadd.s32 $0x8, s3;
	v10 =	vld [tilespmem:s17+$0xFFFFFFE0]  }
0xd1: {  	p0 =	slt.u32 s3, $0x188;
	v17 =	vld [tilespmem:s17+$0xFFFFFFF0]  }
0xd2: {  	v18 =	vld [tilespmem:s17+$0x0]  }
0xd3: {  	v19 =	vld [tilespmem:s17+$0x10];
	v20 =	vand.u32 $0x3FFF, v16  }
0xd4: {  	v12 =	vshrl.u32 v8, $0xE;
	v15 =	vand.u32 $0x3FFF, v8;
	v21 =	vld [tilespmem:s17+$0x20]  }
0xd5: {  	v22 =	vld [tilespmem:s17+$0xFFFFFFC0];
	v11 =	vshrl.u32 v10, $0xE;
	v23 =	vand.u32 $0x3FFF, v10  }
0xd6: {  	v10 =	vshrl.u32 v17, $0xE;
	v17 =	vand.u32 $0x3FFF, v17;
	[tilespmem:v5+s23+$0x0] =	vst.idx.add.f32.msk $0xffff, v14  }
0xd7: {  	v8 =	vshrl.u32 v18, $0xE;
	v18 =	vand.u32 $0x3FFF, v18;
	[tilespmem:v5+s24+$0x0] =	vst.idx.add.f32.msk $0xffff, v13  }
0xd8: {  	v5 =	vshrl.u32 v19, $0xE;
	v19 =	vand.u32 $0x3FFF, v19;
	v24 =	vld.idx.msk [tilespmem:v20+s4+$0x0], $0xffff  }
0xd9: {  	s1 =	sadd.s32 $0x100, s1;
	v25 =	vld.idx.msk [tilespmem:v15+s4+$0x0], $0xffff;
	v14 =	vshrl.u32 v21, $0xE;
	v21 =	vand.u32 $0x3FFF, v21  }
0xda: {  	v13 =	vshrl.u32 v22, $0xE;
	v22 =	vand.u32 $0x3FFF, v22;
	v26 =	vld [tilespmem:s1+$0x30]  }
0xdb: {  	v27 =	vld.idx.msk [tilespmem:v23+s4+$0x0], $0xffff  }
0xdc: {  	v16 =	vshrl.u32 v16, $0xE;
	v28 =	vld.idx.msk [tilespmem:v17+s4+$0x0], $0xffff  }
0xdd: {  	v29 =	vld.idx.msk [tilespmem:v18+s4+$0x0], $0xffff  }
0xde: {  	v31 =	vunpack.i.l.bf16.f32 v24;
	v30 =	vld.idx.msk [tilespmem:v19+s4+$0x0], $0xffff  }
0xdf: {  	v24 =	vunpack.i.u.bf16.f32 v24;
	v33 =	vunpack.i.u.bf16.f32 v25;
	v32 =	vld.idx.msk [tilespmem:v22+s4+$0x0], $0xffff;
	v31 =	vmul.f32 v31, v26  }
0xe0: {  	v25 =	vunpack.i.l.bf16.f32 v25;
	v24 =	vmul.f32 v24, v26;
	v34 =	vld.idx.msk [tilespmem:v21+s4+$0x0], $0xffff  }
0xe1: {  	v35 =	vunpack.i.u.bf16.f32 v27;
	v27 =	vunpack.i.l.bf16.f32 v27;
	[tilespmem:v16+s21+$0x0] =	vst.idx.add.f32.msk $0xffff, v31  }
0xe2: {  	v31 =	vunpack.i.u.bf16.f32 v28;
	v28 =	vunpack.i.l.bf16.f32 v28;
	[tilespmem:v16+s22+$0x0] =	vst.idx.add.f32.msk $0xffff, v24  }
0xe3: {  	v24 =	vunpack.i.u.bf16.f32 v29;
	v29 =	vunpack.i.l.bf16.f32 v29;
	v20 =	vld.idx.msk [tilespmem:v20+s16+$0x0], $0xffff  }
0xe4: {  	v37 =	vunpack.i.u.bf16.f32 v30;
	v30 =	vunpack.i.l.bf16.f32 v30;
	v36 =	vld [tilespmem:s1+$0xFFFFFFC0]  }
0xe5: {  	v38 =	vunpack.i.u.bf16.f32 v32;
	v32 =	vunpack.i.l.bf16.f32 v32;
	v39 =	vld [tilespmem:s1+$0xFFFFFFD0]  }
0xe6: {  	v41 =	vunpack.i.u.bf16.f32 v34;
	v34 =	vunpack.i.l.bf16.f32 v34;
	v40 =	vld [tilespmem:s1+$0xFFFFFFE0]  }
0xe7: {  	v42 =	vld [tilespmem:s1+$0xFFFFFFF0]  }
0xe8: {  	v43 =	vld [tilespmem:s1+$0x0]  }
0xe9: {  	v45 =	vunpack.i.l.bf16.f32 v20;
	v32 =	vmul.f32 v32, v36;
	v38 =	vmul.f32 v38, v36;
	v44 =	vld [tilespmem:s1+$0x10]  }
0xea: {  	v20 =	vunpack.i.u.bf16.f32 v20;
	v45 =	vmul.f32 v45, v26;
	v25 =	vmul.f32 v25, v39;
	v46 =	vld [tilespmem:s1+$0x20]  }
0xeb: {  	v20 =	vmul.f32 v20, v26;
	[tilespmem:v13+s21+$0x0] =	vst.idx.add.f32.msk $0xffff, v32;
	v32 =	vmul.f32 v33, v39  }
0xec: {  	v26 =	vmul.f32 v27, v40;
	v27 =	vmul.f32 v35, v40;
	[tilespmem:v16+s23+$0x0] =	vst.idx.add.f32.msk $0xffff, v45  }
0xed: {  	v28 =	vmul.f32 v28, v42;
	v31 =	vmul.f32 v31, v42;
	[tilespmem:v16+s24+$0x0] =	vst.idx.add.f32.msk $0xffff, v20  }
0xee: {  	v16 =	vmul.f32 v29, v43;
	v20 =	vmul.f32 v24, v43;
	[tilespmem:v13+s22+$0x0] =	vst.idx.add.f32.msk $0xffff, v38  }
0xef: {  	v24 =	vmul.f32 v30, v44;
	[tilespmem:v12+s21+$0x0] =	vst.idx.add.f32.msk $0xffff, v25;
	v25 =	vmul.f32 v37, v44  }
0xf0: {  	v29 =	vmul.f32 v34, v46;
	v30 =	vmul.f32 v41, v46;
	[tilespmem:v12+s22+$0x0] =	vst.idx.add.f32.msk $0xffff, v32  }
0xf1: {  	[tilespmem:v11+s21+$0x0] =	vst.idx.add.f32.msk $0xffff, v26  }
0xf2: {  	[tilespmem:v11+s22+$0x0] =	vst.idx.add.f32.msk $0xffff, v27  }
0xf3: {  	[tilespmem:v10+s21+$0x0] =	vst.idx.add.f32.msk $0xffff, v28  }
0xf4: {  	[tilespmem:v10+s22+$0x0] =	vst.idx.add.f32.msk $0xffff, v31  }
0xf5: {  	[tilespmem:v8+s21+$0x0] =	vst.idx.add.f32.msk $0xffff, v16  }
0xf6: {  	[tilespmem:v8+s22+$0x0] =	vst.idx.add.f32.msk $0xffff, v20  }
0xf7: {  	[tilespmem:v5+s21+$0x0] =	vst.idx.add.f32.msk $0xffff, v24  }
0xf8: {  	[tilespmem:v5+s22+$0x0] =	vst.idx.add.f32.msk $0xffff, v25  }
0xf9: {  	[tilespmem:v14+s21+$0x0] =	vst.idx.add.f32.msk $0xffff, v29  }
0xfa: {  	[tilespmem:v14+s22+$0x0] =	vst.idx.add.f32.msk $0xffff, v30  }
0xfb: {  	v16 =	vld.idx.msk [tilespmem:v22+s16+$0x0], $0xffff  }
0xfc: {  	v15 =	vld.idx.msk [tilespmem:v15+s16+$0x0], $0xffff  }
0xfd: {  	v20 =	vld.idx.msk [tilespmem:v23+s16+$0x0], $0xffff  }
0xfe: {  	v17 =	vld.idx.msk [tilespmem:v17+s16+$0x0], $0xffff  }
0xff: {  	v18 =	vld.idx.msk [tilespmem:v18+s16+$0x0], $0xffff  }
0x100: {  	v19 =	vld.idx.msk [tilespmem:v19+s16+$0x0], $0xffff  }
0x101: {  	v22 =	vunpack.i.u.bf16.f32 v16;
	v16 =	vunpack.i.l.bf16.f32 v16;
	v21 =	vld.idx.msk [tilespmem:v21+s16+$0x0], $0xffff  }
0x102: {  	v16 =	vmul.f32 v16, v36;
	v23 =	vunpack.i.u.bf16.f32 v15;
	v15 =	vunpack.i.l.bf16.f32 v15;
	[tilespmem:v6+s23+$0x0] =	vst.idx.add.f32.msk $0xffff, v9  }
0x103: {  	v9 =	vmul.f32 v22, v36;
	v22 =	vunpack.i.u.bf16.f32 v20;
	v20 =	vunpack.i.l.bf16.f32 v20;
	[tilespmem:v6+s24+$0x0] =	vst.idx.add.f32.msk $0xffff, v7;
	v6 =	vmovc v14  }
0x104: {  	v7 =	vmul.f32 v15, v39;
	v14 =	vunpack.i.u.bf16.f32 v17;
	v15 =	vunpack.i.l.bf16.f32 v17;
	[tilespmem:v13+s23+$0x0] =	vst.idx.add.f32.msk $0xffff, v16  }
0x105: {  	v16 =	vunpack.i.l.bf16.f32 v18;
	[tilespmem:v13+s24+$0x0] =	vst.idx.add.f32.msk $0xffff, v9;
	v9 =	vmul.f32 v23, v39;
	v13 =	vunpack.i.u.bf16.f32 v18  }
0x106: {  	v17 =	vunpack.i.u.bf16.f32 v19;
	v18 =	vunpack.i.l.bf16.f32 v19;
	[tilespmem:v12+s23+$0x0] =	vst.idx.add.f32.msk $0xffff, v7;
	v7 =	vmul.f32 v20, v40  }
0x107: {  	v19 =	vunpack.i.l.bf16.f32 v21;
	[tilespmem:v12+s24+$0x0] =	vst.idx.add.f32.msk $0xffff, v9;
	v9 =	vmul.f32 v22, v40;
	v12 =	vunpack.i.u.bf16.f32 v21  }
0x108: {  	[tilespmem:v11+s23+$0x0] =	vst.idx.add.f32.msk $0xffff, v7;
	v7 =	vmul.f32 v15, v42;
	v15 =	vmul.f32 v14, v42  }
.Ltmp5:
0x109: {  	[tilespmem:v11+s24+$0x0] =	vst.idx.add.f32.msk $0xffff, v9;
	v11 =	vmul.f32 v16, v43;
	v16 =	vmul.f32 v13, v43;
	(pc) =	sbr.rel @p0 .LBB2_12-.Ltmp5, $4  }
0x10a: {  	v14 =	vmul.f32 v18, v44;
	v13 =	vmul.f32 v17, v44;
	[tilespmem:v10+s23+$0x0] =	vst.idx.add.f32.msk $0xffff, v7  }
0x10b: {  	v9 =	vmul.f32 v19, v46;
	v7 =	vmul.f32 v12, v46;
	[tilespmem:v10+s24+$0x0] =	vst.idx.add.f32.msk $0xffff, v15  }
0x10c: {  	[tilespmem:v8+s23+$0x0] =	vst.idx.add.f32.msk $0xffff, v11  }
0x10d: {  	s17 =	sadd.s32 $0x100, s17;
	[tilespmem:v8+s24+$0x0] =	vst.idx.add.f32.msk $0xffff, v16  }
0x10e: {  	_ =	sdelay $0x1  }
0x10f: {  	p0 =	seq.s32 s26, $0x18  }
.Ltmp6:
0x110: {  	_ = 	snop;
	(pc) =	sbr.rel @p0 .LBB2_19-.Ltmp6, $4  }
0x111: {  	[tilespmem:v5+s23+$0x0] =	vst.idx.add.f32.msk $0xffff, v14  }
0x112: {  	[tilespmem:v6+s23+$0x0] =	vst.idx.add.f32.msk $0xffff, v9  }
0x113: {  	[tilespmem:v5+s24+$0x0] =	vst.idx.add.f32.msk $0xffff, v13  }
0x114: {  	[tilespmem:v6+s24+$0x0] =	vst.idx.add.f32.msk $0xffff, v7  }
0x115: {  	s0 =	sadd.s32 $0x640, s0  }
0x116: {  	s3 =	simm.s32 $0xF000;
	s1 =	sadd.s32 s5, s0  }
0x117: {  	s17 =	simm.s32 $0x10;
	s28 =	simm.s32 $0xF100;
	s29 =	sadd.s32 $0x0, s1  }
.LBB2_15:
0x118: {  	[tilespmem:s3], [sflag:$0x1] =	stream.linear.gather [hbm4b:s29+s4], $0x80, $0x38;
	[tilespmem:$0x17C80] =	vst v63  }
0x119: {  	s29 =	smov.u32 s17;
	s3 =	smov.u32 s28;
	p0 =	sne.s32 s17, $0x310  }
.Ltmp7:
0x11a: {  	s17 =	sadd.s32 $0x10, s17;
	(pc) =	sbr.rel @p0 .LBB2_15-.Ltmp7, $2  }
0x11b: {  	_ =	sdelay $0x2  }
0x11c: {  	s28 =	sadd.s32 $0x100, s28;
	s29 =	sadd.s32 s29, s1  }
0x11d: {  	[tilespmem:s3], [sflag:$0x1] =	stream.linear.gather [hbm4b:s29+s4], $0x80, $0x38;
	[tilespmem:$0x17C80] =	vst v63  }
0x11e: {  	s0 =	sadd.s32 s2, s0;
	s1 =	simm.s32 $0x12200  }
0x11f: {  	s3 =	simm.s32 $0x10;
	s17 =	simm.s32 $0x12300;
	s28 =	sadd.s32 $0x0, s0  }
.LBB2_17:
0x120: {  	[tilespmem:s1], [sflag:$0x1] =	stream.linear.gather [hbm4b:s28+s4], $0x80, $0x38;
	[tilespmem:$0x17C80] =	vst v63  }
0x121: {  	s28 =	smov.u32 s3;
	s1 =	smov.u32 s17;
	p0 =	sne.s32 s3, $0x310  }
.Ltmp8:
0x122: {  	s3 =	sadd.s32 $0x10, s3;
	(pc) =	sbr.rel @p0 .LBB2_17-.Ltmp8, $2  }
0x123: {  	_ =	sdelay $0x2  }
0x124: {  	s17 =	sadd.s32 $0x100, s17;
	s28 =	sadd.s32 s28, s0  }
0x125: {  	[tilespmem:s1], [sflag:$0x1] =	stream.linear.gather [hbm4b:s28+s4], $0x80, $0x38;
	[tilespmem:$0x17C80] =	vst v63  }
.LBB2_19:
0x126: {  	_ =	swait.ge [sflag:s20], $0x1900  }
0x127: {  	[sflag:s20] =	ssyncset.done $0x0  }
0x128: {  	[sflag:s20] =	ssyncadd.s32 $0xFFFFE700  }
0x129: {  	_ =	swait.ge [sflag:s20], $0x1900  }
0x12a: {  	[sflag:s20] =	ssyncset.done $0x0  }
0x12b: {  	s0 =	simm.s32 $0xF0F0;
	[sflag:s20] =	ssyncadd.s32 $0xFFFFE700  }
0x12c: {  	v5 =	vld [tilespmem:s0+$0x0]  }
0x12d: {  	v6 =	vld [tilespmem:s0+$0xFFFFFFA0]  }
0x12e: {  	v7 =	vld [tilespmem:s0+$0xFFFFFFB0]  }
0x12f: {  	v8 =	vld [tilespmem:s0+$0xFFFFFFC0]  }
0x130: {  	v9 =	vld [tilespmem:s0+$0xFFFFFFD0]  }
0x131: {  	v11 =	vld [tilespmem:s0+$0xFFFFFFE0]  }
0x132: {  	v13 =	vld [tilespmem:s0+$0xFFFFFF90]  }
0x133: {  	v14 =	vld [tilespmem:s0+$0xFFFFFFF0];
	s0 =	simm.s32 $0x122F0;
	v10 =	vand.u32 $0x3FFF, v5  }
0x134: {  	v22 =	vld [tilespmem:s0+$0x0]  }
0x135: {  	v53 =	vld [tilespmem:s0+$0xFFFFFF90]  }
0x136: {  	v54 =	vld [tilespmem:s0+$0xFFFFFFA0]  }
0x137: {  	v31 =	vld [tilespmem:s0+$0xFFFFFFB0]  }
0x138: {  	v12 =	vand.u32 $0x3FFF, v6;
	v18 =	vld.idx.msk [tilespmem:v10+s4+$0x0], $0xffff  }
0x139: {  	v32 =	vld [tilespmem:s0+$0xFFFFFFC0];
	v16 =	vand.u32 $0x3FFF, v8  }
0x13a: {  	v34 =	vld [tilespmem:s0+$0xFFFFFFD0];
	v21 =	vand.u32 $0x3FFF, v13  }
0x13b: {  	v35 =	vld [tilespmem:s0+$0xFFFFFFE0];
	v5 =	vshrl.u32 v5, $0xE  }
0x13c: {  	v38 =	vld [tilespmem:s0+$0xFFFFFFF0]  }
0x13d: {  	v20 =	vld.idx.msk [tilespmem:v12+s4+$0x0], $0xffff;
	v28 =	vunpack.i.l.bf16.f32 v18  }
0x13e: {  	v15 =	vand.u32 $0x3FFF, v7;
	v25 =	vld.idx.msk [tilespmem:v16+s4+$0x0], $0xffff;
	v18 =	vunpack.i.u.bf16.f32 v18;
	v28 =	vmul.f32 v28, v22  }
0x13f: {  	v17 =	vand.u32 $0x3FFF, v9;
	v29 =	vld.idx.msk [tilespmem:v21+s4+$0x0], $0xffff;
	v18 =	vmul.f32 v18, v22  }
0x140: {  	v19 =	vand.u32 $0x3FFF, v11;
	[tilespmem:v5+s21+$0x0] =	vst.idx.add.f32.msk $0xffff, v28  }
0x141: {  	v23 =	vand.u32 $0x3FFF, v14;
	[tilespmem:v5+s22+$0x0] =	vst.idx.add.f32.msk $0xffff, v18  }
0x142: {  	v13 =	vshrl.u32 v13, $0xE;
	v10 =	vld.idx.msk [tilespmem:v10+s16+$0x0], $0xffff  }
0x143: {  	v37 =	vshrl.u32 v6, $0xE;
	v24 =	vld.idx.msk [tilespmem:v15+s4+$0x0], $0xffff  }
0x144: {  	v8 =	vshrl.u32 v8, $0xE;
	v26 =	vld.idx.msk [tilespmem:v17+s4+$0x0], $0xffff;
	v33 =	vunpack.i.l.bf16.f32 v29  }
0x145: {  	v27 =	vld.idx.msk [tilespmem:v19+s4+$0x0], $0xffff;
	v55 =	vunpack.i.l.bf16.f32 v20;
	v33 =	vmul.f32 v33, v53  }
0x146: {  	v57 =	vshrl.u32 v9, $0xE;
	v30 =	vld.idx.msk [tilespmem:v23+s4+$0x0], $0xffff;
	v9 =	vunpack.i.l.bf16.f32 v25;
	v56 =	vmul.f32 v55, v54  }
0x147: {  	v9 =	vmul.f32 v9, v32;
	[tilespmem:v13+s21+$0x0] =	vst.idx.add.f32.msk $0xffff, v33;
	v36 =	vunpack.i.l.bf16.f32 v10  }
0x148: {  	[tilespmem:v37+s21+$0x0] =	vst.idx.add.f32.msk $0xffff, v56;
	v6 =	vunpack.i.u.bf16.f32 v10;
	v10 =	vmul.f32 v36, v22  }
0x149: {  	v7 =	vshrl.u32 v7, $0xE;
	v29 =	vunpack.i.u.bf16.f32 v29;
	[tilespmem:v8+s21+$0x0] =	vst.idx.add.f32.msk $0xffff, v9;
	v6 =	vmul.f32 v6, v22  }
0x14a: {  	v29 =	vmul.f32 v29, v53;
	[tilespmem:v5+s23+$0x0] =	vst.idx.add.f32.msk $0xffff, v10;
	v10 =	vunpack.i.u.bf16.f32 v20  }
0x14b: {  	[tilespmem:v5+s24+$0x0] =	vst.idx.add.f32.msk $0xffff, v6;
	v5 =	vunpack.i.l.bf16.f32 v24;
	v6 =	vmul.f32 v10, v54  }
0x14c: {  	[tilespmem:v13+s22+$0x0] =	vst.idx.add.f32.msk $0xffff, v29;
	v10 =	vunpack.i.u.bf16.f32 v24;
	v5 =	vmul.f32 v5, v31  }
0x14d: {  	v10 =	vmul.f32 v10, v31;
	[tilespmem:v37+s22+$0x0] =	vst.idx.add.f32.msk $0xffff, v6;
	v6 =	vunpack.i.u.bf16.f32 v25  }
0x14e: {  	[tilespmem:v7+s21+$0x0] =	vst.idx.add.f32.msk $0xffff, v5;
	v5 =	vshrl.u32 v11, $0xE;
	v11 =	vunpack.i.l.bf16.f32 v26;
	v58 =	vmul.f32 v6, v32  }
0x14f: {  	[tilespmem:v7+s22+$0x0] =	vst.idx.add.f32.msk $0xffff, v10;
	v10 =	vunpack.i.u.bf16.f32 v26;
	v11 =	vmul.f32 v11, v34  }
0x150: {  	v6 =	vshrl.u32 v14, $0xE;
	v10 =	vmul.f32 v10, v34;
	[tilespmem:v8+s22+$0x0] =	vst.idx.add.f32.msk $0xffff, v58  }
0x151: {  	v9 =	vunpack.i.l.bf16.f32 v27;
	[tilespmem:v57+s21+$0x0] =	vst.idx.add.f32.msk $0xffff, v11  }
0x152: {  	v9 =	vmul.f32 v9, v35;
	v11 =	vunpack.i.l.bf16.f32 v30;
	[tilespmem:v57+s22+$0x0] =	vst.idx.add.f32.msk $0xffff, v10  }
0x153: {  	v10 =	vmul.f32 v11, v38;
	v11 =	vld.idx.msk [tilespmem:v15+s16+$0x0], $0xffff  }
0x154: {  	[tilespmem:v5+s21+$0x0] =	vst.idx.add.f32.msk $0xffff, v9;
	v9 =	vunpack.i.u.bf16.f32 v30  }
0x155: {  	v9 =	vmul.f32 v9, v38;
	[tilespmem:v6+s21+$0x0] =	vst.idx.add.f32.msk $0xffff, v10  }
0x156: {  	v14 =	vunpack.i.u.bf16.f32 v27;
	v10 =	vld.idx.msk [tilespmem:v21+s16+$0x0], $0xffff  }
0x157: {  	v14 =	vmul.f32 v14, v35;
	[tilespmem:v6+s22+$0x0] =	vst.idx.add.f32.msk $0xffff, v9  }
0x158: {  	v9 =	vld.idx.msk [tilespmem:v12+s16+$0x0], $0xffff  }
0x159: {  	[tilespmem:v5+s22+$0x0] =	vst.idx.add.f32.msk $0xffff, v14  }
0x15a: {  	v14 =	vld.idx.msk [tilespmem:v17+s16+$0x0], $0xffff  }
0x15b: {  	v59 =	vld.idx.msk [tilespmem:v19+s16+$0x0], $0xffff;
	v15 =	vunpack.i.l.bf16.f32 v10  }
0x15c: {  	v12 =	vld.idx.msk [tilespmem:v16+s16+$0x0], $0xffff;
	v10 =	vunpack.i.u.bf16.f32 v10;
	v15 =	vmul.f32 v15, v53  }
0x15d: {  	v60 =	vld.idx.msk [tilespmem:v23+s16+$0x0], $0xffff;
	v10 =	vmul.f32 v10, v53;
	v61 =	vunpack.i.l.bf16.f32 v9  }
0x15e: {  	v9 =	vunpack.i.u.bf16.f32 v9;
	[tilespmem:v13+s23+$0x0] =	vst.idx.add.f32.msk $0xffff, v15;
	v15 =	vmul.f32 v61, v54  }
0x15f: {  	v62 =	vunpack.i.l.bf16.f32 v11;
	v9 =	vmul.f32 v9, v54;
	[tilespmem:v13+s24+$0x0] =	vst.idx.add.f32.msk $0xffff, v10  }
0x160: {  	v10 =	vunpack.i.u.bf16.f32 v11;
	v11 =	vmul.f32 v62, v31;
	[tilespmem:v37+s23+$0x0] =	vst.idx.add.f32.msk $0xffff, v15  }
0x161: {  	v13 =	vunpack.i.l.bf16.f32 v12;
	[tilespmem:v37+s24+$0x0] =	vst.idx.add.f32.msk $0xffff, v9;
	v9 =	vmul.f32 v10, v31  }
0x162: {  	v10 =	vunpack.i.u.bf16.f32 v12;
	[tilespmem:v7+s23+$0x0] =	vst.idx.add.f32.msk $0xffff, v11;
	v11 =	vmul.f32 v13, v32  }
0x163: {  	v12 =	vunpack.i.l.bf16.f32 v14;
	v10 =	vmul.f32 v10, v32;
	[tilespmem:v7+s24+$0x0] =	vst.idx.add.f32.msk $0xffff, v9  }
0x164: {  	v15 =	vunpack.i.u.bf16.f32 v60;
	v12 =	vmul.f32 v12, v34;
	v7 =	vunpack.i.u.bf16.f32 v14;
	[tilespmem:v8+s23+$0x0] =	vst.idx.add.f32.msk $0xffff, v11  }
0x165: {  	v9 =	vunpack.i.u.bf16.f32 v59;
	v11 =	vunpack.i.l.bf16.f32 v59;
	v63 =	vmul.f32 v7, v34;
	[tilespmem:v8+s24+$0x0] =	vst.idx.add.f32.msk $0xffff, v10  }
0x166: {  	v7 =	vunpack.i.l.bf16.f32 v60;
	v14 =	vmul.f32 v11, v35;
	v13 =	vmul.f32 v9, v35;
	[tilespmem:v57+s23+$0x0] =	vst.idx.add.f32.msk $0xffff, v12  }
0x167: {  	s1 =	simm.s32 $0x0;
	s3 =	simm.s32 $0xF1F0;
	v9 =	vmul.f32 v7, v38;
	v7 =	vmul.f32 v15, v38;
	[tilespmem:v57+s24+$0x0] =	vst.idx.add.f32.msk $0xffff, v63  }
.LBB2_20:
0x168: {  	v16 =	vld [tilespmem:s3+$0x0]  }
0x169: {  	v8 =	vld [tilespmem:s3+$0xFFFFFFA0]  }
0x16a: {  	s1 =	sadd.s32 $0x8, s1;
	v10 =	vld [tilespmem:s3+$0xFFFFFFB0]  }
0x16b: {  	p0 =	slt.u32 s1, $0x188;
	v17 =	vld [tilespmem:s3+$0xFFFFFFC0]  }
0x16c: {  	v18 =	vld [tilespmem:s3+$0xFFFFFFD0]  }
0x16d: {  	v19 =	vld [tilespmem:s3+$0xFFFFFFE0];
	v20 =	vand.u32 $0x3FFF, v16  }
0x16e: {  	v12 =	vshrl.u32 v8, $0xE;
	v15 =	vand.u32 $0x3FFF, v8;
	v21 =	vld [tilespmem:s3+$0xFFFFFFF0]  }
0x16f: {  	v22 =	vld [tilespmem:s3+$0xFFFFFF90];
	v11 =	vshrl.u32 v10, $0xE;
	v23 =	vand.u32 $0x3FFF, v10  }
0x170: {  	v10 =	vshrl.u32 v17, $0xE;
	v17 =	vand.u32 $0x3FFF, v17;
	[tilespmem:v5+s23+$0x0] =	vst.idx.add.f32.msk $0xffff, v14  }
0x171: {  	v8 =	vshrl.u32 v18, $0xE;
	v18 =	vand.u32 $0x3FFF, v18;
	[tilespmem:v5+s24+$0x0] =	vst.idx.add.f32.msk $0xffff, v13  }
0x172: {  	v5 =	vshrl.u32 v19, $0xE;
	v19 =	vand.u32 $0x3FFF, v19;
	v24 =	vld.idx.msk [tilespmem:v20+s4+$0x0], $0xffff  }
0x173: {  	s0 =	sadd.s32 $0x100, s0;
	v25 =	vld.idx.msk [tilespmem:v15+s4+$0x0], $0xffff;
	v14 =	vshrl.u32 v21, $0xE;
	v21 =	vand.u32 $0x3FFF, v21  }
0x174: {  	v13 =	vshrl.u32 v22, $0xE;
	v22 =	vand.u32 $0x3FFF, v22;
	v26 =	vld [tilespmem:s0+$0x0]  }
0x175: {  	v27 =	vld.idx.msk [tilespmem:v23+s4+$0x0], $0xffff  }
0x176: {  	v16 =	vshrl.u32 v16, $0xE;
	v28 =	vld.idx.msk [tilespmem:v17+s4+$0x0], $0xffff  }
0x177: {  	v29 =	vld.idx.msk [tilespmem:v18+s4+$0x0], $0xffff  }
0x178: {  	v31 =	vunpack.i.l.bf16.f32 v24;
	v30 =	vld.idx.msk [tilespmem:v19+s4+$0x0], $0xffff  }
0x179: {  	v24 =	vunpack.i.u.bf16.f32 v24;
	v33 =	vunpack.i.u.bf16.f32 v25;
	v32 =	vld.idx.msk [tilespmem:v22+s4+$0x0], $0xffff;
	v31 =	vmul.f32 v31, v26  }
0x17a: {  	v25 =	vunpack.i.l.bf16.f32 v25;
	v24 =	vmul.f32 v24, v26;
	v34 =	vld.idx.msk [tilespmem:v21+s4+$0x0], $0xffff  }
0x17b: {  	v35 =	vunpack.i.u.bf16.f32 v27;
	v27 =	vunpack.i.l.bf16.f32 v27;
	[tilespmem:v16+s21+$0x0] =	vst.idx.add.f32.msk $0xffff, v31  }
0x17c: {  	v31 =	vunpack.i.u.bf16.f32 v28;
	v28 =	vunpack.i.l.bf16.f32 v28;
	[tilespmem:v16+s22+$0x0] =	vst.idx.add.f32.msk $0xffff, v24  }
0x17d: {  	v24 =	vunpack.i.u.bf16.f32 v29;
	v29 =	vunpack.i.l.bf16.f32 v29;
	v20 =	vld.idx.msk [tilespmem:v20+s16+$0x0], $0xffff  }
0x17e: {  	v37 =	vunpack.i.u.bf16.f32 v30;
	v30 =	vunpack.i.l.bf16.f32 v30;
	v36 =	vld [tilespmem:s0+$0xFFFFFF90]  }
0x17f: {  	v38 =	vunpack.i.u.bf16.f32 v32;
	v32 =	vunpack.i.l.bf16.f32 v32;
	v39 =	vld [tilespmem:s0+$0xFFFFFFA0]  }
0x180: {  	v41 =	vunpack.i.u.bf16.f32 v34;
	v34 =	vunpack.i.l.bf16.f32 v34;
	v40 =	vld [tilespmem:s0+$0xFFFFFFB0]  }
0x181: {  	v42 =	vld [tilespmem:s0+$0xFFFFFFC0]  }
0x182: {  	v43 =	vld [tilespmem:s0+$0xFFFFFFD0]  }
0x183: {  	v45 =	vunpack.i.l.bf16.f32 v20;
	v32 =	vmul.f32 v32, v36;
	v38 =	vmul.f32 v38, v36;
	v44 =	vld [tilespmem:s0+$0xFFFFFFE0]  }
0x184: {  	v20 =	vunpack.i.u.bf16.f32 v20;
	v45 =	vmul.f32 v45, v26;
	v25 =	vmul.f32 v25, v39;
	v46 =	vld [tilespmem:s0+$0xFFFFFFF0]  }
0x185: {  	v20 =	vmul.f32 v20, v26;
	[tilespmem:v13+s21+$0x0] =	vst.idx.add.f32.msk $0xffff, v32;
	v32 =	vmul.f32 v33, v39  }
0x186: {  	v26 =	vmul.f32 v27, v40;
	v27 =	vmul.f32 v35, v40;
	[tilespmem:v16+s23+$0x0] =	vst.idx.add.f32.msk $0xffff, v45  }
0x187: {  	v28 =	vmul.f32 v28, v42;
	v31 =	vmul.f32 v31, v42;
	[tilespmem:v16+s24+$0x0] =	vst.idx.add.f32.msk $0xffff, v20  }
0x188: {  	v16 =	vmul.f32 v29, v43;
	v20 =	vmul.f32 v24, v43;
	[tilespmem:v13+s22+$0x0] =	vst.idx.add.f32.msk $0xffff, v38  }
0x189: {  	v24 =	vmul.f32 v30, v44;
	[tilespmem:v12+s21+$0x0] =	vst.idx.add.f32.msk $0xffff, v25;
	v25 =	vmul.f32 v37, v44  }
0x18a: {  	v29 =	vmul.f32 v34, v46;
	v30 =	vmul.f32 v41, v46;
	[tilespmem:v12+s22+$0x0] =	vst.idx.add.f32.msk $0xffff, v32  }
0x18b: {  	[tilespmem:v11+s21+$0x0] =	vst.idx.add.f32.msk $0xffff, v26  }
0x18c: {  	[tilespmem:v11+s22+$0x0] =	vst.idx.add.f32.msk $0xffff, v27  }
0x18d: {  	[tilespmem:v10+s21+$0x0] =	vst.idx.add.f32.msk $0xffff, v28  }
0x18e: {  	[tilespmem:v10+s22+$0x0] =	vst.idx.add.f32.msk $0xffff, v31  }
0x18f: {  	[tilespmem:v8+s21+$0x0] =	vst.idx.add.f32.msk $0xffff, v16  }
0x190: {  	[tilespmem:v8+s22+$0x0] =	vst.idx.add.f32.msk $0xffff, v20  }
0x191: {  	[tilespmem:v5+s21+$0x0] =	vst.idx.add.f32.msk $0xffff, v24  }
0x192: {  	[tilespmem:v5+s22+$0x0] =	vst.idx.add.f32.msk $0xffff, v25  }
0x193: {  	[tilespmem:v14+s21+$0x0] =	vst.idx.add.f32.msk $0xffff, v29  }
0x194: {  	[tilespmem:v14+s22+$0x0] =	vst.idx.add.f32.msk $0xffff, v30  }
0x195: {  	v16 =	vld.idx.msk [tilespmem:v22+s16+$0x0], $0xffff  }
0x196: {  	v15 =	vld.idx.msk [tilespmem:v15+s16+$0x0], $0xffff  }
0x197: {  	v20 =	vld.idx.msk [tilespmem:v23+s16+$0x0], $0xffff  }
0x198: {  	v17 =	vld.idx.msk [tilespmem:v17+s16+$0x0], $0xffff  }
0x199: {  	v18 =	vld.idx.msk [tilespmem:v18+s16+$0x0], $0xffff  }
0x19a: {  	v19 =	vld.idx.msk [tilespmem:v19+s16+$0x0], $0xffff  }
0x19b: {  	v22 =	vunpack.i.u.bf16.f32 v16;
	v16 =	vunpack.i.l.bf16.f32 v16;
	v21 =	vld.idx.msk [tilespmem:v21+s16+$0x0], $0xffff  }
0x19c: {  	v16 =	vmul.f32 v16, v36;
	v23 =	vunpack.i.u.bf16.f32 v15;
	v15 =	vunpack.i.l.bf16.f32 v15;
	[tilespmem:v6+s23+$0x0] =	vst.idx.add.f32.msk $0xffff, v9  }
0x19d: {  	v9 =	vmul.f32 v22, v36;
	v22 =	vunpack.i.u.bf16.f32 v20;
	v20 =	vunpack.i.l.bf16.f32 v20;
	[tilespmem:v6+s24+$0x0] =	vst.idx.add.f32.msk $0xffff, v7;
	v6 =	vmovc v14  }
0x19e: {  	v7 =	vmul.f32 v15, v39;
	v14 =	vunpack.i.u.bf16.f32 v17;
	v15 =	vunpack.i.l.bf16.f32 v17;
	[tilespmem:v13+s23+$0x0] =	vst.idx.add.f32.msk $0xffff, v16  }
0x19f: {  	v16 =	vunpack.i.l.bf16.f32 v18;
	[tilespmem:v13+s24+$0x0] =	vst.idx.add.f32.msk $0xffff, v9;
	v9 =	vmul.f32 v23, v39;
	v13 =	vunpack.i.u.bf16.f32 v18  }
0x1a0: {  	v17 =	vunpack.i.u.bf16.f32 v19;
	v18 =	vunpack.i.l.bf16.f32 v19;
	[tilespmem:v12+s23+$0x0] =	vst.idx.add.f32.msk $0xffff, v7;
	v7 =	vmul.f32 v20, v40  }
0x1a1: {  	v19 =	vunpack.i.l.bf16.f32 v21;
	[tilespmem:v12+s24+$0x0] =	vst.idx.add.f32.msk $0xffff, v9;
	v9 =	vmul.f32 v22, v40;
	v12 =	vunpack.i.u.bf16.f32 v21  }
0x1a2: {  	[tilespmem:v11+s23+$0x0] =	vst.idx.add.f32.msk $0xffff, v7;
	v7 =	vmul.f32 v15, v42;
	v15 =	vmul.f32 v14, v42  }
.Ltmp9:
0x1a3: {  	[tilespmem:v11+s24+$0x0] =	vst.idx.add.f32.msk $0xffff, v9;
	v11 =	vmul.f32 v16, v43;
	v16 =	vmul.f32 v13, v43;
	(pc) =	sbr.rel @p0 .LBB2_20-.Ltmp9, $4  }
0x1a4: {  	v14 =	vmul.f32 v18, v44;
	v13 =	vmul.f32 v17, v44;
	[tilespmem:v10+s23+$0x0] =	vst.idx.add.f32.msk $0xffff, v7  }
0x1a5: {  	v9 =	vmul.f32 v19, v46;
	v7 =	vmul.f32 v12, v46;
	[tilespmem:v10+s24+$0x0] =	vst.idx.add.f32.msk $0xffff, v15  }
0x1a6: {  	[tilespmem:v8+s23+$0x0] =	vst.idx.add.f32.msk $0xffff, v11  }
0x1a7: {  	s3 =	sadd.s32 $0x100, s3;
	[tilespmem:v8+s24+$0x0] =	vst.idx.add.f32.msk $0xffff, v16  }
0x1a8: {  	_ = 	snop  }
0x1a9: {  	s26 =	sadd.s32 $0x1, s26  }
0x1aa: {  	p0 =	sne.s32 s26, $0x19  }
.Ltmp10:
0x1ab: {  	_ = 	snop;
	(pc) =	sbr.rel @p0 .LBB2_7-.Ltmp10, $4  }
0x1ac: {  	[tilespmem:v5+s23+$0x0] =	vst.idx.add.f32.msk $0xffff, v14  }
0x1ad: {  	[tilespmem:v6+s23+$0x0] =	vst.idx.add.f32.msk $0xffff, v9  }
0x1ae: {  	[tilespmem:v5+s24+$0x0] =	vst.idx.add.f32.msk $0xffff, v13  }
0x1af: {  	[tilespmem:v6+s24+$0x0] =	vst.idx.add.f32.msk $0xffff, v7  }
0x1b0: {  	_ =	sdelay $0x3  }
0x1b1: {  	v7 =	vld.idx.msk [tilespmem:v0+s18+$0x0], $0xffff  }
0x1b2: {  	v8 =	vld.idx.msk [tilespmem:v1+s18+$0x0], $0xffff  }
0x1b3: {  	v6 =	vld.idx.msk [tilespmem:v2+s18+$0x0], $0xffff  }
0x1b4: {  	v5 =	vld.idx.msk [tilespmem:v3+s18+$0x0], $0xffff;
	s0 =	simm.s32 $0x40  }
0x1b5: {  	s1 =	simm.s32 $0x5040;
	v9 =	vld [tilespmem:s0+$0x30]  }
0x1b6: {  	v10 =	vld [tilespmem:s1+$0x30]  }
0x1b7: {  	s3 =	simm.s32 $0x15440;
	v12 =	vld [tilespmem:s0+$0xFFFFFFC0]  }
0x1b8: {  	v11 =	vld [tilespmem:s3+$0x30]  }
0x1b9: {  	v13 =	vld [tilespmem:s0+$0xFFFFFFD0]  }
0x1ba: {  	v14 =	vld [tilespmem:s0+$0xFFFFFFE0]  }
0x1bb: {  	v16 =	vld [tilespmem:s0+$0xFFFFFFF0]  }
0x1bc: {  	v17 =	vld [tilespmem:s0+$0x10]  }
0x1bd: {  	v18 =	vld [tilespmem:s0+$0x20]  }
0x1be: {  	v19 =	vld [tilespmem:s1+$0xFFFFFFC0];
	v15 =	vunpack.i.l.bf16.f32 v9  }
0x1bf: {  	v21 =	vld [tilespmem:s1+$0xFFFFFFD0];
	v10 =	vadd.f32 v10, v15  }
0x1c0: {  	v24 =	vld [tilespmem:s1+$0xFFFFFFE0]  }
0x1c1: {  	v25 =	vld [tilespmem:s1+$0xFFFFFFF0];
	v10 =	vmul.f32 v10, v11  }
0x1c2: {  	v26 =	vld [tilespmem:s1+$0x0]  }
0x1c3: {  	v27 =	vld [tilespmem:s1+$0x10];
	v10 =	vadd.f32 v10, v7  }
0x1c4: {  	v20 =	vld [tilespmem:s3+$0xFFFFFFE0]  }
0x1c5: {  	v15 =	vld [tilespmem:s0+$0x0];
	s0 =	simm.s32 $0x7840;
	[tilespmem:s1+$0x30] =	vst v10  }
0x1c6: {  	v10 =	vld [tilespmem:s0+$0x30]  }
0x1c7: {  	v28 =	vld [tilespmem:s1+$0x20]  }
0x1c8: {  	v22 =	vld [tilespmem:s3+$0xFFFFFFD0];
	v30 =	vunpack.i.l.bf16.f32 v14  }
0x1c9: {  	s28 =	simm.s32 $0x50C0;
	v23 =	vld [tilespmem:s3+$0xFFFFFFF0];
	v30 =	vadd.f32 v24, v30  }
0x1ca: {  	v44 =	vld [tilespmem:s28+$0xFFFFFFC0];
	v9 =	vunpack.i.u.bf16.f32 v9  }
0x1cb: {  	v45 =	vld [tilespmem:s28+$0xFFFFFFD0];
	v31 =	vunpack.i.l.bf16.f32 v16;
	v30 =	vmul.f32 v30, v20;
	v9 =	vadd.f32 v10, v9  }
0x1cc: {  	v29 =	vunpack.i.l.bf16.f32 v12;
	v25 =	vadd.f32 v25, v31;
	v24 =	vld [tilespmem:s3+$0xFFFFFFC0];
	v10 =	vunpack.i.l.bf16.f32 v13  }
0x1cd: {  	v30 =	vadd.f32 v30, v7;
	v10 =	vadd.f32 v21, v10;
	v21 =	vld [tilespmem:s3+$0x0];
	v32 =	vmul.f32 v9, v11  }
0x1ce: {  	v19 =	vadd.f32 v19, v29;
	v25 =	vmul.f32 v25, v23;
	v9 =	vld [tilespmem:s3+$0x10]  }
0x1cf: {  	v33 =	vunpack.i.l.bf16.f32 v15;
	[tilespmem:s1+$0xFFFFFFE0] =	vst v30;
	v53 =	vmul.f32 v10, v22;
	v10 =	vld [tilespmem:s3+$0x20];
	v31 =	vadd.f32 v32, v8  }
0x1d0: {  	v34 =	vunpack.i.l.bf16.f32 v17;
	v35 =	vunpack.i.l.bf16.f32 v18;
	v26 =	vadd.f32 v26, v33;
	v30 =	vld [tilespmem:s0+$0xFFFFFFE0]  }
0x1d1: {  	s17 =	simm.s32 $0x2840;
	v47 =	vld [tilespmem:s28+$0xFFFFFFE0];
	v27 =	vadd.f32 v27, v34;
	v25 =	vadd.f32 v25, v7;
	v19 =	vmul.f32 v19, v24;
	[tilespmem:s0+$0x30] =	vst v31  }
0x1d2: {  	v28 =	vadd.f32 v28, v35;
	s3 =	simm.s32 $0xA040;
	v31 =	vadd.f32 v53, v7;
	v26 =	vmul.f32 v26, v21;
	v54 =	vld [tilespmem:s17+$0x30]  }
0x1d3: {  	[tilespmem:s1+$0xFFFFFFF0] =	vst v25;
	v19 =	vadd.f32 v19, v7;
	v29 =	vld [tilespmem:s3+$0x30];
	v27 =	vmul.f32 v27, v9  }
0x1d4: {  	v60 =	vld [tilespmem:s28+$0xFFFFFFF0];
	v14 =	vunpack.i.u.bf16.f32 v14;
	[tilespmem:s1+$0xFFFFFFD0] =	vst v31;
	v26 =	vadd.f32 v26, v7;
	v28 =	vmul.f32 v28, v10  }
0x1d5: {  	[tilespmem:s1+$0xFFFFFFC0] =	vst v19;
	v14 =	vadd.f32 v30, v14;
	v31 =	vld [tilespmem:s0+$0xFFFFFFD0];
	v25 =	vadd.f32 v27, v7  }
0x1d6: {  	v27 =	vld [tilespmem:s0+$0xFFFFFFF0];
	[tilespmem:s1+$0x0] =	vst v26;
	v26 =	vadd.f32 v28, v7  }
0x1d7: {  	v14 =	vmul.f32 v14, v20;
	v55 =	vld [tilespmem:s0+$0x0];
	[tilespmem:s1+$0x10] =	vst v25;
	v28 =	vunpack.i.l.bf16.f32 v54  }
0x1d8: {  	[tilespmem:s1+$0x20] =	vst v26;
	v26 =	vld [tilespmem:s0+$0xFFFFFFC0];
	v25 =	vadd.f32 v29, v28  }
0x1d9: {  	v12 =	vunpack.i.u.bf16.f32 v12;
	v13 =	vunpack.i.u.bf16.f32 v13;
	v14 =	vadd.f32 v14, v8;
	v19 =	vld [tilespmem:s0+$0x20]  }
0x1da: {  	v16 =	vunpack.i.u.bf16.f32 v16;
	v28 =	vld [tilespmem:s0+$0x10];
	v13 =	vadd.f32 v31, v13;
	v25 =	vmul.f32 v25, v11  }
0x1db: {  	v17 =	vunpack.i.u.bf16.f32 v17;
	v15 =	vunpack.i.u.bf16.f32 v15;
	[tilespmem:s0+$0xFFFFFFE0] =	vst v14;
	v53 =	vld [tilespmem:s28+$0x20];
	v16 =	vadd.f32 v27, v16  }
0x1dc: {  	v57 =	vld [tilespmem:s3+$0xFFFFFFE0];
	v13 =	vmul.f32 v13, v22;
	v15 =	vadd.f32 v55, v15;
	v25 =	vadd.f32 v25, v6  }
0x1dd: {  	s29 =	simm.s32 $0x154C0;
	v18 =	vunpack.i.u.bf16.f32 v18;
	v16 =	vmul.f32 v16, v23;
	v12 =	vadd.f32 v26, v12;
	v26 =	vld [tilespmem:s28+$0x30]  }
0x1de: {  	s26 =	simm.s32 $0xC840;
	v13 =	vadd.f32 v13, v8;
	v15 =	vmul.f32 v15, v21;
	v18 =	vadd.f32 v19, v18;
	[tilespmem:s3+$0x30] =	vst v25;
	v25 =	vld [tilespmem:s29+$0x30]  }
0x1df: {  	v17 =	vadd.f32 v28, v17;
	v27 =	vld [tilespmem:s26+$0x30]  }
0x1e0: {  	[tilespmem:s0+$0xFFFFFFD0] =	vst v13;
	v13 =	vadd.f32 v16, v8;
	v14 =	vadd.f32 v15, v8;
	v15 =	vmul.f32 v18, v10;
	v18 =	vld [tilespmem:s17+$0xFFFFFFE0]  }
0x1e1: {  	v12 =	vmul.f32 v12, v24;
	v16 =	vmul.f32 v17, v9;
	v17 =	vld [tilespmem:s17+$0xFFFFFFD0]  }
0x1e2: {  	v56 =	vld [tilespmem:s3+$0xFFFFFFD0];
	[tilespmem:s0+$0xFFFFFFF0] =	vst v13  }
0x1e3: {  	v12 =	vadd.f32 v12, v8;
	v13 =	vadd.f32 v16, v8;
	[tilespmem:s0+$0x0] =	vst v14;
	v16 =	vld [tilespmem:s17+$0xFFFFFFF0]  }
0x1e4: {  	v14 =	vadd.f32 v15, v8;
	v15 =	vld [tilespmem:s17+$0x0]  }
0x1e5: {  	[tilespmem:s0+$0xFFFFFFC0] =	vst v12;
	v58 =	vld [tilespmem:s3+$0xFFFFFFF0]  }
0x1e6: {  	[tilespmem:s0+$0x10] =	vst v13;
	v12 =	vld [tilespmem:s17+$0xFFFFFFC0]  }
0x1e7: {  	[tilespmem:s0+$0x20] =	vst v14;
	v13 =	vld [tilespmem:s17+$0x10]  }
0x1e8: {  	v19 =	vld [tilespmem:s17+$0x20];
	s17 =	simm.s32 $0xC0  }
0x1e9: {  	v38 =	vld [tilespmem:s17+$0x30]  }
0x1ea: {  	v36 =	vld [tilespmem:s3+$0x0]  }
0x1eb: {  	v14 =	vld [tilespmem:s3+$0xFFFFFFC0]  }
0x1ec: {  	v37 =	vld [tilespmem:s3+$0x10]  }
0x1ed: {  	v29 =	vunpack.i.u.bf16.f32 v18;
	v18 =	vunpack.i.l.bf16.f32 v18;
	v31 =	vld [tilespmem:s17+$0xFFFFFFC0];
	v30 =	vunpack.i.u.bf16.f32 v16  }
0x1ee: {  	v39 =	vld [tilespmem:s17+$0xFFFFFFD0];
	v16 =	vunpack.i.l.bf16.f32 v16;
	v59 =	vunpack.i.l.bf16.f32 v15;
	v28 =	vunpack.i.l.bf16.f32 v38  }
0x1ef: {  	v40 =	vld [tilespmem:s17+$0xFFFFFFE0];
	v46 =	vunpack.i.l.bf16.f32 v12;
	v26 =	vadd.f32 v26, v28;
	v28 =	vunpack.i.u.bf16.f32 v54  }
0x1f0: {  	v41 =	vld [tilespmem:s17+$0xFFFFFFF0];
	v50 =	vunpack.i.u.bf16.f32 v12;
	v48 =	vunpack.i.l.bf16.f32 v13;
	v27 =	vadd.f32 v27, v28  }
0x1f1: {  	v42 =	vld [tilespmem:s17+$0x0];
	v28 =	vunpack.i.u.bf16.f32 v17;
	v17 =	vunpack.i.l.bf16.f32 v17;
	v26 =	vmul.f32 v26, v25  }
0x1f2: {  	v43 =	vld [tilespmem:s17+$0x10];
	v17 =	vadd.f32 v56, v17;
	v11 =	vmul.f32 v27, v11;
	v27 =	vunpack.i.u.bf16.f32 v15  }
0x1f3: {  	v32 =	vld [tilespmem:s17+$0x20];
	v15 =	vunpack.i.u.bf16.f32 v13;
	v13 =	vadd.f32 v57, v18;
	v26 =	vadd.f32 v26, v7  }
0x1f4: {  	v35 =	vadd.f32 v58, v16;
	v36 =	vadd.f32 v36, v59;
	v12 =	vmul.f32 v17, v22;
	v17 =	vld [tilespmem:s28+$0x10]  }
0x1f5: {  	s30 =	simm.s32 $0x78C0;
	v37 =	vadd.f32 v37, v48;
	v16 =	vunpack.i.l.bf16.f32 v31;
	v52 =	vmul.f32 v13, v20;
	v13 =	vld [tilespmem:s29+$0xFFFFFFD0];
	[tilespmem:s28+$0x30] =	vst v26  }
0x1f6: {  	v63 =	vunpack.i.l.bf16.f32 v41;
	v26 =	vadd.f32 v11, v5;
	v11 =	vadd.f32 v14, v46;
	v14 =	vld [tilespmem:s30+$0x30]  }
0x1f7: {  	v59 =	vunpack.i.l.bf16.f32 v43;
	v44 =	vadd.f32 v44, v16;
	v46 =	vadd.f32 v12, v6;
	v12 =	vld [tilespmem:s29+$0xFFFFFFE0]  }
0x1f8: {  	v61 =	vld [tilespmem:s28+$0x0];
	v33 =	vadd.f32 v60, v63;
	v18 =	vunpack.i.l.bf16.f32 v39;
	v11 =	vmul.f32 v11, v24  }
0x1f9: {  	v62 =	vunpack.i.l.bf16.f32 v40;
	v16 =	vadd.f32 v45, v18;
	v48 =	vadd.f32 v17, v59;
	v17 =	vld [tilespmem:s29+$0x20]  }
0x1fa: {  	v51 =	vadd.f32 v11, v6;
	v11 =	vunpack.i.u.bf16.f32 v38;
	v38 =	vadd.f32 v47, v62  }
0x1fb: {  	v60 =	vunpack.i.l.bf16.f32 v32;
	v55 =	vmul.f32 v16, v13;
	v16 =	vld [tilespmem:s29+$0xFFFFFFC0];
	v11 =	vadd.f32 v14, v11  }
0x1fc: {  	v58 =	vld [tilespmem:s3+$0x20];
	v54 =	vunpack.i.l.bf16.f32 v42;
	v53 =	vadd.f32 v53, v60;
	v38 =	vmul.f32 v38, v12  }
0x1fd: {  	v34 =	vadd.f32 v61, v54;
	v14 =	vld [tilespmem:s29+$0xFFFFFFF0];
	v61 =	vadd.f32 v55, v7;
	v57 =	vmul.f32 v11, v25  }
0x1fe: {  	v18 =	vld [tilespmem:s29+$0x10];
	v38 =	vadd.f32 v38, v7;
	v63 =	vmul.f32 v53, v17  }
0x1ff: {  	v11 =	vld [tilespmem:s29+$0x0];
	[tilespmem:s28+$0xFFFFFFD0] =	vst v61;
	v45 =	vadd.f32 v57, v8  }
0x200: {  	v44 =	vmul.f32 v44, v16;
	[tilespmem:s28+$0xFFFFFFE0] =	vst v38;
	v38 =	vld [tilespmem:s30+$0xFFFFFFD0];
	v59 =	vadd.f32 v63, v7  }
0x201: {  	s0 =	simm.s32 $0x28C0;
	v49 =	vunpack.i.l.bf16.f32 v19;
	v19 =	vunpack.i.u.bf16.f32 v19;
	v35 =	vmul.f32 v35, v23;
	v56 =	vld [tilespmem:s30+$0xFFFFFFE0];
	[tilespmem:s30+$0x30] =	vst v45  }
0x202: {  	v36 =	vmul.f32 v36, v21;
	v33 =	vmul.f32 v33, v14;
	v44 =	vadd.f32 v44, v7;
	[tilespmem:s28+$0x20] =	vst v59;
	v54 =	vld [tilespmem:s0+$0x30]  }
0x203: {  	s31 =	simm.s32 $0xA0C0;
	v40 =	vunpack.i.u.bf16.f32 v40;
	v41 =	vunpack.i.u.bf16.f32 v41;
	v35 =	vadd.f32 v35, v6;
	[tilespmem:s3+$0xFFFFFFD0] =	vst v46;
	v63 =	vld [tilespmem:s30+$0x20]  }
0x204: {  	v39 =	vunpack.i.u.bf16.f32 v39;
	v34 =	vmul.f32 v34, v11;
	v62 =	vld [tilespmem:s31+$0x30];
	v33 =	vadd.f32 v33, v7;
	[tilespmem:s28+$0xFFFFFFC0] =	vst v44  }
0x205: {  	v52 =	vadd.f32 v52, v6;
	v47 =	vadd.f32 v58, v49;
	v48 =	vmul.f32 v48, v18;
	[tilespmem:s3+$0xFFFFFFC0] =	vst v51;
	v51 =	vld [tilespmem:s30+$0xFFFFFFC0]  }
0x206: {  	v31 =	vunpack.i.u.bf16.f32 v31;
	v53 =	vld [tilespmem:s26+$0xFFFFFFD0];
	v34 =	vadd.f32 v34, v7;
	[tilespmem:s28+$0xFFFFFFF0] =	vst v33;
	v38 =	vadd.f32 v38, v39  }
0x207: {  	v32 =	vunpack.i.u.bf16.f32 v32;
	[tilespmem:s3+$0xFFFFFFF0] =	vst v35;
	v57 =	vadd.f32 v48, v7;
	v58 =	vld [tilespmem:s30+$0xFFFFFFF0];
	v40 =	vadd.f32 v56, v40  }
0x208: {  	v39 =	vld [tilespmem:s26+$0xFFFFFFC0];
	[tilespmem:s28+$0x0] =	vst v34;
	v38 =	vmul.f32 v38, v13;
	v60 =	vunpack.i.l.bf16.f32 v54;
	v32 =	vadd.f32 v63, v32  }
0x209: {  	[tilespmem:s28+$0x10] =	vst v57;
	v34 =	vadd.f32 v36, v6;
	v61 =	vld [tilespmem:s30+$0x0];
	v55 =	vmul.f32 v40, v12;
	v45 =	vadd.f32 v62, v60  }
0x20a: {  	[tilespmem:s3+$0xFFFFFFE0] =	vst v52;
	v62 =	vld [tilespmem:s30+$0x10];
	v38 =	vadd.f32 v38, v8;
	v31 =	vadd.f32 v51, v31;
	v32 =	vmul.f32 v32, v17  }
0x20b: {  	v43 =	vunpack.i.u.bf16.f32 v43;
	v57 =	vld [tilespmem:s26+$0xFFFFFFE0];
	[tilespmem:s3+$0x0] =	vst v34;
	v59 =	vadd.f32 v55, v8;
	v45 =	vmul.f32 v45, v25  }
0x20c: {  	v41 =	vadd.f32 v58, v41;
	v58 =	vld [tilespmem:s26+$0xFFFFFFF0];
	[tilespmem:s30+$0xFFFFFFD0] =	vst v38;
	v31 =	vmul.f32 v31, v16;
	v32 =	vadd.f32 v32, v8  }
0x20d: {  	v42 =	vunpack.i.u.bf16.f32 v42;
	v37 =	vmul.f32 v37, v9;
	v63 =	vld [tilespmem:s0+$0xFFFFFFD0];
	[tilespmem:s30+$0xFFFFFFE0] =	vst v59;
	v45 =	vadd.f32 v45, v6  }
0x20e: {  	v36 =	vmul.f32 v47, v10;
	v33 =	vadd.f32 v61, v42;
	v48 =	vld [tilespmem:s0+$0xFFFFFFE0];
	v31 =	vadd.f32 v31, v8;
	[tilespmem:s30+$0x20] =	vst v32  }
0x20f: {  	v47 =	vadd.f32 v39, v50;
	v41 =	vmul.f32 v41, v14;
	v56 =	vadd.f32 v62, v43;
	v62 =	vld [tilespmem:s26+$0x0];
	[tilespmem:s31+$0x30] =	vst v45  }
0x210: {  	s1 =	simm.s32 $0xC8C0;
	v37 =	vadd.f32 v37, v6;
	v28 =	vadd.f32 v53, v28;
	v33 =	vmul.f32 v33, v11;
	[tilespmem:s30+$0xFFFFFFC0] =	vst v31;
	v31 =	vld [tilespmem:s0+$0x20]  }
0x211: {  	v29 =	vadd.f32 v57, v29;
	v24 =	vmul.f32 v47, v24;
	v61 =	vadd.f32 v41, v8;
	v60 =	vld [tilespmem:s1+$0x30]  }
0x212: {  	v28 =	vmul.f32 v28, v22;
	v40 =	vmul.f32 v56, v18;
	v53 =	vld [tilespmem:s0+$0xFFFFFFC0];
	v33 =	vadd.f32 v33, v8  }
0x213: {  	v36 =	vadd.f32 v36, v6;
	v29 =	vmul.f32 v29, v20;
	v24 =	vadd.f32 v24, v5;
	v56 =	vld [tilespmem:s31+$0xFFFFFFD0];
	[tilespmem:s30+$0xFFFFFFF0] =	vst v61  }
0x214: {  	v51 =	vunpack.i.u.bf16.f32 v54;
	v30 =	vadd.f32 v58, v30;
	v49 =	vadd.f32 v40, v8;
	v50 =	vld [tilespmem:s0+$0xFFFFFFF0];
	[tilespmem:s30+$0x0] =	vst v33  }
0x215: {  	v29 =	vadd.f32 v29, v5;
	[tilespmem:s26+$0xFFFFFFC0] =	vst v24;
	v24 =	vadd.f32 v28, v5;
	v20 =	vunpack.i.u.bf16.f32 v63;
	v33 =	vld [tilespmem:s0+$0x0]  }
0x216: {  	v30 =	vmul.f32 v30, v23;
	v23 =	vadd.f32 v62, v27;
	v27 =	vld [tilespmem:s31+$0xFFFFFFC0];
	[tilespmem:s30+$0x10] =	vst v49;
	v52 =	vadd.f32 v60, v51  }
0x217: {  	[tilespmem:s3+$0x10] =	vst v37;
	v54 =	vunpack.i.l.bf16.f32 v63;
	v22 =	vunpack.i.u.bf16.f32 v48;
	v39 =	vunpack.i.l.bf16.f32 v48;
	v38 =	vld [tilespmem:s0+$0x10]  }
0x218: {  	v59 =	vld [tilespmem:s31+$0xFFFFFFE0];
	[tilespmem:s26+$0xFFFFFFE0] =	vst v29;
	v30 =	vadd.f32 v30, v5;
	v29 =	vunpack.i.l.bf16.f32 v31;
	v25 =	vmul.f32 v52, v25  }
0x219: {  	[tilespmem:s26+$0x30] =	vst v26;
	v55 =	vmul.f32 v23, v21;
	v60 =	vld [tilespmem:s31+$0xFFFFFFF0];
	v61 =	vunpack.i.l.bf16.f32 v53;
	v41 =	vadd.f32 v56, v54  }
0x21a: {  	[tilespmem:s3+$0x20] =	vst v36;
	v58 =	vadd.f32 v25, v5;
	v21 =	vunpack.i.u.bf16.f32 v33;
	v25 =	vunpack.i.l.bf16.f32 v33;
	v33 =	vld [tilespmem:s31+$0x0]  }
0x21b: {  	[tilespmem:s26+$0xFFFFFFD0] =	vst v24;
	v34 =	vld [tilespmem:s31+$0x10];
	v24 =	vunpack.i.u.bf16.f32 v53;
	v63 =	vadd.f32 v55, v5;
	v62 =	vadd.f32 v27, v61  }
0x21c: {  	v32 =	vld [tilespmem:s31+$0x20];
	[tilespmem:s26+$0xFFFFFFF0] =	vst v30;
	v23 =	vunpack.i.u.bf16.f32 v50;
	v57 =	vunpack.i.l.bf16.f32 v50;
	v26 =	vunpack.i.u.bf16.f32 v38  }
0x21d: {  	v30 =	vld [tilespmem:s26+$0x10];
	[tilespmem:s26+$0x0] =	vst v63;
	v28 =	vunpack.i.l.bf16.f32 v38;
	v37 =	vmul.f32 v62, v16;
	v38 =	vadd.f32 v59, v39  }
0x21e: {  	s17 =	simm.s32 $0x140;
	s3 =	simm.s32 $0x8;
	v35 =	vmul.f32 v41, v13;
	v27 =	vunpack.i.u.bf16.f32 v31;
	v31 =	vld [tilespmem:s26+$0x20];
	v36 =	vadd.f32 v60, v57;
	[tilespmem:s1+$0x30] =	vst v58  }
.LBB2_23:
0x21f: {  	v39 =	vld [tilespmem:s17+$0x30];
	s3 =	sadd.s32 $0x8, s3;
	v37 =	vadd.f32 v37, v6;
	v38 =	vmul.f32 v38, v12;
	v25 =	vadd.f32 v33, v25;
	s28 =	sadd.s32 $0x80, s28  }
0x220: {  	v33 =	vld [tilespmem:s28+$0x30];
	p0 =	slt.u32 s3, $0x278;
	v35 =	vadd.f32 v35, v6;
	v36 =	vmul.f32 v36, v14;
	v28 =	vadd.f32 v34, v28  }
0x221: {  	s29 =	sadd.s32 $0x80, s29;
	v34 =	vld [tilespmem:s17+$0xFFFFFFC0];
	[tilespmem:s31+$0xFFFFFFC0] =	vst v37;
	v37 =	vadd.f32 v38, v6;
	v38 =	vmul.f32 v25, v11;
	v29 =	vadd.f32 v32, v29  }
0x222: {  	v25 =	vld [tilespmem:s29+$0x30];
	[tilespmem:s31+$0xFFFFFFD0] =	vst v35;
	v32 =	vadd.f32 v36, v6;
	v28 =	vmul.f32 v28, v18;
	v15 =	vadd.f32 v30, v15  }
0x223: {  	v30 =	vld [tilespmem:s17+$0xFFFFFFD0];
	[tilespmem:s31+$0xFFFFFFE0] =	vst v37;
	v35 =	vadd.f32 v38, v6;
	v29 =	vmul.f32 v29, v17;
	v19 =	vadd.f32 v31, v19  }
0x224: {  	v31 =	vld [tilespmem:s17+$0xFFFFFFE0];
	v36 =	vunpack.i.l.bf16.f32 v39;
	[tilespmem:s31+$0xFFFFFFF0] =	vst v32;
	v32 =	vadd.f32 v28, v6;
	v37 =	vmul.f32 v15, v9;
	v9 =	vmovc v18  }
0x225: {  	v18 =	vld [tilespmem:s17+$0xFFFFFFF0];
	v33 =	vadd.f32 v33, v36;
	[tilespmem:s31+$0x0] =	vst v35;
	v29 =	vadd.f32 v29, v6;
	v36 =	vmul.f32 v19, v10  }
0x226: {  	v10 =	vmovc v17;
	v28 =	vunpack.i.u.bf16.f32 v34;
	v34 =	vunpack.i.l.bf16.f32 v34;
	v35 =	vld [tilespmem:s17+$0x0];
	[tilespmem:s31+$0x10] =	vst v32;
	v32 =	vadd.f32 v37, v5;
	v15 =	vmovc v26  }
0x227: {  	v17 =	vld [tilespmem:s17+$0x10];
	v26 =	vmul.f32 v33, v25;
	[tilespmem:s31+$0x20] =	vst v29;
	v29 =	vadd.f32 v36, v5;
	v19 =	vmov v27  }
0x228: {  	v33 =	vunpack.i.u.bf16.f32 v30;
	v27 =	vunpack.i.l.bf16.f32 v30;
	v30 =	vld [tilespmem:s17+$0x20];
	[tilespmem:s26+$0x10] =	vst v32  }
0x229: {  	v32 =	vld [tilespmem:s28+$0xFFFFFFC0];
	v36 =	vunpack.i.u.bf16.f32 v31;
	v31 =	vunpack.i.l.bf16.f32 v31;
	v26 =	vadd.f32 v26, v7;
	[tilespmem:s26+$0x20] =	vst v29;
	s26 =	smov.u32 s1  }
0x22a: {  	v29 =	vld [tilespmem:s28+$0xFFFFFFD0];
	v37 =	vunpack.i.u.bf16.f32 v18;
	v18 =	vunpack.i.l.bf16.f32 v18  }
0x22b: {  	s30 =	sadd.s32 $0x80, s30;
	v38 =	vld [tilespmem:s28+$0xFFFFFFE0];
	v40 =	vunpack.i.u.bf16.f32 v35;
	v35 =	vunpack.i.l.bf16.f32 v35;
	[tilespmem:s28+$0x30] =	vst v26  }
0x22c: {  	v41 =	vunpack.i.u.bf16.f32 v17;
	v17 =	vunpack.i.l.bf16.f32 v17;
	v26 =	vld [tilespmem:s30+$0x30]  }
0x22d: {  	v42 =	vld [tilespmem:s28+$0xFFFFFFF0];
	v43 =	vunpack.i.u.bf16.f32 v30;
	v44 =	vunpack.i.l.bf16.f32 v30  }
0x22e: {  	v32 =	vadd.f32 v32, v34;
	v30 =	vld [tilespmem:s28+$0x0]  }
0x22f: {  	v34 =	vadd.f32 v29, v27;
	v45 =	vld [tilespmem:s28+$0x10]  }
0x230: {  	v29 =	vunpack.i.u.bf16.f32 v39;
	v31 =	vadd.f32 v38, v31;
	v38 =	vld [tilespmem:s28+$0x20]  }
0x231: {  	v27 =	vld [tilespmem:s29+$0xFFFFFFD0];
	v39 =	vadd.f32 v26, v29  }
0x232: {  	v29 =	vld [tilespmem:s29+$0xFFFFFFE0];
	v42 =	vadd.f32 v42, v18  }
0x233: {  	v26 =	vld [tilespmem:s29+$0xFFFFFFF0];
	v35 =	vadd.f32 v30, v35;
	v39 =	vmul.f32 v39, v25  }
0x234: {  	v30 =	vld [tilespmem:s29+$0x0];
	v45 =	vadd.f32 v45, v17  }
0x235: {  	v18 =	vld [tilespmem:s29+$0x10];
	v38 =	vadd.f32 v38, v44;
	v39 =	vadd.f32 v39, v8  }
0x236: {  	v34 =	vmul.f32 v34, v27;
	v17 =	vld [tilespmem:s29+$0x20]  }
0x237: {  	s0 =	sadd.s32 $0x80, s0;
	v44 =	vld [tilespmem:s29+$0xFFFFFFC0];
	v31 =	vmul.f32 v31, v29;
	[tilespmem:s30+$0x30] =	vst v39  }
0x238: {  	s31 =	sadd.s32 $0x80, s31;
	v34 =	vadd.f32 v34, v7;
	v39 =	vmul.f32 v42, v26;
	v42 =	vld [tilespmem:s0+$0x30]  }
0x239: {  	v31 =	vadd.f32 v31, v7;
	v35 =	vmul.f32 v35, v30;
	v46 =	vld [tilespmem:s31+$0x30]  }
0x23a: {  	[tilespmem:s28+$0xFFFFFFD0] =	vst v34;
	v34 =	vadd.f32 v39, v7;
	v39 =	vmul.f32 v45, v18;
	v45 =	vld [tilespmem:s1+$0xFFFFFFC0]  }
0x23b: {  	v47 =	vld [tilespmem:s30+$0xFFFFFFD0];
	[tilespmem:s28+$0xFFFFFFE0] =	vst v31;
	v31 =	vadd.f32 v35, v7;
	v35 =	vmul.f32 v38, v17  }
0x23c: {  	v32 =	vmul.f32 v32, v44;
	v38 =	vld [tilespmem:s30+$0xFFFFFFE0];
	[tilespmem:s28+$0xFFFFFFF0] =	vst v34;
	v34 =	vadd.f32 v39, v7  }
0x23d: {  	v39 =	vld [tilespmem:s30+$0xFFFFFFF0];
	[tilespmem:s28+$0x0] =	vst v31;
	v31 =	vadd.f32 v35, v7;
	v35 =	vunpack.i.l.bf16.f32 v42  }
0x23e: {  	v32 =	vadd.f32 v32, v7;
	v48 =	vld [tilespmem:s30+$0x0];
	[tilespmem:s28+$0x10] =	vst v34;
	v34 =	vadd.f32 v46, v35  }
0x23f: {  	v35 =	vld [tilespmem:s30+$0x10];
	[tilespmem:s28+$0x20] =	vst v31;
	v24 =	vadd.f32 v45, v24  }
0x240: {  	[tilespmem:s28+$0xFFFFFFC0] =	vst v32;
	v31 =	vadd.f32 v47, v33;
	v32 =	vld [tilespmem:s30+$0x20];
	v33 =	vmul.f32 v34, v25  }
0x241: {  	v34 =	vld [tilespmem:s30+$0xFFFFFFC0];
	v36 =	vadd.f32 v38, v36;
	v24 =	vmul.f32 v24, v16;
	v16 =	vmov v44  }
0x242: {  	v31 =	vmul.f32 v31, v27;
	v37 =	vadd.f32 v39, v37;
	v33 =	vadd.f32 v33, v6;
	v38 =	vld [tilespmem:s1+$0xFFFFFFD0]  }
0x243: {  	v36 =	vmul.f32 v36, v29;
	v39 =	vadd.f32 v48, v40;
	v24 =	vadd.f32 v24, v5;
	v40 =	vld [tilespmem:s1+$0xFFFFFFE0]  }
0x244: {  	s1 =	sadd.s32 $0x80, s1;
	v31 =	vadd.f32 v31, v8;
	v37 =	vmul.f32 v37, v26;
	v35 =	vadd.f32 v35, v41;
	[tilespmem:s31+$0x30] =	vst v33;
	v33 =	vld [tilespmem:s26+$0xFFFFFFF0]  }
0x245: {  	v36 =	vadd.f32 v36, v8;
	v39 =	vmul.f32 v39, v30;
	v32 =	vadd.f32 v32, v43;
	v41 =	vld [tilespmem:s1+$0x30];
	[tilespmem:s26+$0xFFFFFFC0] =	vst v24  }
0x246: {  	v24 =	vadd.f32 v34, v28;
	[tilespmem:s30+$0xFFFFFFD0] =	vst v31;
	v28 =	vadd.f32 v37, v8;
	v31 =	vmul.f32 v35, v18;
	v34 =	vld [tilespmem:s26+$0x0]  }
0x247: {  	v35 =	vld [tilespmem:s0+$0xFFFFFFD0];
	[tilespmem:s30+$0xFFFFFFE0] =	vst v36;
	v36 =	vadd.f32 v39, v8;
	v32 =	vmul.f32 v32, v17;
	v20 =	vadd.f32 v38, v20  }
0x248: {  	v24 =	vmul.f32 v24, v16;
	v37 =	vld [tilespmem:s0+$0xFFFFFFE0];
	[tilespmem:s30+$0xFFFFFFF0] =	vst v28;
	v28 =	vadd.f32 v31, v8;
	v22 =	vadd.f32 v40, v22  }
0x249: {  	v31 =	vld [tilespmem:s0+$0xFFFFFFF0];
	[tilespmem:s30+$0x0] =	vst v36;
	v32 =	vadd.f32 v32, v8;
	v36 =	vunpack.i.u.bf16.f32 v42;
	v23 =	vadd.f32 v33, v23  }
0x24a: {  	v24 =	vadd.f32 v24, v8;
	v33 =	vld [tilespmem:s0+$0x0];
	[tilespmem:s30+$0x10] =	vst v28;
	v28 =	vadd.f32 v41, v36;
	v36 =	vmul.f32 v20, v13  }
0x24b: {  	v38 =	vld [tilespmem:s0+$0x10];
	[tilespmem:s30+$0x20] =	vst v32;
	v32 =	vmul.f32 v22, v12;
	v39 =	vmul.f32 v23, v14;
	v23 =	vadd.f32 v34, v21  }
0x24c: {  	v13 =	vmovc v27;
	v12 =	vmovc v29;
	[tilespmem:s30+$0xFFFFFFC0] =	vst v24;
	v20 =	vunpack.i.u.bf16.f32 v35;
	v35 =	vunpack.i.l.bf16.f32 v35;
	v24 =	vld [tilespmem:s0+$0x20];
	v21 =	vmul.f32 v28, v25  }
0x24d: {  	v14 =	vmovc v26;
	v34 =	vld [tilespmem:s0+$0xFFFFFFC0];
	v22 =	vunpack.i.u.bf16.f32 v37;
	v40 =	vunpack.i.l.bf16.f32 v37;
	v37 =	vmul.f32 v23, v11;
	v11 =	vmovc v30  }
0x24e: {  	v30 =	vld [tilespmem:s31+$0xFFFFFFC0];
	v23 =	vunpack.i.u.bf16.f32 v31;
	v31 =	vunpack.i.l.bf16.f32 v31;
	v27 =	vadd.f32 v21, v5  }
0x24f: {  	v41 =	vld [tilespmem:s31+$0xFFFFFFD0];
	v21 =	vunpack.i.u.bf16.f32 v33;
	v25 =	vunpack.i.l.bf16.f32 v33;
	v33 =	vadd.f32 v36, v5  }
0x250: {  	v32 =	vadd.f32 v32, v5;
	v36 =	vld [tilespmem:s31+$0xFFFFFFE0];
	v26 =	vunpack.i.u.bf16.f32 v38;
	v28 =	vunpack.i.l.bf16.f32 v38;
	[tilespmem:s1+$0x30] =	vst v27  }
0x251: {  	v38 =	vadd.f32 v39, v5;
	v42 =	vld [tilespmem:s31+$0xFFFFFFF0];
	v27 =	vunpack.i.u.bf16.f32 v24;
	v29 =	vunpack.i.l.bf16.f32 v24;
	[tilespmem:s26+$0xFFFFFFD0] =	vst v33  }
.Ltmp11:
0x252: {  	v37 =	vadd.f32 v37, v5;
	v24 =	vunpack.i.u.bf16.f32 v34;
	v34 =	vunpack.i.l.bf16.f32 v34;
	v33 =	vld [tilespmem:s31+$0x0];
	[tilespmem:s26+$0xFFFFFFE0] =	vst v32;
	(pc) =	sbr.rel @p0 .LBB2_23-.Ltmp11, $4  }
0x253: {  	v30 =	vadd.f32 v30, v34;
	v34 =	vld [tilespmem:s31+$0x10];
	[tilespmem:s26+$0xFFFFFFF0] =	vst v38  }
0x254: {  	v35 =	vadd.f32 v41, v35;
	v32 =	vld [tilespmem:s31+$0x20];
	[tilespmem:s26+$0x0] =	vst v37  }
0x255: {  	v37 =	vmul.f32 v30, v16;
	v38 =	vadd.f32 v36, v40;
	v30 =	vld [tilespmem:s26+$0x10]  }
0x256: {  	s17 =	sadd.s32 $0x80, s17;
	v35 =	vmul.f32 v35, v13;
	v36 =	vadd.f32 v42, v31;
	v31 =	vld [tilespmem:s26+$0x20]  }
0x257: {  	v7 =	vadd.f32 v37, v6;
	v8 =	vmul.f32 v38, v12;
	v25 =	vadd.f32 v33, v25  }
0x258: {  	v42 =	vadd.f32 v35, v6;
	v43 =	vmul.f32 v36, v14;
	v28 =	vadd.f32 v34, v28  }
0x259: {  	[tilespmem:s31+$0xFFFFFFC0] =	vst v7;
	v7 =	vadd.f32 v8, v6;
	v44 =	vmul.f32 v25, v11;
	v45 =	vadd.f32 v32, v29  }
0x25a: {  	[tilespmem:s31+$0xFFFFFFD0] =	vst v42;
	v46 =	vadd.f32 v43, v6;
	v28 =	vmul.f32 v28, v18;
	v47 =	vld [tilespmem:s1+$0xFFFFFFC0]  }
0x25b: {  	[tilespmem:s31+$0xFFFFFFE0] =	vst v7;
	v7 =	vadd.f32 v44, v6;
	v48 =	vmul.f32 v45, v17;
	v49 =	vld [tilespmem:s1+$0xFFFFFFD0]  }
0x25c: {  	[tilespmem:s31+$0xFFFFFFF0] =	vst v46;
	v28 =	vadd.f32 v28, v6;
	v50 =	vld [tilespmem:s1+$0xFFFFFFE0]  }
0x25d: {  	v15 =	vadd.f32 v30, v15;
	[tilespmem:s31+$0x0] =	vst v7;
	v6 =	vadd.f32 v48, v6;
	v7 =	vld [tilespmem:s1+$0xFFFFFFF0]  }
0x25e: {  	v51 =	vadd.f32 v31, v19;
	[tilespmem:s31+$0x10] =	vst v28;
	v52 =	vld [tilespmem:s1+$0x0]  }
0x25f: {  	v9 =	vmul.f32 v15, v9;
	[tilespmem:s31+$0x20] =	vst v6;
	v6 =	vadd.f32 v47, v24;
	v53 =	vld [tilespmem:s1+$0x10]  }
0x260: {  	v8 =	vmul.f32 v51, v10;
	v54 =	vadd.f32 v49, v20;
	v55 =	vld [tilespmem:s1+$0x20]  }
0x261: {  	v9 =	vadd.f32 v9, v5;
	v6 =	vmul.f32 v6, v16;
	v56 =	vadd.f32 v50, v22  }
0x262: {  	v8 =	vadd.f32 v8, v5;
	v7 =	vadd.f32 v7, v23;
	v10 =	vmul.f32 v54, v13  }
0x263: {  	[tilespmem:s26+$0x10] =	vst v9;
	v6 =	vadd.f32 v6, v5;
	v57 =	vmul.f32 v56, v12;
	v58 =	vadd.f32 v52, v21  }
0x264: {  	[tilespmem:s26+$0x20] =	vst v8;
	v7 =	vmul.f32 v7, v14;
	v59 =	vadd.f32 v10, v5;
	v60 =	vadd.f32 v53, v26  }
0x265: {  	[tilespmem:s1+$0xFFFFFFC0] =	vst v6;
	v6 =	vmul.f32 v58, v11;
	v9 =	vadd.f32 v57, v5;
	v61 =	vadd.f32 v55, v27  }
0x266: {  	[tilespmem:s1+$0xFFFFFFD0] =	vst v59;
	v7 =	vadd.f32 v7, v5;
	v62 =	vmul.f32 v60, v18  }
0x267: {  	[tilespmem:s1+$0xFFFFFFE0] =	vst v9;
	v6 =	vadd.f32 v6, v5;
	v63 =	vmul.f32 v61, v17  }
0x268: {  	[tilespmem:s1+$0xFFFFFFF0] =	vst v7;
	v7 =	vadd.f32 v62, v5  }
0x269: {  	[tilespmem:s1+$0x0] =	vst v6;
	v5 =	vadd.f32 v63, v5  }
0x26a: {  	[tilespmem:s1+$0x10] =	vst v7  }
0x26b: {  	[tilespmem:s1+$0x20] =	vst v5  }
0x26c: {  	[hbm4b:s9+s14] =	stream.strided.scatter [tilespmem:s21], [sflag:$0x1], $0x2800, s15, s14, $0x38;
	[tilespmem:$0x17C80] =	vst v63  }
0x26d: {  	_ = 	snop  }
0x26e: {  	[hbm4b:s10+s14] =	stream.strided.scatter [tilespmem:s22], [sflag:$0x1], $0x2800, s15, s14, $0x38;
	[tilespmem:$0x17C80] =	vst v63  }
0x26f: {  	_ = 	snop  }
0x270: {  	[hbm4b:s11+s14] =	stream.strided.scatter [tilespmem:s23], [sflag:$0x1], $0x2800, s15, s14, $0x38;
	[tilespmem:$0x17C80] =	vst v63  }
0x271: {  	_ = 	snop  }
0x272: {  	[hbm4b:s12+s14] =	stream.strided.scatter [tilespmem:s24], [sflag:$0x1], $0x2800, s15, s14, $0x38;
	[tilespmem:$0x17C80] =	vst v63  }
0x273: {  	_ =	swait.ge [sflag:s19], $0x2800  }
0x274: {  	[sflag:s19] =	ssyncset.done $0x0  }
0x275: {  	[sflag:s19] =	ssyncadd.s32 $0xFFFFD800  }
0x276: {  	_ =	swait.ge [sflag:s19], $0x2800  }
0x277: {  	[sflag:s19] =	ssyncset.done $0x0  }
0x278: {  	s25 =	sadd.s32 $0x1, s25;
	[sflag:s19] =	ssyncadd.s32 $0xFFFFD800  }
0x279: {  	p0 =	sne.s32 s25, s13;
	_ =	swait.ge [sflag:s19], $0x2800  }
.Ltmp12:
0x27a: {  	[sflag:s19] =	ssyncset.done $0x0;
	(pc) =	sbr.rel @p0 .LBB2_1-.Ltmp12, $4  }
0x27b: {  	[sflag:s19] =	ssyncadd.s32 $0xFFFFD800  }
0x27c: {  	_ =	swait.ge [sflag:s19], $0x2800  }
0x27d: {  	[sflag:s19] =	ssyncset.done $0x0  }
0x27e: {  	[sflag:s19] =	ssyncadd.s32 $0xFFFFD800  }
0x27f: {  	_ =	sfence.sel $0x180000  }
0x280: {  	[bflag:$0x0] =	sbarrier.arrive $0xFFFF  }
0x281: {  	_ =	strace $0x9000004A  }
0x282: {  	s0 =	stileid.u32;
	[bflag:$0x2] =	sbarrier.arrive $0xFFFF  }
0x283: {  	p0 =	sne.s32 s0, $0x0;
	s0 =	rddreg [dreg:$0x4]  }
0x284: {  	s0 =	sadd.s32 @!p0 $0x100000, s0  }
0x285: {  	[sflag:s0] =	ssyncadd.tile.s32 @!p0 $0x1;
	_ =	shalt  }
.Lfunc_end2:
_tile_overlayer_lowered:
.L_overlay_start_2:
0x286: {  	(tag) =	ssettag $0x2  }
0x287: {  	s0 =	rddreg [dreg:$0x0];
	s2 =	stileid.u32  }
0x288: {  	s1 =	rddreg [dreg:$0x1];
	p0 =	sne.s32 s2, $0x0  }
0x289: {  	s3 =	rddreg [dreg:$0x2];
	[bflag:$0x3] =	sbarrier.arrive $0xFFFF;
	s2 =	simm.s32 @!p0 $0x1C03  }
0x28a: {  	[timem:s3], [sflag:s2] =	dma.local @!p0 [hbm:s0], s1  }
0x28b: {  	s0 =	simm.s32 @!p0 $0x3  }
0x28c: {  	_ =	swait.ge @!p0 [sflag:s0], s1  }
0x28d: {  	s1 =	ssub.s32 @!p0 $0x0, s1;
	[sflag:s0] =	ssyncset.done @!p0 $0x0  }
0x28e: {  	[sflag:s0] =	ssyncadd.s32 @!p0 s1  }
0x28f: {  	[bflag:$0x3] =	sbarrier.arrive $0xFFFF  }
0x290: {  	_ =	shalt  }

// kernel: kernel.13.cloned.1.call-start
scs
__scs_entry_jumppad:
0x0: {  	(pc) =	sbr.rel $0x88, $3  }
0x1: {  	(tag) =	ssettag $0x0;
	lr =	simm.s32 $0x1  }
0x2: {  	[smem:$0x3F9A] =	sst lr;
	_ =	strace $0xD0000000  }
0x3: {  	_ = 	snop  }
0x4: {  	_ = 	snop  }
0x5: {  	_ = 	snop  }
0x6: {  	_ = 	snop  }
0x7: {  	_ = 	snop  }
__scs_overlays_trampoline_lowered:
0x8: {  	[smem:$0x3FA9] =	sst s0  }
0x9: {  	[smem:$0x3FAA] =	sst s1  }
0xa: {  	[smem:$0x3FAB] =	sst s2  }
0xb: {  	[smem:$0x3FAC] =	sst s3  }
0xc: {  	[smem:$0x3FAD] =	sst s4  }
0xd: {  	[smem:$0x3FAE] =	sst s5  }
0xe: {  	[smem:$0x3FAF] =	sst s6  }
0xf: {  	[smem:$0x3FB0] =	sst s7  }
0x10: {  	[smem:$0x3FB1] =	sst s8  }
0x11: {  	[smem:$0x3FB2] =	sst s9;
	s0 =	simm.s32 @!p0 $0x0  }
0x12: {  	s1 =	sld [smem:$0x3F98];
	s0 =	simm.s32 @p0 $0x1  }
0x13: {  	[smem:$0x3FB3] =	sst s0;
	s0 =	simm.s32 @!p1 $0x0  }
0x14: {  	s2 =	sld [smem:$0x3F97];
	s0 =	simm.s32 @p1 $0x1  }
0x15: {  	[smem:$0x3FB4] =	sst s0;
	s0 =	simm.s32 @!p2 $0x0  }
0x16: {  	s3 =	sld [smem:$0x3FDB];
	s0 =	simm.s32 @p2 $0x1  }
0x17: {  	s4 =	simm.s32 $0x1BF5;
	[smem:$0x3FB6] =	sst s0  }
0x18: {  	s0 =	sld [smem:$0x3F99];
	_ =	swait.ge [sflag:s4], $0x0  }
0x19: {  	s7 =	sld [smem:$0x3F9A]  }
0x1a: {  	s8 =	sadd.s32 $0xFFFFE003, lr  }
0x1b: {  	s9 =	sadd.s32 $0xFFFFFEF7, lr;
	s5 =	simm.s32 $0xFFFFFFFF;
	p2 =	slt.u32 s8, $0xFFFFF086  }
0x1c: {  	p1 =	slt.u32 s9, $0xF7A;
	s5 =	simm.s32 @!p2 $0x0  }
0x1d: {  	s5 =	simm.s32 @p1 $0x1;
	p0 =	seq.s32 s7, s2  }
0x1e: {  	s7 =	smul.u32 @!p0 $0xF7A, s2;
	p2 =	seq.s32 @!p0 s5, $0x0  }
0x1f: {  	s9 =	smul.u32 $0xF7A, s1;
	s8 =	simm.s32 @!p0 $0x1BF5;
	p2 =	por !p2, p0  }
0x20: {  	[sflag:s8] =	ssyncset.s32 @!p0 $0xFFFFF086;
	s6 =	sadd.s32 @!p0 s3, s7;
	s7 =	simm.s32 @!p0 $0x108  }
0x21: {  	s3 =	sadd.s32 s3, s9;
	s6 =	sadd.s32 @!p0 $0x88, s6;
	s7 =	simm.s32 @p2 $0x1082  }
0x22: {  	[simem:s7], [sflag:s8] =	dma.local @!p0 [hbm:s6], $0xF7A  }
0x23: {  	s9 =	sor.u32 $0xD0000000, s2;
	s6 =	simm.s32 $0x108;
	_ =	swait.ge @!p0 [sflag:s8], $0x0  }
0x24: {  	s3 =	sadd.s32 $0x88, s3;
	s6 =	simm.s32 @!p1 $0x1082;
	[sflag:s4] =	ssyncset.s32 $0xFFFFF086  }
0x25: {  	[simem:s6], [sflag:s4] =	dma.local [hbm:s3], $0xF7A  }
0x26: {  	[smem:$0x3F9A] =	sst s1;
	(tag) =	ssettag s2;
	_ =	strace s9  }
0x27: {  	s1 =	sld [smem:$0x3FAA]  }
0x28: {  	s2 =	sld [smem:$0x3FAB]  }
0x29: {  	s4 =	sld [smem:$0x3FAD]  }
0x2a: {  	p0 =	seq.s32 s5, $0x0;
	s5 =	sld [smem:$0x3FAE]  }
0x2b: {  	s6 =	sld [smem:$0x3FAF]  }
0x2c: {  	s7 =	sld [smem:$0x3FB0]  }
0x2d: {  	s3 =	simm.s32 $0x108;
	s8 =	sld [smem:$0x3FB1]  }
0x2e: {  	s3 =	simm.s32 @!p0 $0x1082;
	s9 =	sld [smem:$0x3FB2]  }
0x2f: {  	lr =	sadd.s32 s0, s3;
	s0 =	sld [smem:$0x3FA9]  }
0x30: {  	s3 =	sld [smem:$0x3FAC]  }
0x31: {  	[smem:$0x3FB5] =	sst s10  }
0x32: {  	s10 =	sld [smem:$0x3FB3];
	_ =	sdelay $0x3  }
0x33: {  	p0 =	seq.s32 s10, $0x1;
	s10 =	sld [smem:$0x3FB5];
	_ =	sdelay $0x3  }
0x34: {  	[smem:$0x3FB5] =	sst s10  }
0x35: {  	s10 =	sld [smem:$0x3FB4];
	_ =	sdelay $0x3  }
0x36: {  	p1 =	seq.s32 s10, $0x1;
	s10 =	sld [smem:$0x3FB5];
	_ =	sdelay $0x3  }
0x37: {  	[smem:$0x3FB5] =	sst s10  }
0x38: {  	s10 =	sld [smem:$0x3FB6]  }
0x39: {  	_ = 	snop;
	(pc) =	sbr.ind lr, $3  }
0x3a: {  	_ = 	snop  }
0x3b: {  	_ = 	snop  }
0x3c: {  	p2 =	seq.s32 s10, $0x1;
	s10 =	sld [smem:$0x3FB5]  }
0x3d: {  	_ =	shalt  }
0x3e: {  	_ =	shalt  }
0x3f: {  	_ =	shalt  }
0x40: {  	_ =	shalt  }
0x41: {  	_ =	shalt  }
0x42: {  	_ =	shalt  }
0x43: {  	_ =	shalt  }
0x44: {  	_ =	shalt  }
0x45: {  	_ =	shalt  }
0x46: {  	_ =	shalt  }
0x47: {  	_ =	shalt  }
0x48: {  	_ =	shalt  }
0x49: {  	_ =	shalt  }
0x4a: {  	_ =	shalt  }
0x4b: {  	_ =	shalt  }
0x4c: {  	_ =	shalt  }
0x4d: {  	_ =	shalt  }
0x4e: {  	_ =	shalt  }
0x4f: {  	_ =	shalt  }
0x50: {  	_ =	shalt  }
0x51: {  	_ =	shalt  }
0x52: {  	_ =	shalt  }
0x53: {  	_ =	shalt  }
0x54: {  	_ =	shalt  }
0x55: {  	_ =	shalt  }
0x56: {  	_ =	shalt  }
0x57: {  	_ =	shalt  }
0x58: {  	_ =	shalt  }
0x59: {  	_ =	shalt  }
0x5a: {  	_ =	shalt  }
0x5b: {  	_ =	shalt  }
0x5c: {  	_ =	shalt  }
0x5d: {  	_ =	shalt  }
0x5e: {  	_ =	shalt  }
0x5f: {  	_ =	shalt  }
0x60: {  	_ =	shalt  }
0x61: {  	_ =	shalt  }
0x62: {  	_ =	shalt  }
0x63: {  	_ =	shalt  }
0x64: {  	_ =	shalt  }
0x65: {  	_ =	shalt  }
0x66: {  	_ =	shalt  }
0x67: {  	_ =	shalt  }
0x68: {  	_ =	shalt  }
0x69: {  	_ =	shalt  }
0x6a: {  	_ =	shalt  }
0x6b: {  	_ =	shalt  }
0x6c: {  	_ =	shalt  }
0x6d: {  	_ =	shalt  }
0x6e: {  	_ =	shalt  }
0x6f: {  	_ =	shalt  }
0x70: {  	_ =	shalt  }
0x71: {  	_ =	shalt  }
0x72: {  	_ =	shalt  }
0x73: {  	_ =	shalt  }
0x74: {  	_ =	shalt  }
0x75: {  	_ =	shalt  }
0x76: {  	_ =	shalt  }
0x77: {  	_ =	shalt  }
0x78: {  	_ =	shalt  }
0x79: {  	_ =	shalt  }
0x7a: {  	_ =	shalt  }
0x7b: {  	_ =	shalt  }
0x7c: {  	_ =	shalt  }
0x7d: {  	_ =	shalt  }
0x7e: {  	_ =	shalt  }
0x7f: {  	_ =	shalt  }
0x80: {  	_ =	shalt  }
0x81: {  	_ =	shalt  }
0x82: {  	_ =	shalt  }
0x83: {  	_ =	shalt  }
0x84: {  	_ =	shalt  }
0x85: {  	_ =	shalt  }
0x86: {  	_ =	shalt  }
0x87: {  	_ =	shalt  }
.Lfunc_end0:
.L_simem_size_0:
called_computation.2_lowered:
.L_overlay_start_0:
0x88: {  	s2 =	sld [smem:$0x3FD9]  }
0x89: {  	s3 =	sld [smem:$0x3FFE];
	_ =	sdelay $0x1  }
0x8a: {  	s1 =	srdreg.scid  }
0x8b: {  	s0 =	sand.u32 $0x1, s1  }
0x8c: {  	s17 =	sshll.u32 s0, $0xA;
	s2 =	sadd.s32 s3, s2  }
0x8d: {  	s2 =	sadd.s32 s2, s17  }
0x8e: {  	[smem:$0x3FC1] =	sst s2  }
0x8f: {  	_ = 	snop  }
0x90: {  	s2 =	sld [smem:$0x3FC7]  }
0x91: {  	s18 =	sld [smem:$0x3FC3]  }
0x92: {  	s4 =	sld [smem:$0x3FD0];
	(tm) =	ssettm $0x1  }
0x93: {  	s5 =	sld [smem:$0x3FFB];
	_ =	sdelay $0x3  }
0x94: {  	_ =	strace s5  }
0x95: {  	s5 =	sld [smem:$0x3FFC];
	_ =	sdelay $0x3  }
0x96: {  	_ =	strace s5  }
0x97: {  	s5 =	sld [smem:$0x3FFD];
	_ =	sdelay $0x3  }
0x98: {  	_ =	strace s5  }
0x99: {  	_ =	strace $0x8FFFFFFF  }
0x9a: {  	s19 =	sld [smem:$0x3FDB];
	_ =	sdelay $0x1  }
0x9b: {  	s6 =	simm.s32 $_scs_section_size  }
0x9c: {  	s7 =	simm.s32 $_size__tile_overlayer_lowered;
	s8 =	simm.s32 $_tile_overlayer_lowered  }
0x9d: {  	s22 =	simm.s32 $0x1BFF;
	s21 =	sshll.u32 s8, $0x1;
	s5 =	sadd.s32 s6, s19  }
0x9e: {  	s9 =	simm.s32 $0x0;
	s20 =	sshll.u32 s7, $0x1;
	s7 =	sadd.s32 s21, s5  }
0x9f: {  	[timem:s9], [sflag:s22] =	dma.local [hbm:s7], s20  }
0xa0: {  	_ =	swait.ge [sflag:s22], s20  }
0xa1: {  	s6 =	ssub.s32 $0x0, s20;
	[sflag:s22] =	ssyncset.done $0x0  }
0xa2: {  	[sflag:s22] =	ssyncadd.s32 s6;
	_ =	sdelay $0x1  }
0xa3: {  	s23 =	simm.s32 $0x1B8B  }
0xa4: {  	_ =	swait.ge [sflag:s23], $0x1  }
0xa5: {  	[sflag:s23] =	ssyncset.done $0x0  }
0xa6: {  	s25 =	simm.s32 $0x1B8E;
	s24 =	sld [smem:$0x3FFE];
	[sflag:s23] =	ssyncadd.s32 $0xFFFFFFFF  }
0xa7: {  	s26 =	simm.s32 $execute0_lowered;
	[smem:$0x3FD2] =	sst s25  }
0xa8: {  	s7 =	sshll.u32 s26, $0x1;
	_ =	strace $0x8000004C;
	[dreg:$0x1] =	wrdreg $0xFFFFFFFF  }
0xa9: {  	s28 =	simm.s32 $_size_execute0_lowered;
	s5 =	sadd.s32 s5, s7;
	[dreg:$0x0] =	wrdreg $0x0  }
0xaa: {  	s7 =	sshll.u32 s28, $0x1;
	[dreg:$0x2] =	wrdreg s5  }
0xab: {  	[dreg:$0x3] =	wrdreg s7  }
0xac: {  	[dreg:$0x4] =	wrdreg $0xC0  }
0xad: {  	_ =	task [dreg:s9], $0x5FFFF  }
0xae: {  	[dreg:$0x1] =	wrdreg $0xFFFFFFFF  }
0xaf: {  	[dreg:$0x0] =	wrdreg $0x60  }
0xb0: {  	[dreg:$0x2] =	wrdreg s4  }
0xb1: {  	[dreg:$0x3] =	wrdreg s24  }
0xb2: {  	[dreg:$0x4] =	wrdreg s2  }
0xb3: {  	[dreg:$0x5] =	wrdreg s18  }
0xb4: {  	[dreg:$0x6] =	wrdreg $0x9  }
0xb5: {  	_ =	task.clear_ibuf [dreg:s9], $0x7FFFF;
	_ =	strace $0x9000004C  }
0xb6: {  	s29 =	simm.s32 $0x9;
	_ =	strace $0x8000004E  }
0xb7: {  	_ =	swait.ge [sflag:s29], $0x1  }
0xb8: {  	[sflag:s29] =	ssyncadd.s32 $0xFFFFFFFF  }
0xb9: {  	_ =	strace $0x9000004E  }
0xba: {  	_ =	sfence  }
0xbb: {  	s30 =	sld [smem:$0x0];
	_ =	sdelay $0x2  }
0xbc: {  	s31 =	sshll.u32 s1, $0xD;
	s1 =	sshrl.u32 s1, $0x2  }
0xbd: {  	s3 =	sand.u32 $0x4000, s31;
	s1 =	sadd.s32 s1, s30  }
0xbe: {  	s0 =	sor.u32 s3, s0;
	s1 =	sshll.u32 s1, $0x11  }
0xbf: {  	s0 =	sor.u32 s1, s0  }
0xc0: {  	s0 =	sadd.s32 $0x8F2B, s0  }
0xc1: {  	[sflag:s0] =	ssyncadd.remote.s32 $0x1  }
0xc2: {  	_ =	sfence.sel $0xFFFF  }
0xc3: {  	[dreg:$0x0] =	wrdreg $0xFFFFFFFF;
	(pc) =	sbr.abs _section_cstart, $3  }
0xc4: {  	[dreg:$0x1] =	wrdreg $0xFFFFFFFF  }
0xc5: {  	_ =	task.clear_ibuf [dreg:s9], $0x2FFFF;
	_ =	strace $0x9FFFFFFF  }
0xc6: {  	(tm) =	ssettm $0x7FFFFFFF  }
0xc7: {  	_ =	shalt  }
tec
execute0_lowered:
.L_overlay_start_1:
0x0: {  	(tag) =	ssettag $0x1  }
0x1: {  	s0 =	rddreg [dreg:$0x0]  }
0x2: {  	s1 =	rddreg [dreg:$0x1]  }
0x3: {  	s2 =	rddreg [dreg:$0x2]  }
0x4: {  	s3 =	srdreg.scid;
	s7 =	stileid.u32  }
0x5: {  	s4 =	simm.s32 $0x0;
	s15 =	simm.s32 $0x400;
	s16 =	simm.s32 $0x2800  }
0x6: {  	s19 =	simm.s32 $0x1;
	s20 =	simm.s32 $0x2;
	s21 =	simm.s32 $0x5000  }
0x7: {  	s22 =	simm.s32 $0x7800;
	s3 =	sand.u32 $0x1, s3;
	s5 =	sshll.u32 s7, $0x2  }
0x8: {  	[smem:$0x7FF] =	sst s4;
	s24 =	sshrl.u32 s7, $0x1;
	s6 =	sshll.u32 s3, $0x1  }
0x9: {  	_ =	strace $0x8000004D;
	s8 =	smul.u32 $0x14000, s24;
	s3 =	ssub.s32 $0x2, s3  }
0xa: {  	s17 =	sor.u32 s6, s5;
	s5 =	sadd.s32 $0xBE00, s1;
	s25 =	sshrl.u32 s3, $0x1  }
0xb: {  	s6 =	sshll.u32 s17, $0x7;
	s3 =	ssub.s32 s3, s25;
	s23 =	sor.u32 $0x1, s17  }
0xc: {  	s18 =	sor.u32 $0x40, s17;
	s24 =	sor.u32 $0x41, s17;
	s25 =	simm.s32 $0x0  }
0xd: {  	s9 =	sand.u32 $0x300, s6;
	s6 =	sadd.s32 $0x2000, s1;
	s1 =	sadd.s32 $0x15C00, s1  }
0xe: {  	s11 =	sshll.u32 s23, $0x7;
	s12 =	sshrl.u32 s18, $0x3;
	s13 =	sshrl.u32 s24, $0x3  }
0xf: {  	s28 =	sshll.u32 s24, $0x7;
	v1 =	vmov s18;
	s18 =	simm.s32 $0x17C00;
	v2 =	vmov s23;
	s23 =	simm.s32 $0xA000  }
0x10: {  	v3 =	vmov s24;
	s24 =	simm.s32 $0xC800;
	s10 =	sor.u32 s8, s9;
	s12 =	smul.u32 $0x14000, s12  }
0x11: {  	s11 =	sand.u32 $0x380, s11;
	s26 =	smul.u32 $0x14000, s13;
	s29 =	sand.u32 $0x380, s28  }
0x12: {  	s13 =	smax.u32 s3, $0x1;
	s10 =	sshrl.u32 s10, $0x3;
	s8 =	sor.u32 s8, s11  }
0x13: {  	s7 =	sadd.s32 s0, s10;
	s14 =	sshrl.u32 s8, $0x3;
	s9 =	sor.u32 s9, s12  }
0x14: {  	s11 =	sor.u32 s29, s26;
	s8 =	sadd.s32 s0, s14;
	s30 =	sshrl.u32 s9, $0x3  }
0x15: {  	v0 =	vmov s17;
	s9 =	sadd.s32 s1, s10;
	s31 =	sshrl.u32 s11, $0x3;
	s11 =	sadd.s32 s1, s14  }
0x16: {  	v4 =	vimm.f32 $0.0e+00;
	v0 =	vbroadcast v0, $0x0;
	v1 =	vbroadcast v1, $0x0;
	s14 =	simm.s32 $0x80;
	s10 =	sadd.s32 s1, s30;
	s12 =	sadd.s32 s1, s31  }
.LBB2_1:
0x17: {  	[tilespmem:s4], [sflag:$0x1] =	stream.strided.gather [hbm4b:s7+s14], $0x2800, s15, s14, $0x38;
	[tilespmem:$0x17C80] =	vst v63  }
0x18: {  	_ = 	snop  }
0x19: {  	[tilespmem:s16], [sflag:$0x1] =	stream.strided.gather [hbm4b:s8+s14], $0x2800, s15, s14, $0x38;
	[tilespmem:$0x17C80] =	vst v63  }
0x1a: {  	s0 =	simm.s32 $0x15400  }
0x1b: {  	[tilespmem:s0], [sflag:$0x2] =	stream.linear.gather [hbm4b:s6+s4], $0x2800, $0x38;
	[tilespmem:$0x17C80] =	vst v63  }
0x1c: {  	s31 =	rddreg [dreg:$0x3];
	s3 =	simm.s32 $0x5040  }
0x1d: {  	[tilespmem:s18], [sflag:$0x2] =	stream.linear.gather [hbm4b:s31+s4], $0x80, $0x38;
	[tilespmem:$0x17C80] =	vst v63  }
0x1e: {  	[tilespmem:s3+$0x30] =	vst v4  }
0x1f: {  	[tilespmem:s3+$0xFFFFFFE0] =	vst v4  }
0x20: {  	[tilespmem:s3+$0xFFFFFFF0] =	vst v4  }
0x21: {  	[tilespmem:s3+$0x0] =	vst v4  }
0x22: {  	[tilespmem:s3+$0xFFFFFFC0] =	vst v4  }
0x23: {  	[tilespmem:s3+$0x10] =	vst v4  }
0x24: {  	[tilespmem:s3+$0x20] =	vst v4  }
0x25: {  	s1 =	simm.s32 $0x7840;
	[tilespmem:s3+$0xFFFFFFD0] =	vst v4  }
0x26: {  	[tilespmem:s1+$0x30] =	vst v4  }
0x27: {  	[tilespmem:s1+$0xFFFFFFC0] =	vst v4  }
0x28: {  	[tilespmem:s1+$0x10] =	vst v4  }
0x29: {  	[tilespmem:s1+$0xFFFFFFD0] =	vst v4  }
0x2a: {  	[tilespmem:s1+$0x20] =	vst v4  }
0x2b: {  	[tilespmem:s1+$0x0] =	vst v4  }
0x2c: {  	s0 =	simm.s32 $0xA040;
	[tilespmem:s1+$0xFFFFFFF0] =	vst v4  }
0x2d: {  	[tilespmem:s0+$0x30] =	vst v4  }
0x2e: {  	[tilespmem:s0+$0xFFFFFFC0] =	vst v4  }
0x2f: {  	[tilespmem:s0+$0x10] =	vst v4  }
0x30: {  	[tilespmem:s0+$0xFFFFFFD0] =	vst v4  }
0x31: {  	[tilespmem:s0+$0x20] =	vst v4  }
0x32: {  	[tilespmem:s0+$0x0] =	vst v4  }
0x33: {  	s17 =	simm.s32 $0xC840;
	[tilespmem:s0+$0xFFFFFFF0] =	vst v4  }
0x34: {  	[tilespmem:s17+$0x30] =	vst v4  }
0x35: {  	[tilespmem:s17+$0xFFFFFFC0] =	vst v4  }
0x36: {  	[tilespmem:s17+$0x10] =	vst v4  }
0x37: {  	[tilespmem:s17+$0xFFFFFFD0] =	vst v4  }
0x38: {  	s26 =	simm.s32 $0x0;
	s28 =	simm.s32 $0xA0C0;
	s29 =	simm.s32 $0xC8C0;
	[tilespmem:s17+$0x20] =	vst v4  }
.LBB2_2:
0x39: {  	s26 =	sadd.s32 $0x8, s26;
	[tilespmem:s1+$0xFFFFFFE0] =	vst v4;
	s3 =	sadd.s32 $0x80, s3;
	s1 =	sadd.s32 $0x80, s1  }
0x3a: {  	[tilespmem:s3+$0x30] =	vst v4;
	p0 =	slt.u32 s26, $0x278  }
0x3b: {  	[tilespmem:s1+$0x30] =	vst v4  }
0x3c: {  	[tilespmem:s28+$0x30] =	vst v4  }
0x3d: {  	[tilespmem:s17+$0xFFFFFFF0] =	vst v4  }
0x3e: {  	[tilespmem:s17+$0x0] =	vst v4  }
0x3f: {  	[tilespmem:s0+$0xFFFFFFE0] =	vst v4;
	s0 =	smov.u32 s28  }
0x40: {  	[tilespmem:s17+$0xFFFFFFE0] =	vst v4;
	s17 =	smov.u32 s29  }
0x41: {  	[tilespmem:s29+$0x30] =	vst v4  }
0x42: {  	[tilespmem:s3+$0xFFFFFFE0] =	vst v4  }
0x43: {  	[tilespmem:s3+$0xFFFFFFF0] =	vst v4  }
0x44: {  	[tilespmem:s3+$0x0] =	vst v4  }
0x45: {  	[tilespmem:s3+$0xFFFFFFC0] =	vst v4  }
0x46: {  	[tilespmem:s1+$0xFFFFFFC0] =	vst v4  }
0x47: {  	[tilespmem:s28+$0xFFFFFFC0] =	vst v4  }
0x48: {  	[tilespmem:s29+$0xFFFFFFC0] =	vst v4  }
0x49: {  	[tilespmem:s3+$0x10] =	vst v4  }
0x4a: {  	[tilespmem:s1+$0x10] =	vst v4  }
0x4b: {  	[tilespmem:s28+$0x10] =	vst v4  }
0x4c: {  	[tilespmem:s29+$0x10] =	vst v4  }
0x4d: {  	[tilespmem:s3+$0x20] =	vst v4  }
0x4e: {  	[tilespmem:s3+$0xFFFFFFD0] =	vst v4  }
0x4f: {  	[tilespmem:s1+$0xFFFFFFD0] =	vst v4  }
0x50: {  	[tilespmem:s28+$0xFFFFFFD0] =	vst v4  }
0x51: {  	[tilespmem:s29+$0xFFFFFFD0] =	vst v4  }
0x52: {  	[tilespmem:s1+$0x20] =	vst v4  }
0x53: {  	[tilespmem:s28+$0x20] =	vst v4  }
.Ltmp0:
0x54: {  	[tilespmem:s29+$0x20] =	vst v4;
	(pc) =	sbr.rel @p0 .LBB2_2-.Ltmp0, $4  }
0x55: {  	[tilespmem:s1+$0x0] =	vst v4  }
0x56: {  	[tilespmem:s28+$0x0] =	vst v4  }
0x57: {  	[tilespmem:s1+$0xFFFFFFF0] =	vst v4  }
0x58: {  	s29 =	sadd.s32 $0x80, s29;
	s28 =	sadd.s32 $0x80, s28;
	[tilespmem:s0+$0xFFFFFFF0] =	vst v4  }
0x59: {  	[tilespmem:s1+$0xFFFFFFE0] =	vst v4  }
0x5a: {  	[tilespmem:s17+$0xFFFFFFF0] =	vst v4  }
0x5b: {  	[tilespmem:s17+$0x0] =	vst v4  }
0x5c: {  	[tilespmem:s0+$0xFFFFFFE0] =	vst v4  }
0x5d: {  	[tilespmem:s17+$0xFFFFFFE0] =	vst v4  }
0x5e: {  	_ =	swait.ge [sflag:s19], $0x2800  }
0x5f: {  	[sflag:s19] =	ssyncset.done $0x0  }
0x60: {  	[sflag:s19] =	ssyncadd.s32 $0xFFFFD800  }
0x61: {  	_ =	swait.ge [sflag:s19], $0x2800  }
0x62: {  	[sflag:s19] =	ssyncset.done $0x0  }
0x63: {  	[sflag:s19] =	ssyncadd.s32 $0xFFFFD800  }
0x64: {  	_ =	swait.ge [sflag:s20], $0x2800  }
0x65: {  	[sflag:s20] =	ssyncset.done $0x0  }
0x66: {  	[sflag:s20] =	ssyncadd.s32 $0xFFFFD800  }
0x67: {  	_ =	swait.ge [sflag:s20], $0x80  }
0x68: {  	s1 =	simm.s32 $0xF000;
	[sflag:s20] =	ssyncset.done $0x0  }
0x69: {  	s3 =	simm.s32 $0x0;
	s0 =	simm.s32 $0x0;
	[sflag:s20] =	ssyncadd.s32 $0xFFFFFF80  }
.LBB2_4:
0x6a: {  	p0 =	sne.s32 s3, $0x310  }
.Ltmp1:
0x6b: {  	_ = 	snop;
	(pc) =	sbr.rel @p0 .LBB2_4-.Ltmp1, $4  }
0x6c: {  	_ = 	snop  }
0x6d: {  	s17 =	sadd.s32 s3, s5  }
0x6e: {  	[tilespmem:s1], [sflag:$0x1] =	stream.linear.gather [hbm4b:s17+s0], $0x80, $0x38;
	[tilespmem:$0x17C80] =	vst v63  }
0x6f: {  	s3 =	sadd.s32 $0x10, s3;
	s1 =	sadd.s32 $0x100, s1  }
0x70: {  	s0 =	simm.s32 $0x12200;
	s1 =	sadd.s32 $0x0, s2;
	s26 =	simm.s32 $0x0  }
0x71: {  	[tilespmem:s0], [sflag:$0x1] =	stream.linear.gather [hbm4b:s1+s26], $0x80, $0x38;
	[tilespmem:$0x17C80] =	vst v63  }
0x72: {  	s1 =	simm.s32 $0x10  }
.LBB2_6:
0x73: {  	p0 =	sne.s32 s1, $0x310  }
.Ltmp2:
0x74: {  	_ = 	snop;
	(pc) =	sbr.rel @p0 .LBB2_6-.Ltmp2, $4  }
0x75: {  	_ = 	snop  }
0x76: {  	s3 =	sadd.s32 s1, s2;
	s0 =	sadd.s32 $0x100, s0  }
0x77: {  	s1 =	sadd.s32 $0x10, s1  }
0x78: {  	[tilespmem:s0], [sflag:$0x1] =	stream.linear.gather [hbm4b:s3+s26], $0x80, $0x38;
	[tilespmem:$0x17C80] =	vst v63  }
.LBB2_7:
0x79: {  	s0 =	smul.u32 $0x3200, s26;
	_ =	sdelay $0x1  }
0x7a: {  	s0 =	sshrl.u32 s0, $0x3  }
0x7b: {  	s1 =	sadd.s32 $0x320, s0  }
0x7c: {  	s17 =	simm.s32 $0xF080;
	s3 =	sadd.s32 s5, s1  }
0x7d: {  	s28 =	simm.s32 $0x10;
	s29 =	simm.s32 $0xF180;
	s30 =	sadd.s32 $0x0, s3  }
.LBB2_8:
0x7e: {  	[tilespmem:s17], [sflag:$0x2] =	stream.linear.gather [hbm4b:s30+s4], $0x80, $0x38;
	[tilespmem:$0x17C80] =	vst v63  }
0x7f: {  	s30 =	smov.u32 s28;
	s17 =	smov.u32 s29;
	p0 =	sne.s32 s28, $0x310  }
.Ltmp3:
0x80: {  	s28 =	sadd.s32 $0x10, s28;
	(pc) =	sbr.rel @p0 .LBB2_8-.Ltmp3, $2  }
0x81: {  	_ =	sdelay $0x2  }
0x82: {  	s29 =	sadd.s32 $0x100, s29;
	s30 =	sadd.s32 s30, s3  }
0x83: {  	[tilespmem:s17], [sflag:$0x2] =	stream.linear.gather [hbm4b:s30+s4], $0x80, $0x38;
	[tilespmem:$0x17C80] =	vst v63  }
0x84: {  	s1 =	sadd.s32 s2, s1;
	s3 =	simm.s32 $0x12280  }
0x85: {  	s17 =	simm.s32 $0x10;
	s28 =	simm.s32 $0x12380;
	s29 =	sadd.s32 $0x0, s1  }
.LBB2_10:
0x86: {  	[tilespmem:s3], [sflag:$0x2] =	stream.linear.gather [hbm4b:s29+s4], $0x80, $0x38;
	[tilespmem:$0x17C80] =	vst v63  }
0x87: {  	s29 =	smov.u32 s17;
	s3 =	smov.u32 s28;
	p0 =	sne.s32 s17, $0x310  }
.Ltmp4:
0x88: {  	s17 =	sadd.s32 $0x10, s17;
	(pc) =	sbr.rel @p0 .LBB2_10-.Ltmp4, $2  }
0x89: {  	_ =	sdelay $0x2  }
0x8a: {  	s28 =	sadd.s32 $0x100, s28;
	s29 =	sadd.s32 s29, s1  }
0x8b: {  	[tilespmem:s3], [sflag:$0x2] =	stream.linear.gather [hbm4b:s29+s4], $0x80, $0x38;
	[tilespmem:$0x17C80] =	vst v63  }
0x8c: {  	_ =	swait.ge [sflag:s19], $0x1900  }
0x8d: {  	[sflag:s19] =	ssyncset.done $0x0  }
0x8e: {  	[sflag:s19] =	ssyncadd.s32 $0xFFFFE700  }
0x8f: {  	_ =	swait.ge [sflag:s19], $0x1900  }
0x90: {  	[sflag:s19] =	ssyncset.done $0x0  }
0x91: {  	s1 =	simm.s32 $0xF040;
	[sflag:s19] =	ssyncadd.s32 $0xFFFFE700  }
0x92: {  	v5 =	vld [tilespmem:s1+$0x30]  }
0x93: {  	v6 =	vld [tilespmem:s1+$0xFFFFFFD0]  }
0x94: {  	v7 =	vld [tilespmem:s1+$0xFFFFFFE0]  }
0x95: {  	v8 =	vld [tilespmem:s1+$0xFFFFFFF0]  }
0x96: {  	v9 =	vld [tilespmem:s1+$0x0]  }
0x97: {  	v11 =	vld [tilespmem:s1+$0x10]  }
0x98: {  	v13 =	vld [tilespmem:s1+$0xFFFFFFC0]  }
0x99: {  	v14 =	vld [tilespmem:s1+$0x20];
	s1 =	simm.s32 $0x12240;
	v10 =	vand.u32 $0x3FFF, v5  }
0x9a: {  	v22 =	vld [tilespmem:s1+$0x30]  }
0x9b: {  	v53 =	vld [tilespmem:s1+$0xFFFFFFC0]  }
0x9c: {  	v54 =	vld [tilespmem:s1+$0xFFFFFFD0]  }
0x9d: {  	v31 =	vld [tilespmem:s1+$0xFFFFFFE0]  }
0x9e: {  	v12 =	vand.u32 $0x3FFF, v6;
	v18 =	vld.idx.msk [tilespmem:v10+s4+$0x0], $0xffff  }
0x9f: {  	v32 =	vld [tilespmem:s1+$0xFFFFFFF0];
	v16 =	vand.u32 $0x3FFF, v8  }
0xa0: {  	v34 =	vld [tilespmem:s1+$0x0];
	v21 =	vand.u32 $0x3FFF, v13  }
0xa1: {  	v35 =	vld [tilespmem:s1+$0x10];
	v5 =	vshrl.u32 v5, $0xE  }
0xa2: {  	v38 =	vld [tilespmem:s1+$0x20]  }
0xa3: {  	v20 =	vld.idx.msk [tilespmem:v12+s4+$0x0], $0xffff;
	v28 =	vunpack.i.l.bf16.f32 v18  }
0xa4: {  	v15 =	vand.u32 $0x3FFF, v7;
	v25 =	vld.idx.msk [tilespmem:v16+s4+$0x0], $0xffff;
	v18 =	vunpack.i.u.bf16.f32 v18;
	v28 =	vmul.f32 v28, v22  }
0xa5: {  	v17 =	vand.u32 $0x3FFF, v9;
	v29 =	vld.idx.msk [tilespmem:v21+s4+$0x0], $0xffff;
	v18 =	vmul.f32 v18, v22  }
0xa6: {  	v19 =	vand.u32 $0x3FFF, v11;
	[tilespmem:v5+s21+$0x0] =	vst.idx.add.f32.msk $0xffff, v28  }
0xa7: {  	v23 =	vand.u32 $0x3FFF, v14;
	[tilespmem:v5+s22+$0x0] =	vst.idx.add.f32.msk $0xffff, v18  }
0xa8: {  	v13 =	vshrl.u32 v13, $0xE;
	v10 =	vld.idx.msk [tilespmem:v10+s16+$0x0], $0xffff  }
0xa9: {  	v37 =	vshrl.u32 v6, $0xE;
	v24 =	vld.idx.msk [tilespmem:v15+s4+$0x0], $0xffff  }
0xaa: {  	v8 =	vshrl.u32 v8, $0xE;
	v26 =	vld.idx.msk [tilespmem:v17+s4+$0x0], $0xffff;
	v33 =	vunpack.i.l.bf16.f32 v29  }
0xab: {  	v27 =	vld.idx.msk [tilespmem:v19+s4+$0x0], $0xffff;
	v55 =	vunpack.i.l.bf16.f32 v20;
	v33 =	vmul.f32 v33, v53  }
0xac: {  	v57 =	vshrl.u32 v9, $0xE;
	v30 =	vld.idx.msk [tilespmem:v23+s4+$0x0], $0xffff;
	v9 =	vunpack.i.l.bf16.f32 v25;
	v56 =	vmul.f32 v55, v54  }
0xad: {  	v9 =	vmul.f32 v9, v32;
	[tilespmem:v13+s21+$0x0] =	vst.idx.add.f32.msk $0xffff, v33;
	v36 =	vunpack.i.l.bf16.f32 v10  }
0xae: {  	[tilespmem:v37+s21+$0x0] =	vst.idx.add.f32.msk $0xffff, v56;
	v6 =	vunpack.i.u.bf16.f32 v10;
	v10 =	vmul.f32 v36, v22  }
0xaf: {  	v7 =	vshrl.u32 v7, $0xE;
	v29 =	vunpack.i.u.bf16.f32 v29;
	[tilespmem:v8+s21+$0x0] =	vst.idx.add.f32.msk $0xffff, v9;
	v6 =	vmul.f32 v6, v22  }
0xb0: {  	v29 =	vmul.f32 v29, v53;
	[tilespmem:v5+s23+$0x0] =	vst.idx.add.f32.msk $0xffff, v10;
	v10 =	vunpack.i.u.bf16.f32 v20  }
0xb1: {  	[tilespmem:v5+s24+$0x0] =	vst.idx.add.f32.msk $0xffff, v6;
	v5 =	vunpack.i.l.bf16.f32 v24;
	v6 =	vmul.f32 v10, v54  }
0xb2: {  	[tilespmem:v13+s22+$0x0] =	vst.idx.add.f32.msk $0xffff, v29;
	v10 =	vunpack.i.u.bf16.f32 v24;
	v5 =	vmul.f32 v5, v31  }
0xb3: {  	v10 =	vmul.f32 v10, v31;
	[tilespmem:v37+s22+$0x0] =	vst.idx.add.f32.msk $0xffff, v6;
	v6 =	vunpack.i.u.bf16.f32 v25  }
0xb4: {  	[tilespmem:v7+s21+$0x0] =	vst.idx.add.f32.msk $0xffff, v5;
	v5 =	vshrl.u32 v11, $0xE;
	v11 =	vunpack.i.l.bf16.f32 v26;
	v58 =	vmul.f32 v6, v32  }
0xb5: {  	[tilespmem:v7+s22+$0x0] =	vst.idx.add.f32.msk $0xffff, v10;
	v10 =	vunpack.i.u.bf16.f32 v26;
	v11 =	vmul.f32 v11, v34  }
0xb6: {  	v6 =	vshrl.u32 v14, $0xE;
	v10 =	vmul.f32 v10, v34;
	[tilespmem:v8+s22+$0x0] =	vst.idx.add.f32.msk $0xffff, v58  }
0xb7: {  	v9 =	vunpack.i.l.bf16.f32 v27;
	[tilespmem:v57+s21+$0x0] =	vst.idx.add.f32.msk $0xffff, v11  }
0xb8: {  	v9 =	vmul.f32 v9, v35;
	v11 =	vunpack.i.l.bf16.f32 v30;
	[tilespmem:v57+s22+$0x0] =	vst.idx.add.f32.msk $0xffff, v10  }
0xb9: {  	v10 =	vmul.f32 v11, v38;
	v11 =	vld.idx.msk [tilespmem:v15+s16+$0x0], $0xffff  }
0xba: {  	[tilespmem:v5+s21+$0x0] =	vst.idx.add.f32.msk $0xffff, v9;
	v9 =	vunpack.i.u.bf16.f32 v30  }
0xbb: {  	v9 =	vmul.f32 v9, v38;
	[tilespmem:v6+s21+$0x0] =	vst.idx.add.f32.msk $0xffff, v10  }
0xbc: {  	v14 =	vunpack.i.u.bf16.f32 v27;
	v10 =	vld.idx.msk [tilespmem:v21+s16+$0x0], $0xffff  }
0xbd: {  	v14 =	vmul.f32 v14, v35;
	[tilespmem:v6+s22+$0x0] =	vst.idx.add.f32.msk $0xffff, v9  }
0xbe: {  	v9 =	vld.idx.msk [tilespmem:v12+s16+$0x0], $0xffff  }
0xbf: {  	[tilespmem:v5+s22+$0x0] =	vst.idx.add.f32.msk $0xffff, v14  }
0xc0: {  	v14 =	vld.idx.msk [tilespmem:v17+s16+$0x0], $0xffff  }
0xc1: {  	v59 =	vld.idx.msk [tilespmem:v19+s16+$0x0], $0xffff;
	v15 =	vunpack.i.l.bf16.f32 v10  }
0xc2: {  	v12 =	vld.idx.msk [tilespmem:v16+s16+$0x0], $0xffff;
	v10 =	vunpack.i.u.bf16.f32 v10;
	v15 =	vmul.f32 v15, v53  }
0xc3: {  	v60 =	vld.idx.msk [tilespmem:v23+s16+$0x0], $0xffff;
	v10 =	vmul.f32 v10, v53;
	v61 =	vunpack.i.l.bf16.f32 v9  }
0xc4: {  	v9 =	vunpack.i.u.bf16.f32 v9;
	[tilespmem:v13+s23+$0x0] =	vst.idx.add.f32.msk $0xffff, v15;
	v15 =	vmul.f32 v61, v54  }
0xc5: {  	v62 =	vunpack.i.l.bf16.f32 v11;
	v9 =	vmul.f32 v9, v54;
	[tilespmem:v13+s24+$0x0] =	vst.idx.add.f32.msk $0xffff, v10  }
0xc6: {  	v10 =	vunpack.i.u.bf16.f32 v11;
	v11 =	vmul.f32 v62, v31;
	[tilespmem:v37+s23+$0x0] =	vst.idx.add.f32.msk $0xffff, v15  }
0xc7: {  	v13 =	vunpack.i.l.bf16.f32 v12;
	[tilespmem:v37+s24+$0x0] =	vst.idx.add.f32.msk $0xffff, v9;
	v9 =	vmul.f32 v10, v31  }
0xc8: {  	v10 =	vunpack.i.u.bf16.f32 v12;
	[tilespmem:v7+s23+$0x0] =	vst.idx.add.f32.msk $0xffff, v11;
	v11 =	vmul.f32 v13, v32  }
0xc9: {  	v12 =	vunpack.i.l.bf16.f32 v14;
	v10 =	vmul.f32 v10, v32;
	[tilespmem:v7+s24+$0x0] =	vst.idx.add.f32.msk $0xffff, v9  }
0xca: {  	v15 =	vunpack.i.u.bf16.f32 v60;
	v12 =	vmul.f32 v12, v34;
	v7 =	vunpack.i.u.bf16.f32 v14;
	[tilespmem:v8+s23+$0x0] =	vst.idx.add.f32.msk $0xffff, v11  }
0xcb: {  	v9 =	vunpack.i.u.bf16.f32 v59;
	v11 =	vunpack.i.l.bf16.f32 v59;
	v63 =	vmul.f32 v7, v34;
	[tilespmem:v8+s24+$0x0] =	vst.idx.add.f32.msk $0xffff, v10  }
0xcc: {  	v7 =	vunpack.i.l.bf16.f32 v60;
	v14 =	vmul.f32 v11, v35;
	v13 =	vmul.f32 v9, v35;
	[tilespmem:v57+s23+$0x0] =	vst.idx.add.f32.msk $0xffff, v12  }
0xcd: {  	s3 =	simm.s32 $0x0;
	s17 =	simm.s32 $0xF140;
	v9 =	vmul.f32 v7, v38;
	v7 =	vmul.f32 v15, v38;
	[tilespmem:v57+s24+$0x0] =	vst.idx.add.f32.msk $0xffff, v63  }
.LBB2_12:
0xce: {  	v16 =	vld [tilespmem:s17+$0x30]  }
0xcf: {  	v8 =	vld [tilespmem:s17+$0xFFFFFFD0]  }
0xd0: {  	s3 =	sadd.s32 $0x8, s3;
	v10 =	vld [tilespmem:s17+$0xFFFFFFE0]  }
0xd1: {  	p0 =	slt.u32 s3, $0x188;
	v17 =	vld [tilespmem:s17+$0xFFFFFFF0]  }
0xd2: {  	v18 =	vld [tilespmem:s17+$0x0]  }
0xd3: {  	v19 =	vld [tilespmem:s17+$0x10];
	v20 =	vand.u32 $0x3FFF, v16  }
0xd4: {  	v12 =	vshrl.u32 v8, $0xE;
	v15 =	vand.u32 $0x3FFF, v8;
	v21 =	vld [tilespmem:s17+$0x20]  }
0xd5: {  	v22 =	vld [tilespmem:s17+$0xFFFFFFC0];
	v11 =	vshrl.u32 v10, $0xE;
	v23 =	vand.u32 $0x3FFF, v10  }
0xd6: {  	v10 =	vshrl.u32 v17, $0xE;
	v17 =	vand.u32 $0x3FFF, v17;
	[tilespmem:v5+s23+$0x0] =	vst.idx.add.f32.msk $0xffff, v14  }
0xd7: {  	v8 =	vshrl.u32 v18, $0xE;
	v18 =	vand.u32 $0x3FFF, v18;
	[tilespmem:v5+s24+$0x0] =	vst.idx.add.f32.msk $0xffff, v13  }
0xd8: {  	v5 =	vshrl.u32 v19, $0xE;
	v19 =	vand.u32 $0x3FFF, v19;
	v24 =	vld.idx.msk [tilespmem:v20+s4+$0x0], $0xffff  }
0xd9: {  	s1 =	sadd.s32 $0x100, s1;
	v25 =	vld.idx.msk [tilespmem:v15+s4+$0x0], $0xffff;
	v14 =	vshrl.u32 v21, $0xE;
	v21 =	vand.u32 $0x3FFF, v21  }
0xda: {  	v13 =	vshrl.u32 v22, $0xE;
	v22 =	vand.u32 $0x3FFF, v22;
	v26 =	vld [tilespmem:s1+$0x30]  }
0xdb: {  	v27 =	vld.idx.msk [tilespmem:v23+s4+$0x0], $0xffff  }
0xdc: {  	v16 =	vshrl.u32 v16, $0xE;
	v28 =	vld.idx.msk [tilespmem:v17+s4+$0x0], $0xffff  }
0xdd: {  	v29 =	vld.idx.msk [tilespmem:v18+s4+$0x0], $0xffff  }
0xde: {  	v31 =	vunpack.i.l.bf16.f32 v24;
	v30 =	vld.idx.msk [tilespmem:v19+s4+$0x0], $0xffff  }
0xdf: {  	v24 =	vunpack.i.u.bf16.f32 v24;
	v33 =	vunpack.i.u.bf16.f32 v25;
	v32 =	vld.idx.msk [tilespmem:v22+s4+$0x0], $0xffff;
	v31 =	vmul.f32 v31, v26  }
0xe0: {  	v25 =	vunpack.i.l.bf16.f32 v25;
	v24 =	vmul.f32 v24, v26;
	v34 =	vld.idx.msk [tilespmem:v21+s4+$0x0], $0xffff  }
0xe1: {  	v35 =	vunpack.i.u.bf16.f32 v27;
	v27 =	vunpack.i.l.bf16.f32 v27;
	[tilespmem:v16+s21+$0x0] =	vst.idx.add.f32.msk $0xffff, v31  }
0xe2: {  	v31 =	vunpack.i.u.bf16.f32 v28;
	v28 =	vunpack.i.l.bf16.f32 v28;
	[tilespmem:v16+s22+$0x0] =	vst.idx.add.f32.msk $0xffff, v24  }
0xe3: {  	v24 =	vunpack.i.u.bf16.f32 v29;
	v29 =	vunpack.i.l.bf16.f32 v29;
	v20 =	vld.idx.msk [tilespmem:v20+s16+$0x0], $0xffff  }
0xe4: {  	v37 =	vunpack.i.u.bf16.f32 v30;
	v30 =	vunpack.i.l.bf16.f32 v30;
	v36 =	vld [tilespmem:s1+$0xFFFFFFC0]  }
0xe5: {  	v38 =	vunpack.i.u.bf16.f32 v32;
	v32 =	vunpack.i.l.bf16.f32 v32;
	v39 =	vld [tilespmem:s1+$0xFFFFFFD0]  }
0xe6: {  	v41 =	vunpack.i.u.bf16.f32 v34;
	v34 =	vunpack.i.l.bf16.f32 v34;
	v40 =	vld [tilespmem:s1+$0xFFFFFFE0]  }
0xe7: {  	v42 =	vld [tilespmem:s1+$0xFFFFFFF0]  }
0xe8: {  	v43 =	vld [tilespmem:s1+$0x0]  }
0xe9: {  	v45 =	vunpack.i.l.bf16.f32 v20;
	v32 =	vmul.f32 v32, v36;
	v38 =	vmul.f32 v38, v36;
	v44 =	vld [tilespmem:s1+$0x10]  }
0xea: {  	v20 =	vunpack.i.u.bf16.f32 v20;
	v45 =	vmul.f32 v45, v26;
	v25 =	vmul.f32 v25, v39;
	v46 =	vld [tilespmem:s1+$0x20]  }
0xeb: {  	v20 =	vmul.f32 v20, v26;
	[tilespmem:v13+s21+$0x0] =	vst.idx.add.f32.msk $0xffff, v32;
	v32 =	vmul.f32 v33, v39  }
0xec: {  	v26 =	vmul.f32 v27, v40;
	v27 =	vmul.f32 v35, v40;
	[tilespmem:v16+s23+$0x0] =	vst.idx.add.f32.msk $0xffff, v45  }
0xed: {  	v28 =	vmul.f32 v28, v42;
	v31 =	vmul.f32 v31, v42;
	[tilespmem:v16+s24+$0x0] =	vst.idx.add.f32.msk $0xffff, v20  }
0xee: {  	v16 =	vmul.f32 v29, v43;
	v20 =	vmul.f32 v24, v43;
	[tilespmem:v13+s22+$0x0] =	vst.idx.add.f32.msk $0xffff, v38  }
0xef: {  	v24 =	vmul.f32 v30, v44;
	[tilespmem:v12+s21+$0x0] =	vst.idx.add.f32.msk $0xffff, v25;
	v25 =	vmul.f32 v37, v44  }
0xf0: {  	v29 =	vmul.f32 v34, v46;
	v30 =	vmul.f32 v41, v46;
	[tilespmem:v12+s22+$0x0] =	vst.idx.add.f32.msk $0xffff, v32  }
0xf1: {  	[tilespmem:v11+s21+$0x0] =	vst.idx.add.f32.msk $0xffff, v26  }
0xf2: {  	[tilespmem:v11+s22+$0x0] =	vst.idx.add.f32.msk $0xffff, v27  }
0xf3: {  	[tilespmem:v10+s21+$0x0] =	vst.idx.add.f32.msk $0xffff, v28  }
0xf4: {  	[tilespmem:v10+s22+$0x0] =	vst.idx.add.f32.msk $0xffff, v31  }
0xf5: {  	[tilespmem:v8+s21+$0x0] =	vst.idx.add.f32.msk $0xffff, v16  }
0xf6: {  	[tilespmem:v8+s22+$0x0] =	vst.idx.add.f32.msk $0xffff, v20  }
0xf7: {  	[tilespmem:v5+s21+$0x0] =	vst.idx.add.f32.msk $0xffff, v24  }
0xf8: {  	[tilespmem:v5+s22+$0x0] =	vst.idx.add.f32.msk $0xffff, v25  }
0xf9: {  	[tilespmem:v14+s21+$0x0] =	vst.idx.add.f32.msk $0xffff, v29  }
0xfa: {  	[tilespmem:v14+s22+$0x0] =	vst.idx.add.f32.msk $0xffff, v30  }
0xfb: {  	v16 =	vld.idx.msk [tilespmem:v22+s16+$0x0], $0xffff  }
0xfc: {  	v15 =	vld.idx.msk [tilespmem:v15+s16+$0x0], $0xffff  }
0xfd: {  	v20 =	vld.idx.msk [tilespmem:v23+s16+$0x0], $0xffff  }
0xfe: {  	v17 =	vld.idx.msk [tilespmem:v17+s16+$0x0], $0xffff  }
0xff: {  	v18 =	vld.idx.msk [tilespmem:v18+s16+$0x0], $0xffff  }
0x100: {  	v19 =	vld.idx.msk [tilespmem:v19+s16+$0x0], $0xffff  }
0x101: {  	v22 =	vunpack.i.u.bf16.f32 v16;
	v16 =	vunpack.i.l.bf16.f32 v16;
	v21 =	vld.idx.msk [tilespmem:v21+s16+$0x0], $0xffff  }
0x102: {  	v16 =	vmul.f32 v16, v36;
	v23 =	vunpack.i.u.bf16.f32 v15;
	v15 =	vunpack.i.l.bf16.f32 v15;
	[tilespmem:v6+s23+$0x0] =	vst.idx.add.f32.msk $0xffff, v9  }
0x103: {  	v9 =	vmul.f32 v22, v36;
	v22 =	vunpack.i.u.bf16.f32 v20;
	v20 =	vunpack.i.l.bf16.f32 v20;
	[tilespmem:v6+s24+$0x0] =	vst.idx.add.f32.msk $0xffff, v7;
	v6 =	vmovc v14  }
0x104: {  	v7 =	vmul.f32 v15, v39;
	v14 =	vunpack.i.u.bf16.f32 v17;
	v15 =	vunpack.i.l.bf16.f32 v17;
	[tilespmem:v13+s23+$0x0] =	vst.idx.add.f32.msk $0xffff, v16  }
0x105: {  	v16 =	vunpack.i.l.bf16.f32 v18;
	[tilespmem:v13+s24+$0x0] =	vst.idx.add.f32.msk $0xffff, v9;
	v9 =	vmul.f32 v23, v39;
	v13 =	vunpack.i.u.bf16.f32 v18  }
0x106: {  	v17 =	vunpack.i.u.bf16.f32 v19;
	v18 =	vunpack.i.l.bf16.f32 v19;
	[tilespmem:v12+s23+$0x0] =	vst.idx.add.f32.msk $0xffff, v7;
	v7 =	vmul.f32 v20, v40  }
0x107: {  	v19 =	vunpack.i.l.bf16.f32 v21;
	[tilespmem:v12+s24+$0x0] =	vst.idx.add.f32.msk $0xffff, v9;
	v9 =	vmul.f32 v22, v40;
	v12 =	vunpack.i.u.bf16.f32 v21  }
0x108: {  	[tilespmem:v11+s23+$0x0] =	vst.idx.add.f32.msk $0xffff, v7;
	v7 =	vmul.f32 v15, v42;
	v15 =	vmul.f32 v14, v42  }
.Ltmp5:
0x109: {  	[tilespmem:v11+s24+$0x0] =	vst.idx.add.f32.msk $0xffff, v9;
	v11 =	vmul.f32 v16, v43;
	v16 =	vmul.f32 v13, v43;
	(pc) =	sbr.rel @p0 .LBB2_12-.Ltmp5, $4  }
0x10a: {  	v14 =	vmul.f32 v18, v44;
	v13 =	vmul.f32 v17, v44;
	[tilespmem:v10+s23+$0x0] =	vst.idx.add.f32.msk $0xffff, v7  }
0x10b: {  	v9 =	vmul.f32 v19, v46;
	v7 =	vmul.f32 v12, v46;
	[tilespmem:v10+s24+$0x0] =	vst.idx.add.f32.msk $0xffff, v15  }
0x10c: {  	[tilespmem:v8+s23+$0x0] =	vst.idx.add.f32.msk $0xffff, v11  }
0x10d: {  	s17 =	sadd.s32 $0x100, s17;
	[tilespmem:v8+s24+$0x0] =	vst.idx.add.f32.msk $0xffff, v16  }
0x10e: {  	_ =	sdelay $0x1  }
0x10f: {  	p0 =	seq.s32 s26, $0x18  }
.Ltmp6:
0x110: {  	_ = 	snop;
	(pc) =	sbr.rel @p0 .LBB2_19-.Ltmp6, $4  }
0x111: {  	[tilespmem:v5+s23+$0x0] =	vst.idx.add.f32.msk $0xffff, v14  }
0x112: {  	[tilespmem:v6+s23+$0x0] =	vst.idx.add.f32.msk $0xffff, v9  }
0x113: {  	[tilespmem:v5+s24+$0x0] =	vst.idx.add.f32.msk $0xffff, v13  }
0x114: {  	[tilespmem:v6+s24+$0x0] =	vst.idx.add.f32.msk $0xffff, v7  }
0x115: {  	s0 =	sadd.s32 $0x640, s0  }
0x116: {  	s3 =	simm.s32 $0xF000;
	s1 =	sadd.s32 s5, s0  }
0x117: {  	s17 =	simm.s32 $0x10;
	s28 =	simm.s32 $0xF100;
	s29 =	sadd.s32 $0x0, s1  }
.LBB2_15:
0x118: {  	[tilespmem:s3], [sflag:$0x1] =	stream.linear.gather [hbm4b:s29+s4], $0x80, $0x38;
	[tilespmem:$0x17C80] =	vst v63  }
0x119: {  	s29 =	smov.u32 s17;
	s3 =	smov.u32 s28;
	p0 =	sne.s32 s17, $0x310  }
.Ltmp7:
0x11a: {  	s17 =	sadd.s32 $0x10, s17;
	(pc) =	sbr.rel @p0 .LBB2_15-.Ltmp7, $2  }
0x11b: {  	_ =	sdelay $0x2  }
0x11c: {  	s28 =	sadd.s32 $0x100, s28;
	s29 =	sadd.s32 s29, s1  }
0x11d: {  	[tilespmem:s3], [sflag:$0x1] =	stream.linear.gather [hbm4b:s29+s4], $0x80, $0x38;
	[tilespmem:$0x17C80] =	vst v63  }
0x11e: {  	s0 =	sadd.s32 s2, s0;
	s1 =	simm.s32 $0x12200  }
0x11f: {  	s3 =	simm.s32 $0x10;
	s17 =	simm.s32 $0x12300;
	s28 =	sadd.s32 $0x0, s0  }
.LBB2_17:
0x120: {  	[tilespmem:s1], [sflag:$0x1] =	stream.linear.gather [hbm4b:s28+s4], $0x80, $0x38;
	[tilespmem:$0x17C80] =	vst v63  }
0x121: {  	s28 =	smov.u32 s3;
	s1 =	smov.u32 s17;
	p0 =	sne.s32 s3, $0x310  }
.Ltmp8:
0x122: {  	s3 =	sadd.s32 $0x10, s3;
	(pc) =	sbr.rel @p0 .LBB2_17-.Ltmp8, $2  }
0x123: {  	_ =	sdelay $0x2  }
0x124: {  	s17 =	sadd.s32 $0x100, s17;
	s28 =	sadd.s32 s28, s0  }
0x125: {  	[tilespmem:s1], [sflag:$0x1] =	stream.linear.gather [hbm4b:s28+s4], $0x80, $0x38;
	[tilespmem:$0x17C80] =	vst v63  }
.LBB2_19:
0x126: {  	_ =	swait.ge [sflag:s20], $0x1900  }
0x127: {  	[sflag:s20] =	ssyncset.done $0x0  }
0x128: {  	[sflag:s20] =	ssyncadd.s32 $0xFFFFE700  }
0x129: {  	_ =	swait.ge [sflag:s20], $0x1900  }
0x12a: {  	[sflag:s20] =	ssyncset.done $0x0  }
0x12b: {  	s0 =	simm.s32 $0xF0F0;
	[sflag:s20] =	ssyncadd.s32 $0xFFFFE700  }
0x12c: {  	v5 =	vld [tilespmem:s0+$0x0]  }
0x12d: {  	v6 =	vld [tilespmem:s0+$0xFFFFFFA0]  }
0x12e: {  	v7 =	vld [tilespmem:s0+$0xFFFFFFB0]  }
0x12f: {  	v8 =	vld [tilespmem:s0+$0xFFFFFFC0]  }
0x130: {  	v9 =	vld [tilespmem:s0+$0xFFFFFFD0]  }
0x131: {  	v11 =	vld [tilespmem:s0+$0xFFFFFFE0]  }
0x132: {  	v13 =	vld [tilespmem:s0+$0xFFFFFF90]  }
0x133: {  	v14 =	vld [tilespmem:s0+$0xFFFFFFF0];
	s0 =	simm.s32 $0x122F0;
	v10 =	vand.u32 $0x3FFF, v5  }
0x134: {  	v22 =	vld [tilespmem:s0+$0x0]  }
0x135: {  	v53 =	vld [tilespmem:s0+$0xFFFFFF90]  }
0x136: {  	v54 =	vld [tilespmem:s0+$0xFFFFFFA0]  }
0x137: {  	v31 =	vld [tilespmem:s0+$0xFFFFFFB0]  }
0x138: {  	v12 =	vand.u32 $0x3FFF, v6;
	v18 =	vld.idx.msk [tilespmem:v10+s4+$0x0], $0xffff  }
0x139: {  	v32 =	vld [tilespmem:s0+$0xFFFFFFC0];
	v16 =	vand.u32 $0x3FFF, v8  }
0x13a: {  	v34 =	vld [tilespmem:s0+$0xFFFFFFD0];
	v21 =	vand.u32 $0x3FFF, v13  }
0x13b: {  	v35 =	vld [tilespmem:s0+$0xFFFFFFE0];
	v5 =	vshrl.u32 v5, $0xE  }
0x13c: {  	v38 =	vld [tilespmem:s0+$0xFFFFFFF0]  }
0x13d: {  	v20 =	vld.idx.msk [tilespmem:v12+s4+$0x0], $0xffff;
	v28 =	vunpack.i.l.bf16.f32 v18  }
0x13e: {  	v15 =	vand.u32 $0x3FFF, v7;
	v25 =	vld.idx.msk [tilespmem:v16+s4+$0x0], $0xffff;
	v18 =	vunpack.i.u.bf16.f32 v18;
	v28 =	vmul.f32 v28, v22  }
0x13f: {  	v17 =	vand.u32 $0x3FFF, v9;
	v29 =	vld.idx.msk [tilespmem:v21+s4+$0x0], $0xffff;
	v18 =	vmul.f32 v18, v22  }
0x140: {  	v19 =	vand.u32 $0x3FFF, v11;
	[tilespmem:v5+s21+$0x0] =	vst.idx.add.f32.msk $0xffff, v28  }
0x141: {  	v23 =	vand.u32 $0x3FFF, v14;
	[tilespmem:v5+s22+$0x0] =	vst.idx.add.f32.msk $0xffff, v18  }
0x142: {  	v13 =	vshrl.u32 v13, $0xE;
	v10 =	vld.idx.msk [tilespmem:v10+s16+$0x0], $0xffff  }
0x143: {  	v37 =	vshrl.u32 v6, $0xE;
	v24 =	vld.idx.msk [tilespmem:v15+s4+$0x0], $0xffff  }
0x144: {  	v8 =	vshrl.u32 v8, $0xE;
	v26 =	vld.idx.msk [tilespmem:v17+s4+$0x0], $0xffff;
	v33 =	vunpack.i.l.bf16.f32 v29  }
0x145: {  	v27 =	vld.idx.msk [tilespmem:v19+s4+$0x0], $0xffff;
	v55 =	vunpack.i.l.bf16.f32 v20;
	v33 =	vmul.f32 v33, v53  }
0x146: {  	v57 =	vshrl.u32 v9, $0xE;
	v30 =	vld.idx.msk [tilespmem:v23+s4+$0x0], $0xffff;
	v9 =	vunpack.i.l.bf16.f32 v25;
	v56 =	vmul.f32 v55, v54  }
0x147: {  	v9 =	vmul.f32 v9, v32;
	[tilespmem:v13+s21+$0x0] =	vst.idx.add.f32.msk $0xffff, v33;
	v36 =	vunpack.i.l.bf16.f32 v10  }
0x148: {  	[tilespmem:v37+s21+$0x0] =	vst.idx.add.f32.msk $0xffff, v56;
	v6 =	vunpack.i.u.bf16.f32 v10;
	v10 =	vmul.f32 v36, v22  }
0x149: {  	v7 =	vshrl.u32 v7, $0xE;
	v29 =	vunpack.i.u.bf16.f32 v29;
	[tilespmem:v8+s21+$0x0] =	vst.idx.add.f32.msk $0xffff, v9;
	v6 =	vmul.f32 v6, v22  }
0x14a: {  	v29 =	vmul.f32 v29, v53;
	[tilespmem:v5+s23+$0x0] =	vst.idx.add.f32.msk $0xffff, v10;
	v10 =	vunpack.i.u.bf16.f32 v20  }
0x14b: {  	[tilespmem:v5+s24+$0x0] =	vst.idx.add.f32.msk $0xffff, v6;
	v5 =	vunpack.i.l.bf16.f32 v24;
	v6 =	vmul.f32 v10, v54  }
0x14c: {  	[tilespmem:v13+s22+$0x0] =	vst.idx.add.f32.msk $0xffff, v29;
	v10 =	vunpack.i.u.bf16.f32 v24;
	v5 =	vmul.f32 v5, v31  }
0x14d: {  	v10 =	vmul.f32 v10, v31;
	[tilespmem:v37+s22+$0x0] =	vst.idx.add.f32.msk $0xffff, v6;
	v6 =	vunpack.i.u.bf16.f32 v25  }
0x14e: {  	[tilespmem:v7+s21+$0x0] =	vst.idx.add.f32.msk $0xffff, v5;
	v5 =	vshrl.u32 v11, $0xE;
	v11 =	vunpack.i.l.bf16.f32 v26;
	v58 =	vmul.f32 v6, v32  }
0x14f: {  	[tilespmem:v7+s22+$0x0] =	vst.idx.add.f32.msk $0xffff, v10;
	v10 =	vunpack.i.u.bf16.f32 v26;
	v11 =	vmul.f32 v11, v34  }
0x150: {  	v6 =	vshrl.u32 v14, $0xE;
	v10 =	vmul.f32 v10, v34;
	[tilespmem:v8+s22+$0x0] =	vst.idx.add.f32.msk $0xffff, v58  }
0x151: {  	v9 =	vunpack.i.l.bf16.f32 v27;
	[tilespmem:v57+s21+$0x0] =	vst.idx.add.f32.msk $0xffff, v11  }
0x152: {  	v9 =	vmul.f32 v9, v35;
	v11 =	vunpack.i.l.bf16.f32 v30;
	[tilespmem:v57+s22+$0x0] =	vst.idx.add.f32.msk $0xffff, v10  }
0x153: {  	v10 =	vmul.f32 v11, v38;
	v11 =	vld.idx.msk [tilespmem:v15+s16+$0x0], $0xffff  }
0x154: {  	[tilespmem:v5+s21+$0x0] =	vst.idx.add.f32.msk $0xffff, v9;
	v9 =	vunpack.i.u.bf16.f32 v30  }
0x155: {  	v9 =	vmul.f32 v9, v38;
	[tilespmem:v6+s21+$0x0] =	vst.idx.add.f32.msk $0xffff, v10  }
0x156: {  	v14 =	vunpack.i.u.bf16.f32 v27;
	v10 =	vld.idx.msk [tilespmem:v21+s16+$0x0], $0xffff  }
0x157: {  	v14 =	vmul.f32 v14, v35;
	[tilespmem:v6+s22+$0x0] =	vst.idx.add.f32.msk $0xffff, v9  }
0x158: {  	v9 =	vld.idx.msk [tilespmem:v12+s16+$0x0], $0xffff  }
0x159: {  	[tilespmem:v5+s22+$0x0] =	vst.idx.add.f32.msk $0xffff, v14  }
0x15a: {  	v14 =	vld.idx.msk [tilespmem:v17+s16+$0x0], $0xffff  }
0x15b: {  	v59 =	vld.idx.msk [tilespmem:v19+s16+$0x0], $0xffff;
	v15 =	vunpack.i.l.bf16.f32 v10  }
0x15c: {  	v12 =	vld.idx.msk [tilespmem:v16+s16+$0x0], $0xffff;
	v10 =	vunpack.i.u.bf16.f32 v10;
	v15 =	vmul.f32 v15, v53  }
0x15d: {  	v60 =	vld.idx.msk [tilespmem:v23+s16+$0x0], $0xffff;
	v10 =	vmul.f32 v10, v53;
	v61 =	vunpack.i.l.bf16.f32 v9  }
0x15e: {  	v9 =	vunpack.i.u.bf16.f32 v9;
	[tilespmem:v13+s23+$0x0] =	vst.idx.add.f32.msk $0xffff, v15;
	v15 =	vmul.f32 v61, v54  }
0x15f: {  	v62 =	vunpack.i.l.bf16.f32 v11;
	v9 =	vmul.f32 v9, v54;
	[tilespmem:v13+s24+$0x0] =	vst.idx.add.f32.msk $0xffff, v10  }
0x160: {  	v10 =	vunpack.i.u.bf16.f32 v11;
	v11 =	vmul.f32 v62, v31;
	[tilespmem:v37+s23+$0x0] =	vst.idx.add.f32.msk $0xffff, v15  }
0x161: {  	v13 =	vunpack.i.l.bf16.f32 v12;
	[tilespmem:v37+s24+$0x0] =	vst.idx.add.f32.msk $0xffff, v9;
	v9 =	vmul.f32 v10, v31  }
0x162: {  	v10 =	vunpack.i.u.bf16.f32 v12;
	[tilespmem:v7+s23+$0x0] =	vst.idx.add.f32.msk $0xffff, v11;
	v11 =	vmul.f32 v13, v32  }
0x163: {  	v12 =	vunpack.i.l.bf16.f32 v14;
	v10 =	vmul.f32 v10, v32;
	[tilespmem:v7+s24+$0x0] =	vst.idx.add.f32.msk $0xffff, v9  }
0x164: {  	v15 =	vunpack.i.u.bf16.f32 v60;
	v12 =	vmul.f32 v12, v34;
	v7 =	vunpack.i.u.bf16.f32 v14;
	[tilespmem:v8+s23+$0x0] =	vst.idx.add.f32.msk $0xffff, v11  }
0x165: {  	v9 =	vunpack.i.u.bf16.f32 v59;
	v11 =	vunpack.i.l.bf16.f32 v59;
	v63 =	vmul.f32 v7, v34;
	[tilespmem:v8+s24+$0x0] =	vst.idx.add.f32.msk $0xffff, v10  }
0x166: {  	v7 =	vunpack.i.l.bf16.f32 v60;
	v14 =	vmul.f32 v11, v35;
	v13 =	vmul.f32 v9, v35;
	[tilespmem:v57+s23+$0x0] =	vst.idx.add.f32.msk $0xffff, v12  }
0x167: {  	s1 =	simm.s32 $0x0;
	s3 =	simm.s32 $0xF1F0;
	v9 =	vmul.f32 v7, v38;
	v7 =	vmul.f32 v15, v38;
	[tilespmem:v57+s24+$0x0] =	vst.idx.add.f32.msk $0xffff, v63  }
.LBB2_20:
0x168: {  	v16 =	vld [tilespmem:s3+$0x0]  }
0x169: {  	v8 =	vld [tilespmem:s3+$0xFFFFFFA0]  }
0x16a: {  	s1 =	sadd.s32 $0x8, s1;
	v10 =	vld [tilespmem:s3+$0xFFFFFFB0]  }
0x16b: {  	p0 =	slt.u32 s1, $0x188;
	v17 =	vld [tilespmem:s3+$0xFFFFFFC0]  }
0x16c: {  	v18 =	vld [tilespmem:s3+$0xFFFFFFD0]  }
0x16d: {  	v19 =	vld [tilespmem:s3+$0xFFFFFFE0];
	v20 =	vand.u32 $0x3FFF, v16  }
0x16e: {  	v12 =	vshrl.u32 v8, $0xE;
	v15 =	vand.u32 $0x3FFF, v8;
	v21 =	vld [tilespmem:s3+$0xFFFFFFF0]  }
0x16f: {  	v22 =	vld [tilespmem:s3+$0xFFFFFF90];
	v11 =	vshrl.u32 v10, $0xE;
	v23 =	vand.u32 $0x3FFF, v10  }
0x170: {  	v10 =	vshrl.u32 v17, $0xE;
	v17 =	vand.u32 $0x3FFF, v17;
	[tilespmem:v5+s23+$0x0] =	vst.idx.add.f32.msk $0xffff, v14  }
0x171: {  	v8 =	vshrl.u32 v18, $0xE;
	v18 =	vand.u32 $0x3FFF, v18;
	[tilespmem:v5+s24+$0x0] =	vst.idx.add.f32.msk $0xffff, v13  }
0x172: {  	v5 =	vshrl.u32 v19, $0xE;
	v19 =	vand.u32 $0x3FFF, v19;
	v24 =	vld.idx.msk [tilespmem:v20+s4+$0x0], $0xffff  }
0x173: {  	s0 =	sadd.s32 $0x100, s0;
	v25 =	vld.idx.msk [tilespmem:v15+s4+$0x0], $0xffff;
	v14 =	vshrl.u32 v21, $0xE;
	v21 =	vand.u32 $0x3FFF, v21  }
0x174: {  	v13 =	vshrl.u32 v22, $0xE;
	v22 =	vand.u32 $0x3FFF, v22;
	v26 =	vld [tilespmem:s0+$0x0]  }
0x175: {  	v27 =	vld.idx.msk [tilespmem:v23+s4+$0x0], $0xffff  }
0x176: {  	v16 =	vshrl.u32 v16, $0xE;
	v28 =	vld.idx.msk [tilespmem:v17+s4+$0x0], $0xffff  }
0x177: {  	v29 =	vld.idx.msk [tilespmem:v18+s4+$0x0], $0xffff  }
0x178: {  	v31 =	vunpack.i.l.bf16.f32 v24;
	v30 =	vld.idx.msk [tilespmem:v19+s4+$0x0], $0xffff  }
0x179: {  	v24 =	vunpack.i.u.bf16.f32 v24;
	v33 =	vunpack.i.u.bf16.f32 v25;
	v32 =	vld.idx.msk [tilespmem:v22+s4+$0x0], $0xffff;
	v31 =	vmul.f32 v31, v26  }
0x17a: {  	v25 =	vunpack.i.l.bf16.f32 v25;
	v24 =	vmul.f32 v24, v26;
	v34 =	vld.idx.msk [tilespmem:v21+s4+$0x0], $0xffff  }
0x17b: {  	v35 =	vunpack.i.u.bf16.f32 v27;
	v27 =	vunpack.i.l.bf16.f32 v27;
	[tilespmem:v16+s21+$0x0] =	vst.idx.add.f32.msk $0xffff, v31  }
0x17c: {  	v31 =	vunpack.i.u.bf16.f32 v28;
	v28 =	vunpack.i.l.bf16.f32 v28;
	[tilespmem:v16+s22+$0x0] =	vst.idx.add.f32.msk $0xffff, v24  }
0x17d: {  	v24 =	vunpack.i.u.bf16.f32 v29;
	v29 =	vunpack.i.l.bf16.f32 v29;
	v20 =	vld.idx.msk [tilespmem:v20+s16+$0x0], $0xffff  }
0x17e: {  	v37 =	vunpack.i.u.bf16.f32 v30;
	v30 =	vunpack.i.l.bf16.f32 v30;
	v36 =	vld [tilespmem:s0+$0xFFFFFF90]  }
0x17f: {  	v38 =	vunpack.i.u.bf16.f32 v32;
	v32 =	vunpack.i.l.bf16.f32 v32;
	v39 =	vld [tilespmem:s0+$0xFFFFFFA0]  }
0x180: {  	v41 =	vunpack.i.u.bf16.f32 v34;
	v34 =	vunpack.i.l.bf16.f32 v34;
	v40 =	vld [tilespmem:s0+$0xFFFFFFB0]  }
0x181: {  	v42 =	vld [tilespmem:s0+$0xFFFFFFC0]  }
0x182: {  	v43 =	vld [tilespmem:s0+$0xFFFFFFD0]  }
0x183: {  	v45 =	vunpack.i.l.bf16.f32 v20;
	v32 =	vmul.f32 v32, v36;
	v38 =	vmul.f32 v38, v36;
	v44 =	vld [tilespmem:s0+$0xFFFFFFE0]  }
0x184: {  	v20 =	vunpack.i.u.bf16.f32 v20;
	v45 =	vmul.f32 v45, v26;
	v25 =	vmul.f32 v25, v39;
	v46 =	vld [tilespmem:s0+$0xFFFFFFF0]  }
0x185: {  	v20 =	vmul.f32 v20, v26;
	[tilespmem:v13+s21+$0x0] =	vst.idx.add.f32.msk $0xffff, v32;
	v32 =	vmul.f32 v33, v39  }
0x186: {  	v26 =	vmul.f32 v27, v40;
	v27 =	vmul.f32 v35, v40;
	[tilespmem:v16+s23+$0x0] =	vst.idx.add.f32.msk $0xffff, v45  }
0x187: {  	v28 =	vmul.f32 v28, v42;
	v31 =	vmul.f32 v31, v42;
	[tilespmem:v16+s24+$0x0] =	vst.idx.add.f32.msk $0xffff, v20  }
0x188: {  	v16 =	vmul.f32 v29, v43;
	v20 =	vmul.f32 v24, v43;
	[tilespmem:v13+s22+$0x0] =	vst.idx.add.f32.msk $0xffff, v38  }
0x189: {  	v24 =	vmul.f32 v30, v44;
	[tilespmem:v12+s21+$0x0] =	vst.idx.add.f32.msk $0xffff, v25;
	v25 =	vmul.f32 v37, v44  }
0x18a: {  	v29 =	vmul.f32 v34, v46;
	v30 =	vmul.f32 v41, v46;
	[tilespmem:v12+s22+$0x0] =	vst.idx.add.f32.msk $0xffff, v32  }
0x18b: {  	[tilespmem:v11+s21+$0x0] =	vst.idx.add.f32.msk $0xffff, v26  }
0x18c: {  	[tilespmem:v11+s22+$0x0] =	vst.idx.add.f32.msk $0xffff, v27  }
0x18d: {  	[tilespmem:v10+s21+$0x0] =	vst.idx.add.f32.msk $0xffff, v28  }
0x18e: {  	[tilespmem:v10+s22+$0x0] =	vst.idx.add.f32.msk $0xffff, v31  }
0x18f: {  	[tilespmem:v8+s21+$0x0] =	vst.idx.add.f32.msk $0xffff, v16  }
0x190: {  	[tilespmem:v8+s22+$0x0] =	vst.idx.add.f32.msk $0xffff, v20  }
0x191: {  	[tilespmem:v5+s21+$0x0] =	vst.idx.add.f32.msk $0xffff, v24  }
0x192: {  	[tilespmem:v5+s22+$0x0] =	vst.idx.add.f32.msk $0xffff, v25  }
0x193: {  	[tilespmem:v14+s21+$0x0] =	vst.idx.add.f32.msk $0xffff, v29  }
0x194: {  	[tilespmem:v14+s22+$0x0] =	vst.idx.add.f32.msk $0xffff, v30  }
0x195: {  	v16 =	vld.idx.msk [tilespmem:v22+s16+$0x0], $0xffff  }
0x196: {  	v15 =	vld.idx.msk [tilespmem:v15+s16+$0x0], $0xffff  }
0x197: {  	v20 =	vld.idx.msk [tilespmem:v23+s16+$0x0], $0xffff  }
0x198: {  	v17 =	vld.idx.msk [tilespmem:v17+s16+$0x0], $0xffff  }
0x199: {  	v18 =	vld.idx.msk [tilespmem:v18+s16+$0x0], $0xffff  }
0x19a: {  	v19 =	vld.idx.msk [tilespmem:v19+s16+$0x0], $0xffff  }
0x19b: {  	v22 =	vunpack.i.u.bf16.f32 v16;
	v16 =	vunpack.i.l.bf16.f32 v16;
	v21 =	vld.idx.msk [tilespmem:v21+s16+$0x0], $0xffff  }
0x19c: {  	v16 =	vmul.f32 v16, v36;
	v23 =	vunpack.i.u.bf16.f32 v15;
	v15 =	vunpack.i.l.bf16.f32 v15;
	[tilespmem:v6+s23+$0x0] =	vst.idx.add.f32.msk $0xffff, v9  }
0x19d: {  	v9 =	vmul.f32 v22, v36;
	v22 =	vunpack.i.u.bf16.f32 v20;
	v20 =	vunpack.i.l.bf16.f32 v20;
	[tilespmem:v6+s24+$0x0] =	vst.idx.add.f32.msk $0xffff, v7;
	v6 =	vmovc v14  }
0x19e: {  	v7 =	vmul.f32 v15, v39;
	v14 =	vunpack.i.u.bf16.f32 v17;
	v15 =	vunpack.i.l.bf16.f32 v17;
	[tilespmem:v13+s23+$0x0] =	vst.idx.add.f32.msk $0xffff, v16  }
0x19f: {  	v16 =	vunpack.i.l.bf16.f32 v18;
	[tilespmem:v13+s24+$0x0] =	vst.idx.add.f32.msk $0xffff, v9;
	v9 =	vmul.f32 v23, v39;
	v13 =	vunpack.i.u.bf16.f32 v18  }
0x1a0: {  	v17 =	vunpack.i.u.bf16.f32 v19;
	v18 =	vunpack.i.l.bf16.f32 v19;
	[tilespmem:v12+s23+$0x0] =	vst.idx.add.f32.msk $0xffff, v7;
	v7 =	vmul.f32 v20, v40  }
0x1a1: {  	v19 =	vunpack.i.l.bf16.f32 v21;
	[tilespmem:v12+s24+$0x0] =	vst.idx.add.f32.msk $0xffff, v9;
	v9 =	vmul.f32 v22, v40;
	v12 =	vunpack.i.u.bf16.f32 v21  }
0x1a2: {  	[tilespmem:v11+s23+$0x0] =	vst.idx.add.f32.msk $0xffff, v7;
	v7 =	vmul.f32 v15, v42;
	v15 =	vmul.f32 v14, v42  }
.Ltmp9:
0x1a3: {  	[tilespmem:v11+s24+$0x0] =	vst.idx.add.f32.msk $0xffff, v9;
	v11 =	vmul.f32 v16, v43;
	v16 =	vmul.f32 v13, v43;
	(pc) =	sbr.rel @p0 .LBB2_20-.Ltmp9, $4  }
0x1a4: {  	v14 =	vmul.f32 v18, v44;
	v13 =	vmul.f32 v17, v44;
	[tilespmem:v10+s23+$0x0] =	vst.idx.add.f32.msk $0xffff, v7  }
0x1a5: {  	v9 =	vmul.f32 v19, v46;
	v7 =	vmul.f32 v12, v46;
	[tilespmem:v10+s24+$0x0] =	vst.idx.add.f32.msk $0xffff, v15  }
0x1a6: {  	[tilespmem:v8+s23+$0x0] =	vst.idx.add.f32.msk $0xffff, v11  }
0x1a7: {  	s3 =	sadd.s32 $0x100, s3;
	[tilespmem:v8+s24+$0x0] =	vst.idx.add.f32.msk $0xffff, v16  }
0x1a8: {  	_ = 	snop  }
0x1a9: {  	s26 =	sadd.s32 $0x1, s26  }
0x1aa: {  	p0 =	sne.s32 s26, $0x19  }
.Ltmp10:
0x1ab: {  	_ = 	snop;
	(pc) =	sbr.rel @p0 .LBB2_7-.Ltmp10, $4  }
0x1ac: {  	[tilespmem:v5+s23+$0x0] =	vst.idx.add.f32.msk $0xffff, v14  }
0x1ad: {  	[tilespmem:v6+s23+$0x0] =	vst.idx.add.f32.msk $0xffff, v9  }
0x1ae: {  	[tilespmem:v5+s24+$0x0] =	vst.idx.add.f32.msk $0xffff, v13  }
0x1af: {  	[tilespmem:v6+s24+$0x0] =	vst.idx.add.f32.msk $0xffff, v7  }
0x1b0: {  	_ =	sdelay $0x3  }
0x1b1: {  	v7 =	vld.idx.msk [tilespmem:v0+s18+$0x0], $0xffff  }
0x1b2: {  	v8 =	vld.idx.msk [tilespmem:v1+s18+$0x0], $0xffff  }
0x1b3: {  	v6 =	vld.idx.msk [tilespmem:v2+s18+$0x0], $0xffff  }
0x1b4: {  	v5 =	vld.idx.msk [tilespmem:v3+s18+$0x0], $0xffff;
	s0 =	simm.s32 $0x40  }
0x1b5: {  	s1 =	simm.s32 $0x5040;
	v9 =	vld [tilespmem:s0+$0x30]  }
0x1b6: {  	v10 =	vld [tilespmem:s1+$0x30]  }
0x1b7: {  	s3 =	simm.s32 $0x15440;
	v12 =	vld [tilespmem:s0+$0xFFFFFFC0]  }
0x1b8: {  	v11 =	vld [tilespmem:s3+$0x30]  }
0x1b9: {  	v13 =	vld [tilespmem:s0+$0xFFFFFFD0]  }
0x1ba: {  	v14 =	vld [tilespmem:s0+$0xFFFFFFE0]  }
0x1bb: {  	v16 =	vld [tilespmem:s0+$0xFFFFFFF0]  }
0x1bc: {  	v17 =	vld [tilespmem:s0+$0x10]  }
0x1bd: {  	v18 =	vld [tilespmem:s0+$0x20]  }
0x1be: {  	v19 =	vld [tilespmem:s1+$0xFFFFFFC0];
	v15 =	vunpack.i.l.bf16.f32 v9  }
0x1bf: {  	v21 =	vld [tilespmem:s1+$0xFFFFFFD0];
	v10 =	vadd.f32 v10, v15  }
0x1c0: {  	v24 =	vld [tilespmem:s1+$0xFFFFFFE0]  }
0x1c1: {  	v25 =	vld [tilespmem:s1+$0xFFFFFFF0];
	v10 =	vmul.f32 v10, v11  }
0x1c2: {  	v26 =	vld [tilespmem:s1+$0x0]  }
0x1c3: {  	v27 =	vld [tilespmem:s1+$0x10];
	v10 =	vadd.f32 v10, v7  }
0x1c4: {  	v20 =	vld [tilespmem:s3+$0xFFFFFFE0]  }
0x1c5: {  	v15 =	vld [tilespmem:s0+$0x0];
	s0 =	simm.s32 $0x7840;
	[tilespmem:s1+$0x30] =	vst v10  }
0x1c6: {  	v10 =	vld [tilespmem:s0+$0x30]  }
0x1c7: {  	v28 =	vld [tilespmem:s1+$0x20]  }
0x1c8: {  	v22 =	vld [tilespmem:s3+$0xFFFFFFD0];
	v30 =	vunpack.i.l.bf16.f32 v14  }
0x1c9: {  	s28 =	simm.s32 $0x50C0;
	v23 =	vld [tilespmem:s3+$0xFFFFFFF0];
	v30 =	vadd.f32 v24, v30  }
0x1ca: {  	v44 =	vld [tilespmem:s28+$0xFFFFFFC0];
	v9 =	vunpack.i.u.bf16.f32 v9  }
0x1cb: {  	v45 =	vld [tilespmem:s28+$0xFFFFFFD0];
	v31 =	vunpack.i.l.bf16.f32 v16;
	v30 =	vmul.f32 v30, v20;
	v9 =	vadd.f32 v10, v9  }
0x1cc: {  	v29 =	vunpack.i.l.bf16.f32 v12;
	v25 =	vadd.f32 v25, v31;
	v24 =	vld [tilespmem:s3+$0xFFFFFFC0];
	v10 =	vunpack.i.l.bf16.f32 v13  }
0x1cd: {  	v30 =	vadd.f32 v30, v7;
	v10 =	vadd.f32 v21, v10;
	v21 =	vld [tilespmem:s3+$0x0];
	v32 =	vmul.f32 v9, v11  }
0x1ce: {  	v19 =	vadd.f32 v19, v29;
	v25 =	vmul.f32 v25, v23;
	v9 =	vld [tilespmem:s3+$0x10]  }
0x1cf: {  	v33 =	vunpack.i.l.bf16.f32 v15;
	[tilespmem:s1+$0xFFFFFFE0] =	vst v30;
	v53 =	vmul.f32 v10, v22;
	v10 =	vld [tilespmem:s3+$0x20];
	v31 =	vadd.f32 v32, v8  }
0x1d0: {  	v34 =	vunpack.i.l.bf16.f32 v17;
	v35 =	vunpack.i.l.bf16.f32 v18;
	v26 =	vadd.f32 v26, v33;
	v30 =	vld [tilespmem:s0+$0xFFFFFFE0]  }
0x1d1: {  	s17 =	simm.s32 $0x2840;
	v47 =	vld [tilespmem:s28+$0xFFFFFFE0];
	v27 =	vadd.f32 v27, v34;
	v25 =	vadd.f32 v25, v7;
	v19 =	vmul.f32 v19, v24;
	[tilespmem:s0+$0x30] =	vst v31  }
0x1d2: {  	v28 =	vadd.f32 v28, v35;
	s3 =	simm.s32 $0xA040;
	v31 =	vadd.f32 v53, v7;
	v26 =	vmul.f32 v26, v21;
	v54 =	vld [tilespmem:s17+$0x30]  }
0x1d3: {  	[tilespmem:s1+$0xFFFFFFF0] =	vst v25;
	v19 =	vadd.f32 v19, v7;
	v29 =	vld [tilespmem:s3+$0x30];
	v27 =	vmul.f32 v27, v9  }
0x1d4: {  	v60 =	vld [tilespmem:s28+$0xFFFFFFF0];
	v14 =	vunpack.i.u.bf16.f32 v14;
	[tilespmem:s1+$0xFFFFFFD0] =	vst v31;
	v26 =	vadd.f32 v26, v7;
	v28 =	vmul.f32 v28, v10  }
0x1d5: {  	[tilespmem:s1+$0xFFFFFFC0] =	vst v19;
	v14 =	vadd.f32 v30, v14;
	v31 =	vld [tilespmem:s0+$0xFFFFFFD0];
	v25 =	vadd.f32 v27, v7  }
0x1d6: {  	v27 =	vld [tilespmem:s0+$0xFFFFFFF0];
	[tilespmem:s1+$0x0] =	vst v26;
	v26 =	vadd.f32 v28, v7  }
0x1d7: {  	v14 =	vmul.f32 v14, v20;
	v55 =	vld [tilespmem:s0+$0x0];
	[tilespmem:s1+$0x10] =	vst v25;
	v28 =	vunpack.i.l.bf16.f32 v54  }
0x1d8: {  	[tilespmem:s1+$0x20] =	vst v26;
	v26 =	vld [tilespmem:s0+$0xFFFFFFC0];
	v25 =	vadd.f32 v29, v28  }
0x1d9: {  	v12 =	vunpack.i.u.bf16.f32 v12;
	v13 =	vunpack.i.u.bf16.f32 v13;
	v14 =	vadd.f32 v14, v8;
	v19 =	vld [tilespmem:s0+$0x20]  }
0x1da: {  	v16 =	vunpack.i.u.bf16.f32 v16;
	v28 =	vld [tilespmem:s0+$0x10];
	v13 =	vadd.f32 v31, v13;
	v25 =	vmul.f32 v25, v11  }
0x1db: {  	v17 =	vunpack.i.u.bf16.f32 v17;
	v15 =	vunpack.i.u.bf16.f32 v15;
	[tilespmem:s0+$0xFFFFFFE0] =	vst v14;
	v53 =	vld [tilespmem:s28+$0x20];
	v16 =	vadd.f32 v27, v16  }
0x1dc: {  	v57 =	vld [tilespmem:s3+$0xFFFFFFE0];
	v13 =	vmul.f32 v13, v22;
	v15 =	vadd.f32 v55, v15;
	v25 =	vadd.f32 v25, v6  }
0x1dd: {  	s29 =	simm.s32 $0x154C0;
	v18 =	vunpack.i.u.bf16.f32 v18;
	v16 =	vmul.f32 v16, v23;
	v12 =	vadd.f32 v26, v12;
	v26 =	vld [tilespmem:s28+$0x30]  }
0x1de: {  	s26 =	simm.s32 $0xC840;
	v13 =	vadd.f32 v13, v8;
	v15 =	vmul.f32 v15, v21;
	v18 =	vadd.f32 v19, v18;
	[tilespmem:s3+$0x30] =	vst v25;
	v25 =	vld [tilespmem:s29+$0x30]  }
0x1df: {  	v17 =	vadd.f32 v28, v17;
	v27 =	vld [tilespmem:s26+$0x30]  }
0x1e0: {  	[tilespmem:s0+$0xFFFFFFD0] =	vst v13;
	v13 =	vadd.f32 v16, v8;
	v14 =	vadd.f32 v15, v8;
	v15 =	vmul.f32 v18, v10;
	v18 =	vld [tilespmem:s17+$0xFFFFFFE0]  }
0x1e1: {  	v12 =	vmul.f32 v12, v24;
	v16 =	vmul.f32 v17, v9;
	v17 =	vld [tilespmem:s17+$0xFFFFFFD0]  }
0x1e2: {  	v56 =	vld [tilespmem:s3+$0xFFFFFFD0];
	[tilespmem:s0+$0xFFFFFFF0] =	vst v13  }
0x1e3: {  	v12 =	vadd.f32 v12, v8;
	v13 =	vadd.f32 v16, v8;
	[tilespmem:s0+$0x0] =	vst v14;
	v16 =	vld [tilespmem:s17+$0xFFFFFFF0]  }
0x1e4: {  	v14 =	vadd.f32 v15, v8;
	v15 =	vld [tilespmem:s17+$0x0]  }
0x1e5: {  	[tilespmem:s0+$0xFFFFFFC0] =	vst v12;
	v58 =	vld [tilespmem:s3+$0xFFFFFFF0]  }
0x1e6: {  	[tilespmem:s0+$0x10] =	vst v13;
	v12 =	vld [tilespmem:s17+$0xFFFFFFC0]  }
0x1e7: {  	[tilespmem:s0+$0x20] =	vst v14;
	v13 =	vld [tilespmem:s17+$0x10]  }
0x1e8: {  	v19 =	vld [tilespmem:s17+$0x20];
	s17 =	simm.s32 $0xC0  }
0x1e9: {  	v38 =	vld [tilespmem:s17+$0x30]  }
0x1ea: {  	v36 =	vld [tilespmem:s3+$0x0]  }
0x1eb: {  	v14 =	vld [tilespmem:s3+$0xFFFFFFC0]  }
0x1ec: {  	v37 =	vld [tilespmem:s3+$0x10]  }
0x1ed: {  	v29 =	vunpack.i.u.bf16.f32 v18;
	v18 =	vunpack.i.l.bf16.f32 v18;
	v31 =	vld [tilespmem:s17+$0xFFFFFFC0];
	v30 =	vunpack.i.u.bf16.f32 v16  }
0x1ee: {  	v39 =	vld [tilespmem:s17+$0xFFFFFFD0];
	v16 =	vunpack.i.l.bf16.f32 v16;
	v59 =	vunpack.i.l.bf16.f32 v15;
	v28 =	vunpack.i.l.bf16.f32 v38  }
0x1ef: {  	v40 =	vld [tilespmem:s17+$0xFFFFFFE0];
	v46 =	vunpack.i.l.bf16.f32 v12;
	v26 =	vadd.f32 v26, v28;
	v28 =	vunpack.i.u.bf16.f32 v54  }
0x1f0: {  	v41 =	vld [tilespmem:s17+$0xFFFFFFF0];
	v50 =	vunpack.i.u.bf16.f32 v12;
	v48 =	vunpack.i.l.bf16.f32 v13;
	v27 =	vadd.f32 v27, v28  }
0x1f1: {  	v42 =	vld [tilespmem:s17+$0x0];
	v28 =	vunpack.i.u.bf16.f32 v17;
	v17 =	vunpack.i.l.bf16.f32 v17;
	v26 =	vmul.f32 v26, v25  }
0x1f2: {  	v43 =	vld [tilespmem:s17+$0x10];
	v17 =	vadd.f32 v56, v17;
	v11 =	vmul.f32 v27, v11;
	v27 =	vunpack.i.u.bf16.f32 v15  }
0x1f3: {  	v32 =	vld [tilespmem:s17+$0x20];
	v15 =	vunpack.i.u.bf16.f32 v13;
	v13 =	vadd.f32 v57, v18;
	v26 =	vadd.f32 v26, v7  }
0x1f4: {  	v35 =	vadd.f32 v58, v16;
	v36 =	vadd.f32 v36, v59;
	v12 =	vmul.f32 v17, v22;
	v17 =	vld [tilespmem:s28+$0x10]  }
0x1f5: {  	s30 =	simm.s32 $0x78C0;
	v37 =	vadd.f32 v37, v48;
	v16 =	vunpack.i.l.bf16.f32 v31;
	v52 =	vmul.f32 v13, v20;
	v13 =	vld [tilespmem:s29+$0xFFFFFFD0];
	[tilespmem:s28+$0x30] =	vst v26  }
0x1f6: {  	v63 =	vunpack.i.l.bf16.f32 v41;
	v26 =	vadd.f32 v11, v5;
	v11 =	vadd.f32 v14, v46;
	v14 =	vld [tilespmem:s30+$0x30]  }
0x1f7: {  	v59 =	vunpack.i.l.bf16.f32 v43;
	v44 =	vadd.f32 v44, v16;
	v46 =	vadd.f32 v12, v6;
	v12 =	vld [tilespmem:s29+$0xFFFFFFE0]  }
0x1f8: {  	v61 =	vld [tilespmem:s28+$0x0];
	v33 =	vadd.f32 v60, v63;
	v18 =	vunpack.i.l.bf16.f32 v39;
	v11 =	vmul.f32 v11, v24  }
0x1f9: {  	v62 =	vunpack.i.l.bf16.f32 v40;
	v16 =	vadd.f32 v45, v18;
	v48 =	vadd.f32 v17, v59;
	v17 =	vld [tilespmem:s29+$0x20]  }
0x1fa: {  	v51 =	vadd.f32 v11, v6;
	v11 =	vunpack.i.u.bf16.f32 v38;
	v38 =	vadd.f32 v47, v62  }
0x1fb: {  	v60 =	vunpack.i.l.bf16.f32 v32;
	v55 =	vmul.f32 v16, v13;
	v16 =	vld [tilespmem:s29+$0xFFFFFFC0];
	v11 =	vadd.f32 v14, v11  }
0x1fc: {  	v58 =	vld [tilespmem:s3+$0x20];
	v54 =	vunpack.i.l.bf16.f32 v42;
	v53 =	vadd.f32 v53, v60;
	v38 =	vmul.f32 v38, v12  }
0x1fd: {  	v34 =	vadd.f32 v61, v54;
	v14 =	vld [tilespmem:s29+$0xFFFFFFF0];
	v61 =	vadd.f32 v55, v7;
	v57 =	vmul.f32 v11, v25  }
0x1fe: {  	v18 =	vld [tilespmem:s29+$0x10];
	v38 =	vadd.f32 v38, v7;
	v63 =	vmul.f32 v53, v17  }
0x1ff: {  	v11 =	vld [tilespmem:s29+$0x0];
	[tilespmem:s28+$0xFFFFFFD0] =	vst v61;
	v45 =	vadd.f32 v57, v8  }
0x200: {  	v44 =	vmul.f32 v44, v16;
	[tilespmem:s28+$0xFFFFFFE0] =	vst v38;
	v38 =	vld [tilespmem:s30+$0xFFFFFFD0];
	v59 =	vadd.f32 v63, v7  }
0x201: {  	s0 =	simm.s32 $0x28C0;
	v49 =	vunpack.i.l.bf16.f32 v19;
	v19 =	vunpack.i.u.bf16.f32 v19;
	v35 =	vmul.f32 v35, v23;
	v56 =	vld [tilespmem:s30+$0xFFFFFFE0];
	[tilespmem:s30+$0x30] =	vst v45  }
0x202: {  	v36 =	vmul.f32 v36, v21;
	v33 =	vmul.f32 v33, v14;
	v44 =	vadd.f32 v44, v7;
	[tilespmem:s28+$0x20] =	vst v59;
	v54 =	vld [tilespmem:s0+$0x30]  }
0x203: {  	s31 =	simm.s32 $0xA0C0;
	v40 =	vunpack.i.u.bf16.f32 v40;
	v41 =	vunpack.i.u.bf16.f32 v41;
	v35 =	vadd.f32 v35, v6;
	[tilespmem:s3+$0xFFFFFFD0] =	vst v46;
	v63 =	vld [tilespmem:s30+$0x20]  }
0x204: {  	v39 =	vunpack.i.u.bf16.f32 v39;
	v34 =	vmul.f32 v34, v11;
	v62 =	vld [tilespmem:s31+$0x30];
	v33 =	vadd.f32 v33, v7;
	[tilespmem:s28+$0xFFFFFFC0] =	vst v44  }
0x205: {  	v52 =	vadd.f32 v52, v6;
	v47 =	vadd.f32 v58, v49;
	v48 =	vmul.f32 v48, v18;
	[tilespmem:s3+$0xFFFFFFC0] =	vst v51;
	v51 =	vld [tilespmem:s30+$0xFFFFFFC0]  }
0x206: {  	v31 =	vunpack.i.u.bf16.f32 v31;
	v53 =	vld [tilespmem:s26+$0xFFFFFFD0];
	v34 =	vadd.f32 v34, v7;
	[tilespmem:s28+$0xFFFFFFF0] =	vst v33;
	v38 =	vadd.f32 v38, v39  }
0x207: {  	v32 =	vunpack.i.u.bf16.f32 v32;
	[tilespmem:s3+$0xFFFFFFF0] =	vst v35;
	v57 =	vadd.f32 v48, v7;
	v58 =	vld [tilespmem:s30+$0xFFFFFFF0];
	v40 =	vadd.f32 v56, v40  }
0x208: {  	v39 =	vld [tilespmem:s26+$0xFFFFFFC0];
	[tilespmem:s28+$0x0] =	vst v34;
	v38 =	vmul.f32 v38, v13;
	v60 =	vunpack.i.l.bf16.f32 v54;
	v32 =	vadd.f32 v63, v32  }
0x209: {  	[tilespmem:s28+$0x10] =	vst v57;
	v34 =	vadd.f32 v36, v6;
	v61 =	vld [tilespmem:s30+$0x0];
	v55 =	vmul.f32 v40, v12;
	v45 =	vadd.f32 v62, v60  }
0x20a: {  	[tilespmem:s3+$0xFFFFFFE0] =	vst v52;
	v62 =	vld [tilespmem:s30+$0x10];
	v38 =	vadd.f32 v38, v8;
	v31 =	vadd.f32 v51, v31;
	v32 =	vmul.f32 v32, v17  }
0x20b: {  	v43 =	vunpack.i.u.bf16.f32 v43;
	v57 =	vld [tilespmem:s26+$0xFFFFFFE0];
	[tilespmem:s3+$0x0] =	vst v34;
	v59 =	vadd.f32 v55, v8;
	v45 =	vmul.f32 v45, v25  }
0x20c: {  	v41 =	vadd.f32 v58, v41;
	v58 =	vld [tilespmem:s26+$0xFFFFFFF0];
	[tilespmem:s30+$0xFFFFFFD0] =	vst v38;
	v31 =	vmul.f32 v31, v16;
	v32 =	vadd.f32 v32, v8  }
0x20d: {  	v42 =	vunpack.i.u.bf16.f32 v42;
	v37 =	vmul.f32 v37, v9;
	v63 =	vld [tilespmem:s0+$0xFFFFFFD0];
	[tilespmem:s30+$0xFFFFFFE0] =	vst v59;
	v45 =	vadd.f32 v45, v6  }
0x20e: {  	v36 =	vmul.f32 v47, v10;
	v33 =	vadd.f32 v61, v42;
	v48 =	vld [tilespmem:s0+$0xFFFFFFE0];
	v31 =	vadd.f32 v31, v8;
	[tilespmem:s30+$0x20] =	vst v32  }
0x20f: {  	v47 =	vadd.f32 v39, v50;
	v41 =	vmul.f32 v41, v14;
	v56 =	vadd.f32 v62, v43;
	v62 =	vld [tilespmem:s26+$0x0];
	[tilespmem:s31+$0x30] =	vst v45  }
0x210: {  	s1 =	simm.s32 $0xC8C0;
	v37 =	vadd.f32 v37, v6;
	v28 =	vadd.f32 v53, v28;
	v33 =	vmul.f32 v33, v11;
	[tilespmem:s30+$0xFFFFFFC0] =	vst v31;
	v31 =	vld [tilespmem:s0+$0x20]  }
0x211: {  	v29 =	vadd.f32 v57, v29;
	v24 =	vmul.f32 v47, v24;
	v61 =	vadd.f32 v41, v8;
	v60 =	vld [tilespmem:s1+$0x30]  }
0x212: {  	v28 =	vmul.f32 v28, v22;
	v40 =	vmul.f32 v56, v18;
	v53 =	vld [tilespmem:s0+$0xFFFFFFC0];
	v33 =	vadd.f32 v33, v8  }
0x213: {  	v36 =	vadd.f32 v36, v6;
	v29 =	vmul.f32 v29, v20;
	v24 =	vadd.f32 v24, v5;
	v56 =	vld [tilespmem:s31+$0xFFFFFFD0];
	[tilespmem:s30+$0xFFFFFFF0] =	vst v61  }
0x214: {  	v51 =	vunpack.i.u.bf16.f32 v54;
	v30 =	vadd.f32 v58, v30;
	v49 =	vadd.f32 v40, v8;
	v50 =	vld [tilespmem:s0+$0xFFFFFFF0];
	[tilespmem:s30+$0x0] =	vst v33  }
0x215: {  	v29 =	vadd.f32 v29, v5;
	[tilespmem:s26+$0xFFFFFFC0] =	vst v24;
	v24 =	vadd.f32 v28, v5;
	v20 =	vunpack.i.u.bf16.f32 v63;
	v33 =	vld [tilespmem:s0+$0x0]  }
0x216: {  	v30 =	vmul.f32 v30, v23;
	v23 =	vadd.f32 v62, v27;
	v27 =	vld [tilespmem:s31+$0xFFFFFFC0];
	[tilespmem:s30+$0x10] =	vst v49;
	v52 =	vadd.f32 v60, v51  }
0x217: {  	[tilespmem:s3+$0x10] =	vst v37;
	v54 =	vunpack.i.l.bf16.f32 v63;
	v22 =	vunpack.i.u.bf16.f32 v48;
	v39 =	vunpack.i.l.bf16.f32 v48;
	v38 =	vld [tilespmem:s0+$0x10]  }
0x218: {  	v59 =	vld [tilespmem:s31+$0xFFFFFFE0];
	[tilespmem:s26+$0xFFFFFFE0] =	vst v29;
	v30 =	vadd.f32 v30, v5;
	v29 =	vunpack.i.l.bf16.f32 v31;
	v25 =	vmul.f32 v52, v25  }
0x219: {  	[tilespmem:s26+$0x30] =	vst v26;
	v55 =	vmul.f32 v23, v21;
	v60 =	vld [tilespmem:s31+$0xFFFFFFF0];
	v61 =	vunpack.i.l.bf16.f32 v53;
	v41 =	vadd.f32 v56, v54  }
0x21a: {  	[tilespmem:s3+$0x20] =	vst v36;
	v58 =	vadd.f32 v25, v5;
	v21 =	vunpack.i.u.bf16.f32 v33;
	v25 =	vunpack.i.l.bf16.f32 v33;
	v33 =	vld [tilespmem:s31+$0x0]  }
0x21b: {  	[tilespmem:s26+$0xFFFFFFD0] =	vst v24;
	v34 =	vld [tilespmem:s31+$0x10];
	v24 =	vunpack.i.u.bf16.f32 v53;
	v63 =	vadd.f32 v55, v5;
	v62 =	vadd.f32 v27, v61  }
0x21c: {  	v32 =	vld [tilespmem:s31+$0x20];
	[tilespmem:s26+$0xFFFFFFF0] =	vst v30;
	v23 =	vunpack.i.u.bf16.f32 v50;
	v57 =	vunpack.i.l.bf16.f32 v50;
	v26 =	vunpack.i.u.bf16.f32 v38  }
0x21d: {  	v30 =	vld [tilespmem:s26+$0x10];
	[tilespmem:s26+$0x0] =	vst v63;
	v28 =	vunpack.i.l.bf16.f32 v38;
	v37 =	vmul.f32 v62, v16;
	v38 =	vadd.f32 v59, v39  }
0x21e: {  	s17 =	simm.s32 $0x140;
	s3 =	simm.s32 $0x8;
	v35 =	vmul.f32 v41, v13;
	v27 =	vunpack.i.u.bf16.f32 v31;
	v31 =	vld [tilespmem:s26+$0x20];
	v36 =	vadd.f32 v60, v57;
	[tilespmem:s1+$0x30] =	vst v58  }
.LBB2_23:
0x21f: {  	v39 =	vld [tilespmem:s17+$0x30];
	s3 =	sadd.s32 $0x8, s3;
	v37 =	vadd.f32 v37, v6;
	v38 =	vmul.f32 v38, v12;
	v25 =	vadd.f32 v33, v25;
	s28 =	sadd.s32 $0x80, s28  }
0x220: {  	v33 =	vld [tilespmem:s28+$0x30];
	p0 =	slt.u32 s3, $0x278;
	v35 =	vadd.f32 v35, v6;
	v36 =	vmul.f32 v36, v14;
	v28 =	vadd.f32 v34, v28  }
0x221: {  	s29 =	sadd.s32 $0x80, s29;
	v34 =	vld [tilespmem:s17+$0xFFFFFFC0];
	[tilespmem:s31+$0xFFFFFFC0] =	vst v37;
	v37 =	vadd.f32 v38, v6;
	v38 =	vmul.f32 v25, v11;
	v29 =	vadd.f32 v32, v29  }
0x222: {  	v25 =	vld [tilespmem:s29+$0x30];
	[tilespmem:s31+$0xFFFFFFD0] =	vst v35;
	v32 =	vadd.f32 v36, v6;
	v28 =	vmul.f32 v28, v18;
	v15 =	vadd.f32 v30, v15  }
0x223: {  	v30 =	vld [tilespmem:s17+$0xFFFFFFD0];
	[tilespmem:s31+$0xFFFFFFE0] =	vst v37;
	v35 =	vadd.f32 v38, v6;
	v29 =	vmul.f32 v29, v17;
	v19 =	vadd.f32 v31, v19  }
0x224: {  	v31 =	vld [tilespmem:s17+$0xFFFFFFE0];
	v36 =	vunpack.i.l.bf16.f32 v39;
	[tilespmem:s31+$0xFFFFFFF0] =	vst v32;
	v32 =	vadd.f32 v28, v6;
	v37 =	vmul.f32 v15, v9;
	v9 =	vmovc v18  }
0x225: {  	v18 =	vld [tilespmem:s17+$0xFFFFFFF0];
	v33 =	vadd.f32 v33, v36;
	[tilespmem:s31+$0x0] =	vst v35;
	v29 =	vadd.f32 v29, v6;
	v36 =	vmul.f32 v19, v10  }
0x226: {  	v10 =	vmovc v17;
	v28 =	vunpack.i.u.bf16.f32 v34;
	v34 =	vunpack.i.l.bf16.f32 v34;
	v35 =	vld [tilespmem:s17+$0x0];
	[tilespmem:s31+$0x10] =	vst v32;
	v32 =	vadd.f32 v37, v5;
	v15 =	vmovc v26  }
0x227: {  	v17 =	vld [tilespmem:s17+$0x10];
	v26 =	vmul.f32 v33, v25;
	[tilespmem:s31+$0x20] =	vst v29;
	v29 =	vadd.f32 v36, v5;
	v19 =	vmov v27  }
0x228: {  	v33 =	vunpack.i.u.bf16.f32 v30;
	v27 =	vunpack.i.l.bf16.f32 v30;
	v30 =	vld [tilespmem:s17+$0x20];
	[tilespmem:s26+$0x10] =	vst v32  }
0x229: {  	v32 =	vld [tilespmem:s28+$0xFFFFFFC0];
	v36 =	vunpack.i.u.bf16.f32 v31;
	v31 =	vunpack.i.l.bf16.f32 v31;
	v26 =	vadd.f32 v26, v7;
	[tilespmem:s26+$0x20] =	vst v29;
	s26 =	smov.u32 s1  }
0x22a: {  	v29 =	vld [tilespmem:s28+$0xFFFFFFD0];
	v37 =	vunpack.i.u.bf16.f32 v18;
	v18 =	vunpack.i.l.bf16.f32 v18  }
0x22b: {  	s30 =	sadd.s32 $0x80, s30;
	v38 =	vld [tilespmem:s28+$0xFFFFFFE0];
	v40 =	vunpack.i.u.bf16.f32 v35;
	v35 =	vunpack.i.l.bf16.f32 v35;
	[tilespmem:s28+$0x30] =	vst v26  }
0x22c: {  	v41 =	vunpack.i.u.bf16.f32 v17;
	v17 =	vunpack.i.l.bf16.f32 v17;
	v26 =	vld [tilespmem:s30+$0x30]  }
0x22d: {  	v42 =	vld [tilespmem:s28+$0xFFFFFFF0];
	v43 =	vunpack.i.u.bf16.f32 v30;
	v44 =	vunpack.i.l.bf16.f32 v30  }
0x22e: {  	v32 =	vadd.f32 v32, v34;
	v30 =	vld [tilespmem:s28+$0x0]  }
0x22f: {  	v34 =	vadd.f32 v29, v27;
	v45 =	vld [tilespmem:s28+$0x10]  }
0x230: {  	v29 =	vunpack.i.u.bf16.f32 v39;
	v31 =	vadd.f32 v38, v31;
	v38 =	vld [tilespmem:s28+$0x20]  }
0x231: {  	v27 =	vld [tilespmem:s29+$0xFFFFFFD0];
	v39 =	vadd.f32 v26, v29  }
0x232: {  	v29 =	vld [tilespmem:s29+$0xFFFFFFE0];
	v42 =	vadd.f32 v42, v18  }
0x233: {  	v26 =	vld [tilespmem:s29+$0xFFFFFFF0];
	v35 =	vadd.f32 v30, v35;
	v39 =	vmul.f32 v39, v25  }
0x234: {  	v30 =	vld [tilespmem:s29+$0x0];
	v45 =	vadd.f32 v45, v17  }
0x235: {  	v18 =	vld [tilespmem:s29+$0x10];
	v38 =	vadd.f32 v38, v44;
	v39 =	vadd.f32 v39, v8  }
0x236: {  	v34 =	vmul.f32 v34, v27;
	v17 =	vld [tilespmem:s29+$0x20]  }
0x237: {  	s0 =	sadd.s32 $0x80, s0;
	v44 =	vld [tilespmem:s29+$0xFFFFFFC0];
	v31 =	vmul.f32 v31, v29;
	[tilespmem:s30+$0x30] =	vst v39  }
0x238: {  	s31 =	sadd.s32 $0x80, s31;
	v34 =	vadd.f32 v34, v7;
	v39 =	vmul.f32 v42, v26;
	v42 =	vld [tilespmem:s0+$0x30]  }
0x239: {  	v31 =	vadd.f32 v31, v7;
	v35 =	vmul.f32 v35, v30;
	v46 =	vld [tilespmem:s31+$0x30]  }
0x23a: {  	[tilespmem:s28+$0xFFFFFFD0] =	vst v34;
	v34 =	vadd.f32 v39, v7;
	v39 =	vmul.f32 v45, v18;
	v45 =	vld [tilespmem:s1+$0xFFFFFFC0]  }
0x23b: {  	v47 =	vld [tilespmem:s30+$0xFFFFFFD0];
	[tilespmem:s28+$0xFFFFFFE0] =	vst v31;
	v31 =	vadd.f32 v35, v7;
	v35 =	vmul.f32 v38, v17  }
0x23c: {  	v32 =	vmul.f32 v32, v44;
	v38 =	vld [tilespmem:s30+$0xFFFFFFE0];
	[tilespmem:s28+$0xFFFFFFF0] =	vst v34;
	v34 =	vadd.f32 v39, v7  }
0x23d: {  	v39 =	vld [tilespmem:s30+$0xFFFFFFF0];
	[tilespmem:s28+$0x0] =	vst v31;
	v31 =	vadd.f32 v35, v7;
	v35 =	vunpack.i.l.bf16.f32 v42  }
0x23e: {  	v32 =	vadd.f32 v32, v7;
	v48 =	vld [tilespmem:s30+$0x0];
	[tilespmem:s28+$0x10] =	vst v34;
	v34 =	vadd.f32 v46, v35  }
0x23f: {  	v35 =	vld [tilespmem:s30+$0x10];
	[tilespmem:s28+$0x20] =	vst v31;
	v24 =	vadd.f32 v45, v24  }
0x240: {  	[tilespmem:s28+$0xFFFFFFC0] =	vst v32;
	v31 =	vadd.f32 v47, v33;
	v32 =	vld [tilespmem:s30+$0x20];
	v33 =	vmul.f32 v34, v25  }
0x241: {  	v34 =	vld [tilespmem:s30+$0xFFFFFFC0];
	v36 =	vadd.f32 v38, v36;
	v24 =	vmul.f32 v24, v16;
	v16 =	vmov v44  }
0x242: {  	v31 =	vmul.f32 v31, v27;
	v37 =	vadd.f32 v39, v37;
	v33 =	vadd.f32 v33, v6;
	v38 =	vld [tilespmem:s1+$0xFFFFFFD0]  }
0x243: {  	v36 =	vmul.f32 v36, v29;
	v39 =	vadd.f32 v48, v40;
	v24 =	vadd.f32 v24, v5;
	v40 =	vld [tilespmem:s1+$0xFFFFFFE0]  }
0x244: {  	s1 =	sadd.s32 $0x80, s1;
	v31 =	vadd.f32 v31, v8;
	v37 =	vmul.f32 v37, v26;
	v35 =	vadd.f32 v35, v41;
	[tilespmem:s31+$0x30] =	vst v33;
	v33 =	vld [tilespmem:s26+$0xFFFFFFF0]  }
0x245: {  	v36 =	vadd.f32 v36, v8;
	v39 =	vmul.f32 v39, v30;
	v32 =	vadd.f32 v32, v43;
	v41 =	vld [tilespmem:s1+$0x30];
	[tilespmem:s26+$0xFFFFFFC0] =	vst v24  }
0x246: {  	v24 =	vadd.f32 v34, v28;
	[tilespmem:s30+$0xFFFFFFD0] =	vst v31;
	v28 =	vadd.f32 v37, v8;
	v31 =	vmul.f32 v35, v18;
	v34 =	vld [tilespmem:s26+$0x0]  }
0x247: {  	v35 =	vld [tilespmem:s0+$0xFFFFFFD0];
	[tilespmem:s30+$0xFFFFFFE0] =	vst v36;
	v36 =	vadd.f32 v39, v8;
	v32 =	vmul.f32 v32, v17;
	v20 =	vadd.f32 v38, v20  }
0x248: {  	v24 =	vmul.f32 v24, v16;
	v37 =	vld [tilespmem:s0+$0xFFFFFFE0];
	[tilespmem:s30+$0xFFFFFFF0] =	vst v28;
	v28 =	vadd.f32 v31, v8;
	v22 =	vadd.f32 v40, v22  }
0x249: {  	v31 =	vld [tilespmem:s0+$0xFFFFFFF0];
	[tilespmem:s30+$0x0] =	vst v36;
	v32 =	vadd.f32 v32, v8;
	v36 =	vunpack.i.u.bf16.f32 v42;
	v23 =	vadd.f32 v33, v23  }
0x24a: {  	v24 =	vadd.f32 v24, v8;
	v33 =	vld [tilespmem:s0+$0x0];
	[tilespmem:s30+$0x10] =	vst v28;
	v28 =	vadd.f32 v41, v36;
	v36 =	vmul.f32 v20, v13  }
0x24b: {  	v38 =	vld [tilespmem:s0+$0x10];
	[tilespmem:s30+$0x20] =	vst v32;
	v32 =	vmul.f32 v22, v12;
	v39 =	vmul.f32 v23, v14;
	v23 =	vadd.f32 v34, v21  }
0x24c: {  	v13 =	vmovc v27;
	v12 =	vmovc v29;
	[tilespmem:s30+$0xFFFFFFC0] =	vst v24;
	v20 =	vunpack.i.u.bf16.f32 v35;
	v35 =	vunpack.i.l.bf16.f32 v35;
	v24 =	vld [tilespmem:s0+$0x20];
	v21 =	vmul.f32 v28, v25  }
0x24d: {  	v14 =	vmovc v26;
	v34 =	vld [tilespmem:s0+$0xFFFFFFC0];
	v22 =	vunpack.i.u.bf16.f32 v37;
	v40 =	vunpack.i.l.bf16.f32 v37;
	v37 =	vmul.f32 v23, v11;
	v11 =	vmovc v30  }
0x24e: {  	v30 =	vld [tilespmem:s31+$0xFFFFFFC0];
	v23 =	vunpack.i.u.bf16.f32 v31;
	v31 =	vunpack.i.l.bf16.f32 v31;
	v27 =	vadd.f32 v21, v5  }
0x24f: {  	v41 =	vld [tilespmem:s31+$0xFFFFFFD0];
	v21 =	vunpack.i.u.bf16.f32 v33;
	v25 =	vunpack.i.l.bf16.f32 v33;
	v33 =	vadd.f32 v36, v5  }
0x250: {  	v32 =	vadd.f32 v32, v5;
	v36 =	vld [tilespmem:s31+$0xFFFFFFE0];
	v26 =	vunpack.i.u.bf16.f32 v38;
	v28 =	vunpack.i.l.bf16.f32 v38;
	[tilespmem:s1+$0x30] =	vst v27  }
0x251: {  	v38 =	vadd.f32 v39, v5;
	v42 =	vld [tilespmem:s31+$0xFFFFFFF0];
	v27 =	vunpack.i.u.bf16.f32 v24;
	v29 =	vunpack.i.l.bf16.f32 v24;
	[tilespmem:s26+$0xFFFFFFD0] =	vst v33  }
.Ltmp11:
0x252: {  	v37 =	vadd.f32 v37, v5;
	v24 =	vunpack.i.u.bf16.f32 v34;
	v34 =	vunpack.i.l.bf16.f32 v34;
	v33 =	vld [tilespmem:s31+$0x0];
	[tilespmem:s26+$0xFFFFFFE0] =	vst v32;
	(pc) =	sbr.rel @p0 .LBB2_23-.Ltmp11, $4  }
0x253: {  	v30 =	vadd.f32 v30, v34;
	v34 =	vld [tilespmem:s31+$0x10];
	[tilespmem:s26+$0xFFFFFFF0] =	vst v38  }
0x254: {  	v35 =	vadd.f32 v41, v35;
	v32 =	vld [tilespmem:s31+$0x20];
	[tilespmem:s26+$0x0] =	vst v37  }
0x255: {  	v37 =	vmul.f32 v30, v16;
	v38 =	vadd.f32 v36, v40;
	v30 =	vld [tilespmem:s26+$0x10]  }
0x256: {  	s17 =	sadd.s32 $0x80, s17;
	v35 =	vmul.f32 v35, v13;
	v36 =	vadd.f32 v42, v31;
	v31 =	vld [tilespmem:s26+$0x20]  }
0x257: {  	v7 =	vadd.f32 v37, v6;
	v8 =	vmul.f32 v38, v12;
	v25 =	vadd.f32 v33, v25  }
0x258: {  	v42 =	vadd.f32 v35, v6;
	v43 =	vmul.f32 v36, v14;
	v28 =	vadd.f32 v34, v28  }
0x259: {  	[tilespmem:s31+$0xFFFFFFC0] =	vst v7;
	v7 =	vadd.f32 v8, v6;
	v44 =	vmul.f32 v25, v11;
	v45 =	vadd.f32 v32, v29  }
0x25a: {  	[tilespmem:s31+$0xFFFFFFD0] =	vst v42;
	v46 =	vadd.f32 v43, v6;
	v28 =	vmul.f32 v28, v18;
	v47 =	vld [tilespmem:s1+$0xFFFFFFC0]  }
0x25b: {  	[tilespmem:s31+$0xFFFFFFE0] =	vst v7;
	v7 =	vadd.f32 v44, v6;
	v48 =	vmul.f32 v45, v17;
	v49 =	vld [tilespmem:s1+$0xFFFFFFD0]  }
0x25c: {  	[tilespmem:s31+$0xFFFFFFF0] =	vst v46;
	v28 =	vadd.f32 v28, v6;
	v50 =	vld [tilespmem:s1+$0xFFFFFFE0]  }
0x25d: {  	v15 =	vadd.f32 v30, v15;
	[tilespmem:s31+$0x0] =	vst v7;
	v6 =	vadd.f32 v48, v6;
	v7 =	vld [tilespmem:s1+$0xFFFFFFF0]  }
0x25e: {  	v51 =	vadd.f32 v31, v19;
	[tilespmem:s31+$0x10] =	vst v28;
	v52 =	vld [tilespmem:s1+$0x0]  }
0x25f: {  	v9 =	vmul.f32 v15, v9;
	[tilespmem:s31+$0x20] =	vst v6;
	v6 =	vadd.f32 v47, v24;
	v53 =	vld [tilespmem:s1+$0x10]  }
0x260: {  	v8 =	vmul.f32 v51, v10;
	v54 =	vadd.f32 v49, v20;
	v55 =	vld [tilespmem:s1+$0x20]  }
0x261: {  	v9 =	vadd.f32 v9, v5;
	v6 =	vmul.f32 v6, v16;
	v56 =	vadd.f32 v50, v22  }
0x262: {  	v8 =	vadd.f32 v8, v5;
	v7 =	vadd.f32 v7, v23;
	v10 =	vmul.f32 v54, v13  }
0x263: {  	[tilespmem:s26+$0x10] =	vst v9;
	v6 =	vadd.f32 v6, v5;
	v57 =	vmul.f32 v56, v12;
	v58 =	vadd.f32 v52, v21  }
0x264: {  	[tilespmem:s26+$0x20] =	vst v8;
	v7 =	vmul.f32 v7, v14;
	v59 =	vadd.f32 v10, v5;
	v60 =	vadd.f32 v53, v26  }
0x265: {  	[tilespmem:s1+$0xFFFFFFC0] =	vst v6;
	v6 =	vmul.f32 v58, v11;
	v9 =	vadd.f32 v57, v5;
	v61 =	vadd.f32 v55, v27  }
0x266: {  	[tilespmem:s1+$0xFFFFFFD0] =	vst v59;
	v7 =	vadd.f32 v7, v5;
	v62 =	vmul.f32 v60, v18  }
0x267: {  	[tilespmem:s1+$0xFFFFFFE0] =	vst v9;
	v6 =	vadd.f32 v6, v5;
	v63 =	vmul.f32 v61, v17  }
0x268: {  	[tilespmem:s1+$0xFFFFFFF0] =	vst v7;
	v7 =	vadd.f32 v62, v5  }
0x269: {  	[tilespmem:s1+$0x0] =	vst v6;
	v5 =	vadd.f32 v63, v5  }
0x26a: {  	[tilespmem:s1+$0x10] =	vst v7  }
0x26b: {  	[tilespmem:s1+$0x20] =	vst v5  }
0x26c: {  	[hbm4b:s9+s14] =	stream.strided.scatter [tilespmem:s21], [sflag:$0x1], $0x2800, s15, s14, $0x38;
	[tilespmem:$0x17C80] =	vst v63  }
0x26d: {  	_ = 	snop  }
0x26e: {  	[hbm4b:s10+s14] =	stream.strided.scatter [tilespmem:s22], [sflag:$0x1], $0x2800, s15, s14, $0x38;
	[tilespmem:$0x17C80] =	vst v63  }
0x26f: {  	_ = 	snop  }
0x270: {  	[hbm4b:s11+s14] =	stream.strided.scatter [tilespmem:s23], [sflag:$0x1], $0x2800, s15, s14, $0x38;
	[tilespmem:$0x17C80] =	vst v63  }
0x271: {  	_ = 	snop  }
0x272: {  	[hbm4b:s12+s14] =	stream.strided.scatter [tilespmem:s24], [sflag:$0x1], $0x2800, s15, s14, $0x38;
	[tilespmem:$0x17C80] =	vst v63  }
0x273: {  	_ =	swait.ge [sflag:s19], $0x2800  }
0x274: {  	[sflag:s19] =	ssyncset.done $0x0  }
0x275: {  	[sflag:s19] =	ssyncadd.s32 $0xFFFFD800  }
0x276: {  	_ =	swait.ge [sflag:s19], $0x2800  }
0x277: {  	[sflag:s19] =	ssyncset.done $0x0  }
0x278: {  	s25 =	sadd.s32 $0x1, s25;
	[sflag:s19] =	ssyncadd.s32 $0xFFFFD800  }
0x279: {  	p0 =	sne.s32 s25, s13;
	_ =	swait.ge [sflag:s19], $0x2800  }
.Ltmp12:
0x27a: {  	[sflag:s19] =	ssyncset.done $0x0;
	(pc) =	sbr.rel @p0 .LBB2_1-.Ltmp12, $4  }
0x27b: {  	[sflag:s19] =	ssyncadd.s32 $0xFFFFD800  }
0x27c: {  	_ =	swait.ge [sflag:s19], $0x2800  }
0x27d: {  	[sflag:s19] =	ssyncset.done $0x0  }
0x27e: {  	[sflag:s19] =	ssyncadd.s32 $0xFFFFD800  }
0x27f: {  	_ =	sfence.sel $0x180000  }
0x280: {  	[bflag:$0x0] =	sbarrier.arrive $0xFFFF  }
0x281: {  	_ =	strace $0x9000004D  }
0x282: {  	s0 =	stileid.u32;
	[bflag:$0x2] =	sbarrier.arrive $0xFFFF  }
0x283: {  	p0 =	sne.s32 s0, $0x0;
	s0 =	rddreg [dreg:$0x4]  }
0x284: {  	s0 =	sadd.s32 @!p0 $0x100000, s0  }
0x285: {  	[sflag:s0] =	ssyncadd.tile.s32 @!p0 $0x1;
	_ =	shalt  }
.Lfunc_end2:
_tile_overlayer_lowered:
.L_overlay_start_2:
0x286: {  	(tag) =	ssettag $0x2  }
0x287: {  	s0 =	rddreg [dreg:$0x0];
	s2 =	stileid.u32  }
0x288: {  	s1 =	rddreg [dreg:$0x1];
	p0 =	sne.s32 s2, $0x0  }
0x289: {  	s3 =	rddreg [dreg:$0x2];
	[bflag:$0x3] =	sbarrier.arrive $0xFFFF;
	s2 =	simm.s32 @!p0 $0x1C03  }
0x28a: {  	[timem:s3], [sflag:s2] =	dma.local @!p0 [hbm:s0], s1  }
0x28b: {  	s0 =	simm.s32 @!p0 $0x3  }
0x28c: {  	_ =	swait.ge @!p0 [sflag:s0], s1  }
0x28d: {  	s1 =	ssub.s32 @!p0 $0x0, s1;
	[sflag:s0] =	ssyncset.done @!p0 $0x0  }
0x28e: {  	[sflag:s0] =	ssyncadd.s32 @!p0 s1  }
0x28f: {  	[bflag:$0x3] =	sbarrier.arrive $0xFFFF  }
0x290: {  	_ =	shalt  }

// kernel: kernel.7.cloned.1.call-start
scs
__scs_entry_jumppad:
0x0: {  	(pc) =	sbr.rel $0x88, $3  }
0x1: {  	(tag) =	ssettag $0x0;
	lr =	simm.s32 $0x1  }
0x2: {  	[smem:$0x3F9A] =	sst lr;
	_ =	strace $0xD0000000  }
0x3: {  	_ = 	snop  }
0x4: {  	_ = 	snop  }
0x5: {  	_ = 	snop  }
0x6: {  	_ = 	snop  }
0x7: {  	_ = 	snop  }
__scs_overlays_trampoline_lowered:
0x8: {  	[smem:$0x3FA9] =	sst s0  }
0x9: {  	[smem:$0x3FAA] =	sst s1  }
0xa: {  	[smem:$0x3FAB] =	sst s2  }
0xb: {  	[smem:$0x3FAC] =	sst s3  }
0xc: {  	[smem:$0x3FAD] =	sst s4  }
0xd: {  	[smem:$0x3FAE] =	sst s5  }
0xe: {  	[smem:$0x3FAF] =	sst s6  }
0xf: {  	[smem:$0x3FB0] =	sst s7  }
0x10: {  	[smem:$0x3FB1] =	sst s8  }
0x11: {  	[smem:$0x3FB2] =	sst s9;
	s0 =	simm.s32 @!p0 $0x0  }
0x12: {  	s1 =	sld [smem:$0x3F98];
	s0 =	simm.s32 @p0 $0x1  }
0x13: {  	[smem:$0x3FB3] =	sst s0;
	s0 =	simm.s32 @!p1 $0x0  }
0x14: {  	s2 =	sld [smem:$0x3F97];
	s0 =	simm.s32 @p1 $0x1  }
0x15: {  	[smem:$0x3FB4] =	sst s0;
	s0 =	simm.s32 @!p2 $0x0  }
0x16: {  	s3 =	sld [smem:$0x3FDB];
	s0 =	simm.s32 @p2 $0x1  }
0x17: {  	s4 =	simm.s32 $0x1BF5;
	[smem:$0x3FB6] =	sst s0  }
0x18: {  	s0 =	sld [smem:$0x3F99];
	_ =	swait.ge [sflag:s4], $0x0  }
0x19: {  	s7 =	sld [smem:$0x3F9A]  }
0x1a: {  	s8 =	sadd.s32 $0xFFFFE003, lr  }
0x1b: {  	s9 =	sadd.s32 $0xFFFFFEF7, lr;
	s5 =	simm.s32 $0xFFFFFFFF;
	p2 =	slt.u32 s8, $0xFFFFF086  }
0x1c: {  	p1 =	slt.u32 s9, $0xF7A;
	s5 =	simm.s32 @!p2 $0x0  }
0x1d: {  	s5 =	simm.s32 @p1 $0x1;
	p0 =	seq.s32 s7, s2  }
0x1e: {  	s7 =	smul.u32 @!p0 $0xF7A, s2;
	p2 =	seq.s32 @!p0 s5, $0x0  }
0x1f: {  	s9 =	smul.u32 $0xF7A, s1;
	s8 =	simm.s32 @!p0 $0x1BF5;
	p2 =	por !p2, p0  }
0x20: {  	[sflag:s8] =	ssyncset.s32 @!p0 $0xFFFFF086;
	s6 =	sadd.s32 @!p0 s3, s7;
	s7 =	simm.s32 @!p0 $0x108  }
0x21: {  	s3 =	sadd.s32 s3, s9;
	s6 =	sadd.s32 @!p0 $0x88, s6;
	s7 =	simm.s32 @p2 $0x1082  }
0x22: {  	[simem:s7], [sflag:s8] =	dma.local @!p0 [hbm:s6], $0xF7A  }
0x23: {  	s9 =	sor.u32 $0xD0000000, s2;
	s6 =	simm.s32 $0x108;
	_ =	swait.ge @!p0 [sflag:s8], $0x0  }
0x24: {  	s3 =	sadd.s32 $0x88, s3;
	s6 =	simm.s32 @!p1 $0x1082;
	[sflag:s4] =	ssyncset.s32 $0xFFFFF086  }
0x25: {  	[simem:s6], [sflag:s4] =	dma.local [hbm:s3], $0xF7A  }
0x26: {  	[smem:$0x3F9A] =	sst s1;
	(tag) =	ssettag s2;
	_ =	strace s9  }
0x27: {  	s1 =	sld [smem:$0x3FAA]  }
0x28: {  	s2 =	sld [smem:$0x3FAB]  }
0x29: {  	s4 =	sld [smem:$0x3FAD]  }
0x2a: {  	p0 =	seq.s32 s5, $0x0;
	s5 =	sld [smem:$0x3FAE]  }
0x2b: {  	s6 =	sld [smem:$0x3FAF]  }
0x2c: {  	s7 =	sld [smem:$0x3FB0]  }
0x2d: {  	s3 =	simm.s32 $0x108;
	s8 =	sld [smem:$0x3FB1]  }
0x2e: {  	s3 =	simm.s32 @!p0 $0x1082;
	s9 =	sld [smem:$0x3FB2]  }
0x2f: {  	lr =	sadd.s32 s0, s3;
	s0 =	sld [smem:$0x3FA9]  }
0x30: {  	s3 =	sld [smem:$0x3FAC]  }
0x31: {  	[smem:$0x3FB5] =	sst s10  }
0x32: {  	s10 =	sld [smem:$0x3FB3];
	_ =	sdelay $0x3  }
0x33: {  	p0 =	seq.s32 s10, $0x1;
	s10 =	sld [smem:$0x3FB5];
	_ =	sdelay $0x3  }
0x34: {  	[smem:$0x3FB5] =	sst s10  }
0x35: {  	s10 =	sld [smem:$0x3FB4];
	_ =	sdelay $0x3  }
0x36: {  	p1 =	seq.s32 s10, $0x1;
	s10 =	sld [smem:$0x3FB5];
	_ =	sdelay $0x3  }
0x37: {  	[smem:$0x3FB5] =	sst s10  }
0x38: {  	s10 =	sld [smem:$0x3FB6]  }
0x39: {  	_ = 	snop;
	(pc) =	sbr.ind lr, $3  }
0x3a: {  	_ = 	snop  }
0x3b: {  	_ = 	snop  }
0x3c: {  	p2 =	seq.s32 s10, $0x1;
	s10 =	sld [smem:$0x3FB5]  }
0x3d: {  	_ =	shalt  }
0x3e: {  	_ =	shalt  }
0x3f: {  	_ =	shalt  }
0x40: {  	_ =	shalt  }
0x41: {  	_ =	shalt  }
0x42: {  	_ =	shalt  }
0x43: {  	_ =	shalt  }
0x44: {  	_ =	shalt  }
0x45: {  	_ =	shalt  }
0x46: {  	_ =	shalt  }
0x47: {  	_ =	shalt  }
0x48: {  	_ =	shalt  }
0x49: {  	_ =	shalt  }
0x4a: {  	_ =	shalt  }
0x4b: {  	_ =	shalt  }
0x4c: {  	_ =	shalt  }
0x4d: {  	_ =	shalt  }
0x4e: {  	_ =	shalt  }
0x4f: {  	_ =	shalt  }
0x50: {  	_ =	shalt  }
0x51: {  	_ =	shalt  }
0x52: {  	_ =	shalt  }
0x53: {  	_ =	shalt  }
0x54: {  	_ =	shalt  }
0x55: {  	_ =	shalt  }
0x56: {  	_ =	shalt  }
0x57: {  	_ =	shalt  }
0x58: {  	_ =	shalt  }
0x59: {  	_ =	shalt  }
0x5a: {  	_ =	shalt  }
0x5b: {  	_ =	shalt  }
0x5c: {  	_ =	shalt  }
0x5d: {  	_ =	shalt  }
0x5e: {  	_ =	shalt  }
0x5f: {  	_ =	shalt  }
0x60: {  	_ =	shalt  }
0x61: {  	_ =	shalt  }
0x62: {  	_ =	shalt  }
0x63: {  	_ =	shalt  }
0x64: {  	_ =	shalt  }
0x65: {  	_ =	shalt  }
0x66: {  	_ =	shalt  }
0x67: {  	_ =	shalt  }
0x68: {  	_ =	shalt  }
0x69: {  	_ =	shalt  }
0x6a: {  	_ =	shalt  }
0x6b: {  	_ =	shalt  }
0x6c: {  	_ =	shalt  }
0x6d: {  	_ =	shalt  }
0x6e: {  	_ =	shalt  }
0x6f: {  	_ =	shalt  }
0x70: {  	_ =	shalt  }
0x71: {  	_ =	shalt  }
0x72: {  	_ =	shalt  }
0x73: {  	_ =	shalt  }
0x74: {  	_ =	shalt  }
0x75: {  	_ =	shalt  }
0x76: {  	_ =	shalt  }
0x77: {  	_ =	shalt  }
0x78: {  	_ =	shalt  }
0x79: {  	_ =	shalt  }
0x7a: {  	_ =	shalt  }
0x7b: {  	_ =	shalt  }
0x7c: {  	_ =	shalt  }
0x7d: {  	_ =	shalt  }
0x7e: {  	_ =	shalt  }
0x7f: {  	_ =	shalt  }
0x80: {  	_ =	shalt  }
0x81: {  	_ =	shalt  }
0x82: {  	_ =	shalt  }
0x83: {  	_ =	shalt  }
0x84: {  	_ =	shalt  }
0x85: {  	_ =	shalt  }
0x86: {  	_ =	shalt  }
0x87: {  	_ =	shalt  }
.Lfunc_end0:
.L_simem_size_0:
called_computation_lowered:
.L_overlay_start_0:
0x88: {  	s2 =	sld [smem:$0x3FD9]  }
0x89: {  	s3 =	sld [smem:$0x3FFE];
	_ =	sdelay $0x1  }
0x8a: {  	s1 =	srdreg.scid  }
0x8b: {  	s0 =	sand.u32 $0x1, s1  }
0x8c: {  	s17 =	sshll.u32 s0, $0xA;
	s2 =	sadd.s32 s3, s2  }
0x8d: {  	s2 =	sadd.s32 s2, s17  }
0x8e: {  	[smem:$0x3FC1] =	sst s2  }
0x8f: {  	_ = 	snop  }
0x90: {  	s2 =	sld [smem:$0x3FC7]  }
0x91: {  	s18 =	sld [smem:$0x3FD0];
	(tm) =	ssettm $0x1  }
0x92: {  	s4 =	sld [smem:$0x3FFB];
	_ =	sdelay $0x3  }
0x93: {  	_ =	strace s4  }
0x94: {  	s4 =	sld [smem:$0x3FFC];
	_ =	sdelay $0x3  }
0x95: {  	_ =	strace s4  }
0x96: {  	s4 =	sld [smem:$0x3FFD];
	_ =	sdelay $0x3  }
0x97: {  	_ =	strace s4  }
0x98: {  	_ =	strace $0x8FFFFFFF  }
0x99: {  	s19 =	sld [smem:$0x3FDB];
	_ =	sdelay $0x1  }
0x9a: {  	s5 =	simm.s32 $_scs_section_size  }
0x9b: {  	s6 =	simm.s32 $_size__tile_overlayer_lowered;
	s7 =	simm.s32 $_tile_overlayer_lowered  }
0x9c: {  	s22 =	simm.s32 $0x1BFF;
	s21 =	sshll.u32 s7, $0x1;
	s4 =	sadd.s32 s5, s19  }
0x9d: {  	s8 =	simm.s32 $0x0;
	s20 =	sshll.u32 s6, $0x1;
	s6 =	sadd.s32 s21, s4  }
0x9e: {  	[timem:s8], [sflag:s22] =	dma.local [hbm:s6], s20  }
0x9f: {  	_ =	swait.ge [sflag:s22], s20  }
0xa0: {  	s5 =	ssub.s32 $0x0, s20;
	[sflag:s22] =	ssyncset.done $0x0  }
0xa1: {  	[sflag:s22] =	ssyncadd.s32 s5;
	_ =	sdelay $0x1  }
0xa2: {  	s23 =	simm.s32 $0x1B8B  }
0xa3: {  	_ =	swait.ge [sflag:s23], $0x1  }
0xa4: {  	[sflag:s23] =	ssyncset.done $0x0  }
0xa5: {  	s25 =	simm.s32 $0x1B8E;
	s24 =	sld [smem:$0x3FFE];
	[sflag:s23] =	ssyncadd.s32 $0xFFFFFFFF  }
0xa6: {  	s26 =	simm.s32 $execute0_lowered;
	[smem:$0x3FD2] =	sst s25  }
0xa7: {  	s6 =	sshll.u32 s26, $0x1;
	_ =	strace $0x80000046;
	[dreg:$0x1] =	wrdreg $0xFFFFFFFF  }
0xa8: {  	s28 =	simm.s32 $_size_execute0_lowered;
	s4 =	sadd.s32 s4, s6;
	[dreg:$0x0] =	wrdreg $0x0  }
0xa9: {  	s6 =	sshll.u32 s28, $0x1;
	[dreg:$0x2] =	wrdreg s4  }
0xaa: {  	[dreg:$0x3] =	wrdreg s6  }
0xab: {  	[dreg:$0x4] =	wrdreg $0xC0  }
0xac: {  	_ =	task [dreg:s8], $0x5FFFF  }
0xad: {  	[dreg:$0x1] =	wrdreg $0xFFFFFFFF  }
0xae: {  	[dreg:$0x0] =	wrdreg $0x60  }
0xaf: {  	[dreg:$0x2] =	wrdreg s24  }
0xb0: {  	[dreg:$0x3] =	wrdreg s2  }
0xb1: {  	[dreg:$0x4] =	wrdreg s18  }
0xb2: {  	[dreg:$0x5] =	wrdreg $0x9  }
0xb3: {  	_ =	task.clear_ibuf [dreg:s8], $0x6FFFF;
	_ =	strace $0x90000046  }
0xb4: {  	s29 =	simm.s32 $0x9;
	_ =	strace $0x80000048  }
0xb5: {  	_ =	swait.ge [sflag:s29], $0x1  }
0xb6: {  	[sflag:s29] =	ssyncadd.s32 $0xFFFFFFFF  }
0xb7: {  	_ =	strace $0x90000048  }
0xb8: {  	_ =	sfence  }
0xb9: {  	s30 =	sld [smem:$0x0];
	_ =	sdelay $0x2  }
0xba: {  	s31 =	sshll.u32 s1, $0xD;
	s1 =	sshrl.u32 s1, $0x2  }
0xbb: {  	s3 =	sand.u32 $0x4000, s31;
	s1 =	sadd.s32 s1, s30  }
0xbc: {  	s0 =	sor.u32 s3, s0;
	s1 =	sshll.u32 s1, $0x11  }
0xbd: {  	s0 =	sor.u32 s1, s0  }
0xbe: {  	s0 =	sadd.s32 $0x8F2B, s0  }
0xbf: {  	[sflag:s0] =	ssyncadd.remote.s32 $0x1  }
0xc0: {  	_ =	sfence.sel $0xFFFF  }
0xc1: {  	[dreg:$0x0] =	wrdreg $0xFFFFFFFF;
	(pc) =	sbr.abs _section_cstart, $3  }
0xc2: {  	[dreg:$0x1] =	wrdreg $0xFFFFFFFF  }
0xc3: {  	_ =	task.clear_ibuf [dreg:s8], $0x2FFFF;
	_ =	strace $0x9FFFFFFF  }
0xc4: {  	(tm) =	ssettm $0x7FFFFFFF  }
0xc5: {  	_ =	shalt  }
tec
execute0_lowered:
.L_overlay_start_1:
0x0: {  	(tag) =	ssettag $0x1  }
0x1: {  	s3 =	rddreg [dreg:$0x0]  }
0x2: {  	s4 =	rddreg [dreg:$0x1];
	s1 =	srdreg.scid  }
0x3: {  	s0 =	stileid.u32;
	s5 =	rddreg [dreg:$0x2];
	s11 =	simm.s32 $0x400  }
0x4: {  	s12 =	simm.s32 $0x0;
	s6 =	sand.u32 $0x1, s1;
	s2 =	sshll.u32 s0, $0x1  }
0x5: {  	s1 =	rddreg [dreg:$0x3];
	s9 =	sshrl.u32 s0, $0x2;
	s7 =	sor.u32 s6, s2  }
0x6: {  	s2 =	simm.s32 $0x0;
	s9 =	smul.u32 $0x14000, s9;
	s6 =	ssub.s32 $0x2, s6  }
0x7: {  	s8 =	smul.u32 $0x4E2, s7;
	[smem:$0x7FF] =	sst s2;
	s7 =	sshll.u32 s7, $0x7  }
0x8: {  	s10 =	sshrl.u32 s6, $0x1;
	_ =	strace $0x80000047;
	s7 =	sand.u32 $0x380, s7  }
0x9: {  	s6 =	ssub.s32 s6, s10;
	s10 =	simm.s32 $0x80;
	s3 =	sadd.s32 s8, s3  }
0xa: {  	s7 =	sor.u32 s9, s7;
	s4 =	sadd.s32 s4, s8;
	s6 =	smax.u32 s6, $0x1  }
0xb: {  	s8 =	simm.s32 $0x2780;
	s9 =	simm.s32 $0x4F00;
	s7 =	sshrl.u32 s7, $0x3  }
0xc: {  	v0 =	vimm.f32 $0.0e+00;
	s3 =	sadd.s32 $0x2000, s3;
	s5 =	sadd.s32 s5, s7;
	s7 =	simm.s32 $0x1  }
.LBB2_1:
0xd: {  	[tilespmem:s2], [sflag:$0x1] =	stream.linear.gather [hbm4b:s3+s2], $0x2710, $0x38;
	[tilespmem:$0x7700] =	vst v63  }
0xe: {  	_ =	swait.ge [sflag:s7], $0x2710  }
0xf: {  	[sflag:s7] =	ssyncset.done $0x0  }
0x10: {  	[sflag:s7] =	ssyncadd.s32 $0xFFFFD8F0  }
0x11: {  	[tilespmem:s8], [sflag:$0x1] =	stream.linear.gather [hbm4b:s4+s2], $0x2710, $0x38;
	[tilespmem:$0x7700] =	vst v63  }
0x12: {  	_ =	swait.ge [sflag:s7], $0x2710  }
0x13: {  	[sflag:s7] =	ssyncset.done $0x0  }
0x14: {  	s14 =	simm.s32 $0x4F40;
	[sflag:s7] =	ssyncadd.s32 $0xFFFFD8F0  }
0x15: {  	[tilespmem:s14+$0xFFFFFFC0] =	vst v0  }
0x16: {  	[tilespmem:s14+$0x30] =	vst v0  }
0x17: {  	[tilespmem:s14+$0x20] =	vst v0  }
0x18: {  	[tilespmem:s14+$0x10] =	vst v0  }
0x19: {  	[tilespmem:s14+$0x0] =	vst v0  }
0x1a: {  	[tilespmem:s14+$0xFFFFFFF0] =	vst v0  }
0x1b: {  	s16 =	simm.s32 $0x0;
	s13 =	simm.s32 $0x27C0;
	[tilespmem:s14+$0xFFFFFFE0] =	vst v0  }
.LBB2_2:
0x1c: {  	s16 =	sadd.s32 $0x8, s16;
	[tilespmem:s14+$0xFFFFFFD0] =	vst v0;
	s14 =	sadd.s32 $0x80, s14;
	s15 =	simm.s32 $0x40  }
0x1d: {  	[tilespmem:s14+$0xFFFFFFC0] =	vst v0;
	p0 =	slt.u32 s16, $0x278  }
0x1e: {  	[tilespmem:s14+$0x30] =	vst v0  }
.Ltmp0:
0x1f: {  	[tilespmem:s14+$0x20] =	vst v0;
	(pc) =	sbr.rel @p0 .LBB2_2-.Ltmp0, $4  }
0x20: {  	[tilespmem:s14+$0x10] =	vst v0  }
0x21: {  	[tilespmem:s14+$0x0] =	vst v0  }
0x22: {  	[tilespmem:s14+$0xFFFFFFF0] =	vst v0  }
0x23: {  	[tilespmem:s14+$0xFFFFFFE0] =	vst v0  }
0x24: {  	[tilespmem:s14+$0xFFFFFFD0] =	vst v0  }
0x25: {  	v1 =	vld [tilespmem:s15+$0x30]  }
0x26: {  	v2 =	vld [tilespmem:s15+$0xFFFFFFD0]  }
0x27: {  	v3 =	vld [tilespmem:s15+$0xFFFFFFE0]  }
0x28: {  	v4 =	vld [tilespmem:s13+$0x30]  }
0x29: {  	v5 =	vld [tilespmem:s15+$0xFFFFFFF0]  }
0x2a: {  	v6 =	vld [tilespmem:s15+$0x0]  }
0x2b: {  	v7 =	vld [tilespmem:s15+$0x10]  }
0x2c: {  	v8 =	vld [tilespmem:s15+$0x20]  }
0x2d: {  	v63 =	vld [tilespmem:s13+$0xFFFFFFC0]  }
0x2e: {  	v9 =	vld [tilespmem:s13+$0xFFFFFFD0]  }
0x2f: {  	v10 =	vld [tilespmem:s13+$0xFFFFFFE0]  }
0x30: {  	v11 =	vld [tilespmem:s13+$0xFFFFFFF0]  }
0x31: {  	v12 =	vld [tilespmem:s13+$0x0]  }
0x32: {  	v13 =	vld [tilespmem:s13+$0x10]  }
0x33: {  	[tilespmem:v1+s9+$0x0] =	vst.idx.add.f32.msk $0xffff, v4  }
0x34: {  	v1 =	vld [tilespmem:s15+$0xFFFFFFC0]  }
0x35: {  	v14 =	vld [tilespmem:s13+$0x20]  }
0x36: {  	[tilespmem:v2+s9+$0x0] =	vst.idx.add.f32.msk $0xffff, v9  }
0x37: {  	[tilespmem:v3+s9+$0x0] =	vst.idx.add.f32.msk $0xffff, v10  }
0x38: {  	[tilespmem:v5+s9+$0x0] =	vst.idx.add.f32.msk $0xffff, v11  }
0x39: {  	[tilespmem:v6+s9+$0x0] =	vst.idx.add.f32.msk $0xffff, v12  }
0x3a: {  	[tilespmem:v7+s9+$0x0] =	vst.idx.add.f32.msk $0xffff, v13  }
0x3b: {  	[tilespmem:v8+s9+$0x0] =	vst.idx.add.f32.msk $0xffff, v14  }
0x3c: {  	s14 =	simm.s32 $0x0;
	s15 =	simm.s32 $0xC0;
	[tilespmem:v1+s9+$0x0] =	vst.idx.add.f32.msk $0xffff, v63  }
.LBB2_4:
0x3d: {  	v1 =	vld [tilespmem:s15+$0x30];
	s14 =	sadd.s32 $0x8, s14  }
0x3e: {  	v2 =	vld [tilespmem:s15+$0xFFFFFFD0];
	p0 =	slt.u32 s14, $0x268  }
0x3f: {  	s13 =	sadd.s32 $0x80, s13;
	v3 =	vld [tilespmem:s15+$0xFFFFFFE0]  }
0x40: {  	v4 =	vld [tilespmem:s13+$0x30]  }
0x41: {  	v5 =	vld [tilespmem:s15+$0xFFFFFFF0]  }
0x42: {  	v6 =	vld [tilespmem:s15+$0x0]  }
0x43: {  	v7 =	vld [tilespmem:s15+$0x10]  }
0x44: {  	v8 =	vld [tilespmem:s15+$0x20]  }
0x45: {  	[tilespmem:v1+s9+$0x0] =	vst.idx.add.f32.msk $0xffff, v4  }
0x46: {  	v1 =	vld [tilespmem:s15+$0xFFFFFFC0]  }
0x47: {  	v4 =	vld [tilespmem:s13+$0xFFFFFFC0]  }
0x48: {  	v9 =	vld [tilespmem:s13+$0xFFFFFFD0]  }
0x49: {  	v10 =	vld [tilespmem:s13+$0xFFFFFFE0]  }
0x4a: {  	v11 =	vld [tilespmem:s13+$0xFFFFFFF0]  }
0x4b: {  	v12 =	vld [tilespmem:s13+$0x0]  }
0x4c: {  	v13 =	vld [tilespmem:s13+$0x10]  }
0x4d: {  	v14 =	vld [tilespmem:s13+$0x20]  }
0x4e: {  	[tilespmem:v1+s9+$0x0] =	vst.idx.add.f32.msk $0xffff, v4  }
0x4f: {  	[tilespmem:v2+s9+$0x0] =	vst.idx.add.f32.msk $0xffff, v9  }
.Ltmp1:
0x50: {  	[tilespmem:v3+s9+$0x0] =	vst.idx.add.f32.msk $0xffff, v10;
	(pc) =	sbr.rel @p0 .LBB2_4-.Ltmp1, $4  }
0x51: {  	[tilespmem:v5+s9+$0x0] =	vst.idx.add.f32.msk $0xffff, v11  }
0x52: {  	[tilespmem:v6+s9+$0x0] =	vst.idx.add.f32.msk $0xffff, v12  }
0x53: {  	[tilespmem:v7+s9+$0x0] =	vst.idx.add.f32.msk $0xffff, v13  }
0x54: {  	s15 =	sadd.s32 $0x80, s15;
	[tilespmem:v8+s9+$0x0] =	vst.idx.add.f32.msk $0xffff, v14  }
0x55: {  	v1 =	vld [tilespmem:$0x2700];
	_ =	sdelay $0x2  }
0x56: {  	v2 =	vld [tilespmem:$0x4E80];
	_ =	sdelay $0x2  }
0x57: {  	s12 =	sadd.s32 $0x1, s12  }
0x58: {  	p0 =	sne.s32 s12, s6  }
.Ltmp2:
0x59: {  	[tilespmem:v1+s9+$0x0] =	vst.idx.add.f32.msk $0xffff, v2;
	(pc) =	sbr.rel @p0 .LBB2_1-.Ltmp2, $4  }
0x5a: {  	[hbm4b:s5+s10] =	stream.strided.scatter [tilespmem:s9], [sflag:$0x1], $0x2800, s11, s10, $0x38;
	[tilespmem:$0x7700] =	vst v63  }
0x5b: {  	_ =	swait.ge [sflag:s7], $0x2800  }
0x5c: {  	[sflag:s7] =	ssyncset.done $0x0  }
0x5d: {  	[sflag:s7] =	ssyncadd.s32 $0xFFFFD800  }
0x5e: {  	_ =	sfence.sel $0x180000  }
0x5f: {  	[bflag:$0x0] =	sbarrier.arrive $0xFFFF  }
0x60: {  	p0 =	sne.s32 s0, $0x0;
	_ =	strace $0x90000047  }
0x61: {  	s0 =	sadd.s32 @!p0 $0x100000, s1;
	[bflag:$0x2] =	sbarrier.arrive $0xFFFF  }
0x62: {  	[sflag:s0] =	ssyncadd.tile.s32 @!p0 $0x1;
	_ =	shalt  }
.Lfunc_end2:
_tile_overlayer_lowered:
.L_overlay_start_2:
0x63: {  	(tag) =	ssettag $0x2  }
0x64: {  	s0 =	rddreg [dreg:$0x0];
	s2 =	stileid.u32  }
0x65: {  	s1 =	rddreg [dreg:$0x1];
	p0 =	sne.s32 s2, $0x0  }
0x66: {  	s3 =	rddreg [dreg:$0x2];
	[bflag:$0x3] =	sbarrier.arrive $0xFFFF;
	s2 =	simm.s32 @!p0 $0x1C01  }
0x67: {  	[timem:s3], [sflag:s2] =	dma.local @!p0 [hbm:s0], s1  }
0x68: {  	s0 =	simm.s32 @!p0 $0x1  }
0x69: {  	_ =	swait.ge @!p0 [sflag:s0], s1  }
0x6a: {  	s1 =	ssub.s32 @!p0 $0x0, s1;
	[sflag:s0] =	ssyncset.done @!p0 $0x0  }
0x6b: {  	[sflag:s0] =	ssyncadd.s32 @!p0 s1  }
0x6c: {  	[bflag:$0x3] =	sbarrier.arrive $0xFFFF  }
0x6d: {  	_ =	shalt  }

</sc_bundles>
